<compile_context>
chip_gen: v7x
topology: tpu7x:2x2x1
jax: 0.10.2.dev20260603
libtpu: 0.0.44.dev20260713+nightly
codegen_flags: <defaults>
</compile_context>

<pallas_src>
import functools
import math

import jax
import jax.numpy as jnp
import numpy as np
from jax import lax
from jax.experimental import pallas as pl
from jax.experimental.pallas import tpu as pltpu
from jax.experimental.pallas import tpu_sc as plsc

B, N, S = 2, 5440, 5440
H = 8
HD = 32
Q = 160
NG = N // Q
SP = 5504


def _valproj_body(sf_ref, Wval_ref, bval_ref, val_ref):
    f32 = jnp.float32
    sfx = sf_ref[...]
    val = jnp.dot(sfx, Wval_ref[...], preferred_element_type=f32) + bval_ref[...]
    for cg in range(16):
        val_ref[cg, :, :] = val[:, cg * 16:(cg + 1) * 16]


def _run_valproj(sf, Wval, bval2):
    full = lambda shp: pl.BlockSpec(shp, lambda b, i: (0,) * len(shp))
    return pl.pallas_call(
        _valproj_body,
        grid=(B, NG),
        in_specs=[pl.BlockSpec((None, Q, 256), lambda b, i: (b, i, 0)),
                  full((256, 256)), full((1, 256))],
        out_specs=pl.BlockSpec((None, 16, Q, 16), lambda b, i: (b, 0, i, 0)),
        out_shape=jax.ShapeDtypeStruct((B, 16, S, 16), jnp.float32),
    )(sf, Wval, bval2)


def _prep_body(inT_ref, priorT_ref, midT_ref, WbigT_ref, bbigT_ref,
               G_ref, hw_ref, offs_ref, idx_ref, w_ref):
    f32 = jnp.float32
    xinT = inT_ref[...]

    big = jnp.dot(WbigT_ref[...], xinT, preferred_element_type=f32) + bbigT_ref[...]
    ox = big[0:64, :]
    oy = big[64:128, :]
    oz = big[128:192, :]
    aw = big[192:256, :]

    e = jnp.exp(aw)
    ssum = jnp.dot(G_ref[...], e, preferred_element_type=f32)
    attn = e / ssum

    mid = midT_ref[...]
    midf = mid.astype(f32)

    def sel4(lvl, t0, t1, t2, t3):
        return jnp.where(lvl == 0, t0, jnp.where(lvl == 1, t1,
                         jnp.where(lvl == 2, t2, t3)))

    hw = [(hw_ref[k, 0], hw_ref[k, 1]) for k in range(4)]
    offs_t = [offs_ref[k] for k in range(4)]

    normW = sel4(mid, hw[0][1], hw[1][1], hw[2][1], hw[3][1]).astype(f32)
    normH = sel4(mid, hw[0][0], hw[1][0], hw[2][0], hw[3][0]).astype(f32)
    x = priorT_ref[0:1, :] + ox / normW
    y = priorT_ref[1:2, :] + oy / normH

    pmod = (lax.broadcasted_iota(jnp.int32, (64, Q), 0) % 2).astype(f32)
    zbase = midf + (pmod - 0.5)
    z = (zbase + jnp.tanh(oz)) / 3.0
    zc = jnp.clip(z, 0.0, 1.0) * 3.0
    z0f = jnp.clip(jnp.floor(zc), 0.0, 2.0)
    wz = jnp.clip(zc - z0f, 0.0, 1.0)
    z0 = z0f.astype(jnp.int32)

    idx_blocks = []
    w_blocks = []
    for L in (0, 1):
        lvl = z0 + L
        Hl = sel4(lvl, hw[0][0], hw[1][0], hw[2][0], hw[3][0]).astype(f32)
        Wl = sel4(lvl, hw[0][1], hw[1][1], hw[2][1], hw[3][1]).astype(f32)
        offv = sel4(lvl, offs_t[0], offs_t[1], offs_t[2], offs_t[3])
        h_im = y * Hl - 0.5
        w_im = x * Wl - 0.5
        h0 = jnp.floor(h_im)
        w0 = jnp.floor(w_im)
        lh = h_im - h0
        lw = w_im - w0
        h0i = h0.astype(jnp.int32)
        w0i = w0.astype(jnp.int32)
        Hli = Hl.astype(jnp.int32)
        Wli = Wl.astype(jnp.int32)
        lvlw = (1.0 - wz) if L == 0 else wz
        base_w = attn * lvlw
        for dh, dw, cw in ((0, 0, (1 - lh) * (1 - lw)), (0, 1, (1 - lh) * lw),
                           (1, 0, lh * (1 - lw)), (1, 1, lh * lw)):
            hh = h0i + dh
            ww = w0i + dw
            valid = (hh >= 0) & (hh < Hli) & (ww >= 0) & (ww < Wli)
            hs = jnp.clip(hh, 0, Hli - 1)
            ws = jnp.clip(ww, 0, Wli - 1)
            idx_blocks.append(offv + hs * Wli + ws)
            w_blocks.append(jnp.where(valid, base_w * cw, 0.0))

    for h in range(8):
        for cb in range(8):
            idx_ref[h, cb * 8:(cb + 1) * 8, :] = idx_blocks[cb][h * 8:(h + 1) * 8, :]
            w_ref[h, cb * 8:(cb + 1) * 8, :] = w_blocks[cb][h * 8:(h + 1) * 8, :]


def _run_prep(inT, priorT, midT, WbigT, bbigT, G, map_hw, map_offs, off, ngh):
    full = lambda shp: pl.BlockSpec(shp, lambda b, i: (0,) * len(shp))
    smem = lambda shp: pl.BlockSpec(shp, lambda b, i: (0,) * len(shp),
                                    memory_space=pltpu.SMEM)
    return pl.pallas_call(
        _prep_body,
        grid=(B, ngh),
        in_specs=[pl.BlockSpec((None, None, 256, Q), lambda b, i: (b, i + off, 0, 0)),
                  pl.BlockSpec((None, None, 2, Q), lambda b, i: (b, i + off, 0, 0)),
                  pl.BlockSpec((None, None, 1, Q), lambda b, i: (b, i + off, 0, 0)),
                  full((256, 256)), full((256, 1)),
                  full((64, 64)), smem((4, 2)), smem((4,))],
        out_specs=[pl.BlockSpec((8, None, 64, Q), lambda b, i: (b, i, 0, 0)),
                   pl.BlockSpec((8, None, 64, Q), lambda b, i: (b, i, 0, 0))],
        out_shape=[jax.ShapeDtypeStruct((2 * H, ngh, 64, Q), jnp.int32),
                   jax.ShapeDtypeStruct((2 * H, ngh, 64, Q), jnp.float32)],
    )(inT, priorT, midT, WbigT, bbigT, G, map_hw, map_offs)


def _sc_gather_call(val_r, idx_c, w_c, ngh):
    mesh = plsc.VectorSubcoreMesh(core_axis_name="c", subcore_axis_name="s")

    @functools.partial(
        pl.kernel,
        out_type=jax.ShapeDtypeStruct((B, ngh, 16, 16 * Q), jnp.float32),
        mesh=mesh,
        compiler_params=pltpu.CompilerParams(needs_layout_passes=False),
        scratch_types=[
            pltpu.VMEM((16 * SP,), jnp.float32),
            pltpu.VMEM((64 * Q,), jnp.int32),
            pltpu.VMEM((64 * Q,), jnp.float32),
            pltpu.VMEM((16 * Q,), jnp.float32),
        ],
    )
    def sc_gather(val_hbm, idxt_hbm, wt_hbm, out_hbm, table_v, idx_v, w_v, ob_v):
        cid = lax.axis_index("c")
        sid = lax.axis_index("s")
        wid = sid * 2 + cid
        bh = wid % 16
        half = wid // 16
        b = bh // 8
        cg = (bh % 8) * 2 + half
        pltpu.sync_copy(val_hbm.at[b, cg], table_v)

        def chunk(gi, carry):
            pltpu.sync_copy(idxt_hbm.at[bh, gi], idx_v)
            pltpu.sync_copy(wt_hbm.at[bh, gi], w_v)

            @plsc.parallel_loop(0, Q // 16, unroll=2)
            def group(qg):
                qo = pl.multiple_of(qg * 16, 16)

                def jbody(j, acc):
                    iv = idx_v[pl.ds(j * Q + qo, 16)]
                    wv = w_v[pl.ds(j * Q + qo, 16)]
                    return tuple(
                        acc[d] + wv * plsc.load_gather(
                            table_v.at[pl.ds(d * SP, S)], [iv])
                        for d in range(16))

                acc = lax.fori_loop(
                    0, 64, jbody,
                    tuple(jnp.zeros((16,), jnp.float32) for _ in range(16)),
                    unroll=2)
                for d in range(16):
                    ob_v[pl.ds(d * Q + qo, 16)] = acc[d]

            pltpu.sync_copy(ob_v, out_hbm.at[b, gi, cg])
            return carry

        lax.fori_loop(0, ngh, chunk, 0)

    return sc_gather(val_r, idx_c, w_c)


def _outproj_body(at_ref, Wout_ref, bout_ref, out_ref):
    a = at_ref[...].reshape(256, Q)
    o = lax.dot_general(a, Wout_ref[...], (((0,), (0,)), ((), ())),
                        preferred_element_type=jnp.float32)
    out_ref[...] = o + bout_ref[...]


def _run_outproj(at6, Wout, bout2, ngh):
    full = lambda shp: pl.BlockSpec(shp, lambda b, i: (0,) * len(shp))
    return pl.pallas_call(
        _outproj_body,
        grid=(B, ngh),
        in_specs=[pl.BlockSpec((None, None, 16, 16, Q),
                               lambda b, i: (b, i, 0, 0, 0)),
                  full((256, 256)), full((1, 256))],
        out_specs=pl.BlockSpec((None, Q, 256), lambda b, i: (b, i, 0)),
        out_shape=jax.ShapeDtypeStruct((B, ngh * Q, 256), jnp.float32),
    )(at6, Wout, bout2)


def kernel(in_feats, sample_priors, sample_feats, map_hw, map_offs, map_ids,
           W_off, b_off, W_aw, b_aw, W_val, b_val, W_out, b_out):
    Wo = W_off.reshape(256, H, 8, 3)
    bo = b_off.reshape(H, 8, 3)
    Wbig = jnp.concatenate([Wo[..., 0].reshape(256, 64), Wo[..., 1].reshape(256, 64),
                            Wo[..., 2].reshape(256, 64), W_aw], axis=1)
    bbig = jnp.concatenate([bo[..., 0].reshape(64), bo[..., 1].reshape(64),
                            bo[..., 2].reshape(64), b_aw])
    G = jnp.asarray(np.kron(np.eye(8, dtype=np.float32),
                            np.ones((8, 8), dtype=np.float32)))

    inT = in_feats.reshape(B, NG, Q, 256).transpose(0, 1, 3, 2)
    priorT = sample_priors.reshape(B, NG, Q, 2).transpose(0, 1, 3, 2)
    midT = map_ids.astype(jnp.int32).reshape(B, NG, 1, Q)

    val5 = _run_valproj(sample_feats, W_val, b_val[None, :])
    val_r = jnp.pad(val5.transpose(0, 1, 3, 2),
                    ((0, 0), (0, 0), (0, 0), (0, SP - S))
                    ).reshape(B, 16, 16 * SP)

    ngh = NG // 2
    outs = []
    for off in (0, ngh):
        idx4, w4 = _run_prep(inT, priorT, midT, Wbig.T, bbig[:, None],
                             G, map_hw, map_offs, off, ngh)
        at5 = _sc_gather_call(val_r, idx4.reshape(2 * H, ngh, 64 * Q),
                              w4.reshape(2 * H, ngh, 64 * Q), ngh)
        at6 = at5.reshape(B, ngh, 16, 16, Q)
        outs.append(_run_outproj(at6, W_out, b_out[None, :], ngh))

    return jnp.concatenate(outs, axis=1)

# --- scband reference (transcript-rebuilt; emitter-appended) ---
"""Pipeline reference for scband-msda3-d-33715493274322 (READ-ONLY COPY).

The authoritative reference and input builder live on the scoring server;
editing this copy changes nothing except your own understanding.
"""

import math
import jax, jax.numpy as jnp
import numpy as np

B, N, S = 2, 5440, 5440
IN_SIZE = 256
SAMPLE_SIZE = 256
VAL_SIZE = 256
OUT_SIZE = 256
NUM_HEADS = 8
RAD_PTS = 4
LVL_PTS = 2
NUM_MAPS = 4
HEAD_DIM = VAL_SIZE // NUM_HEADS
NP_PTS = RAD_PTS * LVL_PTS


def _grid_bias():
    thetas = np.arange(NUM_HEADS, dtype=np.float32) * (2.0 * math.pi / NUM_HEADS)
    grid = np.stack([np.cos(thetas), np.sin(thetas), np.zeros_like(thetas)], axis=1)
    grid = grid / np.max(np.abs(grid), axis=1, keepdims=True)
    grid = np.tile(grid.reshape(NUM_HEADS, 1, 1, 3), (1, RAD_PTS, LVL_PTS, 1))
    grid = grid * np.arange(1, RAD_PTS + 1, dtype=np.float32).reshape(1, RAD_PTS, 1, 1)
    return jnp.asarray(grid.reshape(-1))


def _msda3d(val_feats, map_hw, map_offs, sample_xyz, attn_ws):
    # val_feats: [B, S, H, D]; sample_xyz: [B, N, H, P, 3]; attn_ws: [B, N, H, P]
    Bq, Nq, Hh, P, _ = sample_xyz.shape
    D = val_feats.shape[-1]
    num_maps = map_hw.shape[0]
    x = sample_xyz[..., 0]
    y = sample_xyz[..., 1]
    z = sample_xyz[..., 2]
    vf = jnp.transpose(val_feats, (0, 2, 1, 3))  # [B, H, S, D]
    z_cont = jnp.clip(z, 0.0, 1.0) * (num_maps - 1)
    z0 = jnp.clip(jnp.floor(z_cont), 0, num_maps - 2).astype(jnp.int32)
    wz = jnp.clip(z_cont - z0.astype(z_cont.dtype), 0.0, 1.0)

    def bilinear(lvl):
        Hl = map_hw[lvl, 0]
        Wl = map_hw[lvl, 1]
        off = map_offs[lvl]
        h_im = y * Hl.astype(y.dtype) - 0.5
        w_im = x * Wl.astype(x.dtype) - 0.5
        h0 = jnp.floor(h_im)
        w0 = jnp.floor(w_im)
        lh = h_im - h0
        lw = w_im - w0
        h0i = h0.astype(jnp.int32)
        w0i = w0.astype(jnp.int32)
        acc = jnp.zeros((Bq, Nq, Hh, P, D), dtype=val_feats.dtype)
        corners = ((0, 0, (1.0 - lh) * (1.0 - lw)), (0, 1, (1.0 - lh) * lw), (1, 0, lh * (1.0 - lw)), (1, 1, lh * lw))
        for dh, dw, wgt in corners:
            hh = h0i + dh
            ww = w0i + dw
            valid = (hh >= 0) & (hh < Hl) & (ww >= 0) & (ww < Wl)
            hs = jnp.clip(hh, 0, Hl - 1)
            ws = jnp.clip(ww, 0, Wl - 1)
            idx = off + hs * Wl + ws  # [B, N, H, P]
            idx_f = jnp.transpose(idx, (0, 2, 1, 3)).reshape(Bq, Hh, Nq * P)
            g = jnp.take_along_axis(vf, idx_f[..., None], axis=2)
            g = jnp.transpose(g.reshape(Bq, Hh, Nq, P, D), (0, 2, 1, 3, 4))
            acc = acc + jnp.where(valid[..., None], g * wgt[..., None], 0.0)
        return acc

    s0 = bilinear(z0)
    s1 = bilinear(z0 + 1)
    samples = (1.0 - wz)[..., None] * s0 + wz[..., None] * s1
    return jnp.sum(attn_ws[..., None] * samples, axis=3)


def _forward(in_feats, sample_priors, sample_feats, map_hw, map_offs, map_ids, W_off, b_off, W_aw, b_aw, W_val, b_val, W_out, b_out):
    Bq, Nq = in_feats.shape[:2]
    num_maps = map_hw.shape[0]
    val_feats = (sample_feats @ W_val + b_val).reshape(Bq, -1, NUM_HEADS, HEAD_DIM)
    sample_offs = (in_feats @ W_off + b_off).reshape(Bq, Nq, NUM_HEADS, NP_PTS, 3)
    # sample_priors has last dim 2 -> normalize offsets by (W, H) of the query's map
    offset_normalizers = map_hw[:, ::-1][map_ids][:, :, None, None, :].astype(jnp.float32)
    sample_xy = sample_priors[:, :, None, None, :2] + sample_offs[..., :2] / offset_normalizers
    sample_z = jnp.broadcast_to(map_ids[:, :, None, None, None].astype(jnp.float32), (Bq, Nq, NUM_HEADS, RAD_PTS, LVL_PTS))
    sample_z = sample_z + (jnp.arange(LVL_PTS, dtype=jnp.float32) - 0.5 * (LVL_PTS - 1))
    sample_z = (sample_z.reshape(Bq, Nq, NUM_HEADS, NP_PTS) + jnp.tanh(sample_offs[..., 2])) / (num_maps - 1)
    sample_xyz = jnp.concatenate([sample_xy, sample_z[..., None]], axis=4)
    attn_ws = jax.nn.softmax((in_feats @ W_aw + b_aw).reshape(Bq, Nq, NUM_HEADS, NP_PTS), axis=3)
    attn_feats = _msda3d(val_feats, map_hw, map_offs, sample_xyz, attn_ws).reshape(Bq, Nq, -1)
    return attn_feats @ W_out + b_out


def setup_inputs(seed: int = 0):
    key = jax.random.key(seed)
    ks = jax.random.split(key, 8)
    in_feats = jax.random.normal(ks[0], (B, N, IN_SIZE), dtype=jnp.float32)
    sample_priors = jax.random.uniform(ks[1], (B, N, 2), dtype=jnp.float32)
    sample_feats = jax.random.normal(ks[2], (B, S, SAMPLE_SIZE), dtype=jnp.float32)
    map_hw = jnp.array([[64, 64], [32, 32], [16, 16], [8, 8]], dtype=jnp.int32)
    map_offs = jnp.array([0, 4096, 5120, 5376], dtype=jnp.int32)
    map_ids = jnp.sort(jax.random.randint(ks[3], (B, N), 0, NUM_MAPS), axis=-1)
    W_off = jax.random.normal(ks[4], (IN_SIZE, NUM_HEADS * NP_PTS * 3), dtype=jnp.float32) * 0.01
    b_off = _grid_bias()
    W_aw = jax.random.normal(ks[5], (IN_SIZE, NUM_HEADS * NP_PTS), dtype=jnp.float32) * 0.01
    b_aw = jnp.zeros((NUM_HEADS * NP_PTS,), dtype=jnp.float32)
    W_val = jax.random.normal(ks[6], (SAMPLE_SIZE, VAL_SIZE), dtype=jnp.float32) * (1.0 / np.sqrt(SAMPLE_SIZE))
    b_val = jnp.zeros((VAL_SIZE,), dtype=jnp.float32)
    W_out = jax.random.normal(ks[7], (VAL_SIZE, OUT_SIZE), dtype=jnp.float32) * (1.0 / np.sqrt(VAL_SIZE))
    b_out = jnp.zeros((OUT_SIZE,), dtype=jnp.float32)
    return {"in_feats": in_feats, "sample_priors": sample_priors, "sample_feats": sample_feats, "map_hw": map_hw, "map_offs": map_offs, "map_ids": map_ids, "W_off": W_off, "b_off": b_off, "W_aw": W_aw, "b_aw": b_aw, "W_val": W_val, "b_val": b_val, "W_out": W_out, "b_out": b_out}


def reference(in_feats, sample_priors, sample_feats, map_hw, map_offs, map_ids, W_off, b_off, W_aw, b_aw, W_val, b_val, W_out, b_out):
    return _forward(in_feats, sample_priors, sample_feats, map_hw, map_offs, map_ids, W_off, b_off, W_aw, b_aw, W_val, b_val, W_out, b_out)

if __name__ == "__main__":
    import jax
    _d = setup_inputs()
    print(jax.jit(kernel)(*tuple(_d.values())))

</pallas_src>

<mosaic_0001>
#map = affine_map<(d0, d1) -> (0, 0, 0)>
#map1 = affine_map<(d0, d1) -> (0, 0, 0, 0)>
module attributes {stable_mosaic.version = 14 : i64} {
  func.func @sc_gather(%arg0: i32, %arg1: i32, %arg2: memref<2x16x88064xf32, #tpu.memory_space<hbm>>, %arg3: memref<16x17x10240xi32, #tpu.memory_space<hbm>>, %arg4: memref<16x17x10240xf32, #tpu.memory_space<hbm>>, %arg5: memref<2x17x16x2560xf32, #tpu.memory_space<hbm>>, %arg6: memref<88064xf32, #tpu.memory_space<vmem>>, %arg7: memref<10240xi32, #tpu.memory_space<vmem>>, %arg8: memref<10240xf32, #tpu.memory_space<vmem>>, %arg9: memref<2560xf32, #tpu.memory_space<vmem>>) attributes {dimension_semantics = [#tpu.dimension_semantics<core_parallel>, #tpu.dimension_semantics<subcore_parallel>], iteration_bounds = array<i64: 2, 16>, scalar_prefetch = 0 : i64, scratch_operands = 4 : i64, tpu.core_type = #tpu.core_type<sc_vector_subcore>, window_params = [{transform_indices = #map}, {transform_indices = #map}, {transform_indices = #map}, {transform_indices = #map1}]} {
    %mul3A = arith.constant 2 : i32
    %mul3A_0 = arith.muli %arg1, %mul3A : i32
    %add3A = arith.addi %mul3A_0, %arg0 : i32
    %jit3A = arith.constant 16 : i32
    %eq3A = arith.constant 0 : i32
    %eq3A_1 = arith.cmpi eq, %jit3A, %eq3A : i32
    %jit3A_2 = arith.constant 1 : i32
    %select_n3A = arith.select %eq3A_1, %jit3A_2, %jit3A : i32
    %rem3A = arith.remsi %add3A, %select_n3A : i32
    %ne3A = arith.constant 0 : i32
    %ne3A_3 = arith.cmpi ne, %rem3A, %ne3A : i32
    %lt3A = arith.constant 0 : i32
    %lt3A_4 = arith.cmpi slt, %rem3A, %lt3A : i32
    %lt3A_5 = arith.constant 0 : i32
    %lt3A_6 = arith.cmpi slt, %select_n3A, %lt3A_5 : i32
    %ne3A_7 = arith.xori %lt3A_4, %lt3A_6 : i1
    %and3A = arith.andi %ne3A_7, %ne3A_3 : i1
    %add3A_8 = arith.addi %rem3A, %select_n3A : i32
    %select_n3A_9 = arith.select %and3A, %add3A_8, %rem3A : i32
    %jit3A_10 = arith.constant 16 : i32
    %div3A = arith.divsi %add3A, %jit3A_10 : i32
    %sign3A = arith.constant 0 : i32
    %sign3A_11 = arith.cmpi sgt, %add3A, %sign3A : i32
    %sign3A_12 = arith.extui %sign3A_11 : i1 to i32
    %sign3A_13 = arith.constant 0 : i32
    %sign3A_14 = arith.cmpi slt, %add3A, %sign3A_13 : i32
    %sign3A_15 = arith.extui %sign3A_14 : i1 to i32
    %sign3A_16 = arith.subi %sign3A_12, %sign3A_15 : i32
    %sign3A_17 = arith.constant 0 : i32
    %sign3A_18 = arith.cmpi sgt, %jit3A_10, %sign3A_17 : i32
    %sign3A_19 = arith.extui %sign3A_18 : i1 to i32
    %sign3A_20 = arith.constant 0 : i32
    %sign3A_21 = arith.cmpi slt, %jit3A_10, %sign3A_20 : i32
    %sign3A_22 = arith.extui %sign3A_21 : i1 to i32
    %sign3A_23 = arith.subi %sign3A_19, %sign3A_22 : i32
    %ne3A_24 = arith.cmpi ne, %sign3A_16, %sign3A_23 : i32
    %rem3A_25 = arith.remsi %add3A, %jit3A_10 : i32
    %ne3A_26 = arith.constant 0 : i32
    %ne3A_27 = arith.cmpi ne, %rem3A_25, %ne3A_26 : i32
    %and3A_28 = arith.andi %ne3A_24, %ne3A_27 : i1
    %sub3A = arith.constant 1 : i32
    %sub3A_29 = arith.subi %div3A, %sub3A : i32
    %select_n3A_30 = arith.select %and3A_28, %sub3A_29, %div3A : i32
    %jit3A_31 = arith.constant 8 : i32
    %div3A_32 = arith.divsi %select_n3A_9, %jit3A_31 : i32
    %sign3A_33 = arith.constant 0 : i32
    %sign3A_34 = arith.cmpi sgt, %select_n3A_9, %sign3A_33 : i32
    %sign3A_35 = arith.extui %sign3A_34 : i1 to i32
    %sign3A_36 = arith.constant 0 : i32
    %sign3A_37 = arith.cmpi slt, %select_n3A_9, %sign3A_36 : i32
    %sign3A_38 = arith.extui %sign3A_37 : i1 to i32
    %sign3A_39 = arith.subi %sign3A_35, %sign3A_38 : i32
    %sign3A_40 = arith.constant 0 : i32
    %sign3A_41 = arith.cmpi sgt, %jit3A_31, %sign3A_40 : i32
    %sign3A_42 = arith.extui %sign3A_41 : i1 to i32
    %sign3A_43 = arith.constant 0 : i32
    %sign3A_44 = arith.cmpi slt, %jit3A_31, %sign3A_43 : i32
    %sign3A_45 = arith.extui %sign3A_44 : i1 to i32
    %sign3A_46 = arith.subi %sign3A_42, %sign3A_45 : i32
    %ne3A_47 = arith.cmpi ne, %sign3A_39, %sign3A_46 : i32
    %rem3A_48 = arith.remsi %select_n3A_9, %jit3A_31 : i32
    %ne3A_49 = arith.constant 0 : i32
    %ne3A_50 = arith.cmpi ne, %rem3A_48, %ne3A_49 : i32
    %and3A_51 = arith.andi %ne3A_47, %ne3A_50 : i1
    %sub3A_52 = arith.constant 1 : i32
    %sub3A_53 = arith.subi %div3A_32, %sub3A_52 : i32
    %select_n3A_54 = arith.select %and3A_51, %sub3A_53, %div3A_32 : i32
    %jit3A_55 = arith.constant 8 : i32
    %eq3A_56 = arith.constant 0 : i32
    %eq3A_57 = arith.cmpi eq, %jit3A_55, %eq3A_56 : i32
    %jit3A_58 = arith.constant 1 : i32
    %select_n3A_59 = arith.select %eq3A_57, %jit3A_58, %jit3A_55 : i32
    %rem3A_60 = arith.remsi %select_n3A_9, %select_n3A_59 : i32
    %ne3A_61 = arith.constant 0 : i32
    %ne3A_62 = arith.cmpi ne, %rem3A_60, %ne3A_61 : i32
    %lt3A_63 = arith.constant 0 : i32
    %lt3A_64 = arith.cmpi slt, %rem3A_60, %lt3A_63 : i32
    %lt3A_65 = arith.constant 0 : i32
    %lt3A_66 = arith.cmpi slt, %select_n3A_59, %lt3A_65 : i32
    %ne3A_67 = arith.xori %lt3A_64, %lt3A_66 : i1
    %and3A_68 = arith.andi %ne3A_67, %ne3A_62 : i1
    %add3A_69 = arith.addi %rem3A_60, %select_n3A_59 : i32
    %select_n3A_70 = arith.select %and3A_68, %add3A_69, %rem3A_60 : i32
    %mul3A_71 = arith.constant 2 : i32
    %mul3A_72 = arith.muli %select_n3A_70, %mul3A_71 : i32
    %add3A_73 = arith.addi %mul3A_72, %select_n3A_30 : i32
    "tpu.region"() ({
      %run_scoped3A = tpu.sem_alloc : memref<!tpu.dma_semaphore, #tpu.memory_space<semaphore_mem>>
      %dma_start3A = arith.constant 0 : i32
      %dma_start3A_79 = tpu.memref_slice %arg2[%select_n3A_54, %add3A_73, %dma_start3A] : memref<2x16x88064xf32, #tpu.memory_space<hbm>> -> memref<1x1x88064xf32, #tpu.memory_space<hbm>>
      %dma_start3A_80 = tpu.memref_squeeze %dma_start3A_79 : memref<1x1x88064xf32, #tpu.memory_space<hbm>> -> memref<88064xf32, #tpu.memory_space<hbm>>
      %dma_start3A_81 = arith.constant 0 : i32
      %dma_start3A_82 = tpu.memref_slice %arg2[%select_n3A_54, %add3A_73, %dma_start3A_81] : memref<2x16x88064xf32, #tpu.memory_space<hbm>> -> memref<1x1x88064xf32, #tpu.memory_space<hbm>>
      %dma_start3A_83 = tpu.memref_squeeze %dma_start3A_82 : memref<1x1x88064xf32, #tpu.memory_space<hbm>> -> memref<88064xf32, #tpu.memory_space<hbm>>
      tpu.enqueue_dma source(%dma_start3A_83 : memref<88064xf32, #tpu.memory_space<hbm>>) target(%arg6 : memref<88064xf32, #tpu.memory_space<vmem>>) target_semaphore(%run_scoped3A : memref<!tpu.dma_semaphore, #tpu.memory_space<semaphore_mem>>)
      %dma_wait3A = arith.constant 0 : i32
      %dma_wait3A_84 = tpu.memref_slice %arg2[%select_n3A_54, %add3A_73, %dma_wait3A] : memref<2x16x88064xf32, #tpu.memory_space<hbm>> -> memref<1x1x88064xf32, #tpu.memory_space<hbm>>
      %dma_wait3A_85 = tpu.memref_squeeze %dma_wait3A_84 : memref<1x1x88064xf32, #tpu.memory_space<hbm>> -> memref<88064xf32, #tpu.memory_space<hbm>>
      %dma_wait3A_86 = arith.constant 0 : i32
      %dma_wait3A_87 = tpu.memref_slice %arg2[%select_n3A_54, %add3A_73, %dma_wait3A_86] : memref<2x16x88064xf32, #tpu.memory_space<hbm>> -> memref<1x1x88064xf32, #tpu.memory_space<hbm>>
      %dma_wait3A_88 = tpu.memref_squeeze %dma_wait3A_87 : memref<1x1x88064xf32, #tpu.memory_space<hbm>> -> memref<88064xf32, #tpu.memory_space<hbm>>
      tpu.wait_dma2 semaphore(%run_scoped3A : memref<!tpu.dma_semaphore, #tpu.memory_space<semaphore_mem>>) src(%dma_wait3A_88 : memref<88064xf32, #tpu.memory_space<hbm>>) dst(%arg6 : memref<88064xf32, #tpu.memory_space<vmem>>)
      tpu.yield
    }) : () -> ()
    %scan3A = arith.constant 0 : i32
    %scan3A_74 = arith.constant 0 : i32
    %scan3A_75 = arith.constant 17 : i32
    %scan3A_76 = arith.addi %scan3A_74, %scan3A_75 : i32
    %scan3A_77 = arith.constant 1 : i32
    scf.for %scan3A_79 = %scan3A_74 to %scan3A_76 step %scan3A_77  : i32 {
      "tpu.region"() ({
        %run_scoped3A = tpu.sem_alloc : memref<!tpu.dma_semaphore, #tpu.memory_space<semaphore_mem>>
        %dma_start3A = arith.constant 0 : i32
        %dma_start3A_82 = tpu.memref_slice %arg3[%select_n3A_9, %scan3A_79, %dma_start3A] : memref<16x17x10240xi32, #tpu.memory_space<hbm>> -> memref<1x1x10240xi32, #tpu.memory_space<hbm>>
        %dma_start3A_83 = tpu.memref_squeeze %dma_start3A_82 : memref<1x1x10240xi32, #tpu.memory_space<hbm>> -> memref<10240xi32, #tpu.memory_space<hbm>>
        %dma_start3A_84 = arith.constant 0 : i32
        %dma_start3A_85 = tpu.memref_slice %arg3[%select_n3A_9, %scan3A_79, %dma_start3A_84] : memref<16x17x10240xi32, #tpu.memory_space<hbm>> -> memref<1x1x10240xi32, #tpu.memory_space<hbm>>
        %dma_start3A_86 = tpu.memref_squeeze %dma_start3A_85 : memref<1x1x10240xi32, #tpu.memory_space<hbm>> -> memref<10240xi32, #tpu.memory_space<hbm>>
        tpu.enqueue_dma source(%dma_start3A_86 : memref<10240xi32, #tpu.memory_space<hbm>>) target(%arg7 : memref<10240xi32, #tpu.memory_space<vmem>>) target_semaphore(%run_scoped3A : memref<!tpu.dma_semaphore, #tpu.memory_space<semaphore_mem>>)
        %dma_wait3A = arith.constant 0 : i32
        %dma_wait3A_87 = tpu.memref_slice %arg3[%select_n3A_9, %scan3A_79, %dma_wait3A] : memref<16x17x10240xi32, #tpu.memory_space<hbm>> -> memref<1x1x10240xi32, #tpu.memory_space<hbm>>
        %dma_wait3A_88 = tpu.memref_squeeze %dma_wait3A_87 : memref<1x1x10240xi32, #tpu.memory_space<hbm>> -> memref<10240xi32, #tpu.memory_space<hbm>>
        %dma_wait3A_89 = arith.constant 0 : i32
        %dma_wait3A_90 = tpu.memref_slice %arg3[%select_n3A_9, %scan3A_79, %dma_wait3A_89] : memref<16x17x10240xi32, #tpu.memory_space<hbm>> -> memref<1x1x10240xi32, #tpu.memory_space<hbm>>
        %dma_wait3A_91 = tpu.memref_squeeze %dma_wait3A_90 : memref<1x1x10240xi32, #tpu.memory_space<hbm>> -> memref<10240xi32, #tpu.memory_space<hbm>>
        tpu.wait_dma2 semaphore(%run_scoped3A : memref<!tpu.dma_semaphore, #tpu.memory_space<semaphore_mem>>) src(%dma_wait3A_91 : memref<10240xi32, #tpu.memory_space<hbm>>) dst(%arg7 : memref<10240xi32, #tpu.memory_space<vmem>>)
        tpu.yield
      }) : () -> ()
      "tpu.region"() ({
        %run_scoped3A = tpu.sem_alloc : memref<!tpu.dma_semaphore, #tpu.memory_space<semaphore_mem>>
        %dma_start3A = arith.constant 0 : i32
        %dma_start3A_82 = tpu.memref_slice %arg4[%select_n3A_9, %scan3A_79, %dma_start3A] : memref<16x17x10240xf32, #tpu.memory_space<hbm>> -> memref<1x1x10240xf32, #tpu.memory_space<hbm>>
        %dma_start3A_83 = tpu.memref_squeeze %dma_start3A_82 : memref<1x1x10240xf32, #tpu.memory_space<hbm>> -> memref<10240xf32, #tpu.memory_space<hbm>>
        %dma_start3A_84 = arith.constant 0 : i32
        %dma_start3A_85 = tpu.memref_slice %arg4[%select_n3A_9, %scan3A_79, %dma_start3A_84] : memref<16x17x10240xf32, #tpu.memory_space<hbm>> -> memref<1x1x10240xf32, #tpu.memory_space<hbm>>
        %dma_start3A_86 = tpu.memref_squeeze %dma_start3A_85 : memref<1x1x10240xf32, #tpu.memory_space<hbm>> -> memref<10240xf32, #tpu.memory_space<hbm>>
        tpu.enqueue_dma source(%dma_start3A_86 : memref<10240xf32, #tpu.memory_space<hbm>>) target(%arg8 : memref<10240xf32, #tpu.memory_space<vmem>>) target_semaphore(%run_scoped3A : memref<!tpu.dma_semaphore, #tpu.memory_space<semaphore_mem>>)
        %dma_wait3A = arith.constant 0 : i32
        %dma_wait3A_87 = tpu.memref_slice %arg4[%select_n3A_9, %scan3A_79, %dma_wait3A] : memref<16x17x10240xf32, #tpu.memory_space<hbm>> -> memref<1x1x10240xf32, #tpu.memory_space<hbm>>
        %dma_wait3A_88 = tpu.memref_squeeze %dma_wait3A_87 : memref<1x1x10240xf32, #tpu.memory_space<hbm>> -> memref<10240xf32, #tpu.memory_space<hbm>>
        %dma_wait3A_89 = arith.constant 0 : i32
        %dma_wait3A_90 = tpu.memref_slice %arg4[%select_n3A_9, %scan3A_79, %dma_wait3A_89] : memref<16x17x10240xf32, #tpu.memory_space<hbm>> -> memref<1x1x10240xf32, #tpu.memory_space<hbm>>
        %dma_wait3A_91 = tpu.memref_squeeze %dma_wait3A_90 : memref<1x1x10240xf32, #tpu.memory_space<hbm>> -> memref<10240xf32, #tpu.memory_space<hbm>>
        tpu.wait_dma2 semaphore(%run_scoped3A : memref<!tpu.dma_semaphore, #tpu.memory_space<semaphore_mem>>) src(%dma_wait3A_91 : memref<10240xf32, #tpu.memory_space<hbm>>) dst(%arg8 : memref<10240xf32, #tpu.memory_space<vmem>>)
        tpu.yield
      }) : () -> ()
      %parallel_loop3A = arith.constant 0 : i32
      %parallel_loop3A_80 = arith.constant 10 : i32
      %parallel_loop3A_81 = arith.constant 1 : i32
      scf.for %parallel_loop3A_82 = %parallel_loop3A to %parallel_loop3A_80 step %parallel_loop3A_81  : i32 {
        %parallel_loop3A_83 = arith.constant 16 : i32
        %parallel_loop3A_84 = arith.muli %parallel_loop3A_82, %parallel_loop3A_83 : i32
        %parallel_loop3A_85 = tpu.assume_multiple %parallel_loop3A_84, 16 : i32
        %parallel_loop3A_86 = arith.constant 0.000000e+00 : f32
        %parallel_loop3A_87 = vector.broadcast %parallel_loop3A_86 : f32 to vector<16xf32>
        %parallel_loop3A_88 = arith.constant 0.000000e+00 : f32
        %parallel_loop3A_89 = vector.broadcast %parallel_loop3A_88 : f32 to vector<16xf32>
        %parallel_loop3A_90 = arith.constant 0.000000e+00 : f32
        %parallel_loop3A_91 = vector.broadcast %parallel_loop3A_90 : f32 to vector<16xf32>
        %parallel_loop3A_92 = arith.constant 0.000000e+00 : f32
        %parallel_loop3A_93 = vector.broadcast %parallel_loop3A_92 : f32 to vector<16xf32>
        %parallel_loop3A_94 = arith.constant 0.000000e+00 : f32
        %parallel_loop3A_95 = vector.broadcast %parallel_loop3A_94 : f32 to vector<16xf32>
        %parallel_loop3A_96 = arith.constant 0.000000e+00 : f32
        %parallel_loop3A_97 = vector.broadcast %parallel_loop3A_96 : f32 to vector<16xf32>
        %parallel_loop3A_98 = arith.constant 0.000000e+00 : f32
        %parallel_loop3A_99 = vector.broadcast %parallel_loop3A_98 : f32 to vector<16xf32>
        %parallel_loop3A_100 = arith.constant 0.000000e+00 : f32
        %parallel_loop3A_101 = vector.broadcast %parallel_loop3A_100 : f32 to vector<16xf32>
        %parallel_loop3A_102 = arith.constant 0.000000e+00 : f32
        %parallel_loop3A_103 = vector.broadcast %parallel_loop3A_102 : f32 to vector<16xf32>
        %parallel_loop3A_104 = arith.constant 0.000000e+00 : f32
        %parallel_loop3A_105 = vector.broadcast %parallel_loop3A_104 : f32 to vector<16xf32>
        %parallel_loop3A_106 = arith.constant 0.000000e+00 : f32
        %parallel_loop3A_107 = vector.broadcast %parallel_loop3A_106 : f32 to vector<16xf32>
        %parallel_loop3A_108 = arith.constant 0.000000e+00 : f32
        %parallel_loop3A_109 = vector.broadcast %parallel_loop3A_108 : f32 to vector<16xf32>
        %parallel_loop3A_110 = arith.constant 0.000000e+00 : f32
        %parallel_loop3A_111 = vector.broadcast %parallel_loop3A_110 : f32 to vector<16xf32>
        %parallel_loop3A_112 = arith.constant 0.000000e+00 : f32
        %parallel_loop3A_113 = vector.broadcast %parallel_loop3A_112 : f32 to vector<16xf32>
        %parallel_loop3A_114 = arith.constant 0.000000e+00 : f32
        %parallel_loop3A_115 = vector.broadcast %parallel_loop3A_114 : f32 to vector<16xf32>
        %parallel_loop3A_116 = arith.constant 0.000000e+00 : f32
        %parallel_loop3A_117 = vector.broadcast %parallel_loop3A_116 : f32 to vector<16xf32>
        %parallel_loop3A_118 = arith.constant 0 : i32
        %parallel_loop3A_119 = arith.constant 64 : i32
        %parallel_loop3A_120 = arith.addi %parallel_loop3A_118, %parallel_loop3A_119 : i32
        %parallel_loop3A_121 = arith.constant 2 : i32
        %parallel_loop3A_122:16 = scf.for %scan3A_188 = %parallel_loop3A_118 to %parallel_loop3A_120 step %parallel_loop3A_121 iter_args(%scan3A_189 = %parallel_loop3A_87, %scan3A_190 = %parallel_loop3A_89, %scan3A_191 = %parallel_loop3A_91, %scan3A_192 = %parallel_loop3A_93, %scan3A_193 = %parallel_loop3A_95, %scan3A_194 = %parallel_loop3A_97, %scan3A_195 = %parallel_loop3A_99, %scan3A_196 = %parallel_loop3A_101, %scan3A_197 = %parallel_loop3A_103, %scan3A_198 = %parallel_loop3A_105, %scan3A_199 = %parallel_loop3A_107, %scan3A_200 = %parallel_loop3A_109, %scan3A_201 = %parallel_loop3A_111, %scan3A_202 = %parallel_loop3A_113, %scan3A_203 = %parallel_loop3A_115, %scan3A_204 = %parallel_loop3A_117) -> (vector<16xf32>, vector<16xf32>, vector<16xf32>, vector<16xf32>, vector<16xf32>, vector<16xf32>, vector<16xf32>, vector<16xf32>, vector<16xf32>, vector<16xf32>, vector<16xf32>, vector<16xf32>, vector<16xf32>, vector<16xf32>, vector<16xf32>, vector<16xf32>)  : i32 {
          %parallel_loop3A_205 = arith.constant 160 : i32
          %parallel_loop3A_206 = arith.muli %scan3A_188, %parallel_loop3A_205 : i32
          %parallel_loop3A_207 = arith.addi %parallel_loop3A_206, %parallel_loop3A_85 : i32
          %parallel_loop3A_208 = arith.index_cast %parallel_loop3A_207 : i32 to index
          %parallel_loop3A_209 = tpu.vector_load %arg7[%parallel_loop3A_208] {strides = array<i32>} : memref<10240xi32, #tpu.memory_space<vmem>>, vector<16xi32>,
          %parallel_loop3A_210 = arith.constant 160 : i32
          %parallel_loop3A_211 = arith.muli %scan3A_188, %parallel_loop3A_210 : i32
          %parallel_loop3A_212 = arith.addi %parallel_loop3A_211, %parallel_loop3A_85 : i32
          %parallel_loop3A_213 = arith.index_cast %parallel_loop3A_212 : i32 to index
          %parallel_loop3A_214 = tpu.vector_load %arg8[%parallel_loop3A_213] {strides = array<i32>} : memref<10240xf32, #tpu.memory_space<vmem>>, vector<16xf32>,
          %parallel_loop3A_215 = arith.constant 0 : i32
          %parallel_loop3A_216 = tpu.memref_slice %arg6[%parallel_loop3A_215] : memref<88064xf32, #tpu.memory_space<vmem>> -> memref<5440xf32, #tpu.memory_space<vmem>>
          %parallel_loop3A_217 = tpu.vector_load_idx %parallel_loop3A_216[%parallel_loop3A_209] : memref<5440xf32, #tpu.memory_space<vmem>>[vector<16xi32>], vector<16xf32>,
          %parallel_loop3A_218 = arith.mulf %parallel_loop3A_214, %parallel_loop3A_217 : vector<16xf32>
          %parallel_loop3A_219 = arith.addf %scan3A_189, %parallel_loop3A_218 : vector<16xf32>
          %parallel_loop3A_220 = arith.constant 5504 : i32
          %parallel_loop3A_221 = tpu.memref_slice %arg6[%parallel_loop3A_220] : memref<88064xf32, #tpu.memory_space<vmem>> -> memref<5440xf32, #tpu.memory_space<vmem>>
          %parallel_loop3A_222 = tpu.vector_load_idx %parallel_loop3A_221[%parallel_loop3A_209] : memref<5440xf32, #tpu.memory_space<vmem>>[vector<16xi32>], vector<16xf32>,
          %parallel_loop3A_223 = arith.mulf %parallel_loop3A_214, %parallel_loop3A_222 : vector<16xf32>
          %parallel_loop3A_224 = arith.addf %scan3A_190, %parallel_loop3A_223 : vector<16xf32>
          %parallel_loop3A_225 = arith.constant 11008 : i32
          %parallel_loop3A_226 = tpu.memref_slice %arg6[%parallel_loop3A_225] : memref<88064xf32, #tpu.memory_space<vmem>> -> memref<5440xf32, #tpu.memory_space<vmem>>
          %parallel_loop3A_227 = tpu.vector_load_idx %parallel_loop3A_226[%parallel_loop3A_209] : memref<5440xf32, #tpu.memory_space<vmem>>[vector<16xi32>], vector<16xf32>,
          %parallel_loop3A_228 = arith.mulf %parallel_loop3A_214, %parallel_loop3A_227 : vector<16xf32>
          %parallel_loop3A_229 = arith.addf %scan3A_191, %parallel_loop3A_228 : vector<16xf32>
          %parallel_loop3A_230 = arith.constant 16512 : i32
          %parallel_loop3A_231 = tpu.memref_slice %arg6[%parallel_loop3A_230] : memref<88064xf32, #tpu.memory_space<vmem>> -> memref<5440xf32, #tpu.memory_space<vmem>>
          %parallel_loop3A_232 = tpu.vector_load_idx %parallel_loop3A_231[%parallel_loop3A_209] : memref<5440xf32, #tpu.memory_space<vmem>>[vector<16xi32>], vector<16xf32>,
          %parallel_loop3A_233 = arith.mulf %parallel_loop3A_214, %parallel_loop3A_232 : vector<16xf32>
          %parallel_loop3A_234 = arith.addf %scan3A_192, %parallel_loop3A_233 : vector<16xf32>
          %parallel_loop3A_235 = arith.constant 22016 : i32
          %parallel_loop3A_236 = tpu.memref_slice %arg6[%parallel_loop3A_235] : memref<88064xf32, #tpu.memory_space<vmem>> -> memref<5440xf32, #tpu.memory_space<vmem>>
          %parallel_loop3A_237 = tpu.vector_load_idx %parallel_loop3A_236[%parallel_loop3A_209] : memref<5440xf32, #tpu.memory_space<vmem>>[vector<16xi32>], vector<16xf32>,
          %parallel_loop3A_238 = arith.mulf %parallel_loop3A_214, %parallel_loop3A_237 : vector<16xf32>
          %parallel_loop3A_239 = arith.addf %scan3A_193, %parallel_loop3A_238 : vector<16xf32>
          %parallel_loop3A_240 = arith.constant 27520 : i32
          %parallel_loop3A_241 = tpu.memref_slice %arg6[%parallel_loop3A_240] : memref<88064xf32, #tpu.memory_space<vmem>> -> memref<5440xf32, #tpu.memory_space<vmem>>
          %parallel_loop3A_242 = tpu.vector_load_idx %parallel_loop3A_241[%parallel_loop3A_209] : memref<5440xf32, #tpu.memory_space<vmem>>[vector<16xi32>], vector<16xf32>,
          %parallel_loop3A_243 = arith.mulf %parallel_loop3A_214, %parallel_loop3A_242 : vector<16xf32>
          %parallel_loop3A_244 = arith.addf %scan3A_194, %parallel_loop3A_243 : vector<16xf32>
          %parallel_loop3A_245 = arith.constant 33024 : i32
          %parallel_loop3A_246 = tpu.memref_slice %arg6[%parallel_loop3A_245] : memref<88064xf32, #tpu.memory_space<vmem>> -> memref<5440xf32, #tpu.memory_space<vmem>>
          %parallel_loop3A_247 = tpu.vector_load_idx %parallel_loop3A_246[%parallel_loop3A_209] : memref<5440xf32, #tpu.memory_space<vmem>>[vector<16xi32>], vector<16xf32>,
          %parallel_loop3A_248 = arith.mulf %parallel_loop3A_214, %parallel_loop3A_247 : vector<16xf32>
          %parallel_loop3A_249 = arith.addf %scan3A_195, %parallel_loop3A_248 : vector<16xf32>
          %parallel_loop3A_250 = arith.constant 38528 : i32
          %parallel_loop3A_251 = tpu.memref_slice %arg6[%parallel_loop3A_250] : memref<88064xf32, #tpu.memory_space<vmem>> -> memref<5440xf32, #tpu.memory_space<vmem>>
          %parallel_loop3A_252 = tpu.vector_load_idx %parallel_loop3A_251[%parallel_loop3A_209] : memref<5440xf32, #tpu.memory_space<vmem>>[vector<16xi32>], vector<16xf32>,
          %parallel_loop3A_253 = arith.mulf %parallel_loop3A_214, %parallel_loop3A_252 : vector<16xf32>
          %parallel_loop3A_254 = arith.addf %scan3A_196, %parallel_loop3A_253 : vector<16xf32>
          %parallel_loop3A_255 = arith.constant 44032 : i32
          %parallel_loop3A_256 = tpu.memref_slice %arg6[%parallel_loop3A_255] : memref<88064xf32, #tpu.memory_space<vmem>> -> memref<5440xf32, #tpu.memory_space<vmem>>
          %parallel_loop3A_257 = tpu.vector_load_idx %parallel_loop3A_256[%parallel_loop3A_209] : memref<5440xf32, #tpu.memory_space<vmem>>[vector<16xi32>], vector<16xf32>,
          %parallel_loop3A_258 = arith.mulf %parallel_loop3A_214, %parallel_loop3A_257 : vector<16xf32>
          %parallel_loop3A_259 = arith.addf %scan3A_197, %parallel_loop3A_258 : vector<16xf32>
          %parallel_loop3A_260 = arith.constant 49536 : i32
          %parallel_loop3A_261 = tpu.memref_slice %arg6[%parallel_loop3A_260] : memref<88064xf32, #tpu.memory_space<vmem>> -> memref<5440xf32, #tpu.memory_space<vmem>>
          %parallel_loop3A_262 = tpu.vector_load_idx %parallel_loop3A_261[%parallel_loop3A_209] : memref<5440xf32, #tpu.memory_space<vmem>>[vector<16xi32>], vector<16xf32>,
          %parallel_loop3A_263 = arith.mulf %parallel_loop3A_214, %parallel_loop3A_262 : vector<16xf32>
          %parallel_loop3A_264 = arith.addf %scan3A_198, %parallel_loop3A_263 : vector<16xf32>
          %parallel_loop3A_265 = arith.constant 55040 : i32
          %parallel_loop3A_266 = tpu.memref_slice %arg6[%parallel_loop3A_265] : memref<88064xf32, #tpu.memory_space<vmem>> -> memref<5440xf32, #tpu.memory_space<vmem>>
          %parallel_loop3A_267 = tpu.vector_load_idx %parallel_loop3A_266[%parallel_loop3A_209] : memref<5440xf32, #tpu.memory_space<vmem>>[vector<16xi32>], vector<16xf32>,
          %parallel_loop3A_268 = arith.mulf %parallel_loop3A_214, %parallel_loop3A_267 : vector<16xf32>
          %parallel_loop3A_269 = arith.addf %scan3A_199, %parallel_loop3A_268 : vector<16xf32>
          %parallel_loop3A_270 = arith.constant 60544 : i32
          %parallel_loop3A_271 = tpu.memref_slice %arg6[%parallel_loop3A_270] : memref<88064xf32, #tpu.memory_space<vmem>> -> memref<5440xf32, #tpu.memory_space<vmem>>
          %parallel_loop3A_272 = tpu.vector_load_idx %parallel_loop3A_271[%parallel_loop3A_209] : memref<5440xf32, #tpu.memory_space<vmem>>[vector<16xi32>], vector<16xf32>,
          %parallel_loop3A_273 = arith.mulf %parallel_loop3A_214, %parallel_loop3A_272 : vector<16xf32>
          %parallel_loop3A_274 = arith.addf %scan3A_200, %parallel_loop3A_273 : vector<16xf32>
          %parallel_loop3A_275 = arith.constant 66048 : i32
          %parallel_loop3A_276 = tpu.memref_slice %arg6[%parallel_loop3A_275] : memref<88064xf32, #tpu.memory_space<vmem>> -> memref<5440xf32, #tpu.memory_space<vmem>>
          %parallel_loop3A_277 = tpu.vector_load_idx %parallel_loop3A_276[%parallel_loop3A_209] : memref<5440xf32, #tpu.memory_space<vmem>>[vector<16xi32>], vector<16xf32>,
          %parallel_loop3A_278 = arith.mulf %parallel_loop3A_214, %parallel_loop3A_277 : vector<16xf32>
          %parallel_loop3A_279 = arith.addf %scan3A_201, %parallel_loop3A_278 : vector<16xf32>
          %parallel_loop3A_280 = arith.constant 71552 : i32
          %parallel_loop3A_281 = tpu.memref_slice %arg6[%parallel_loop3A_280] : memref<88064xf32, #tpu.memory_space<vmem>> -> memref<5440xf32, #tpu.memory_space<vmem>>
          %parallel_loop3A_282 = tpu.vector_load_idx %parallel_loop3A_281[%parallel_loop3A_209] : memref<5440xf32, #tpu.memory_space<vmem>>[vector<16xi32>], vector<16xf32>,
          %parallel_loop3A_283 = arith.mulf %parallel_loop3A_214, %parallel_loop3A_282 : vector<16xf32>
          %parallel_loop3A_284 = arith.addf %scan3A_202, %parallel_loop3A_283 : vector<16xf32>
          %parallel_loop3A_285 = arith.constant 77056 : i32
          %parallel_loop3A_286 = tpu.memref_slice %arg6[%parallel_loop3A_285] : memref<88064xf32, #tpu.memory_space<vmem>> -> memref<5440xf32, #tpu.memory_space<vmem>>
          %parallel_loop3A_287 = tpu.vector_load_idx %parallel_loop3A_286[%parallel_loop3A_209] : memref<5440xf32, #tpu.memory_space<vmem>>[vector<16xi32>], vector<16xf32>,
          %parallel_loop3A_288 = arith.mulf %parallel_loop3A_214, %parallel_loop3A_287 : vector<16xf32>
          %parallel_loop3A_289 = arith.addf %scan3A_203, %parallel_loop3A_288 : vector<16xf32>
          %parallel_loop3A_290 = arith.constant 82560 : i32
          %parallel_loop3A_291 = tpu.memref_slice %arg6[%parallel_loop3A_290] : memref<88064xf32, #tpu.memory_space<vmem>> -> memref<5440xf32, #tpu.memory_space<vmem>>
          %parallel_loop3A_292 = tpu.vector_load_idx %parallel_loop3A_291[%parallel_loop3A_209] : memref<5440xf32, #tpu.memory_space<vmem>>[vector<16xi32>], vector<16xf32>,
          %parallel_loop3A_293 = arith.mulf %parallel_loop3A_214, %parallel_loop3A_292 : vector<16xf32>
          %parallel_loop3A_294 = arith.addf %scan3A_204, %parallel_loop3A_293 : vector<16xf32>
          %parallel_loop3A_295 = arith.constant 1 : i32
          %parallel_loop3A_296 = arith.addi %scan3A_188, %parallel_loop3A_295 : i32
          %parallel_loop3A_297 = arith.constant 160 : i32
          %parallel_loop3A_298 = arith.muli %parallel_loop3A_296, %parallel_loop3A_297 : i32
          %parallel_loop3A_299 = arith.addi %parallel_loop3A_298, %parallel_loop3A_85 : i32
          %parallel_loop3A_300 = arith.index_cast %parallel_loop3A_299 : i32 to index
          %parallel_loop3A_301 = tpu.vector_load %arg7[%parallel_loop3A_300] {strides = array<i32>} : memref<10240xi32, #tpu.memory_space<vmem>>, vector<16xi32>,
          %parallel_loop3A_302 = arith.constant 160 : i32
          %parallel_loop3A_303 = arith.muli %parallel_loop3A_296, %parallel_loop3A_302 : i32
          %parallel_loop3A_304 = arith.addi %parallel_loop3A_303, %parallel_loop3A_85 : i32
          %parallel_loop3A_305 = arith.index_cast %parallel_loop3A_304 : i32 to index
          %parallel_loop3A_306 = tpu.vector_load %arg8[%parallel_loop3A_305] {strides = array<i32>} : memref<10240xf32, #tpu.memory_space<vmem>>, vector<16xf32>,
          %parallel_loop3A_307 = arith.constant 0 : i32
          %parallel_loop3A_308 = tpu.memref_slice %arg6[%parallel_loop3A_307] : memref<88064xf32, #tpu.memory_space<vmem>> -> memref<5440xf32, #tpu.memory_space<vmem>>
          %parallel_loop3A_309 = tpu.vector_load_idx %parallel_loop3A_308[%parallel_loop3A_301] : memref<5440xf32, #tpu.memory_space<vmem>>[vector<16xi32>], vector<16xf32>,
          %parallel_loop3A_310 = arith.mulf %parallel_loop3A_306, %parallel_loop3A_309 : vector<16xf32>
          %parallel_loop3A_311 = arith.addf %parallel_loop3A_219, %parallel_loop3A_310 : vector<16xf32>
          %parallel_loop3A_312 = arith.constant 5504 : i32
          %parallel_loop3A_313 = tpu.memref_slice %arg6[%parallel_loop3A_312] : memref<88064xf32, #tpu.memory_space<vmem>> -> memref<5440xf32, #tpu.memory_space<vmem>>
          %parallel_loop3A_314 = tpu.vector_load_idx %parallel_loop3A_313[%parallel_loop3A_301] : memref<5440xf32, #tpu.memory_space<vmem>>[vector<16xi32>], vector<16xf32>,
          %parallel_loop3A_315 = arith.mulf %parallel_loop3A_306, %parallel_loop3A_314 : vector<16xf32>
          %parallel_loop3A_316 = arith.addf %parallel_loop3A_224, %parallel_loop3A_315 : vector<16xf32>
          %parallel_loop3A_317 = arith.constant 11008 : i32
          %parallel_loop3A_318 = tpu.memref_slice %arg6[%parallel_loop3A_317] : memref<88064xf32, #tpu.memory_space<vmem>> -> memref<5440xf32, #tpu.memory_space<vmem>>
          %parallel_loop3A_319 = tpu.vector_load_idx %parallel_loop3A_318[%parallel_loop3A_301] : memref<5440xf32, #tpu.memory_space<vmem>>[vector<16xi32>], vector<16xf32>,
          %parallel_loop3A_320 = arith.mulf %parallel_loop3A_306, %parallel_loop3A_319 : vector<16xf32>
          %parallel_loop3A_321 = arith.addf %parallel_loop3A_229, %parallel_loop3A_320 : vector<16xf32>
          %parallel_loop3A_322 = arith.constant 16512 : i32
          %parallel_loop3A_323 = tpu.memref_slice %arg6[%parallel_loop3A_322] : memref<88064xf32, #tpu.memory_space<vmem>> -> memref<5440xf32, #tpu.memory_space<vmem>>
          %parallel_loop3A_324 = tpu.vector_load_idx %parallel_loop3A_323[%parallel_loop3A_301] : memref<5440xf32, #tpu.memory_space<vmem>>[vector<16xi32>], vector<16xf32>,
          %parallel_loop3A_325 = arith.mulf %parallel_loop3A_306, %parallel_loop3A_324 : vector<16xf32>
          %parallel_loop3A_326 = arith.addf %parallel_loop3A_234, %parallel_loop3A_325 : vector<16xf32>
          %parallel_loop3A_327 = arith.constant 22016 : i32
          %parallel_loop3A_328 = tpu.memref_slice %arg6[%parallel_loop3A_327] : memref<88064xf32, #tpu.memory_space<vmem>> -> memref<5440xf32, #tpu.memory_space<vmem>>
          %parallel_loop3A_329 = tpu.vector_load_idx %parallel_loop3A_328[%parallel_loop3A_301] : memref<5440xf32, #tpu.memory_space<vmem>>[vector<16xi32>], vector<16xf32>,
          %parallel_loop3A_330 = arith.mulf %parallel_loop3A_306, %parallel_loop3A_329 : vector<16xf32>
          %parallel_loop3A_331 = arith.addf %parallel_loop3A_239, %parallel_loop3A_330 : vector<16xf32>
          %parallel_loop3A_332 = arith.constant 27520 : i32
          %parallel_loop3A_333 = tpu.memref_slice %arg6[%parallel_loop3A_332] : memref<88064xf32, #tpu.memory_space<vmem>> -> memref<5440xf32, #tpu.memory_space<vmem>>
          %parallel_loop3A_334 = tpu.vector_load_idx %parallel_loop3A_333[%parallel_loop3A_301] : memref<5440xf32, #tpu.memory_space<vmem>>[vector<16xi32>], vector<16xf32>,
          %parallel_loop3A_335 = arith.mulf %parallel_loop3A_306, %parallel_loop3A_334 : vector<16xf32>
          %parallel_loop3A_336 = arith.addf %parallel_loop3A_244, %parallel_loop3A_335 : vector<16xf32>
          %parallel_loop3A_337 = arith.constant 33024 : i32
          %parallel_loop3A_338 = tpu.memref_slice %arg6[%parallel_loop3A_337] : memref<88064xf32, #tpu.memory_space<vmem>> -> memref<5440xf32, #tpu.memory_space<vmem>>
          %parallel_loop3A_339 = tpu.vector_load_idx %parallel_loop3A_338[%parallel_loop3A_301] : memref<5440xf32, #tpu.memory_space<vmem>>[vector<16xi32>], vector<16xf32>,
          %parallel_loop3A_340 = arith.mulf %parallel_loop3A_306, %parallel_loop3A_339 : vector<16xf32>
          %parallel_loop3A_341 = arith.addf %parallel_loop3A_249, %parallel_loop3A_340 : vector<16xf32>
          %parallel_loop3A_342 = arith.constant 38528 : i32
          %parallel_loop3A_343 = tpu.memref_slice %arg6[%parallel_loop3A_342] : memref<88064xf32, #tpu.memory_space<vmem>> -> memref<5440xf32, #tpu.memory_space<vmem>>
          %parallel_loop3A_344 = tpu.vector_load_idx %parallel_loop3A_343[%parallel_loop3A_301] : memref<5440xf32, #tpu.memory_space<vmem>>[vector<16xi32>], vector<16xf32>,
          %parallel_loop3A_345 = arith.mulf %parallel_loop3A_306, %parallel_loop3A_344 : vector<16xf32>
          %parallel_loop3A_346 = arith.addf %parallel_loop3A_254, %parallel_loop3A_345 : vector<16xf32>
          %parallel_loop3A_347 = arith.constant 44032 : i32
          %parallel_loop3A_348 = tpu.memref_slice %arg6[%parallel_loop3A_347] : memref<88064xf32, #tpu.memory_space<vmem>> -> memref<5440xf32, #tpu.memory_space<vmem>>
          %parallel_loop3A_349 = tpu.vector_load_idx %parallel_loop3A_348[%parallel_loop3A_301] : memref<5440xf32, #tpu.memory_space<vmem>>[vector<16xi32>], vector<16xf32>,
          %parallel_loop3A_350 = arith.mulf %parallel_loop3A_306, %parallel_loop3A_349 : vector<16xf32>
          %parallel_loop3A_351 = arith.addf %parallel_loop3A_259, %parallel_loop3A_350 : vector<16xf32>
          %parallel_loop3A_352 = arith.constant 49536 : i32
          %parallel_loop3A_353 = tpu.memref_slice %arg6[%parallel_loop3A_352] : memref<88064xf32, #tpu.memory_space<vmem>> -> memref<5440xf32, #tpu.memory_space<vmem>>
          %parallel_loop3A_354 = tpu.vector_load_idx %parallel_loop3A_353[%parallel_loop3A_301] : memref<5440xf32, #tpu.memory_space<vmem>>[vector<16xi32>], vector<16xf32>,
          %parallel_loop3A_355 = arith.mulf %parallel_loop3A_306, %parallel_loop3A_354 : vector<16xf32>
          %parallel_loop3A_356 = arith.addf %parallel_loop3A_264, %parallel_loop3A_355 : vector<16xf32>
          %parallel_loop3A_357 = arith.constant 55040 : i32
          %parallel_loop3A_358 = tpu.memref_slice %arg6[%parallel_loop3A_357] : memref<88064xf32, #tpu.memory_space<vmem>> -> memref<5440xf32, #tpu.memory_space<vmem>>
          %parallel_loop3A_359 = tpu.vector_load_idx %parallel_loop3A_358[%parallel_loop3A_301] : memref<5440xf32, #tpu.memory_space<vmem>>[vector<16xi32>], vector<16xf32>,
          %parallel_loop3A_360 = arith.mulf %parallel_loop3A_306, %parallel_loop3A_359 : vector<16xf32>
          %parallel_loop3A_361 = arith.addf %parallel_loop3A_269, %parallel_loop3A_360 : vector<16xf32>
          %parallel_loop3A_362 = arith.constant 60544 : i32
          %parallel_loop3A_363 = tpu.memref_slice %arg6[%parallel_loop3A_362] : memref<88064xf32, #tpu.memory_space<vmem>> -> memref<5440xf32, #tpu.memory_space<vmem>>
          %parallel_loop3A_364 = tpu.vector_load_idx %parallel_loop3A_363[%parallel_loop3A_301] : memref<5440xf32, #tpu.memory_space<vmem>>[vector<16xi32>], vector<16xf32>,
          %parallel_loop3A_365 = arith.mulf %parallel_loop3A_306, %parallel_loop3A_364 : vector<16xf32>
          %parallel_loop3A_366 = arith.addf %parallel_loop3A_274, %parallel_loop3A_365 : vector<16xf32>
          %parallel_loop3A_367 = arith.constant 66048 : i32
          %parallel_loop3A_368 = tpu.memref_slice %arg6[%parallel_loop3A_367] : memref<88064xf32, #tpu.memory_space<vmem>> -> memref<5440xf32, #tpu.memory_space<vmem>>
          %parallel_loop3A_369 = tpu.vector_load_idx %parallel_loop3A_368[%parallel_loop3A_301] : memref<5440xf32, #tpu.memory_space<vmem>>[vector<16xi32>], vector<16xf32>,
          %parallel_loop3A_370 = arith.mulf %parallel_loop3A_306, %parallel_loop3A_369 : vector<16xf32>
          %parallel_loop3A_371 = arith.addf %parallel_loop3A_279, %parallel_loop3A_370 : vector<16xf32>
          %parallel_loop3A_372 = arith.constant 71552 : i32
          %parallel_loop3A_373 = tpu.memref_slice %arg6[%parallel_loop3A_372] : memref<88064xf32, #tpu.memory_space<vmem>> -> memref<5440xf32, #tpu.memory_space<vmem>>
          %parallel_loop3A_374 = tpu.vector_load_idx %parallel_loop3A_373[%parallel_loop3A_301] : memref<5440xf32, #tpu.memory_space<vmem>>[vector<16xi32>], vector<16xf32>,
          %parallel_loop3A_375 = arith.mulf %parallel_loop3A_306, %parallel_loop3A_374 : vector<16xf32>
          %parallel_loop3A_376 = arith.addf %parallel_loop3A_284, %parallel_loop3A_375 : vector<16xf32>
          %parallel_loop3A_377 = arith.constant 77056 : i32
          %parallel_loop3A_378 = tpu.memref_slice %arg6[%parallel_loop3A_377] : memref<88064xf32, #tpu.memory_space<vmem>> -> memref<5440xf32, #tpu.memory_space<vmem>>
          %parallel_loop3A_379 = tpu.vector_load_idx %parallel_loop3A_378[%parallel_loop3A_301] : memref<5440xf32, #tpu.memory_space<vmem>>[vector<16xi32>], vector<16xf32>,
          %parallel_loop3A_380 = arith.mulf %parallel_loop3A_306, %parallel_loop3A_379 : vector<16xf32>
          %parallel_loop3A_381 = arith.addf %parallel_loop3A_289, %parallel_loop3A_380 : vector<16xf32>
          %parallel_loop3A_382 = arith.constant 82560 : i32
          %parallel_loop3A_383 = tpu.memref_slice %arg6[%parallel_loop3A_382] : memref<88064xf32, #tpu.memory_space<vmem>> -> memref<5440xf32, #tpu.memory_space<vmem>>
          %parallel_loop3A_384 = tpu.vector_load_idx %parallel_loop3A_383[%parallel_loop3A_301] : memref<5440xf32, #tpu.memory_space<vmem>>[vector<16xi32>], vector<16xf32>,
          %parallel_loop3A_385 = arith.mulf %parallel_loop3A_306, %parallel_loop3A_384 : vector<16xf32>
          %parallel_loop3A_386 = arith.addf %parallel_loop3A_294, %parallel_loop3A_385 : vector<16xf32>
          scf.yield %parallel_loop3A_311, %parallel_loop3A_316, %parallel_loop3A_321, %parallel_loop3A_326, %parallel_loop3A_331, %parallel_loop3A_336, %parallel_loop3A_341, %parallel_loop3A_346, %parallel_loop3A_351, %parallel_loop3A_356, %parallel_loop3A_361, %parallel_loop3A_366, %parallel_loop3A_371, %parallel_loop3A_376, %parallel_loop3A_381, %parallel_loop3A_386 : vector<16xf32>, vector<16xf32>, vector<16xf32>, vector<16xf32>, vector<16xf32>, vector<16xf32>, vector<16xf32>, vector<16xf32>, vector<16xf32>, vector<16xf32>, vector<16xf32>, vector<16xf32>, vector<16xf32>, vector<16xf32>, vector<16xf32>, vector<16xf32>
        }
        %parallel_loop3A_123 = arith.constant 64 : i32
        %parallel_loop3A_124 = arith.constant 0 : i32
        %parallel_loop3A_125 = arith.addi %parallel_loop3A_124, %parallel_loop3A_85 : i32
        %parallel_loop3A_126 = arith.index_cast %parallel_loop3A_125 : i32 to index
        %parallel_loop3A_127 = tpu.vector_load %arg9[%parallel_loop3A_126] {strides = array<i32>} : memref<2560xf32, #tpu.memory_space<vmem>>, vector<16xf32>,
        tpu.vector_store %arg9[%parallel_loop3A_126], %parallel_loop3A_122#0 {strides = array<i32>} : memref<2560xf32, #tpu.memory_space<vmem>>, vector<16xf32>,
        %parallel_loop3A_128 = arith.constant 160 : i32
        %parallel_loop3A_129 = arith.addi %parallel_loop3A_128, %parallel_loop3A_85 : i32
        %parallel_loop3A_130 = arith.index_cast %parallel_loop3A_129 : i32 to index
        %parallel_loop3A_131 = tpu.vector_load %arg9[%parallel_loop3A_130] {strides = array<i32>} : memref<2560xf32, #tpu.memory_space<vmem>>, vector<16xf32>,
        tpu.vector_store %arg9[%parallel_loop3A_130], %parallel_loop3A_122#1 {strides = array<i32>} : memref<2560xf32, #tpu.memory_space<vmem>>, vector<16xf32>,
        %parallel_loop3A_132 = arith.constant 320 : i32
        %parallel_loop3A_133 = arith.addi %parallel_loop3A_132, %parallel_loop3A_85 : i32
        %parallel_loop3A_134 = arith.index_cast %parallel_loop3A_133 : i32 to index
        %parallel_loop3A_135 = tpu.vector_load %arg9[%parallel_loop3A_134] {strides = array<i32>} : memref<2560xf32, #tpu.memory_space<vmem>>, vector<16xf32>,
        tpu.vector_store %arg9[%parallel_loop3A_134], %parallel_loop3A_122#2 {strides = array<i32>} : memref<2560xf32, #tpu.memory_space<vmem>>, vector<16xf32>,
        %parallel_loop3A_136 = arith.constant 480 : i32
        %parallel_loop3A_137 = arith.addi %parallel_loop3A_136, %parallel_loop3A_85 : i32
        %parallel_loop3A_138 = arith.index_cast %parallel_loop3A_137 : i32 to index
        %parallel_loop3A_139 = tpu.vector_load %arg9[%parallel_loop3A_138] {strides = array<i32>} : memref<2560xf32, #tpu.memory_space<vmem>>, vector<16xf32>,
        tpu.vector_store %arg9[%parallel_loop3A_138], %parallel_loop3A_122#3 {strides = array<i32>} : memref<2560xf32, #tpu.memory_space<vmem>>, vector<16xf32>,
        %parallel_loop3A_140 = arith.constant 640 : i32
        %parallel_loop3A_141 = arith.addi %parallel_loop3A_140, %parallel_loop3A_85 : i32
        %parallel_loop3A_142 = arith.index_cast %parallel_loop3A_141 : i32 to index
        %parallel_loop3A_143 = tpu.vector_load %arg9[%parallel_loop3A_142] {strides = array<i32>} : memref<2560xf32, #tpu.memory_space<vmem>>, vector<16xf32>,
        tpu.vector_store %arg9[%parallel_loop3A_142], %parallel_loop3A_122#4 {strides = array<i32>} : memref<2560xf32, #tpu.memory_space<vmem>>, vector<16xf32>,
        %parallel_loop3A_144 = arith.constant 800 : i32
        %parallel_loop3A_145 = arith.addi %parallel_loop3A_144, %parallel_loop3A_85 : i32
        %parallel_loop3A_146 = arith.index_cast %parallel_loop3A_145 : i32 to index
        %parallel_loop3A_147 = tpu.vector_load %arg9[%parallel_loop3A_146] {strides = array<i32>} : memref<2560xf32, #tpu.memory_space<vmem>>, vector<16xf32>,
        tpu.vector_store %arg9[%parallel_loop3A_146], %parallel_loop3A_122#5 {strides = array<i32>} : memref<2560xf32, #tpu.memory_space<vmem>>, vector<16xf32>,
        %parallel_loop3A_148 = arith.constant 960 : i32
        %parallel_loop3A_149 = arith.addi %parallel_loop3A_148, %parallel_loop3A_85 : i32
        %parallel_loop3A_150 = arith.index_cast %parallel_loop3A_149 : i32 to index
        %parallel_loop3A_151 = tpu.vector_load %arg9[%parallel_loop3A_150] {strides = array<i32>} : memref<2560xf32, #tpu.memory_space<vmem>>, vector<16xf32>,
        tpu.vector_store %arg9[%parallel_loop3A_150], %parallel_loop3A_122#6 {strides = array<i32>} : memref<2560xf32, #tpu.memory_space<vmem>>, vector<16xf32>,
        %parallel_loop3A_152 = arith.constant 1120 : i32
        %parallel_loop3A_153 = arith.addi %parallel_loop3A_152, %parallel_loop3A_85 : i32
        %parallel_loop3A_154 = arith.index_cast %parallel_loop3A_153 : i32 to index
        %parallel_loop3A_155 = tpu.vector_load %arg9[%parallel_loop3A_154] {strides = array<i32>} : memref<2560xf32, #tpu.memory_space<vmem>>, vector<16xf32>,
        tpu.vector_store %arg9[%parallel_loop3A_154], %parallel_loop3A_122#7 {strides = array<i32>} : memref<2560xf32, #tpu.memory_space<vmem>>, vector<16xf32>,
        %parallel_loop3A_156 = arith.constant 1280 : i32
        %parallel_loop3A_157 = arith.addi %parallel_loop3A_156, %parallel_loop3A_85 : i32
        %parallel_loop3A_158 = arith.index_cast %parallel_loop3A_157 : i32 to index
        %parallel_loop3A_159 = tpu.vector_load %arg9[%parallel_loop3A_158] {strides = array<i32>} : memref<2560xf32, #tpu.memory_space<vmem>>, vector<16xf32>,
        tpu.vector_store %arg9[%parallel_loop3A_158], %parallel_loop3A_122#8 {strides = array<i32>} : memref<2560xf32, #tpu.memory_space<vmem>>, vector<16xf32>,
        %parallel_loop3A_160 = arith.constant 1440 : i32
        %parallel_loop3A_161 = arith.addi %parallel_loop3A_160, %parallel_loop3A_85 : i32
        %parallel_loop3A_162 = arith.index_cast %parallel_loop3A_161 : i32 to index
        %parallel_loop3A_163 = tpu.vector_load %arg9[%parallel_loop3A_162] {strides = array<i32>} : memref<2560xf32, #tpu.memory_space<vmem>>, vector<16xf32>,
        tpu.vector_store %arg9[%parallel_loop3A_162], %parallel_loop3A_122#9 {strides = array<i32>} : memref<2560xf32, #tpu.memory_space<vmem>>, vector<16xf32>,
        %parallel_loop3A_164 = arith.constant 1600 : i32
        %parallel_loop3A_165 = arith.addi %parallel_loop3A_164, %parallel_loop3A_85 : i32
        %parallel_loop3A_166 = arith.index_cast %parallel_loop3A_165 : i32 to index
        %parallel_loop3A_167 = tpu.vector_load %arg9[%parallel_loop3A_166] {strides = array<i32>} : memref<2560xf32, #tpu.memory_space<vmem>>, vector<16xf32>,
        tpu.vector_store %arg9[%parallel_loop3A_166], %parallel_loop3A_122#10 {strides = array<i32>} : memref<2560xf32, #tpu.memory_space<vmem>>, vector<16xf32>,
        %parallel_loop3A_168 = arith.constant 1760 : i32
        %parallel_loop3A_169 = arith.addi %parallel_loop3A_168, %parallel_loop3A_85 : i32
        %parallel_loop3A_170 = arith.index_cast %parallel_loop3A_169 : i32 to index
        %parallel_loop3A_171 = tpu.vector_load %arg9[%parallel_loop3A_170] {strides = array<i32>} : memref<2560xf32, #tpu.memory_space<vmem>>, vector<16xf32>,
        tpu.vector_store %arg9[%parallel_loop3A_170], %parallel_loop3A_122#11 {strides = array<i32>} : memref<2560xf32, #tpu.memory_space<vmem>>, vector<16xf32>,
        %parallel_loop3A_172 = arith.constant 1920 : i32
        %parallel_loop3A_173 = arith.addi %parallel_loop3A_172, %parallel_loop3A_85 : i32
        %parallel_loop3A_174 = arith.index_cast %parallel_loop3A_173 : i32 to index
        %parallel_loop3A_175 = tpu.vector_load %arg9[%parallel_loop3A_174] {strides = array<i32>} : memref<2560xf32, #tpu.memory_space<vmem>>, vector<16xf32>,
        tpu.vector_store %arg9[%parallel_loop3A_174], %parallel_loop3A_122#12 {strides = array<i32>} : memref<2560xf32, #tpu.memory_space<vmem>>, vector<16xf32>,
        %parallel_loop3A_176 = arith.constant 2080 : i32
        %parallel_loop3A_177 = arith.addi %parallel_loop3A_176, %parallel_loop3A_85 : i32
        %parallel_loop3A_178 = arith.index_cast %parallel_loop3A_177 : i32 to index
        %parallel_loop3A_179 = tpu.vector_load %arg9[%parallel_loop3A_178] {strides = array<i32>} : memref<2560xf32, #tpu.memory_space<vmem>>, vector<16xf32>,
        tpu.vector_store %arg9[%parallel_loop3A_178], %parallel_loop3A_122#13 {strides = array<i32>} : memref<2560xf32, #tpu.memory_space<vmem>>, vector<16xf32>,
        %parallel_loop3A_180 = arith.constant 2240 : i32
        %parallel_loop3A_181 = arith.addi %parallel_loop3A_180, %parallel_loop3A_85 : i32
        %parallel_loop3A_182 = arith.index_cast %parallel_loop3A_181 : i32 to index
        %parallel_loop3A_183 = tpu.vector_load %arg9[%parallel_loop3A_182] {strides = array<i32>} : memref<2560xf32, #tpu.memory_space<vmem>>, vector<16xf32>,
        tpu.vector_store %arg9[%parallel_loop3A_182], %parallel_loop3A_122#14 {strides = array<i32>} : memref<2560xf32, #tpu.memory_space<vmem>>, vector<16xf32>,
        %parallel_loop3A_184 = arith.constant 2400 : i32
        %parallel_loop3A_185 = arith.addi %parallel_loop3A_184, %parallel_loop3A_85 : i32
        %parallel_loop3A_186 = arith.index_cast %parallel_loop3A_185 : i32 to index
        %parallel_loop3A_187 = tpu.vector_load %arg9[%parallel_loop3A_186] {strides = array<i32>} : memref<2560xf32, #tpu.memory_space<vmem>>, vector<16xf32>,
        tpu.vector_store %arg9[%parallel_loop3A_186], %parallel_loop3A_122#15 {strides = array<i32>} : memref<2560xf32, #tpu.memory_space<vmem>>, vector<16xf32>,
      } {sc.loop_unroll_factor = 2 : i64, sc.parallel_access}
      "tpu.region"() ({
        %run_scoped3A = tpu.sem_alloc : memref<!tpu.dma_semaphore, #tpu.memory_space<semaphore_mem>>
        %dma_start3A = arith.constant 0 : i32
        %dma_start3A_82 = tpu.memref_slice %arg5[%select_n3A_54, %scan3A_79, %add3A_73, %dma_start3A] : memref<2x17x16x2560xf32, #tpu.memory_space<hbm>> -> memref<1x1x1x2560xf32, #tpu.memory_space<hbm>>
        %dma_start3A_83 = tpu.memref_squeeze %dma_start3A_82 : memref<1x1x1x2560xf32, #tpu.memory_space<hbm>> -> memref<2560xf32, #tpu.memory_space<hbm>>
        %dma_start3A_84 = arith.constant 0 : i32
        %dma_start3A_85 = tpu.memref_slice %arg5[%select_n3A_54, %scan3A_79, %add3A_73, %dma_start3A_84] : memref<2x17x16x2560xf32, #tpu.memory_space<hbm>> -> memref<1x1x1x2560xf32, #tpu.memory_space<hbm>>
        %dma_start3A_86 = tpu.memref_squeeze %dma_start3A_85 : memref<1x1x1x2560xf32, #tpu.memory_space<hbm>> -> memref<2560xf32, #tpu.memory_space<hbm>>
        tpu.enqueue_dma source(%arg9 : memref<2560xf32, #tpu.memory_space<vmem>>) target(%dma_start3A_86 : memref<2560xf32, #tpu.memory_space<hbm>>) target_semaphore(%run_scoped3A : memref<!tpu.dma_semaphore, #tpu.memory_space<semaphore_mem>>)
        %dma_wait3A = arith.constant 0 : i32
        %dma_wait3A_87 = tpu.memref_slice %arg5[%select_n3A_54, %scan3A_79, %add3A_73, %dma_wait3A] : memref<2x17x16x2560xf32, #tpu.memory_space<hbm>> -> memref<1x1x1x2560xf32, #tpu.memory_space<hbm>>
        %dma_wait3A_88 = tpu.memref_squeeze %dma_wait3A_87 : memref<1x1x1x2560xf32, #tpu.memory_space<hbm>> -> memref<2560xf32, #tpu.memory_space<hbm>>
        %dma_wait3A_89 = arith.constant 0 : i32
        %dma_wait3A_90 = tpu.memref_slice %arg5[%select_n3A_54, %scan3A_79, %add3A_73, %dma_wait3A_89] : memref<2x17x16x2560xf32, #tpu.memory_space<hbm>> -> memref<1x1x1x2560xf32, #tpu.memory_space<hbm>>
        %dma_wait3A_91 = tpu.memref_squeeze %dma_wait3A_90 : memref<1x1x1x2560xf32, #tpu.memory_space<hbm>> -> memref<2560xf32, #tpu.memory_space<hbm>>
        tpu.wait_dma2 semaphore(%run_scoped3A : memref<!tpu.dma_semaphore, #tpu.memory_space<semaphore_mem>>) src(%arg9 : memref<2560xf32, #tpu.memory_space<vmem>>) dst(%dma_wait3A_91 : memref<2560xf32, #tpu.memory_space<hbm>>)
        tpu.yield
      }) : () -> ()
    }
    %scan3A_78 = arith.constant 17 : i32
    return
  }
}

#map = affine_map<(d0, d1) -> (0, 0, 0)>
#map1 = affine_map<(d0, d1) -> (0, 0, 0, 0)>
module attributes {stable_mosaic.version = 14 : i64} {
  func.func @sc_gather(%arg0: i32, %arg1: i32, %arg2: memref<2x16x88064xf32, #tpu.memory_space<hbm>>, %arg3: memref<16x17x10240xi32, #tpu.memory_space<hbm>>, %arg4: memref<16x17x10240xf32, #tpu.memory_space<hbm>>, %arg5: memref<2x17x16x2560xf32, #tpu.memory_space<hbm>>, %arg6: memref<88064xf32, #tpu.memory_space<vmem>>, %arg7: memref<10240xi32, #tpu.memory_space<vmem>>, %arg8: memref<10240xf32, #tpu.memory_space<vmem>>, %arg9: memref<2560xf32, #tpu.memory_space<vmem>>) attributes {dimension_semantics = [#tpu.dimension_semantics<core_parallel>, #tpu.dimension_semantics<subcore_parallel>], iteration_bounds = array<i64: 2, 16>, scalar_prefetch = 0 : i64, scratch_operands = 4 : i64, tpu.core_type = #tpu.core_type<sc_vector_subcore>, window_params = [{transform_indices = #map}, {transform_indices = #map}, {transform_indices = #map}, {transform_indices = #map1}]} {
    %mul3A = arith.constant 2 : i32
    %mul3A_0 = arith.muli %arg1, %mul3A : i32
    %add3A = arith.addi %mul3A_0, %arg0 : i32
    %jit3A = arith.constant 16 : i32
    %eq3A = arith.constant 0 : i32
    %eq3A_1 = arith.cmpi eq, %jit3A, %eq3A : i32
    %jit3A_2 = arith.constant 1 : i32
    %select_n3A = arith.select %eq3A_1, %jit3A_2, %jit3A : i32
    %rem3A = arith.remsi %add3A, %select_n3A : i32
    %ne3A = arith.constant 0 : i32
    %ne3A_3 = arith.cmpi ne, %rem3A, %ne3A : i32
    %lt3A = arith.constant 0 : i32
    %lt3A_4 = arith.cmpi slt, %rem3A, %lt3A : i32
    %lt3A_5 = arith.constant 0 : i32
    %lt3A_6 = arith.cmpi slt, %select_n3A, %lt3A_5 : i32
    %ne3A_7 = arith.xori %lt3A_4, %lt3A_6 : i1
    %and3A = arith.andi %ne3A_7, %ne3A_3 : i1
    %add3A_8 = arith.addi %rem3A, %select_n3A : i32
    %select_n3A_9 = arith.select %and3A, %add3A_8, %rem3A : i32
    %jit3A_10 = arith.constant 16 : i32
    %div3A = arith.divsi %add3A, %jit3A_10 : i32
    %sign3A = arith.constant 0 : i32
    %sign3A_11 = arith.cmpi sgt, %add3A, %sign3A : i32
    %sign3A_12 = arith.extui %sign3A_11 : i1 to i32
    %sign3A_13 = arith.constant 0 : i32
    %sign3A_14 = arith.cmpi slt, %add3A, %sign3A_13 : i32
    %sign3A_15 = arith.extui %sign3A_14 : i1 to i32
    %sign3A_16 = arith.subi %sign3A_12, %sign3A_15 : i32
    %sign3A_17 = arith.constant 0 : i32
    %sign3A_18 = arith.cmpi sgt, %jit3A_10, %sign3A_17 : i32
    %sign3A_19 = arith.extui %sign3A_18 : i1 to i32
    %sign3A_20 = arith.constant 0 : i32
    %sign3A_21 = arith.cmpi slt, %jit3A_10, %sign3A_20 : i32
    %sign3A_22 = arith.extui %sign3A_21 : i1 to i32
    %sign3A_23 = arith.subi %sign3A_19, %sign3A_22 : i32
    %ne3A_24 = arith.cmpi ne, %sign3A_16, %sign3A_23 : i32
    %rem3A_25 = arith.remsi %add3A, %jit3A_10 : i32
    %ne3A_26 = arith.constant 0 : i32
    %ne3A_27 = arith.cmpi ne, %rem3A_25, %ne3A_26 : i32
    %and3A_28 = arith.andi %ne3A_24, %ne3A_27 : i1
    %sub3A = arith.constant 1 : i32
    %sub3A_29 = arith.subi %div3A, %sub3A : i32
    %select_n3A_30 = arith.select %and3A_28, %sub3A_29, %div3A : i32
    %jit3A_31 = arith.constant 8 : i32
    %div3A_32 = arith.divsi %select_n3A_9, %jit3A_31 : i32
    %sign3A_33 = arith.constant 0 : i32
    %sign3A_34 = arith.cmpi sgt, %select_n3A_9, %sign3A_33 : i32
    %sign3A_35 = arith.extui %sign3A_34 : i1 to i32
    %sign3A_36 = arith.constant 0 : i32
    %sign3A_37 = arith.cmpi slt, %select_n3A_9, %sign3A_36 : i32
    %sign3A_38 = arith.extui %sign3A_37 : i1 to i32
    %sign3A_39 = arith.subi %sign3A_35, %sign3A_38 : i32
    %sign3A_40 = arith.constant 0 : i32
    %sign3A_41 = arith.cmpi sgt, %jit3A_31, %sign3A_40 : i32
    %sign3A_42 = arith.extui %sign3A_41 : i1 to i32
    %sign3A_43 = arith.constant 0 : i32
    %sign3A_44 = arith.cmpi slt, %jit3A_31, %sign3A_43 : i32
    %sign3A_45 = arith.extui %sign3A_44 : i1 to i32
    %sign3A_46 = arith.subi %sign3A_42, %sign3A_45 : i32
    %ne3A_47 = arith.cmpi ne, %sign3A_39, %sign3A_46 : i32
    %rem3A_48 = arith.remsi %select_n3A_9, %jit3A_31 : i32
    %ne3A_49 = arith.constant 0 : i32
    %ne3A_50 = arith.cmpi ne, %rem3A_48, %ne3A_49 : i32
    %and3A_51 = arith.andi %ne3A_47, %ne3A_50 : i1
    %sub3A_52 = arith.constant 1 : i32
    %sub3A_53 = arith.subi %div3A_32, %sub3A_52 : i32
    %select_n3A_54 = arith.select %and3A_51, %sub3A_53, %div3A_32 : i32
    %jit3A_55 = arith.constant 8 : i32
    %eq3A_56 = arith.constant 0 : i32
    %eq3A_57 = arith.cmpi eq, %jit3A_55, %eq3A_56 : i32
    %jit3A_58 = arith.constant 1 : i32
    %select_n3A_59 = arith.select %eq3A_57, %jit3A_58, %jit3A_55 : i32
    %rem3A_60 = arith.remsi %select_n3A_9, %select_n3A_59 : i32
    %ne3A_61 = arith.constant 0 : i32
    %ne3A_62 = arith.cmpi ne, %rem3A_60, %ne3A_61 : i32
    %lt3A_63 = arith.constant 0 : i32
    %lt3A_64 = arith.cmpi slt, %rem3A_60, %lt3A_63 : i32
    %lt3A_65 = arith.constant 0 : i32
    %lt3A_66 = arith.cmpi slt, %select_n3A_59, %lt3A_65 : i32
    %ne3A_67 = arith.xori %lt3A_64, %lt3A_66 : i1
    %and3A_68 = arith.andi %ne3A_67, %ne3A_62 : i1
    %add3A_69 = arith.addi %rem3A_60, %select_n3A_59 : i32
    %select_n3A_70 = arith.select %and3A_68, %add3A_69, %rem3A_60 : i32
    %mul3A_71 = arith.constant 2 : i32
    %mul3A_72 = arith.muli %select_n3A_70, %mul3A_71 : i32
    %add3A_73 = arith.addi %mul3A_72, %select_n3A_30 : i32
    "tpu.region"() ({
      %run_scoped3A = tpu.sem_alloc : memref<!tpu.dma_semaphore, #tpu.memory_space<semaphore_mem>>
      %dma_start3A = arith.constant 0 : i32
      %dma_start3A_79 = tpu.memref_slice %arg2[%select_n3A_54, %add3A_73, %dma_start3A] : memref<2x16x88064xf32, #tpu.memory_space<hbm>> -> memref<1x1x88064xf32, #tpu.memory_space<hbm>>
      %dma_start3A_80 = tpu.memref_squeeze %dma_start3A_79 : memref<1x1x88064xf32, #tpu.memory_space<hbm>> -> memref<88064xf32, #tpu.memory_space<hbm>>
      %dma_start3A_81 = arith.constant 0 : i32
      %dma_start3A_82 = tpu.memref_slice %arg2[%select_n3A_54, %add3A_73, %dma_start3A_81] : memref<2x16x88064xf32, #tpu.memory_space<hbm>> -> memref<1x1x88064xf32, #tpu.memory_space<hbm>>
      %dma_start3A_83 = tpu.memref_squeeze %dma_start3A_82 : memref<1x1x88064xf32, #tpu.memory_space<hbm>> -> memref<88064xf32, #tpu.memory_space<hbm>>
      tpu.enqueue_dma source(%dma_start3A_83 : memref<88064xf32, #tpu.memory_space<hbm>>) target(%arg6 : memref<88064xf32, #tpu.memory_space<vmem>>) target_semaphore(%run_scoped3A : memref<!tpu.dma_semaphore, #tpu.memory_space<semaphore_mem>>)
      %dma_wait3A = arith.constant 0 : i32
      %dma_wait3A_84 = tpu.memref_slice %arg2[%select_n3A_54, %add3A_73, %dma_wait3A] : memref<2x16x88064xf32, #tpu.memory_space<hbm>> -> memref<1x1x88064xf32, #tpu.memory_space<hbm>>
      %dma_wait3A_85 = tpu.memref_squeeze %dma_wait3A_84 : memref<1x1x88064xf32, #tpu.memory_space<hbm>> -> memref<88064xf32, #tpu.memory_space<hbm>>
      %dma_wait3A_86 = arith.constant 0 : i32
      %dma_wait3A_87 = tpu.memref_slice %arg2[%select_n3A_54, %add3A_73, %dma_wait3A_86] : memref<2x16x88064xf32, #tpu.memory_space<hbm>> -> memref<1x1x88064xf32, #tpu.memory_space<hbm>>
      %dma_wait3A_88 = tpu.memref_squeeze %dma_wait3A_87 : memref<1x1x88064xf32, #tpu.memory_space<hbm>> -> memref<88064xf32, #tpu.memory_space<hbm>>
      tpu.wait_dma2 semaphore(%run_scoped3A : memref<!tpu.dma_semaphore, #tpu.memory_space<semaphore_mem>>) src(%dma_wait3A_88 : memref<88064xf32, #tpu.memory_space<hbm>>) dst(%arg6 : memref<88064xf32, #tpu.memory_space<vmem>>)
      tpu.yield
    }) : () -> ()
    %scan3A = arith.constant 0 : i32
    %scan3A_74 = arith.constant 0 : i32
    %scan3A_75 = arith.constant 17 : i32
    %scan3A_76 = arith.addi %scan3A_74, %scan3A_75 : i32
    %scan3A_77 = arith.constant 1 : i32
    scf.for %scan3A_79 = %scan3A_74 to %scan3A_76 step %scan3A_77  : i32 {
      "tpu.region"() ({
        %run_scoped3A = tpu.sem_alloc : memref<!tpu.dma_semaphore, #tpu.memory_space<semaphore_mem>>
        %dma_start3A = arith.constant 0 : i32
        %dma_start3A_82 = tpu.memref_slice %arg3[%select_n3A_9, %scan3A_79, %dma_start3A] : memref<16x17x10240xi32, #tpu.memory_space<hbm>> -> memref<1x1x10240xi32, #tpu.memory_space<hbm>>
        %dma_start3A_83 = tpu.memref_squeeze %dma_start3A_82 : memref<1x1x10240xi32, #tpu.memory_space<hbm>> -> memref<10240xi32, #tpu.memory_space<hbm>>
        %dma_start3A_84 = arith.constant 0 : i32
        %dma_start3A_85 = tpu.memref_slice %arg3[%select_n3A_9, %scan3A_79, %dma_start3A_84] : memref<16x17x10240xi32, #tpu.memory_space<hbm>> -> memref<1x1x10240xi32, #tpu.memory_space<hbm>>
        %dma_start3A_86 = tpu.memref_squeeze %dma_start3A_85 : memref<1x1x10240xi32, #tpu.memory_space<hbm>> -> memref<10240xi32, #tpu.memory_space<hbm>>
        tpu.enqueue_dma source(%dma_start3A_86 : memref<10240xi32, #tpu.memory_space<hbm>>) target(%arg7 : memref<10240xi32, #tpu.memory_space<vmem>>) target_semaphore(%run_scoped3A : memref<!tpu.dma_semaphore, #tpu.memory_space<semaphore_mem>>)
        %dma_wait3A = arith.constant 0 : i32
        %dma_wait3A_87 = tpu.memref_slice %arg3[%select_n3A_9, %scan3A_79, %dma_wait3A] : memref<16x17x10240xi32, #tpu.memory_space<hbm>> -> memref<1x1x10240xi32, #tpu.memory_space<hbm>>
        %dma_wait3A_88 = tpu.memref_squeeze %dma_wait3A_87 : memref<1x1x10240xi32, #tpu.memory_space<hbm>> -> memref<10240xi32, #tpu.memory_space<hbm>>
        %dma_wait3A_89 = arith.constant 0 : i32
        %dma_wait3A_90 = tpu.memref_slice %arg3[%select_n3A_9, %scan3A_79, %dma_wait3A_89] : memref<16x17x10240xi32, #tpu.memory_space<hbm>> -> memref<1x1x10240xi32, #tpu.memory_space<hbm>>
        %dma_wait3A_91 = tpu.memref_squeeze %dma_wait3A_90 : memref<1x1x10240xi32, #tpu.memory_space<hbm>> -> memref<10240xi32, #tpu.memory_space<hbm>>
        tpu.wait_dma2 semaphore(%run_scoped3A : memref<!tpu.dma_semaphore, #tpu.memory_space<semaphore_mem>>) src(%dma_wait3A_91 : memref<10240xi32, #tpu.memory_space<hbm>>) dst(%arg7 : memref<10240xi32, #tpu.memory_space<vmem>>)
        tpu.yield
      }) : () -> ()
      "tpu.region"() ({
        %run_scoped3A = tpu.sem_alloc : memref<!tpu.dma_semaphore, #tpu.memory_space<semaphore_mem>>
        %dma_start3A = arith.constant 0 : i32
        %dma_start3A_82 = tpu.memref_slice %arg4[%select_n3A_9, %scan3A_79, %dma_start3A] : memref<16x17x10240xf32, #tpu.memory_space<hbm>> -> memref<1x1x10240xf32, #tpu.memory_space<hbm>>
        %dma_start3A_83 = tpu.memref_squeeze %dma_start3A_82 : memref<1x1x10240xf32, #tpu.memory_space<hbm>> -> memref<10240xf32, #tpu.memory_space<hbm>>
        %dma_start3A_84 = arith.constant 0 : i32
        %dma_start3A_85 = tpu.memref_slice %arg4[%select_n3A_9, %scan3A_79, %dma_start3A_84] : memref<16x17x10240xf32, #tpu.memory_space<hbm>> -> memref<1x1x10240xf32, #tpu.memory_space<hbm>>
        %dma_start3A_86 = tpu.memref_squeeze %dma_start3A_85 : memref<1x1x10240xf32, #tpu.memory_space<hbm>> -> memref<10240xf32, #tpu.memory_space<hbm>>
        tpu.enqueue_dma source(%dma_start3A_86 : memref<10240xf32, #tpu.memory_space<hbm>>) target(%arg8 : memref<10240xf32, #tpu.memory_space<vmem>>) target_semaphore(%run_scoped3A : memref<!tpu.dma_semaphore, #tpu.memory_space<semaphore_mem>>)
        %dma_wait3A = arith.constant 0 : i32
        %dma_wait3A_87 = tpu.memref_slice %arg4[%select_n3A_9, %scan3A_79, %dma_wait3A] : memref<16x17x10240xf32, #tpu.memory_space<hbm>> -> memref<1x1x10240xf32, #tpu.memory_space<hbm>>
        %dma_wait3A_88 = tpu.memref_squeeze %dma_wait3A_87 : memref<1x1x10240xf32, #tpu.memory_space<hbm>> -> memref<10240xf32, #tpu.memory_space<hbm>>
        %dma_wait3A_89 = arith.constant 0 : i32
        %dma_wait3A_90 = tpu.memref_slice %arg4[%select_n3A_9, %scan3A_79, %dma_wait3A_89] : memref<16x17x10240xf32, #tpu.memory_space<hbm>> -> memref<1x1x10240xf32, #tpu.memory_space<hbm>>
        %dma_wait3A_91 = tpu.memref_squeeze %dma_wait3A_90 : memref<1x1x10240xf32, #tpu.memory_space<hbm>> -> memref<10240xf32, #tpu.memory_space<hbm>>
        tpu.wait_dma2 semaphore(%run_scoped3A : memref<!tpu.dma_semaphore, #tpu.memory_space<semaphore_mem>>) src(%dma_wait3A_91 : memref<10240xf32, #tpu.memory_space<hbm>>) dst(%arg8 : memref<10240xf32, #tpu.memory_space<vmem>>)
        tpu.yield
      }) : () -> ()
      %parallel_loop3A = arith.constant 0 : i32
      %parallel_loop3A_80 = arith.constant 10 : i32
      %parallel_loop3A_81 = arith.constant 1 : i32
      scf.for %parallel_loop3A_82 = %parallel_loop3A to %parallel_loop3A_80 step %parallel_loop3A_81  : i32 {
        %parallel_loop3A_83 = arith.constant 16 : i32
        %parallel_loop3A_84 = arith.muli %parallel_loop3A_82, %parallel_loop3A_83 : i32
        %parallel_loop3A_85 = tpu.assume_multiple %parallel_loop3A_84, 16 : i32
        %parallel_loop3A_86 = arith.constant 0.000000e+00 : f32
        %parallel_loop3A_87 = vector.broadcast %parallel_loop3A_86 : f32 to vector<16xf32>
        %parallel_loop3A_88 = arith.constant 0.000000e+00 : f32
        %parallel_loop3A_89 = vector.broadcast %parallel_loop3A_88 : f32 to vector<16xf32>
        %parallel_loop3A_90 = arith.constant 0.000000e+00 : f32
        %parallel_loop3A_91 = vector.broadcast %parallel_loop3A_90 : f32 to vector<16xf32>
        %parallel_loop3A_92 = arith.constant 0.000000e+00 : f32
        %parallel_loop3A_93 = vector.broadcast %parallel_loop3A_92 : f32 to vector<16xf32>
        %parallel_loop3A_94 = arith.constant 0.000000e+00 : f32
        %parallel_loop3A_95 = vector.broadcast %parallel_loop3A_94 : f32 to vector<16xf32>
        %parallel_loop3A_96 = arith.constant 0.000000e+00 : f32
        %parallel_loop3A_97 = vector.broadcast %parallel_loop3A_96 : f32 to vector<16xf32>
        %parallel_loop3A_98 = arith.constant 0.000000e+00 : f32
        %parallel_loop3A_99 = vector.broadcast %parallel_loop3A_98 : f32 to vector<16xf32>
        %parallel_loop3A_100 = arith.constant 0.000000e+00 : f32
        %parallel_loop3A_101 = vector.broadcast %parallel_loop3A_100 : f32 to vector<16xf32>
        %parallel_loop3A_102 = arith.constant 0.000000e+00 : f32
        %parallel_loop3A_103 = vector.broadcast %parallel_loop3A_102 : f32 to vector<16xf32>
        %parallel_loop3A_104 = arith.constant 0.000000e+00 : f32
        %parallel_loop3A_105 = vector.broadcast %parallel_loop3A_104 : f32 to vector<16xf32>
        %parallel_loop3A_106 = arith.constant 0.000000e+00 : f32
        %parallel_loop3A_107 = vector.broadcast %parallel_loop3A_106 : f32 to vector<16xf32>
        %parallel_loop3A_108 = arith.constant 0.000000e+00 : f32
        %parallel_loop3A_109 = vector.broadcast %parallel_loop3A_108 : f32 to vector<16xf32>
        %parallel_loop3A_110 = arith.constant 0.000000e+00 : f32
        %parallel_loop3A_111 = vector.broadcast %parallel_loop3A_110 : f32 to vector<16xf32>
        %parallel_loop3A_112 = arith.constant 0.000000e+00 : f32
        %parallel_loop3A_113 = vector.broadcast %parallel_loop3A_112 : f32 to vector<16xf32>
        %parallel_loop3A_114 = arith.constant 0.000000e+00 : f32
        %parallel_loop3A_115 = vector.broadcast %parallel_loop3A_114 : f32 to vector<16xf32>
        %parallel_loop3A_116 = arith.constant 0.000000e+00 : f32
        %parallel_loop3A_117 = vector.broadcast %parallel_loop3A_116 : f32 to vector<16xf32>
        %parallel_loop3A_118 = arith.constant 0 : i32
        %parallel_loop3A_119 = arith.constant 64 : i32
        %parallel_loop3A_120 = arith.addi %parallel_loop3A_118, %parallel_loop3A_119 : i32
        %parallel_loop3A_121 = arith.constant 2 : i32
        %parallel_loop3A_122:16 = scf.for %scan3A_188 = %parallel_loop3A_118 to %parallel_loop3A_120 step %parallel_loop3A_121 iter_args(%scan3A_189 = %parallel_loop3A_87, %scan3A_190 = %parallel_loop3A_89, %scan3A_191 = %parallel_loop3A_91, %scan3A_192 = %parallel_loop3A_93, %scan3A_193 = %parallel_loop3A_95, %scan3A_194 = %parallel_loop3A_97, %scan3A_195 = %parallel_loop3A_99, %scan3A_196 = %parallel_loop3A_101, %scan3A_197 = %parallel_loop3A_103, %scan3A_198 = %parallel_loop3A_105, %scan3A_199 = %parallel_loop3A_107, %scan3A_200 = %parallel_loop3A_109, %scan3A_201 = %parallel_loop3A_111, %scan3A_202 = %parallel_loop3A_113, %scan3A_203 = %parallel_loop3A_115, %scan3A_204 = %parallel_loop3A_117) -> (vector<16xf32>, vector<16xf32>, vector<16xf32>, vector<16xf32>, vector<16xf32>, vector<16xf32>, vector<16xf32>, vector<16xf32>, vector<16xf32>, vector<16xf32>, vector<16xf32>, vector<16xf32>, vector<16xf32>, vector<16xf32>, vector<16xf32>, vector<16xf32>)  : i32 {
          %parallel_loop3A_205 = arith.constant 160 : i32
          %parallel_loop3A_206 = arith.muli %scan3A_188, %parallel_loop3A_205 : i32
          %parallel_loop3A_207 = arith.addi %parallel_loop3A_206, %parallel_loop3A_85 : i32
          %parallel_loop3A_208 = arith.index_cast %parallel_loop3A_207 : i32 to index
          %parallel_loop3A_209 = tpu.vector_load %arg7[%parallel_loop3A_208] {strides = array<i32>} : memref<10240xi32, #tpu.memory_space<vmem>>, vector<16xi32>,
          %parallel_loop3A_210 = arith.constant 160 : i32
          %parallel_loop3A_211 = arith.muli %scan3A_188, %parallel_loop3A_210 : i32
          %parallel_loop3A_212 = arith.addi %parallel_loop3A_211, %parallel_loop3A_85 : i32
          %parallel_loop3A_213 = arith.index_cast %parallel_loop3A_212 : i32 to index
          %parallel_loop3A_214 = tpu.vector_load %arg8[%parallel_loop3A_213] {strides = array<i32>} : memref<10240xf32, #tpu.memory_space<vmem>>, vector<16xf32>,
          %parallel_loop3A_215 = arith.constant 0 : i32
          %parallel_loop3A_216 = tpu.memref_slice %arg6[%parallel_loop3A_215] : memref<88064xf32, #tpu.memory_space<vmem>> -> memref<5440xf32, #tpu.memory_space<vmem>>
          %parallel_loop3A_217 = tpu.vector_load_idx %parallel_loop3A_216[%parallel_loop3A_209] : memref<5440xf32, #tpu.memory_space<vmem>>[vector<16xi32>], vector<16xf32>,
          %parallel_loop3A_218 = arith.mulf %parallel_loop3A_214, %parallel_loop3A_217 : vector<16xf32>
          %parallel_loop3A_219 = arith.addf %scan3A_189, %parallel_loop3A_218 : vector<16xf32>
          %parallel_loop3A_220 = arith.constant 5504 : i32
          %parallel_loop3A_221 = tpu.memref_slice %arg6[%parallel_loop3A_220] : memref<88064xf32, #tpu.memory_space<vmem>> -> memref<5440xf32, #tpu.memory_space<vmem>>
          %parallel_loop3A_222 = tpu.vector_load_idx %parallel_loop3A_221[%parallel_loop3A_209] : memref<5440xf32, #tpu.memory_space<vmem>>[vector<16xi32>], vector<16xf32>,
          %parallel_loop3A_223 = arith.mulf %parallel_loop3A_214, %parallel_loop3A_222 : vector<16xf32>
          %parallel_loop3A_224 = arith.addf %scan3A_190, %parallel_loop3A_223 : vector<16xf32>
          %parallel_loop3A_225 = arith.constant 11008 : i32
          %parallel_loop3A_226 = tpu.memref_slice %arg6[%parallel_loop3A_225] : memref<88064xf32, #tpu.memory_space<vmem>> -> memref<5440xf32, #tpu.memory_space<vmem>>
          %parallel_loop3A_227 = tpu.vector_load_idx %parallel_loop3A_226[%parallel_loop3A_209] : memref<5440xf32, #tpu.memory_space<vmem>>[vector<16xi32>], vector<16xf32>,
          %parallel_loop3A_228 = arith.mulf %parallel_loop3A_214, %parallel_loop3A_227 : vector<16xf32>
          %parallel_loop3A_229 = arith.addf %scan3A_191, %parallel_loop3A_228 : vector<16xf32>
          %parallel_loop3A_230 = arith.constant 16512 : i32
          %parallel_loop3A_231 = tpu.memref_slice %arg6[%parallel_loop3A_230] : memref<88064xf32, #tpu.memory_space<vmem>> -> memref<5440xf32, #tpu.memory_space<vmem>>
          %parallel_loop3A_232 = tpu.vector_load_idx %parallel_loop3A_231[%parallel_loop3A_209] : memref<5440xf32, #tpu.memory_space<vmem>>[vector<16xi32>], vector<16xf32>,
          %parallel_loop3A_233 = arith.mulf %parallel_loop3A_214, %parallel_loop3A_232 : vector<16xf32>
          %parallel_loop3A_234 = arith.addf %scan3A_192, %parallel_loop3A_233 : vector<16xf32>
          %parallel_loop3A_235 = arith.constant 22016 : i32
          %parallel_loop3A_236 = tpu.memref_slice %arg6[%parallel_loop3A_235] : memref<88064xf32, #tpu.memory_space<vmem>> -> memref<5440xf32, #tpu.memory_space<vmem>>
          %parallel_loop3A_237 = tpu.vector_load_idx %parallel_loop3A_236[%parallel_loop3A_209] : memref<5440xf32, #tpu.memory_space<vmem>>[vector<16xi32>], vector<16xf32>,
          %parallel_loop3A_238 = arith.mulf %parallel_loop3A_214, %parallel_loop3A_237 : vector<16xf32>
          %parallel_loop3A_239 = arith.addf %scan3A_193, %parallel_loop3A_238 : vector<16xf32>
          %parallel_loop3A_240 = arith.constant 27520 : i32
          %parallel_loop3A_241 = tpu.memref_slice %arg6[%parallel_loop3A_240] : memref<88064xf32, #tpu.memory_space<vmem>> -> memref<5440xf32, #tpu.memory_space<vmem>>
          %parallel_loop3A_242 = tpu.vector_load_idx %parallel_loop3A_241[%parallel_loop3A_209] : memref<5440xf32, #tpu.memory_space<vmem>>[vector<16xi32>], vector<16xf32>,
          %parallel_loop3A_243 = arith.mulf %parallel_loop3A_214, %parallel_loop3A_242 : vector<16xf32>
          %parallel_loop3A_244 = arith.addf %scan3A_194, %parallel_loop3A_243 : vector<16xf32>
          %parallel_loop3A_245 = arith.constant 33024 : i32
          %parallel_loop3A_246 = tpu.memref_slice %arg6[%parallel_loop3A_245] : memref<88064xf32, #tpu.memory_space<vmem>> -> memref<5440xf32, #tpu.memory_space<vmem>>
          %parallel_loop3A_247 = tpu.vector_load_idx %parallel_loop3A_246[%parallel_loop3A_209] : memref<5440xf32, #tpu.memory_space<vmem>>[vector<16xi32>], vector<16xf32>,
          %parallel_loop3A_248 = arith.mulf %parallel_loop3A_214, %parallel_loop3A_247 : vector<16xf32>
          %parallel_loop3A_249 = arith.addf %scan3A_195, %parallel_loop3A_248 : vector<16xf32>
          %parallel_loop3A_250 = arith.constant 38528 : i32
          %parallel_loop3A_251 = tpu.memref_slice %arg6[%parallel_loop3A_250] : memref<88064xf32, #tpu.memory_space<vmem>> -> memref<5440xf32, #tpu.memory_space<vmem>>
          %parallel_loop3A_252 = tpu.vector_load_idx %parallel_loop3A_251[%parallel_loop3A_209] : memref<5440xf32, #tpu.memory_space<vmem>>[vector<16xi32>], vector<16xf32>,
          %parallel_loop3A_253 = arith.mulf %parallel_loop3A_214, %parallel_loop3A_252 : vector<16xf32>
          %parallel_loop3A_254 = arith.addf %scan3A_196, %parallel_loop3A_253 : vector<16xf32>
          %parallel_loop3A_255 = arith.constant 44032 : i32
          %parallel_loop3A_256 = tpu.memref_slice %arg6[%parallel_loop3A_255] : memref<88064xf32, #tpu.memory_space<vmem>> -> memref<5440xf32, #tpu.memory_space<vmem>>
          %parallel_loop3A_257 = tpu.vector_load_idx %parallel_loop3A_256[%parallel_loop3A_209] : memref<5440xf32, #tpu.memory_space<vmem>>[vector<16xi32>], vector<16xf32>,
          %parallel_loop3A_258 = arith.mulf %parallel_loop3A_214, %parallel_loop3A_257 : vector<16xf32>
          %parallel_loop3A_259 = arith.addf %scan3A_197, %parallel_loop3A_258 : vector<16xf32>
          %parallel_loop3A_260 = arith.constant 49536 : i32
          %parallel_loop3A_261 = tpu.memref_slice %arg6[%parallel_loop3A_260] : memref<88064xf32, #tpu.memory_space<vmem>> -> memref<5440xf32, #tpu.memory_space<vmem>>
          %parallel_loop3A_262 = tpu.vector_load_idx %parallel_loop3A_261[%parallel_loop3A_209] : memref<5440xf32, #tpu.memory_space<vmem>>[vector<16xi32>], vector<16xf32>,
          %parallel_loop3A_263 = arith.mulf %parallel_loop3A_214, %parallel_loop3A_262 : vector<16xf32>
          %parallel_loop3A_264 = arith.addf %scan3A_198, %parallel_loop3A_263 : vector<16xf32>
          %parallel_loop3A_265 = arith.constant 55040 : i32
          %parallel_loop3A_266 = tpu.memref_slice %arg6[%parallel_loop3A_265] : memref<88064xf32, #tpu.memory_space<vmem>> -> memref<5440xf32, #tpu.memory_space<vmem>>
          %parallel_loop3A_267 = tpu.vector_load_idx %parallel_loop3A_266[%parallel_loop3A_209] : memref<5440xf32, #tpu.memory_space<vmem>>[vector<16xi32>], vector<16xf32>,
          %parallel_loop3A_268 = arith.mulf %parallel_loop3A_214, %parallel_loop3A_267 : vector<16xf32>
          %parallel_loop3A_269 = arith.addf %scan3A_199, %parallel_loop3A_268 : vector<16xf32>
          %parallel_loop3A_270 = arith.constant 60544 : i32
          %parallel_loop3A_271 = tpu.memref_slice %arg6[%parallel_loop3A_270] : memref<88064xf32, #tpu.memory_space<vmem>> -> memref<5440xf32, #tpu.memory_space<vmem>>
          %parallel_loop3A_272 = tpu.vector_load_idx %parallel_loop3A_271[%parallel_loop3A_209] : memref<5440xf32, #tpu.memory_space<vmem>>[vector<16xi32>], vector<16xf32>,
          %parallel_loop3A_273 = arith.mulf %parallel_loop3A_214, %parallel_loop3A_272 : vector<16xf32>
          %parallel_loop3A_274 = arith.addf %scan3A_200, %parallel_loop3A_273 : vector<16xf32>
          %parallel_loop3A_275 = arith.constant 66048 : i32
          %parallel_loop3A_276 = tpu.memref_slice %arg6[%parallel_loop3A_275] : memref<88064xf32, #tpu.memory_space<vmem>> -> memref<5440xf32, #tpu.memory_space<vmem>>
          %parallel_loop3A_277 = tpu.vector_load_idx %parallel_loop3A_276[%parallel_loop3A_209] : memref<5440xf32, #tpu.memory_space<vmem>>[vector<16xi32>], vector<16xf32>,
          %parallel_loop3A_278 = arith.mulf %parallel_loop3A_214, %parallel_loop3A_277 : vector<16xf32>
          %parallel_loop3A_279 = arith.addf %scan3A_201, %parallel_loop3A_278 : vector<16xf32>
          %parallel_loop3A_280 = arith.constant 71552 : i32
          %parallel_loop3A_281 = tpu.memref_slice %arg6[%parallel_loop3A_280] : memref<88064xf32, #tpu.memory_space<vmem>> -> memref<5440xf32, #tpu.memory_space<vmem>>
          %parallel_loop3A_282 = tpu.vector_load_idx %parallel_loop3A_281[%parallel_loop3A_209] : memref<5440xf32, #tpu.memory_space<vmem>>[vector<16xi32>], vector<16xf32>,
          %parallel_loop3A_283 = arith.mulf %parallel_loop3A_214, %parallel_loop3A_282 : vector<16xf32>
          %parallel_loop3A_284 = arith.addf %scan3A_202, %parallel_loop3A_283 : vector<16xf32>
          %parallel_loop3A_285 = arith.constant 77056 : i32
          %parallel_loop3A_286 = tpu.memref_slice %arg6[%parallel_loop3A_285] : memref<88064xf32, #tpu.memory_space<vmem>> -> memref<5440xf32, #tpu.memory_space<vmem>>
          %parallel_loop3A_287 = tpu.vector_load_idx %parallel_loop3A_286[%parallel_loop3A_209] : memref<5440xf32, #tpu.memory_space<vmem>>[vector<16xi32>], vector<16xf32>,
          %parallel_loop3A_288 = arith.mulf %parallel_loop3A_214, %parallel_loop3A_287 : vector<16xf32>
          %parallel_loop3A_289 = arith.addf %scan3A_203, %parallel_loop3A_288 : vector<16xf32>
          %parallel_loop3A_290 = arith.constant 82560 : i32
          %parallel_loop3A_291 = tpu.memref_slice %arg6[%parallel_loop3A_290] : memref<88064xf32, #tpu.memory_space<vmem>> -> memref<5440xf32, #tpu.memory_space<vmem>>
          %parallel_loop3A_292 = tpu.vector_load_idx %parallel_loop3A_291[%parallel_loop3A_209] : memref<5440xf32, #tpu.memory_space<vmem>>[vector<16xi32>], vector<16xf32>,
          %parallel_loop3A_293 = arith.mulf %parallel_loop3A_214, %parallel_loop3A_292 : vector<16xf32>
          %parallel_loop3A_294 = arith.addf %scan3A_204, %parallel_loop3A_293 : vector<16xf32>
          %parallel_loop3A_295 = arith.constant 1 : i32
          %parallel_loop3A_296 = arith.addi %scan3A_188, %parallel_loop3A_295 : i32
          %parallel_loop3A_297 = arith.constant 160 : i32
          %parallel_loop3A_298 = arith.muli %parallel_loop3A_296, %parallel_loop3A_297 : i32
          %parallel_loop3A_299 = arith.addi %parallel_loop3A_298, %parallel_loop3A_85 : i32
          %parallel_loop3A_300 = arith.index_cast %parallel_loop3A_299 : i32 to index
          %parallel_loop3A_301 = tpu.vector_load %arg7[%parallel_loop3A_300] {strides = array<i32>} : memref<10240xi32, #tpu.memory_space<vmem>>, vector<16xi32>,
          %parallel_loop3A_302 = arith.constant 160 : i32
          %parallel_loop3A_303 = arith.muli %parallel_loop3A_296, %parallel_loop3A_302 : i32
          %parallel_loop3A_304 = arith.addi %parallel_loop3A_303, %parallel_loop3A_85 : i32
          %parallel_loop3A_305 = arith.index_cast %parallel_loop3A_304 : i32 to index
          %parallel_loop3A_306 = tpu.vector_load %arg8[%parallel_loop3A_305] {strides = array<i32>} : memref<10240xf32, #tpu.memory_space<vmem>>, vector<16xf32>,
          %parallel_loop3A_307 = arith.constant 0 : i32
          %parallel_loop3A_308 = tpu.memref_slice %arg6[%parallel_loop3A_307] : memref<88064xf32, #tpu.memory_space<vmem>> -> memref<5440xf32, #tpu.memory_space<vmem>>
          %parallel_loop3A_309 = tpu.vector_load_idx %parallel_loop3A_308[%parallel_loop3A_301] : memref<5440xf32, #tpu.memory_space<vmem>>[vector<16xi32>], vector<16xf32>,
          %parallel_loop3A_310 = arith.mulf %parallel_loop3A_306, %parallel_loop3A_309 : vector<16xf32>
          %parallel_loop3A_311 = arith.addf %parallel_loop3A_219, %parallel_loop3A_310 : vector<16xf32>
          %parallel_loop3A_312 = arith.constant 5504 : i32
          %parallel_loop3A_313 = tpu.memref_slice %arg6[%parallel_loop3A_312] : memref<88064xf32, #tpu.memory_space<vmem>> -> memref<5440xf32, #tpu.memory_space<vmem>>
          %parallel_loop3A_314 = tpu.vector_load_idx %parallel_loop3A_313[%parallel_loop3A_301] : memref<5440xf32, #tpu.memory_space<vmem>>[vector<16xi32>], vector<16xf32>,
          %parallel_loop3A_315 = arith.mulf %parallel_loop3A_306, %parallel_loop3A_314 : vector<16xf32>
          %parallel_loop3A_316 = arith.addf %parallel_loop3A_224, %parallel_loop3A_315 : vector<16xf32>
          %parallel_loop3A_317 = arith.constant 11008 : i32
          %parallel_loop3A_318 = tpu.memref_slice %arg6[%parallel_loop3A_317] : memref<88064xf32, #tpu.memory_space<vmem>> -> memref<5440xf32, #tpu.memory_space<vmem>>
          %parallel_loop3A_319 = tpu.vector_load_idx %parallel_loop3A_318[%parallel_loop3A_301] : memref<5440xf32, #tpu.memory_space<vmem>>[vector<16xi32>], vector<16xf32>,
          %parallel_loop3A_320 = arith.mulf %parallel_loop3A_306, %parallel_loop3A_319 : vector<16xf32>
          %parallel_loop3A_321 = arith.addf %parallel_loop3A_229, %parallel_loop3A_320 : vector<16xf32>
          %parallel_loop3A_322 = arith.constant 16512 : i32
          %parallel_loop3A_323 = tpu.memref_slice %arg6[%parallel_loop3A_322] : memref<88064xf32, #tpu.memory_space<vmem>> -> memref<5440xf32, #tpu.memory_space<vmem>>
          %parallel_loop3A_324 = tpu.vector_load_idx %parallel_loop3A_323[%parallel_loop3A_301] : memref<5440xf32, #tpu.memory_space<vmem>>[vector<16xi32>], vector<16xf32>,
          %parallel_loop3A_325 = arith.mulf %parallel_loop3A_306, %parallel_loop3A_324 : vector<16xf32>
          %parallel_loop3A_326 = arith.addf %parallel_loop3A_234, %parallel_loop3A_325 : vector<16xf32>
          %parallel_loop3A_327 = arith.constant 22016 : i32
          %parallel_loop3A_328 = tpu.memref_slice %arg6[%parallel_loop3A_327] : memref<88064xf32, #tpu.memory_space<vmem>> -> memref<5440xf32, #tpu.memory_space<vmem>>
          %parallel_loop3A_329 = tpu.vector_load_idx %parallel_loop3A_328[%parallel_loop3A_301] : memref<5440xf32, #tpu.memory_space<vmem>>[vector<16xi32>], vector<16xf32>,
          %parallel_loop3A_330 = arith.mulf %parallel_loop3A_306, %parallel_loop3A_329 : vector<16xf32>
          %parallel_loop3A_331 = arith.addf %parallel_loop3A_239, %parallel_loop3A_330 : vector<16xf32>
          %parallel_loop3A_332 = arith.constant 27520 : i32
          %parallel_loop3A_333 = tpu.memref_slice %arg6[%parallel_loop3A_332] : memref<88064xf32, #tpu.memory_space<vmem>> -> memref<5440xf32, #tpu.memory_space<vmem>>
          %parallel_loop3A_334 = tpu.vector_load_idx %parallel_loop3A_333[%parallel_loop3A_301] : memref<5440xf32, #tpu.memory_space<vmem>>[vector<16xi32>], vector<16xf32>,
          %parallel_loop3A_335 = arith.mulf %parallel_loop3A_306, %parallel_loop3A_334 : vector<16xf32>
          %parallel_loop3A_336 = arith.addf %parallel_loop3A_244, %parallel_loop3A_335 : vector<16xf32>
          %parallel_loop3A_337 = arith.constant 33024 : i32
          %parallel_loop3A_338 = tpu.memref_slice %arg6[%parallel_loop3A_337] : memref<88064xf32, #tpu.memory_space<vmem>> -> memref<5440xf32, #tpu.memory_space<vmem>>
          %parallel_loop3A_339 = tpu.vector_load_idx %parallel_loop3A_338[%parallel_loop3A_301] : memref<5440xf32, #tpu.memory_space<vmem>>[vector<16xi32>], vector<16xf32>,
          %parallel_loop3A_340 = arith.mulf %parallel_loop3A_306, %parallel_loop3A_339 : vector<16xf32>
          %parallel_loop3A_341 = arith.addf %parallel_loop3A_249, %parallel_loop3A_340 : vector<16xf32>
          %parallel_loop3A_342 = arith.constant 38528 : i32
          %parallel_loop3A_343 = tpu.memref_slice %arg6[%parallel_loop3A_342] : memref<88064xf32, #tpu.memory_space<vmem>> -> memref<5440xf32, #tpu.memory_space<vmem>>
          %parallel_loop3A_344 = tpu.vector_load_idx %parallel_loop3A_343[%parallel_loop3A_301] : memref<5440xf32, #tpu.memory_space<vmem>>[vector<16xi32>], vector<16xf32>,
          %parallel_loop3A_345 = arith.mulf %parallel_loop3A_306, %parallel_loop3A_344 : vector<16xf32>
          %parallel_loop3A_346 = arith.addf %parallel_loop3A_254, %parallel_loop3A_345 : vector<16xf32>
          %parallel_loop3A_347 = arith.constant 44032 : i32
          %parallel_loop3A_348 = tpu.memref_slice %arg6[%parallel_loop3A_347] : memref<88064xf32, #tpu.memory_space<vmem>> -> memref<5440xf32, #tpu.memory_space<vmem>>
          %parallel_loop3A_349 = tpu.vector_load_idx %parallel_loop3A_348[%parallel_loop3A_301] : memref<5440xf32, #tpu.memory_space<vmem>>[vector<16xi32>], vector<16xf32>,
          %parallel_loop3A_350 = arith.mulf %parallel_loop3A_306, %parallel_loop3A_349 : vector<16xf32>
          %parallel_loop3A_351 = arith.addf %parallel_loop3A_259, %parallel_loop3A_350 : vector<16xf32>
          %parallel_loop3A_352 = arith.constant 49536 : i32
          %parallel_loop3A_353 = tpu.memref_slice %arg6[%parallel_loop3A_352] : memref<88064xf32, #tpu.memory_space<vmem>> -> memref<5440xf32, #tpu.memory_space<vmem>>
          %parallel_loop3A_354 = tpu.vector_load_idx %parallel_loop3A_353[%parallel_loop3A_301] : memref<5440xf32, #tpu.memory_space<vmem>>[vector<16xi32>], vector<16xf32>,
          %parallel_loop3A_355 = arith.mulf %parallel_loop3A_306, %parallel_loop3A_354 : vector<16xf32>
          %parallel_loop3A_356 = arith.addf %parallel_loop3A_264, %parallel_loop3A_355 : vector<16xf32>
          %parallel_loop3A_357 = arith.constant 55040 : i32
          %parallel_loop3A_358 = tpu.memref_slice %arg6[%parallel_loop3A_357] : memref<88064xf32, #tpu.memory_space<vmem>> -> memref<5440xf32, #tpu.memory_space<vmem>>
          %parallel_loop3A_359 = tpu.vector_load_idx %parallel_loop3A_358[%parallel_loop3A_301] : memref<5440xf32, #tpu.memory_space<vmem>>[vector<16xi32>], vector<16xf32>,
          %parallel_loop3A_360 = arith.mulf %parallel_loop3A_306, %parallel_loop3A_359 : vector<16xf32>
          %parallel_loop3A_361 = arith.addf %parallel_loop3A_269, %parallel_loop3A_360 : vector<16xf32>
          %parallel_loop3A_362 = arith.constant 60544 : i32
          %parallel_loop3A_363 = tpu.memref_slice %arg6[%parallel_loop3A_362] : memref<88064xf32, #tpu.memory_space<vmem>> -> memref<5440xf32, #tpu.memory_space<vmem>>
          %parallel_loop3A_364 = tpu.vector_load_idx %parallel_loop3A_363[%parallel_loop3A_301] : memref<5440xf32, #tpu.memory_space<vmem>>[vector<16xi32>], vector<16xf32>,
          %parallel_loop3A_365 = arith.mulf %parallel_loop3A_306, %parallel_loop3A_364 : vector<16xf32>
          %parallel_loop3A_366 = arith.addf %parallel_loop3A_274, %parallel_loop3A_365 : vector<16xf32>
          %parallel_loop3A_367 = arith.constant 66048 : i32
          %parallel_loop3A_368 = tpu.memref_slice %arg6[%parallel_loop3A_367] : memref<88064xf32, #tpu.memory_space<vmem>> -> memref<5440xf32, #tpu.memory_space<vmem>>
          %parallel_loop3A_369 = tpu.vector_load_idx %parallel_loop3A_368[%parallel_loop3A_301] : memref<5440xf32, #tpu.memory_space<vmem>>[vector<16xi32>], vector<16xf32>,
          %parallel_loop3A_370 = arith.mulf %parallel_loop3A_306, %parallel_loop3A_369 : vector<16xf32>
          %parallel_loop3A_371 = arith.addf %parallel_loop3A_279, %parallel_loop3A_370 : vector<16xf32>
          %parallel_loop3A_372 = arith.constant 71552 : i32
          %parallel_loop3A_373 = tpu.memref_slice %arg6[%parallel_loop3A_372] : memref<88064xf32, #tpu.memory_space<vmem>> -> memref<5440xf32, #tpu.memory_space<vmem>>
          %parallel_loop3A_374 = tpu.vector_load_idx %parallel_loop3A_373[%parallel_loop3A_301] : memref<5440xf32, #tpu.memory_space<vmem>>[vector<16xi32>], vector<16xf32>,
          %parallel_loop3A_375 = arith.mulf %parallel_loop3A_306, %parallel_loop3A_374 : vector<16xf32>
          %parallel_loop3A_376 = arith.addf %parallel_loop3A_284, %parallel_loop3A_375 : vector<16xf32>
          %parallel_loop3A_377 = arith.constant 77056 : i32
          %parallel_loop3A_378 = tpu.memref_slice %arg6[%parallel_loop3A_377] : memref<88064xf32, #tpu.memory_space<vmem>> -> memref<5440xf32, #tpu.memory_space<vmem>>
          %parallel_loop3A_379 = tpu.vector_load_idx %parallel_loop3A_378[%parallel_loop3A_301] : memref<5440xf32, #tpu.memory_space<vmem>>[vector<16xi32>], vector<16xf32>,
          %parallel_loop3A_380 = arith.mulf %parallel_loop3A_306, %parallel_loop3A_379 : vector<16xf32>
          %parallel_loop3A_381 = arith.addf %parallel_loop3A_289, %parallel_loop3A_380 : vector<16xf32>
          %parallel_loop3A_382 = arith.constant 82560 : i32
          %parallel_loop3A_383 = tpu.memref_slice %arg6[%parallel_loop3A_382] : memref<88064xf32, #tpu.memory_space<vmem>> -> memref<5440xf32, #tpu.memory_space<vmem>>
          %parallel_loop3A_384 = tpu.vector_load_idx %parallel_loop3A_383[%parallel_loop3A_301] : memref<5440xf32, #tpu.memory_space<vmem>>[vector<16xi32>], vector<16xf32>,
          %parallel_loop3A_385 = arith.mulf %parallel_loop3A_306, %parallel_loop3A_384 : vector<16xf32>
          %parallel_loop3A_386 = arith.addf %parallel_loop3A_294, %parallel_loop3A_385 : vector<16xf32>
          scf.yield %parallel_loop3A_311, %parallel_loop3A_316, %parallel_loop3A_321, %parallel_loop3A_326, %parallel_loop3A_331, %parallel_loop3A_336, %parallel_loop3A_341, %parallel_loop3A_346, %parallel_loop3A_351, %parallel_loop3A_356, %parallel_loop3A_361, %parallel_loop3A_366, %parallel_loop3A_371, %parallel_loop3A_376, %parallel_loop3A_381, %parallel_loop3A_386 : vector<16xf32>, vector<16xf32>, vector<16xf32>, vector<16xf32>, vector<16xf32>, vector<16xf32>, vector<16xf32>, vector<16xf32>, vector<16xf32>, vector<16xf32>, vector<16xf32>, vector<16xf32>, vector<16xf32>, vector<16xf32>, vector<16xf32>, vector<16xf32>
        }
        %parallel_loop3A_123 = arith.constant 64 : i32
        %parallel_loop3A_124 = arith.constant 0 : i32
        %parallel_loop3A_125 = arith.addi %parallel_loop3A_124, %parallel_loop3A_85 : i32
        %parallel_loop3A_126 = arith.index_cast %parallel_loop3A_125 : i32 to index
        %parallel_loop3A_127 = tpu.vector_load %arg9[%parallel_loop3A_126] {strides = array<i32>} : memref<2560xf32, #tpu.memory_space<vmem>>, vector<16xf32>,
        tpu.vector_store %arg9[%parallel_loop3A_126], %parallel_loop3A_122#0 {strides = array<i32>} : memref<2560xf32, #tpu.memory_space<vmem>>, vector<16xf32>,
        %parallel_loop3A_128 = arith.constant 160 : i32
        %parallel_loop3A_129 = arith.addi %parallel_loop3A_128, %parallel_loop3A_85 : i32
        %parallel_loop3A_130 = arith.index_cast %parallel_loop3A_129 : i32 to index
        %parallel_loop3A_131 = tpu.vector_load %arg9[%parallel_loop3A_130] {strides = array<i32>} : memref<2560xf32, #tpu.memory_space<vmem>>, vector<16xf32>,
        tpu.vector_store %arg9[%parallel_loop3A_130], %parallel_loop3A_122#1 {strides = array<i32>} : memref<2560xf32, #tpu.memory_space<vmem>>, vector<16xf32>,
        %parallel_loop3A_132 = arith.constant 320 : i32
        %parallel_loop3A_133 = arith.addi %parallel_loop3A_132, %parallel_loop3A_85 : i32
        %parallel_loop3A_134 = arith.index_cast %parallel_loop3A_133 : i32 to index
        %parallel_loop3A_135 = tpu.vector_load %arg9[%parallel_loop3A_134] {strides = array<i32>} : memref<2560xf32, #tpu.memory_space<vmem>>, vector<16xf32>,
        tpu.vector_store %arg9[%parallel_loop3A_134], %parallel_loop3A_122#2 {strides = array<i32>} : memref<2560xf32, #tpu.memory_space<vmem>>, vector<16xf32>,
        %parallel_loop3A_136 = arith.constant 480 : i32
        %parallel_loop3A_137 = arith.addi %parallel_loop3A_136, %parallel_loop3A_85 : i32
        %parallel_loop3A_138 = arith.index_cast %parallel_loop3A_137 : i32 to index
        %parallel_loop3A_139 = tpu.vector_load %arg9[%parallel_loop3A_138] {strides = array<i32>} : memref<2560xf32, #tpu.memory_space<vmem>>, vector<16xf32>,
        tpu.vector_store %arg9[%parallel_loop3A_138], %parallel_loop3A_122#3 {strides = array<i32>} : memref<2560xf32, #tpu.memory_space<vmem>>, vector<16xf32>,
        %parallel_loop3A_140 = arith.constant 640 : i32
        %parallel_loop3A_141 = arith.addi %parallel_loop3A_140, %parallel_loop3A_85 : i32
        %parallel_loop3A_142 = arith.index_cast %parallel_loop3A_141 : i32 to index
        %parallel_loop3A_143 = tpu.vector_load %arg9[%parallel_loop3A_142] {strides = array<i32>} : memref<2560xf32, #tpu.memory_space<vmem>>, vector<16xf32>,
        tpu.vector_store %arg9[%parallel_loop3A_142], %parallel_loop3A_122#4 {strides = array<i32>} : memref<2560xf32, #tpu.memory_space<vmem>>, vector<16xf32>,
        %parallel_loop3A_144 = arith.constant 800 : i32
        %parallel_loop3A_145 = arith.addi %parallel_loop3A_144, %parallel_loop3A_85 : i32
        %parallel_loop3A_146 = arith.index_cast %parallel_loop3A_145 : i32 to index
        %parallel_loop3A_147 = tpu.vector_load %arg9[%parallel_loop3A_146] {strides = array<i32>} : memref<2560xf32, #tpu.memory_space<vmem>>, vector<16xf32>,
        tpu.vector_store %arg9[%parallel_loop3A_146], %parallel_loop3A_122#5 {strides = array<i32>} : memref<2560xf32, #tpu.memory_space<vmem>>, vector<16xf32>,
        %parallel_loop3A_148 = arith.constant 960 : i32
        %parallel_loop3A_149 = arith.addi %parallel_loop3A_148, %parallel_loop3A_85 : i32
        %parallel_loop3A_150 = arith.index_cast %parallel_loop3A_149 : i32 to index
        %parallel_loop3A_151 = tpu.vector_load %arg9[%parallel_loop3A_150] {strides = array<i32>} : memref<2560xf32, #tpu.memory_space<vmem>>, vector<16xf32>,
        tpu.vector_store %arg9[%parallel_loop3A_150], %parallel_loop3A_122#6 {strides = array<i32>} : memref<2560xf32, #tpu.memory_space<vmem>>, vector<16xf32>,
        %parallel_loop3A_152 = arith.constant 1120 : i32
        %parallel_loop3A_153 = arith.addi %parallel_loop3A_152, %parallel_loop3A_85 : i32
        %parallel_loop3A_154 = arith.index_cast %parallel_loop3A_153 : i32 to index
        %parallel_loop3A_155 = tpu.vector_load %arg9[%parallel_loop3A_154] {strides = array<i32>} : memref<2560xf32, #tpu.memory_space<vmem>>, vector<16xf32>,
        tpu.vector_store %arg9[%parallel_loop3A_154], %parallel_loop3A_122#7 {strides = array<i32>} : memref<2560xf32, #tpu.memory_space<vmem>>, vector<16xf32>,
        %parallel_loop3A_156 = arith.constant 1280 : i32
        %parallel_loop3A_157 = arith.addi %parallel_loop3A_156, %parallel_loop3A_85 : i32
        %parallel_loop3A_158 = arith.index_cast %parallel_loop3A_157 : i32 to index
        %parallel_loop3A_159 = tpu.vector_load %arg9[%parallel_loop3A_158] {strides = array<i32>} : memref<2560xf32, #tpu.memory_space<vmem>>, vector<16xf32>,
        tpu.vector_store %arg9[%parallel_loop3A_158], %parallel_loop3A_122#8 {strides = array<i32>} : memref<2560xf32, #tpu.memory_space<vmem>>, vector<16xf32>,
        %parallel_loop3A_160 = arith.constant 1440 : i32
        %parallel_loop3A_161 = arith.addi %parallel_loop3A_160, %parallel_loop3A_85 : i32
        %parallel_loop3A_162 = arith.index_cast %parallel_loop3A_161 : i32 to index
        %parallel_loop3A_163 = tpu.vector_load %arg9[%parallel_loop3A_162] {strides = array<i32>} : memref<2560xf32, #tpu.memory_space<vmem>>, vector<16xf32>,
        tpu.vector_store %arg9[%parallel_loop3A_162], %parallel_loop3A_122#9 {strides = array<i32>} : memref<2560xf32, #tpu.memory_space<vmem>>, vector<16xf32>,
        %parallel_loop3A_164 = arith.constant 1600 : i32
        %parallel_loop3A_165 = arith.addi %parallel_loop3A_164, %parallel_loop3A_85 : i32
        %parallel_loop3A_166 = arith.index_cast %parallel_loop3A_165 : i32 to index
        %parallel_loop3A_167 = tpu.vector_load %arg9[%parallel_loop3A_166] {strides = array<i32>} : memref<2560xf32, #tpu.memory_space<vmem>>, vector<16xf32>,
        tpu.vector_store %arg9[%parallel_loop3A_166], %parallel_loop3A_122#10 {strides = array<i32>} : memref<2560xf32, #tpu.memory_space<vmem>>, vector<16xf32>,
        %parallel_loop3A_168 = arith.constant 1760 : i32
        %parallel_loop3A_169 = arith.addi %parallel_loop3A_168, %parallel_loop3A_85 : i32
        %parallel_loop3A_170 = arith.index_cast %parallel_loop3A_169 : i32 to index
        %parallel_loop3A_171 = tpu.vector_load %arg9[%parallel_loop3A_170] {strides = array<i32>} : memref<2560xf32, #tpu.memory_space<vmem>>, vector<16xf32>,
        tpu.vector_store %arg9[%parallel_loop3A_170], %parallel_loop3A_122#11 {strides = array<i32>} : memref<2560xf32, #tpu.memory_space<vmem>>, vector<16xf32>,
        %parallel_loop3A_172 = arith.constant 1920 : i32
        %parallel_loop3A_173 = arith.addi %parallel_loop3A_172, %parallel_loop3A_85 : i32
        %parallel_loop3A_174 = arith.index_cast %parallel_loop3A_173 : i32 to index
        %parallel_loop3A_175 = tpu.vector_load %arg9[%parallel_loop3A_174] {strides = array<i32>} : memref<2560xf32, #tpu.memory_space<vmem>>, vector<16xf32>,
        tpu.vector_store %arg9[%parallel_loop3A_174], %parallel_loop3A_122#12 {strides = array<i32>} : memref<2560xf32, #tpu.memory_space<vmem>>, vector<16xf32>,
        %parallel_loop3A_176 = arith.constant 2080 : i32
        %parallel_loop3A_177 = arith.addi %parallel_loop3A_176, %parallel_loop3A_85 : i32
        %parallel_loop3A_178 = arith.index_cast %parallel_loop3A_177 : i32 to index
        %parallel_loop3A_179 = tpu.vector_load %arg9[%parallel_loop3A_178] {strides = array<i32>} : memref<2560xf32, #tpu.memory_space<vmem>>, vector<16xf32>,
        tpu.vector_store %arg9[%parallel_loop3A_178], %parallel_loop3A_122#13 {strides = array<i32>} : memref<2560xf32, #tpu.memory_space<vmem>>, vector<16xf32>,
        %parallel_loop3A_180 = arith.constant 2240 : i32
        %parallel_loop3A_181 = arith.addi %parallel_loop3A_180, %parallel_loop3A_85 : i32
        %parallel_loop3A_182 = arith.index_cast %parallel_loop3A_181 : i32 to index
        %parallel_loop3A_183 = tpu.vector_load %arg9[%parallel_loop3A_182] {strides = array<i32>} : memref<2560xf32, #tpu.memory_space<vmem>>, vector<16xf32>,
        tpu.vector_store %arg9[%parallel_loop3A_182], %parallel_loop3A_122#14 {strides = array<i32>} : memref<2560xf32, #tpu.memory_space<vmem>>, vector<16xf32>,
        %parallel_loop3A_184 = arith.constant 2400 : i32
        %parallel_loop3A_185 = arith.addi %parallel_loop3A_184, %parallel_loop3A_85 : i32
        %parallel_loop3A_186 = arith.index_cast %parallel_loop3A_185 : i32 to index
        %parallel_loop3A_187 = tpu.vector_load %arg9[%parallel_loop3A_186] {strides = array<i32>} : memref<2560xf32, #tpu.memory_space<vmem>>, vector<16xf32>,
        tpu.vector_store %arg9[%parallel_loop3A_186], %parallel_loop3A_122#15 {strides = array<i32>} : memref<2560xf32, #tpu.memory_space<vmem>>, vector<16xf32>,
      } {sc.loop_unroll_factor = 2 : i64, sc.parallel_access}
      "tpu.region"() ({
        %run_scoped3A = tpu.sem_alloc : memref<!tpu.dma_semaphore, #tpu.memory_space<semaphore_mem>>
        %dma_start3A = arith.constant 0 : i32
        %dma_start3A_82 = tpu.memref_slice %arg5[%select_n3A_54, %scan3A_79, %add3A_73, %dma_start3A] : memref<2x17x16x2560xf32, #tpu.memory_space<hbm>> -> memref<1x1x1x2560xf32, #tpu.memory_space<hbm>>
        %dma_start3A_83 = tpu.memref_squeeze %dma_start3A_82 : memref<1x1x1x2560xf32, #tpu.memory_space<hbm>> -> memref<2560xf32, #tpu.memory_space<hbm>>
        %dma_start3A_84 = arith.constant 0 : i32
        %dma_start3A_85 = tpu.memref_slice %arg5[%select_n3A_54, %scan3A_79, %add3A_73, %dma_start3A_84] : memref<2x17x16x2560xf32, #tpu.memory_space<hbm>> -> memref<1x1x1x2560xf32, #tpu.memory_space<hbm>>
        %dma_start3A_86 = tpu.memref_squeeze %dma_start3A_85 : memref<1x1x1x2560xf32, #tpu.memory_space<hbm>> -> memref<2560xf32, #tpu.memory_space<hbm>>
        tpu.enqueue_dma source(%arg9 : memref<2560xf32, #tpu.memory_space<vmem>>) target(%dma_start3A_86 : memref<2560xf32, #tpu.memory_space<hbm>>) target_semaphore(%run_scoped3A : memref<!tpu.dma_semaphore, #tpu.memory_space<semaphore_mem>>)
        %dma_wait3A = arith.constant 0 : i32
        %dma_wait3A_87 = tpu.memref_slice %arg5[%select_n3A_54, %scan3A_79, %add3A_73, %dma_wait3A] : memref<2x17x16x2560xf32, #tpu.memory_space<hbm>> -> memref<1x1x1x2560xf32, #tpu.memory_space<hbm>>
        %dma_wait3A_88 = tpu.memref_squeeze %dma_wait3A_87 : memref<1x1x1x2560xf32, #tpu.memory_space<hbm>> -> memref<2560xf32, #tpu.memory_space<hbm>>
        %dma_wait3A_89 = arith.constant 0 : i32
        %dma_wait3A_90 = tpu.memref_slice %arg5[%select_n3A_54, %scan3A_79, %add3A_73, %dma_wait3A_89] : memref<2x17x16x2560xf32, #tpu.memory_space<hbm>> -> memref<1x1x1x2560xf32, #tpu.memory_space<hbm>>
        %dma_wait3A_91 = tpu.memref_squeeze %dma_wait3A_90 : memref<1x1x1x2560xf32, #tpu.memory_space<hbm>> -> memref<2560xf32, #tpu.memory_space<hbm>>
        tpu.wait_dma2 semaphore(%run_scoped3A : memref<!tpu.dma_semaphore, #tpu.memory_space<semaphore_mem>>) src(%arg9 : memref<2560xf32, #tpu.memory_space<vmem>>) dst(%dma_wait3A_91 : memref<2560xf32, #tpu.memory_space<hbm>>)
        tpu.yield
      }) : () -> ()
    }
    %scan3A_78 = arith.constant 17 : i32
    return
  }
}

module attributes {stable_mosaic.version = 14 : i64} {
  func.func @_valproj_body(%arg0: i32, %arg1: i32, %arg2: memref<1x160x256xf32, #tpu.memory_space<vmem>>, %arg3: memref<256x256xf32, #tpu.memory_space<vmem>>, %arg4: memref<1x256xf32, #tpu.memory_space<vmem>>, %arg5: memref<1x16x160x16xf32, #tpu.memory_space<vmem>>) attributes {dimension_semantics = [#tpu.dimension_semantics<arbitrary>, #tpu.dimension_semantics<arbitrary>], iteration_bounds = array<i64: 2, 34>, scalar_prefetch = 0 : i64, scratch_operands = 0 : i64, tpu.core_type = #tpu.core_type<tc>, window_params = [{transform_indices = @transform_0, window_bounds = array<i64: 1, 160, 256>}, {pipeline_mode = #tpu.pipeline_mode<synchronous>, transform_indices = @transform_1, window_bounds = array<i64: 256, 256>}, {pipeline_mode = #tpu.pipeline_mode<synchronous>, transform_indices = @transform_2, window_bounds = array<i64: 1, 256>}, {transform_indices = @transform_3, window_bounds = array<i64: 1, 16, 160, 16>}]} {
    %get3A = arith.constant 0 : index
    %get3A_0 = arith.constant 0 : index
    %get3A_1 = arith.constant 0 : index
    %get3A_2 = vector.load %arg2[%get3A, %get3A_0, %get3A_1] : memref<1x160x256xf32, #tpu.memory_space<vmem>>, vector<1x160x256xf32>
    %get3A_3 = vector.shape_cast %get3A_2 : vector<1x160x256xf32> to vector<160x256xf32>
    %get3A_4 = arith.constant 0 : index
    %get3A_5 = arith.constant 0 : index
    %get3A_6 = vector.load %arg3[%get3A_4, %get3A_5] : memref<256x256xf32, #tpu.memory_space<vmem>>, vector<256x256xf32>
    %dot_general3A = arith.constant dense<0.000000e+00> : vector<160x256xf32>
    %dot_general3A_7 = tpu.matmul %get3A_3, %get3A_6, %dot_general3A {dimension_numbers = #tpu.dot_dimension_numbers<[1], [0], [0], [1], [0, 0, 1, 1], [], []>, transpose_lhs_hint = false} : vector<160x256xf32>, vector<256x256xf32>, vector<160x256xf32> -> vector<160x256xf32>
    %get3A_8 = arith.constant 0 : index
    %get3A_9 = arith.constant 0 : index
    %get3A_10 = vector.load %arg4[%get3A_8, %get3A_9] : memref<1x256xf32, #tpu.memory_space<vmem>>, vector<1x256xf32>
    %add3A = vector.broadcast %get3A_10 : vector<1x256xf32> to vector<160x256xf32>
    %add3A_11 = arith.addf %dot_general3A_7, %add3A : vector<160x256xf32>
    %slice3A = vector.extract_strided_slice %add3A_11 {offsets = [0, 0], sizes = [160, 16], strides = [1, 1]} : vector<160x256xf32> to vector<160x16xf32>
    %swap3A = arith.constant 0 : index
    %swap3A_12 = arith.constant 0 : index
    %swap3A_13 = arith.constant 0 : index
    %swap3A_14 = arith.constant 0 : index
    %swap3A_15 = vector.load %arg5[%swap3A, %swap3A_12, %swap3A_13, %swap3A_14] : memref<1x16x160x16xf32, #tpu.memory_space<vmem>>, vector<1x1x160x16xf32>
    %swap3A_16 = vector.shape_cast %swap3A_15 : vector<1x1x160x16xf32> to vector<160x16xf32>
    %swap3A_17 = vector.shape_cast %slice3A : vector<160x16xf32> to vector<1x1x160x16xf32>
    tpu.vector_store %arg5[%swap3A, %swap3A_12, %swap3A_13, %swap3A_14], %swap3A_17 {strides = array<i32>} : memref<1x16x160x16xf32, #tpu.memory_space<vmem>>, vector<1x1x160x16xf32>,
    %slice3A_18 = vector.extract_strided_slice %add3A_11 {offsets = [0, 16], sizes = [160, 16], strides = [1, 1]} : vector<160x256xf32> to vector<160x16xf32>
    %swap3A_19 = arith.constant 0 : index
    %swap3A_20 = arith.constant 1 : index
    %swap3A_21 = arith.constant 0 : index
    %swap3A_22 = arith.constant 0 : index
    %swap3A_23 = vector.load %arg5[%swap3A_19, %swap3A_20, %swap3A_21, %swap3A_22] : memref<1x16x160x16xf32, #tpu.memory_space<vmem>>, vector<1x1x160x16xf32>
    %swap3A_24 = vector.shape_cast %swap3A_23 : vector<1x1x160x16xf32> to vector<160x16xf32>
    %swap3A_25 = vector.shape_cast %slice3A_18 : vector<160x16xf32> to vector<1x1x160x16xf32>
    tpu.vector_store %arg5[%swap3A_19, %swap3A_20, %swap3A_21, %swap3A_22], %swap3A_25 {strides = array<i32>} : memref<1x16x160x16xf32, #tpu.memory_space<vmem>>, vector<1x1x160x16xf32>,
    %slice3A_26 = vector.extract_strided_slice %add3A_11 {offsets = [0, 32], sizes = [160, 16], strides = [1, 1]} : vector<160x256xf32> to vector<160x16xf32>
    %swap3A_27 = arith.constant 0 : index
    %swap3A_28 = arith.constant 2 : index
    %swap3A_29 = arith.constant 0 : index
    %swap3A_30 = arith.constant 0 : index
    %swap3A_31 = vector.load %arg5[%swap3A_27, %swap3A_28, %swap3A_29, %swap3A_30] : memref<1x16x160x16xf32, #tpu.memory_space<vmem>>, vector<1x1x160x16xf32>
    %swap3A_32 = vector.shape_cast %swap3A_31 : vector<1x1x160x16xf32> to vector<160x16xf32>
    %swap3A_33 = vector.shape_cast %slice3A_26 : vector<160x16xf32> to vector<1x1x160x16xf32>
    tpu.vector_store %arg5[%swap3A_27, %swap3A_28, %swap3A_29, %swap3A_30], %swap3A_33 {strides = array<i32>} : memref<1x16x160x16xf32, #tpu.memory_space<vmem>>, vector<1x1x160x16xf32>,
    %slice3A_34 = vector.extract_strided_slice %add3A_11 {offsets = [0, 48], sizes = [160, 16], strides = [1, 1]} : vector<160x256xf32> to vector<160x16xf32>
    %swap3A_35 = arith.constant 0 : index
    %swap3A_36 = arith.constant 3 : index
    %swap3A_37 = arith.constant 0 : index
    %swap3A_38 = arith.constant 0 : index
    %swap3A_39 = vector.load %arg5[%swap3A_35, %swap3A_36, %swap3A_37, %swap3A_38] : memref<1x16x160x16xf32, #tpu.memory_space<vmem>>, vector<1x1x160x16xf32>
    %swap3A_40 = vector.shape_cast %swap3A_39 : vector<1x1x160x16xf32> to vector<160x16xf32>
    %swap3A_41 = vector.shape_cast %slice3A_34 : vector<160x16xf32> to vector<1x1x160x16xf32>
    tpu.vector_store %arg5[%swap3A_35, %swap3A_36, %swap3A_37, %swap3A_38], %swap3A_41 {strides = array<i32>} : memref<1x16x160x16xf32, #tpu.memory_space<vmem>>, vector<1x1x160x16xf32>,
    %slice3A_42 = vector.extract_strided_slice %add3A_11 {offsets = [0, 64], sizes = [160, 16], strides = [1, 1]} : vector<160x256xf32> to vector<160x16xf32>
    %swap3A_43 = arith.constant 0 : index
    %swap3A_44 = arith.constant 4 : index
    %swap3A_45 = arith.constant 0 : index
    %swap3A_46 = arith.constant 0 : index
    %swap3A_47 = vector.load %arg5[%swap3A_43, %swap3A_44, %swap3A_45, %swap3A_46] : memref<1x16x160x16xf32, #tpu.memory_space<vmem>>, vector<1x1x160x16xf32>
    %swap3A_48 = vector.shape_cast %swap3A_47 : vector<1x1x160x16xf32> to vector<160x16xf32>
    %swap3A_49 = vector.shape_cast %slice3A_42 : vector<160x16xf32> to vector<1x1x160x16xf32>
    tpu.vector_store %arg5[%swap3A_43, %swap3A_44, %swap3A_45, %swap3A_46], %swap3A_49 {strides = array<i32>} : memref<1x16x160x16xf32, #tpu.memory_space<vmem>>, vector<1x1x160x16xf32>,
    %slice3A_50 = vector.extract_strided_slice %add3A_11 {offsets = [0, 80], sizes = [160, 16], strides = [1, 1]} : vector<160x256xf32> to vector<160x16xf32>
    %swap3A_51 = arith.constant 0 : index
    %swap3A_52 = arith.constant 5 : index
    %swap3A_53 = arith.constant 0 : index
    %swap3A_54 = arith.constant 0 : index
    %swap3A_55 = vector.load %arg5[%swap3A_51, %swap3A_52, %swap3A_53, %swap3A_54] : memref<1x16x160x16xf32, #tpu.memory_space<vmem>>, vector<1x1x160x16xf32>
    %swap3A_56 = vector.shape_cast %swap3A_55 : vector<1x1x160x16xf32> to vector<160x16xf32>
    %swap3A_57 = vector.shape_cast %slice3A_50 : vector<160x16xf32> to vector<1x1x160x16xf32>
    tpu.vector_store %arg5[%swap3A_51, %swap3A_52, %swap3A_53, %swap3A_54], %swap3A_57 {strides = array<i32>} : memref<1x16x160x16xf32, #tpu.memory_space<vmem>>, vector<1x1x160x16xf32>,
    %slice3A_58 = vector.extract_strided_slice %add3A_11 {offsets = [0, 96], sizes = [160, 16], strides = [1, 1]} : vector<160x256xf32> to vector<160x16xf32>
    %swap3A_59 = arith.constant 0 : index
    %swap3A_60 = arith.constant 6 : index
    %swap3A_61 = arith.constant 0 : index
    %swap3A_62 = arith.constant 0 : index
    %swap3A_63 = vector.load %arg5[%swap3A_59, %swap3A_60, %swap3A_61, %swap3A_62] : memref<1x16x160x16xf32, #tpu.memory_space<vmem>>, vector<1x1x160x16xf32>
    %swap3A_64 = vector.shape_cast %swap3A_63 : vector<1x1x160x16xf32> to vector<160x16xf32>
    %swap3A_65 = vector.shape_cast %slice3A_58 : vector<160x16xf32> to vector<1x1x160x16xf32>
    tpu.vector_store %arg5[%swap3A_59, %swap3A_60, %swap3A_61, %swap3A_62], %swap3A_65 {strides = array<i32>} : memref<1x16x160x16xf32, #tpu.memory_space<vmem>>, vector<1x1x160x16xf32>,
    %slice3A_66 = vector.extract_strided_slice %add3A_11 {offsets = [0, 112], sizes = [160, 16], strides = [1, 1]} : vector<160x256xf32> to vector<160x16xf32>
    %swap3A_67 = arith.constant 0 : index
    %swap3A_68 = arith.constant 7 : index
    %swap3A_69 = arith.constant 0 : index
    %swap3A_70 = arith.constant 0 : index
    %swap3A_71 = vector.load %arg5[%swap3A_67, %swap3A_68, %swap3A_69, %swap3A_70] : memref<1x16x160x16xf32, #tpu.memory_space<vmem>>, vector<1x1x160x16xf32>
    %swap3A_72 = vector.shape_cast %swap3A_71 : vector<1x1x160x16xf32> to vector<160x16xf32>
    %swap3A_73 = vector.shape_cast %slice3A_66 : vector<160x16xf32> to vector<1x1x160x16xf32>
    tpu.vector_store %arg5[%swap3A_67, %swap3A_68, %swap3A_69, %swap3A_70], %swap3A_73 {strides = array<i32>} : memref<1x16x160x16xf32, #tpu.memory_space<vmem>>, vector<1x1x160x16xf32>,
    %slice3A_74 = vector.extract_strided_slice %add3A_11 {offsets = [0, 128], sizes = [160, 16], strides = [1, 1]} : vector<160x256xf32> to vector<160x16xf32>
    %swap3A_75 = arith.constant 0 : index
    %swap3A_76 = arith.constant 8 : index
    %swap3A_77 = arith.constant 0 : index
    %swap3A_78 = arith.constant 0 : index
    %swap3A_79 = vector.load %arg5[%swap3A_75, %swap3A_76, %swap3A_77, %swap3A_78] : memref<1x16x160x16xf32, #tpu.memory_space<vmem>>, vector<1x1x160x16xf32>
    %swap3A_80 = vector.shape_cast %swap3A_79 : vector<1x1x160x16xf32> to vector<160x16xf32>
    %swap3A_81 = vector.shape_cast %slice3A_74 : vector<160x16xf32> to vector<1x1x160x16xf32>
    tpu.vector_store %arg5[%swap3A_75, %swap3A_76, %swap3A_77, %swap3A_78], %swap3A_81 {strides = array<i32>} : memref<1x16x160x16xf32, #tpu.memory_space<vmem>>, vector<1x1x160x16xf32>,
    %slice3A_82 = vector.extract_strided_slice %add3A_11 {offsets = [0, 144], sizes = [160, 16], strides = [1, 1]} : vector<160x256xf32> to vector<160x16xf32>
    %swap3A_83 = arith.constant 0 : index
    %swap3A_84 = arith.constant 9 : index
    %swap3A_85 = arith.constant 0 : index
    %swap3A_86 = arith.constant 0 : index
    %swap3A_87 = vector.load %arg5[%swap3A_83, %swap3A_84, %swap3A_85, %swap3A_86] : memref<1x16x160x16xf32, #tpu.memory_space<vmem>>, vector<1x1x160x16xf32>
    %swap3A_88 = vector.shape_cast %swap3A_87 : vector<1x1x160x16xf32> to vector<160x16xf32>
    %swap3A_89 = vector.shape_cast %slice3A_82 : vector<160x16xf32> to vector<1x1x160x16xf32>
    tpu.vector_store %arg5[%swap3A_83, %swap3A_84, %swap3A_85, %swap3A_86], %swap3A_89 {strides = array<i32>} : memref<1x16x160x16xf32, #tpu.memory_space<vmem>>, vector<1x1x160x16xf32>,
    %slice3A_90 = vector.extract_strided_slice %add3A_11 {offsets = [0, 160], sizes = [160, 16], strides = [1, 1]} : vector<160x256xf32> to vector<160x16xf32>
    %swap3A_91 = arith.constant 0 : index
    %swap3A_92 = arith.constant 10 : index
    %swap3A_93 = arith.constant 0 : index
    %swap3A_94 = arith.constant 0 : index
    %swap3A_95 = vector.load %arg5[%swap3A_91, %swap3A_92, %swap3A_93, %swap3A_94] : memref<1x16x160x16xf32, #tpu.memory_space<vmem>>, vector<1x1x160x16xf32>
    %swap3A_96 = vector.shape_cast %swap3A_95 : vector<1x1x160x16xf32> to vector<160x16xf32>
    %swap3A_97 = vector.shape_cast %slice3A_90 : vector<160x16xf32> to vector<1x1x160x16xf32>
    tpu.vector_store %arg5[%swap3A_91, %swap3A_92, %swap3A_93, %swap3A_94], %swap3A_97 {strides = array<i32>} : memref<1x16x160x16xf32, #tpu.memory_space<vmem>>, vector<1x1x160x16xf32>,
    %slice3A_98 = vector.extract_strided_slice %add3A_11 {offsets = [0, 176], sizes = [160, 16], strides = [1, 1]} : vector<160x256xf32> to vector<160x16xf32>
    %swap3A_99 = arith.constant 0 : index
    %swap3A_100 = arith.constant 11 : index
    %swap3A_101 = arith.constant 0 : index
    %swap3A_102 = arith.constant 0 : index
    %swap3A_103 = vector.load %arg5[%swap3A_99, %swap3A_100, %swap3A_101, %swap3A_102] : memref<1x16x160x16xf32, #tpu.memory_space<vmem>>, vector<1x1x160x16xf32>
    %swap3A_104 = vector.shape_cast %swap3A_103 : vector<1x1x160x16xf32> to vector<160x16xf32>
    %swap3A_105 = vector.shape_cast %slice3A_98 : vector<160x16xf32> to vector<1x1x160x16xf32>
    tpu.vector_store %arg5[%swap3A_99, %swap3A_100, %swap3A_101, %swap3A_102], %swap3A_105 {strides = array<i32>} : memref<1x16x160x16xf32, #tpu.memory_space<vmem>>, vector<1x1x160x16xf32>,
    %slice3A_106 = vector.extract_strided_slice %add3A_11 {offsets = [0, 192], sizes = [160, 16], strides = [1, 1]} : vector<160x256xf32> to vector<160x16xf32>
    %swap3A_107 = arith.constant 0 : index
    %swap3A_108 = arith.constant 12 : index
    %swap3A_109 = arith.constant 0 : index
    %swap3A_110 = arith.constant 0 : index
    %swap3A_111 = vector.load %arg5[%swap3A_107, %swap3A_108, %swap3A_109, %swap3A_110] : memref<1x16x160x16xf32, #tpu.memory_space<vmem>>, vector<1x1x160x16xf32>
    %swap3A_112 = vector.shape_cast %swap3A_111 : vector<1x1x160x16xf32> to vector<160x16xf32>
    %swap3A_113 = vector.shape_cast %slice3A_106 : vector<160x16xf32> to vector<1x1x160x16xf32>
    tpu.vector_store %arg5[%swap3A_107, %swap3A_108, %swap3A_109, %swap3A_110], %swap3A_113 {strides = array<i32>} : memref<1x16x160x16xf32, #tpu.memory_space<vmem>>, vector<1x1x160x16xf32>,
    %slice3A_114 = vector.extract_strided_slice %add3A_11 {offsets = [0, 208], sizes = [160, 16], strides = [1, 1]} : vector<160x256xf32> to vector<160x16xf32>
    %swap3A_115 = arith.constant 0 : index
    %swap3A_116 = arith.constant 13 : index
    %swap3A_117 = arith.constant 0 : index
    %swap3A_118 = arith.constant 0 : index
    %swap3A_119 = vector.load %arg5[%swap3A_115, %swap3A_116, %swap3A_117, %swap3A_118] : memref<1x16x160x16xf32, #tpu.memory_space<vmem>>, vector<1x1x160x16xf32>
    %swap3A_120 = vector.shape_cast %swap3A_119 : vector<1x1x160x16xf32> to vector<160x16xf32>
    %swap3A_121 = vector.shape_cast %slice3A_114 : vector<160x16xf32> to vector<1x1x160x16xf32>
    tpu.vector_store %arg5[%swap3A_115, %swap3A_116, %swap3A_117, %swap3A_118], %swap3A_121 {strides = array<i32>} : memref<1x16x160x16xf32, #tpu.memory_space<vmem>>, vector<1x1x160x16xf32>,
    %slice3A_122 = vector.extract_strided_slice %add3A_11 {offsets = [0, 224], sizes = [160, 16], strides = [1, 1]} : vector<160x256xf32> to vector<160x16xf32>
    %swap3A_123 = arith.constant 0 : index
    %swap3A_124 = arith.constant 14 : index
    %swap3A_125 = arith.constant 0 : index
    %swap3A_126 = arith.constant 0 : index
    %swap3A_127 = vector.load %arg5[%swap3A_123, %swap3A_124, %swap3A_125, %swap3A_126] : memref<1x16x160x16xf32, #tpu.memory_space<vmem>>, vector<1x1x160x16xf32>
    %swap3A_128 = vector.shape_cast %swap3A_127 : vector<1x1x160x16xf32> to vector<160x16xf32>
    %swap3A_129 = vector.shape_cast %slice3A_122 : vector<160x16xf32> to vector<1x1x160x16xf32>
    tpu.vector_store %arg5[%swap3A_123, %swap3A_124, %swap3A_125, %swap3A_126], %swap3A_129 {strides = array<i32>} : memref<1x16x160x16xf32, #tpu.memory_space<vmem>>, vector<1x1x160x16xf32>,
    %slice3A_130 = vector.extract_strided_slice %add3A_11 {offsets = [0, 240], sizes = [160, 16], strides = [1, 1]} : vector<160x256xf32> to vector<160x16xf32>
    %swap3A_131 = arith.constant 0 : index
    %swap3A_132 = arith.constant 15 : index
    %swap3A_133 = arith.constant 0 : index
    %swap3A_134 = arith.constant 0 : index
    %swap3A_135 = vector.load %arg5[%swap3A_131, %swap3A_132, %swap3A_133, %swap3A_134] : memref<1x16x160x16xf32, #tpu.memory_space<vmem>>, vector<1x1x160x16xf32>
    %swap3A_136 = vector.shape_cast %swap3A_135 : vector<1x1x160x16xf32> to vector<160x16xf32>
    %swap3A_137 = vector.shape_cast %slice3A_130 : vector<160x16xf32> to vector<1x1x160x16xf32>
    tpu.vector_store %arg5[%swap3A_131, %swap3A_132, %swap3A_133, %swap3A_134], %swap3A_137 {strides = array<i32>} : memref<1x16x160x16xf32, #tpu.memory_space<vmem>>, vector<1x1x160x16xf32>,
    return
  }
  func.func @transform_0(%arg0: i32, %arg1: i32) -> (i32, i32, i32) {
    %c0_i32 = arith.constant 0 : i32
    %c0_i32_0 = arith.constant 0 : i32
    return %arg0, %arg1, %c0_i32 : i32, i32, i32
  }
  func.func @transform_1(%arg0: i32, %arg1: i32) -> (i32, i32) {
    %c0_i32 = arith.constant 0 : i32
    %c0_i32_0 = arith.constant 0 : i32
    %c0_i32_1 = arith.constant 0 : i32
    return %c0_i32, %c0_i32_0 : i32, i32
  }
  func.func @transform_2(%arg0: i32, %arg1: i32) -> (i32, i32) {
    %c0_i32 = arith.constant 0 : i32
    %c0_i32_0 = arith.constant 0 : i32
    %c0_i32_1 = arith.constant 0 : i32
    return %c0_i32, %c0_i32_0 : i32, i32
  }
  func.func @transform_3(%arg0: i32, %arg1: i32) -> (i32, i32, i32, i32) {
    %c0_i32 = arith.constant 0 : i32
    %c0_i32_0 = arith.constant 0 : i32
    %c0_i32_1 = arith.constant 0 : i32
    return %arg0, %c0_i32, %arg1, %c0_i32_0 : i32, i32, i32, i32
  }
}

module attributes {stable_mosaic.version = 14 : i64} {
  func.func @_prep_body(%arg0: i32, %arg1: i32, %arg2: memref<1x1x256x160xf32, #tpu.memory_space<vmem>>, %arg3: memref<1x1x2x160xf32, #tpu.memory_space<vmem>>, %arg4: memref<1x1x1x160xi32, #tpu.memory_space<vmem>>, %arg5: memref<256x256xf32, #tpu.memory_space<vmem>>, %arg6: memref<256x1xf32, #tpu.memory_space<vmem>>, %arg7: memref<64x64xf32, #tpu.memory_space<vmem>>, %arg8: memref<4x2xi32, #tpu.memory_space<smem>>, %arg9: memref<4xi32, #tpu.memory_space<smem>>, %arg10: memref<8x1x64x160xi32, #tpu.memory_space<vmem>>, %arg11: memref<8x1x64x160xf32, #tpu.memory_space<vmem>>) attributes {dimension_semantics = [#tpu.dimension_semantics<arbitrary>, #tpu.dimension_semantics<arbitrary>], iteration_bounds = array<i64: 2, 17>, scalar_prefetch = 0 : i64, scratch_operands = 0 : i64, tpu.core_type = #tpu.core_type<tc>, window_params = [{transform_indices = @transform_0, window_bounds = array<i64: 1, 1, 256, 160>}, {transform_indices = @transform_1, window_bounds = array<i64: 1, 1, 2, 160>}, {transform_indices = @transform_2, window_bounds = array<i64: 1, 1, 1, 160>}, {pipeline_mode = #tpu.pipeline_mode<synchronous>, transform_indices = @transform_3, window_bounds = array<i64: 256, 256>}, {pipeline_mode = #tpu.pipeline_mode<synchronous>, transform_indices = @transform_4, window_bounds = array<i64: 256, 1>}, {pipeline_mode = #tpu.pipeline_mode<synchronous>, transform_indices = @transform_5, window_bounds = array<i64: 64, 64>}, {transform_indices = @transform_6, window_bounds = array<i64: 4, 2>}, {transform_indices = @transform_7, window_bounds = array<i64: 4>}, {transform_indices = @transform_8, window_bounds = array<i64: 8, 1, 64, 160>}, {transform_indices = @transform_9, window_bounds = array<i64: 8, 1, 64, 160>}]} {
    %get3A = arith.constant 0 : index
    %get3A_0 = arith.constant 0 : index
    %get3A_1 = arith.constant 0 : index
    %get3A_2 = arith.constant 0 : index
    %get3A_3 = vector.load %arg2[%get3A, %get3A_0, %get3A_1, %get3A_2] : memref<1x1x256x160xf32, #tpu.memory_space<vmem>>, vector<1x1x256x160xf32>
    %get3A_4 = vector.shape_cast %get3A_3 : vector<1x1x256x160xf32> to vector<256x160xf32>
    %get3A_5 = arith.constant 0 : index
    %get3A_6 = arith.constant 0 : index
    %get3A_7 = vector.load %arg5[%get3A_5, %get3A_6] : memref<256x256xf32, #tpu.memory_space<vmem>>, vector<256x256xf32>
    %dot_general3A = arith.constant dense<0.000000e+00> : vector<256x160xf32>
    %dot_general3A_8 = tpu.matmul %get3A_7, %get3A_4, %dot_general3A {dimension_numbers = #tpu.dot_dimension_numbers<[1], [0], [0], [1], [0, 0, 1, 1], [], []>, transpose_lhs_hint = false} : vector<256x256xf32>, vector<256x160xf32>, vector<256x160xf32> -> vector<256x160xf32>
    %get3A_9 = arith.constant 0 : index
    %get3A_10 = arith.constant 0 : index
    %get3A_11 = vector.load %arg6[%get3A_9, %get3A_10] : memref<256x1xf32, #tpu.memory_space<vmem>>, vector<256x1xf32>
    %add3A = vector.broadcast %get3A_11 : vector<256x1xf32> to vector<256x160xf32>
    %add3A_12 = arith.addf %dot_general3A_8, %add3A : vector<256x160xf32>
    %slice3A = vector.extract_strided_slice %add3A_12 {offsets = [0, 0], sizes = [64, 160], strides = [1, 1]} : vector<256x160xf32> to vector<64x160xf32>
    %slice3A_13 = vector.extract_strided_slice %add3A_12 {offsets = [64, 0], sizes = [64, 160], strides = [1, 1]} : vector<256x160xf32> to vector<64x160xf32>
    %slice3A_14 = vector.extract_strided_slice %add3A_12 {offsets = [128, 0], sizes = [64, 160], strides = [1, 1]} : vector<256x160xf32> to vector<64x160xf32>
    %slice3A_15 = vector.extract_strided_slice %add3A_12 {offsets = [192, 0], sizes = [64, 160], strides = [1, 1]} : vector<256x160xf32> to vector<64x160xf32>
    %exp3A = math.exp %slice3A_15 : vector<64x160xf32>
    %get3A_16 = arith.constant 0 : index
    %get3A_17 = arith.constant 0 : index
    %get3A_18 = vector.load %arg7[%get3A_16, %get3A_17] : memref<64x64xf32, #tpu.memory_space<vmem>>, vector<64x64xf32>
    %dot_general3A_19 = arith.constant dense<0.000000e+00> : vector<64x160xf32>
    %dot_general3A_20 = tpu.matmul %get3A_18, %exp3A, %dot_general3A_19 {dimension_numbers = #tpu.dot_dimension_numbers<[1], [0], [0], [1], [0, 0, 1, 1], [], []>, transpose_lhs_hint = false} : vector<64x64xf32>, vector<64x160xf32>, vector<64x160xf32> -> vector<64x160xf32>
    %div3A = arith.divf %exp3A, %dot_general3A_20 : vector<64x160xf32>
    %get3A_21 = arith.constant 0 : index
    %get3A_22 = arith.constant 0 : index
    %get3A_23 = arith.constant 0 : index
    %get3A_24 = arith.constant 0 : index
    %get3A_25 = vector.load %arg4[%get3A_21, %get3A_22, %get3A_23, %get3A_24] : memref<1x1x1x160xi32, #tpu.memory_space<vmem>>, vector<1x1x1x160xi32>
    %get3A_26 = vector.shape_cast %get3A_25 : vector<1x1x1x160xi32> to vector<1x160xi32>
    %convert_element_type3A = arith.sitofp %get3A_26 : vector<1x160xi32> to vector<1x160xf32>
    %get3A_27 = arith.constant 0 : index
    %get3A_28 = arith.constant 0 : index
    %get3A_29 = memref.load %arg8[%get3A_27, %get3A_28] : memref<4x2xi32, #tpu.memory_space<smem>>
    %get3A_30 = arith.constant 0 : index
    %get3A_31 = arith.constant 1 : index
    %get3A_32 = memref.load %arg8[%get3A_30, %get3A_31] : memref<4x2xi32, #tpu.memory_space<smem>>
    %get3A_33 = arith.constant 1 : index
    %get3A_34 = arith.constant 0 : index
    %get3A_35 = memref.load %arg8[%get3A_33, %get3A_34] : memref<4x2xi32, #tpu.memory_space<smem>>
    %get3A_36 = arith.constant 1 : index
    %get3A_37 = arith.constant 1 : index
    %get3A_38 = memref.load %arg8[%get3A_36, %get3A_37] : memref<4x2xi32, #tpu.memory_space<smem>>
    %get3A_39 = arith.constant 2 : index
    %get3A_40 = arith.constant 0 : index
    %get3A_41 = memref.load %arg8[%get3A_39, %get3A_40] : memref<4x2xi32, #tpu.memory_space<smem>>
    %get3A_42 = arith.constant 2 : index
    %get3A_43 = arith.constant 1 : index
    %get3A_44 = memref.load %arg8[%get3A_42, %get3A_43] : memref<4x2xi32, #tpu.memory_space<smem>>
    %get3A_45 = arith.constant 3 : index
    %get3A_46 = arith.constant 0 : index
    %get3A_47 = memref.load %arg8[%get3A_45, %get3A_46] : memref<4x2xi32, #tpu.memory_space<smem>>
    %get3A_48 = arith.constant 3 : index
    %get3A_49 = arith.constant 1 : index
    %get3A_50 = memref.load %arg8[%get3A_48, %get3A_49] : memref<4x2xi32, #tpu.memory_space<smem>>
    %get3A_51 = arith.constant 0 : index
    %get3A_52 = memref.load %arg9[%get3A_51] : memref<4xi32, #tpu.memory_space<smem>>
    %get3A_53 = arith.constant 1 : index
    %get3A_54 = memref.load %arg9[%get3A_53] : memref<4xi32, #tpu.memory_space<smem>>
    %get3A_55 = arith.constant 2 : index
    %get3A_56 = memref.load %arg9[%get3A_55] : memref<4xi32, #tpu.memory_space<smem>>
    %get3A_57 = arith.constant 3 : index
    %get3A_58 = memref.load %arg9[%get3A_57] : memref<4xi32, #tpu.memory_space<smem>>
    %eq3A = arith.constant 0 : i32
    %eq3A_59 = vector.broadcast %eq3A : i32 to vector<1x160xi32>
    %eq3A_60 = arith.cmpi eq, %get3A_26, %eq3A_59 : vector<1x160xi32>
    %eq3A_61 = arith.constant 1 : i32
    %eq3A_62 = vector.broadcast %eq3A_61 : i32 to vector<1x160xi32>
    %eq3A_63 = arith.cmpi eq, %get3A_26, %eq3A_62 : vector<1x160xi32>
    %eq3A_64 = arith.constant 2 : i32
    %eq3A_65 = vector.broadcast %eq3A_64 : i32 to vector<1x160xi32>
    %eq3A_66 = arith.cmpi eq, %get3A_26, %eq3A_65 : vector<1x160xi32>
    %broadcast_in_dim3A = vector.broadcast %get3A_44 : i32 to vector<1x160xi32>
    %broadcast_in_dim3A_67 = vector.broadcast %get3A_50 : i32 to vector<1x160xi32>
    %select_n3A = arith.select %eq3A_66, %broadcast_in_dim3A, %broadcast_in_dim3A_67 : vector<1x160xi1>, vector<1x160xi32>
    %broadcast_in_dim3A_68 = vector.broadcast %get3A_38 : i32 to vector<1x160xi32>
    %select_n3A_69 = arith.select %eq3A_63, %broadcast_in_dim3A_68, %select_n3A : vector<1x160xi1>, vector<1x160xi32>
    %broadcast_in_dim3A_70 = vector.broadcast %get3A_32 : i32 to vector<1x160xi32>
    %select_n3A_71 = arith.select %eq3A_60, %broadcast_in_dim3A_70, %select_n3A_69 : vector<1x160xi1>, vector<1x160xi32>
    %convert_element_type3A_72 = arith.sitofp %select_n3A_71 : vector<1x160xi32> to vector<1x160xf32>
    %eq3A_73 = arith.constant 0 : i32
    %eq3A_74 = vector.broadcast %eq3A_73 : i32 to vector<1x160xi32>
    %eq3A_75 = arith.cmpi eq, %get3A_26, %eq3A_74 : vector<1x160xi32>
    %eq3A_76 = arith.constant 1 : i32
    %eq3A_77 = vector.broadcast %eq3A_76 : i32 to vector<1x160xi32>
    %eq3A_78 = arith.cmpi eq, %get3A_26, %eq3A_77 : vector<1x160xi32>
    %eq3A_79 = arith.constant 2 : i32
    %eq3A_80 = vector.broadcast %eq3A_79 : i32 to vector<1x160xi32>
    %eq3A_81 = arith.cmpi eq, %get3A_26, %eq3A_80 : vector<1x160xi32>
    %broadcast_in_dim3A_82 = vector.broadcast %get3A_41 : i32 to vector<1x160xi32>
    %broadcast_in_dim3A_83 = vector.broadcast %get3A_47 : i32 to vector<1x160xi32>
    %select_n3A_84 = arith.select %eq3A_81, %broadcast_in_dim3A_82, %broadcast_in_dim3A_83 : vector<1x160xi1>, vector<1x160xi32>
    %broadcast_in_dim3A_85 = vector.broadcast %get3A_35 : i32 to vector<1x160xi32>
    %select_n3A_86 = arith.select %eq3A_78, %broadcast_in_dim3A_85, %select_n3A_84 : vector<1x160xi1>, vector<1x160xi32>
    %broadcast_in_dim3A_87 = vector.broadcast %get3A_29 : i32 to vector<1x160xi32>
    %select_n3A_88 = arith.select %eq3A_75, %broadcast_in_dim3A_87, %select_n3A_86 : vector<1x160xi1>, vector<1x160xi32>
    %convert_element_type3A_89 = arith.sitofp %select_n3A_88 : vector<1x160xi32> to vector<1x160xf32>
    %get3A_90 = arith.constant 0 : index
    %get3A_91 = arith.constant 0 : index
    %get3A_92 = arith.constant 0 : index
    %get3A_93 = arith.constant 0 : index
    %get3A_94 = vector.load %arg3[%get3A_90, %get3A_91, %get3A_92, %get3A_93] : memref<1x1x2x160xf32, #tpu.memory_space<vmem>>, vector<1x1x1x160xf32>
    %get3A_95 = vector.shape_cast %get3A_94 : vector<1x1x1x160xf32> to vector<1x160xf32>
    %div3A_96 = vector.broadcast %convert_element_type3A_72 : vector<1x160xf32> to vector<64x160xf32>
    %div3A_97 = arith.divf %slice3A, %div3A_96 : vector<64x160xf32>
    %add3A_98 = vector.broadcast %get3A_95 : vector<1x160xf32> to vector<64x160xf32>
    %add3A_99 = arith.addf %add3A_98, %div3A_97 : vector<64x160xf32>
    %get3A_100 = arith.constant 0 : index
    %get3A_101 = arith.constant 0 : index
    %get3A_102 = arith.constant 1 : index
    %get3A_103 = arith.constant 0 : index
    %get3A_104 = vector.load %arg3[%get3A_100, %get3A_101, %get3A_102, %get3A_103] : memref<1x1x2x160xf32, #tpu.memory_space<vmem>>, vector<1x1x1x160xf32>
    %get3A_105 = vector.shape_cast %get3A_104 : vector<1x1x1x160xf32> to vector<1x160xf32>
    %div3A_106 = vector.broadcast %convert_element_type3A_89 : vector<1x160xf32> to vector<64x160xf32>
    %div3A_107 = arith.divf %slice3A_13, %div3A_106 : vector<64x160xf32>
    %add3A_108 = vector.broadcast %get3A_105 : vector<1x160xf32> to vector<64x160xf32>
    %add3A_109 = arith.addf %add3A_108, %div3A_107 : vector<64x160xf32>
    %iota3A = tpu.iota {dimensions = array<i32: 0>} : vector<64x160xi32>
    %jit3A = arith.constant 2 : i32
    %eq3A_110 = arith.constant 0 : i32
    %eq3A_111 = arith.cmpi eq, %jit3A, %eq3A_110 : i32
    %jit3A_112 = arith.constant 1 : i32
    %select_n3A_113 = arith.select %eq3A_111, %jit3A_112, %jit3A : i32
    %rem3A = vector.broadcast %select_n3A_113 : i32 to vector<64x160xi32>
    %rem3A_114 = arith.remsi %iota3A, %rem3A : vector<64x160xi32>
    %ne3A = arith.constant 0 : i32
    %ne3A_115 = vector.broadcast %ne3A : i32 to vector<64x160xi32>
    %ne3A_116 = arith.cmpi ne, %rem3A_114, %ne3A_115 : vector<64x160xi32>
    %lt3A = arith.constant 0 : i32
    %lt3A_117 = vector.broadcast %lt3A : i32 to vector<64x160xi32>
    %lt3A_118 = arith.cmpi slt, %rem3A_114, %lt3A_117 : vector<64x160xi32>
    %lt3A_119 = arith.constant 0 : i32
    %lt3A_120 = arith.cmpi slt, %select_n3A_113, %lt3A_119 : i32
    %ne3A_121 = vector.broadcast %lt3A_120 : i1 to vector<64x160xi1>
    %ne3A_122 = vector.broadcast %ne3A_121 : vector<64x160xi1> to vector<64x160xi1>
    %ne3A_123 = arith.xori %lt3A_118, %ne3A_122 : vector<64x160xi1>
    %and3A = arith.andi %ne3A_123, %ne3A_116 : vector<64x160xi1>
    %add3A_124 = vector.broadcast %select_n3A_113 : i32 to vector<64x160xi32>
    %add3A_125 = arith.addi %rem3A_114, %add3A_124 : vector<64x160xi32>
    %select_n3A_126 = arith.select %and3A, %add3A_125, %rem3A_114 : vector<64x160xi1>, vector<64x160xi32>
    %convert_element_type3A_127 = arith.sitofp %select_n3A_126 : vector<64x160xi32> to vector<64x160xf32>
    %sub3A = arith.constant 5.000000e-01 : f32
    %sub3A_128 = vector.broadcast %sub3A : f32 to vector<64x160xf32>
    %sub3A_129 = arith.subf %convert_element_type3A_127, %sub3A_128 : vector<64x160xf32>
    %add3A_130 = vector.broadcast %convert_element_type3A : vector<1x160xf32> to vector<64x160xf32>
    %add3A_131 = arith.addf %add3A_130, %sub3A_129 : vector<64x160xf32>
    %tanh3A = math.tanh %slice3A_14 : vector<64x160xf32>
    %add3A_132 = arith.addf %add3A_131, %tanh3A : vector<64x160xf32>
    %div3A_133 = arith.constant 3.000000e+00 : f32
    %div3A_134 = vector.broadcast %div3A_133 : f32 to vector<64x160xf32>
    %div3A_135 = arith.divf %add3A_132, %div3A_134 : vector<64x160xf32>
    %jit3A_136 = arith.constant 0.000000e+00 : f32
    %jit3A_137 = arith.constant 1.000000e+00 : f32
    %max3A = vector.broadcast %jit3A_136 : f32 to vector<64x160xf32>
    %max3A_138 = arith.maximumf %max3A, %div3A_135 : vector<64x160xf32>
    %min3A = vector.broadcast %jit3A_137 : f32 to vector<64x160xf32>
    %min3A_139 = arith.minimumf %min3A, %max3A_138 : vector<64x160xf32>
    %mul3A = arith.constant 3.000000e+00 : f32
    %mul3A_140 = vector.broadcast %mul3A : f32 to vector<64x160xf32>
    %mul3A_141 = arith.mulf %min3A_139, %mul3A_140 : vector<64x160xf32>
    %floor3A = math.floor %mul3A_141 : vector<64x160xf32>
    %jit3A_142 = arith.constant 0.000000e+00 : f32
    %jit3A_143 = arith.constant 2.000000e+00 : f32
    %max3A_144 = vector.broadcast %jit3A_142 : f32 to vector<64x160xf32>
    %max3A_145 = arith.maximumf %max3A_144, %floor3A : vector<64x160xf32>
    %min3A_146 = vector.broadcast %jit3A_143 : f32 to vector<64x160xf32>
    %min3A_147 = arith.minimumf %min3A_146, %max3A_145 : vector<64x160xf32>
    %sub3A_148 = arith.subf %mul3A_141, %min3A_147 : vector<64x160xf32>
    %jit3A_149 = arith.constant 0.000000e+00 : f32
    %jit3A_150 = arith.constant 1.000000e+00 : f32
    %max3A_151 = vector.broadcast %jit3A_149 : f32 to vector<64x160xf32>
    %max3A_152 = arith.maximumf %max3A_151, %sub3A_148 : vector<64x160xf32>
    %min3A_153 = vector.broadcast %jit3A_150 : f32 to vector<64x160xf32>
    %min3A_154 = arith.minimumf %min3A_153, %max3A_152 : vector<64x160xf32>
    %convert_element_type3A_155 = arith.fptosi %min3A_147 : vector<64x160xf32> to vector<64x160xi32>
    %add3A_156 = arith.constant 0 : i32
    %add3A_157 = vector.broadcast %add3A_156 : i32 to vector<64x160xi32>
    %add3A_158 = arith.addi %convert_element_type3A_155, %add3A_157 : vector<64x160xi32>
    %eq3A_159 = arith.constant 0 : i32
    %eq3A_160 = vector.broadcast %eq3A_159 : i32 to vector<64x160xi32>
    %eq3A_161 = arith.cmpi eq, %add3A_158, %eq3A_160 : vector<64x160xi32>
    %eq3A_162 = arith.constant 1 : i32
    %eq3A_163 = vector.broadcast %eq3A_162 : i32 to vector<64x160xi32>
    %eq3A_164 = arith.cmpi eq, %add3A_158, %eq3A_163 : vector<64x160xi32>
    %eq3A_165 = arith.constant 2 : i32
    %eq3A_166 = vector.broadcast %eq3A_165 : i32 to vector<64x160xi32>
    %eq3A_167 = arith.cmpi eq, %add3A_158, %eq3A_166 : vector<64x160xi32>
    %broadcast_in_dim3A_168 = vector.broadcast %get3A_41 : i32 to vector<64x160xi32>
    %broadcast_in_dim3A_169 = vector.broadcast %get3A_47 : i32 to vector<64x160xi32>
    %select_n3A_170 = arith.select %eq3A_167, %broadcast_in_dim3A_168, %broadcast_in_dim3A_169 : vector<64x160xi1>, vector<64x160xi32>
    %broadcast_in_dim3A_171 = vector.broadcast %get3A_35 : i32 to vector<64x160xi32>
    %select_n3A_172 = arith.select %eq3A_164, %broadcast_in_dim3A_171, %select_n3A_170 : vector<64x160xi1>, vector<64x160xi32>
    %broadcast_in_dim3A_173 = vector.broadcast %get3A_29 : i32 to vector<64x160xi32>
    %select_n3A_174 = arith.select %eq3A_161, %broadcast_in_dim3A_173, %select_n3A_172 : vector<64x160xi1>, vector<64x160xi32>
    %convert_element_type3A_175 = arith.sitofp %select_n3A_174 : vector<64x160xi32> to vector<64x160xf32>
    %eq3A_176 = arith.constant 0 : i32
    %eq3A_177 = vector.broadcast %eq3A_176 : i32 to vector<64x160xi32>
    %eq3A_178 = arith.cmpi eq, %add3A_158, %eq3A_177 : vector<64x160xi32>
    %eq3A_179 = arith.constant 1 : i32
    %eq3A_180 = vector.broadcast %eq3A_179 : i32 to vector<64x160xi32>
    %eq3A_181 = arith.cmpi eq, %add3A_158, %eq3A_180 : vector<64x160xi32>
    %eq3A_182 = arith.constant 2 : i32
    %eq3A_183 = vector.broadcast %eq3A_182 : i32 to vector<64x160xi32>
    %eq3A_184 = arith.cmpi eq, %add3A_158, %eq3A_183 : vector<64x160xi32>
    %broadcast_in_dim3A_185 = vector.broadcast %get3A_44 : i32 to vector<64x160xi32>
    %broadcast_in_dim3A_186 = vector.broadcast %get3A_50 : i32 to vector<64x160xi32>
    %select_n3A_187 = arith.select %eq3A_184, %broadcast_in_dim3A_185, %broadcast_in_dim3A_186 : vector<64x160xi1>, vector<64x160xi32>
    %broadcast_in_dim3A_188 = vector.broadcast %get3A_38 : i32 to vector<64x160xi32>
    %select_n3A_189 = arith.select %eq3A_181, %broadcast_in_dim3A_188, %select_n3A_187 : vector<64x160xi1>, vector<64x160xi32>
    %broadcast_in_dim3A_190 = vector.broadcast %get3A_32 : i32 to vector<64x160xi32>
    %select_n3A_191 = arith.select %eq3A_178, %broadcast_in_dim3A_190, %select_n3A_189 : vector<64x160xi1>, vector<64x160xi32>
    %convert_element_type3A_192 = arith.sitofp %select_n3A_191 : vector<64x160xi32> to vector<64x160xf32>
    %eq3A_193 = arith.constant 0 : i32
    %eq3A_194 = vector.broadcast %eq3A_193 : i32 to vector<64x160xi32>
    %eq3A_195 = arith.cmpi eq, %add3A_158, %eq3A_194 : vector<64x160xi32>
    %eq3A_196 = arith.constant 1 : i32
    %eq3A_197 = vector.broadcast %eq3A_196 : i32 to vector<64x160xi32>
    %eq3A_198 = arith.cmpi eq, %add3A_158, %eq3A_197 : vector<64x160xi32>
    %eq3A_199 = arith.constant 2 : i32
    %eq3A_200 = vector.broadcast %eq3A_199 : i32 to vector<64x160xi32>
    %eq3A_201 = arith.cmpi eq, %add3A_158, %eq3A_200 : vector<64x160xi32>
    %broadcast_in_dim3A_202 = vector.broadcast %get3A_56 : i32 to vector<64x160xi32>
    %broadcast_in_dim3A_203 = vector.broadcast %get3A_58 : i32 to vector<64x160xi32>
    %select_n3A_204 = arith.select %eq3A_201, %broadcast_in_dim3A_202, %broadcast_in_dim3A_203 : vector<64x160xi1>, vector<64x160xi32>
    %broadcast_in_dim3A_205 = vector.broadcast %get3A_54 : i32 to vector<64x160xi32>
    %select_n3A_206 = arith.select %eq3A_198, %broadcast_in_dim3A_205, %select_n3A_204 : vector<64x160xi1>, vector<64x160xi32>
    %broadcast_in_dim3A_207 = vector.broadcast %get3A_52 : i32 to vector<64x160xi32>
    %select_n3A_208 = arith.select %eq3A_195, %broadcast_in_dim3A_207, %select_n3A_206 : vector<64x160xi1>, vector<64x160xi32>
    %mul3A_209 = arith.mulf %add3A_109, %convert_element_type3A_175 : vector<64x160xf32>
    %sub3A_210 = arith.constant 5.000000e-01 : f32
    %sub3A_211 = vector.broadcast %sub3A_210 : f32 to vector<64x160xf32>
    %sub3A_212 = arith.subf %mul3A_209, %sub3A_211 : vector<64x160xf32>
    %mul3A_213 = arith.mulf %add3A_99, %convert_element_type3A_192 : vector<64x160xf32>
    %sub3A_214 = arith.constant 5.000000e-01 : f32
    %sub3A_215 = vector.broadcast %sub3A_214 : f32 to vector<64x160xf32>
    %sub3A_216 = arith.subf %mul3A_213, %sub3A_215 : vector<64x160xf32>
    %floor3A_217 = math.floor %sub3A_212 : vector<64x160xf32>
    %floor3A_218 = math.floor %sub3A_216 : vector<64x160xf32>
    %sub3A_219 = arith.subf %sub3A_212, %floor3A_217 : vector<64x160xf32>
    %sub3A_220 = arith.subf %sub3A_216, %floor3A_218 : vector<64x160xf32>
    %convert_element_type3A_221 = arith.fptosi %floor3A_217 : vector<64x160xf32> to vector<64x160xi32>
    %convert_element_type3A_222 = arith.fptosi %floor3A_218 : vector<64x160xf32> to vector<64x160xi32>
    %convert_element_type3A_223 = arith.fptosi %convert_element_type3A_175 : vector<64x160xf32> to vector<64x160xi32>
    %convert_element_type3A_224 = arith.fptosi %convert_element_type3A_192 : vector<64x160xf32> to vector<64x160xi32>
    %sub3A_225 = arith.constant 1.000000e+00 : f32
    %sub3A_226 = vector.broadcast %sub3A_225 : f32 to vector<64x160xf32>
    %sub3A_227 = arith.subf %sub3A_226, %min3A_154 : vector<64x160xf32>
    %mul3A_228 = arith.mulf %div3A, %sub3A_227 : vector<64x160xf32>
    %sub3A_229 = arith.constant 1.000000e+00 : f32
    %sub3A_230 = vector.broadcast %sub3A_229 : f32 to vector<64x160xf32>
    %sub3A_231 = arith.subf %sub3A_230, %sub3A_219 : vector<64x160xf32>
    %sub3A_232 = arith.constant 1.000000e+00 : f32
    %sub3A_233 = vector.broadcast %sub3A_232 : f32 to vector<64x160xf32>
    %sub3A_234 = arith.subf %sub3A_233, %sub3A_220 : vector<64x160xf32>
    %mul3A_235 = arith.mulf %sub3A_231, %sub3A_234 : vector<64x160xf32>
    %sub3A_236 = arith.constant 1.000000e+00 : f32
    %sub3A_237 = vector.broadcast %sub3A_236 : f32 to vector<64x160xf32>
    %sub3A_238 = arith.subf %sub3A_237, %sub3A_219 : vector<64x160xf32>
    %mul3A_239 = arith.mulf %sub3A_238, %sub3A_220 : vector<64x160xf32>
    %sub3A_240 = arith.constant 1.000000e+00 : f32
    %sub3A_241 = vector.broadcast %sub3A_240 : f32 to vector<64x160xf32>
    %sub3A_242 = arith.subf %sub3A_241, %sub3A_220 : vector<64x160xf32>
    %mul3A_243 = arith.mulf %sub3A_219, %sub3A_242 : vector<64x160xf32>
    %mul3A_244 = arith.mulf %sub3A_219, %sub3A_220 : vector<64x160xf32>
    %add3A_245 = arith.constant 0 : i32
    %add3A_246 = vector.broadcast %add3A_245 : i32 to vector<64x160xi32>
    %add3A_247 = arith.addi %convert_element_type3A_221, %add3A_246 : vector<64x160xi32>
    %add3A_248 = arith.constant 0 : i32
    %add3A_249 = vector.broadcast %add3A_248 : i32 to vector<64x160xi32>
    %add3A_250 = arith.addi %convert_element_type3A_222, %add3A_249 : vector<64x160xi32>
    %ge3A = arith.constant 0 : i32
    %ge3A_251 = vector.broadcast %ge3A : i32 to vector<64x160xi32>
    %ge3A_252 = arith.cmpi sge, %add3A_247, %ge3A_251 : vector<64x160xi32>
    %lt3A_253 = arith.cmpi slt, %add3A_247, %convert_element_type3A_223 : vector<64x160xi32>
    %and3A_254 = arith.andi %ge3A_252, %lt3A_253 : vector<64x160xi1>
    %ge3A_255 = arith.constant 0 : i32
    %ge3A_256 = vector.broadcast %ge3A_255 : i32 to vector<64x160xi32>
    %ge3A_257 = arith.cmpi sge, %add3A_250, %ge3A_256 : vector<64x160xi32>
    %and3A_258 = arith.andi %and3A_254, %ge3A_257 : vector<64x160xi1>
    %lt3A_259 = arith.cmpi slt, %add3A_250, %convert_element_type3A_224 : vector<64x160xi32>
    %and3A_260 = arith.andi %and3A_258, %lt3A_259 : vector<64x160xi1>
    %sub3A_261 = arith.constant 1 : i32
    %sub3A_262 = vector.broadcast %sub3A_261 : i32 to vector<64x160xi32>
    %sub3A_263 = arith.subi %convert_element_type3A_223, %sub3A_262 : vector<64x160xi32>
    %jit3A_264 = arith.constant 0 : i32
    %max3A_265 = vector.broadcast %jit3A_264 : i32 to vector<64x160xi32>
    %max3A_266 = arith.maxsi %max3A_265, %add3A_247 : vector<64x160xi32>
    %min3A_267 = arith.minsi %sub3A_263, %max3A_266 : vector<64x160xi32>
    %sub3A_268 = arith.constant 1 : i32
    %sub3A_269 = vector.broadcast %sub3A_268 : i32 to vector<64x160xi32>
    %sub3A_270 = arith.subi %convert_element_type3A_224, %sub3A_269 : vector<64x160xi32>
    %jit3A_271 = arith.constant 0 : i32
    %max3A_272 = vector.broadcast %jit3A_271 : i32 to vector<64x160xi32>
    %max3A_273 = arith.maxsi %max3A_272, %add3A_250 : vector<64x160xi32>
    %min3A_274 = arith.minsi %sub3A_270, %max3A_273 : vector<64x160xi32>
    %mul3A_275 = arith.muli %min3A_267, %convert_element_type3A_224 : vector<64x160xi32>
    %add3A_276 = arith.addi %select_n3A_208, %mul3A_275 : vector<64x160xi32>
    %add3A_277 = arith.addi %add3A_276, %min3A_274 : vector<64x160xi32>
    %mul3A_278 = arith.mulf %mul3A_228, %mul3A_235 : vector<64x160xf32>
    %jit3A_279 = arith.constant 0.000000e+00 : f32
    %broadcast_in_dim3A_280 = vector.broadcast %jit3A_279 : f32 to vector<64x160xf32>
    %select_n3A_281 = arith.select %and3A_260, %mul3A_278, %broadcast_in_dim3A_280 : vector<64x160xi1>, vector<64x160xf32>
    %add3A_282 = arith.constant 0 : i32
    %add3A_283 = vector.broadcast %add3A_282 : i32 to vector<64x160xi32>
    %add3A_284 = arith.addi %convert_element_type3A_221, %add3A_283 : vector<64x160xi32>
    %add3A_285 = arith.constant 1 : i32
    %add3A_286 = vector.broadcast %add3A_285 : i32 to vector<64x160xi32>
    %add3A_287 = arith.addi %convert_element_type3A_222, %add3A_286 : vector<64x160xi32>
    %ge3A_288 = arith.constant 0 : i32
    %ge3A_289 = vector.broadcast %ge3A_288 : i32 to vector<64x160xi32>
    %ge3A_290 = arith.cmpi sge, %add3A_284, %ge3A_289 : vector<64x160xi32>
    %lt3A_291 = arith.cmpi slt, %add3A_284, %convert_element_type3A_223 : vector<64x160xi32>
    %and3A_292 = arith.andi %ge3A_290, %lt3A_291 : vector<64x160xi1>
    %ge3A_293 = arith.constant 0 : i32
    %ge3A_294 = vector.broadcast %ge3A_293 : i32 to vector<64x160xi32>
    %ge3A_295 = arith.cmpi sge, %add3A_287, %ge3A_294 : vector<64x160xi32>
    %and3A_296 = arith.andi %and3A_292, %ge3A_295 : vector<64x160xi1>
    %lt3A_297 = arith.cmpi slt, %add3A_287, %convert_element_type3A_224 : vector<64x160xi32>
    %and3A_298 = arith.andi %and3A_296, %lt3A_297 : vector<64x160xi1>
    %sub3A_299 = arith.constant 1 : i32
    %sub3A_300 = vector.broadcast %sub3A_299 : i32 to vector<64x160xi32>
    %sub3A_301 = arith.subi %convert_element_type3A_223, %sub3A_300 : vector<64x160xi32>
    %jit3A_302 = arith.constant 0 : i32
    %max3A_303 = vector.broadcast %jit3A_302 : i32 to vector<64x160xi32>
    %max3A_304 = arith.maxsi %max3A_303, %add3A_284 : vector<64x160xi32>
    %min3A_305 = arith.minsi %sub3A_301, %max3A_304 : vector<64x160xi32>
    %sub3A_306 = arith.constant 1 : i32
    %sub3A_307 = vector.broadcast %sub3A_306 : i32 to vector<64x160xi32>
    %sub3A_308 = arith.subi %convert_element_type3A_224, %sub3A_307 : vector<64x160xi32>
    %jit3A_309 = arith.constant 0 : i32
    %max3A_310 = vector.broadcast %jit3A_309 : i32 to vector<64x160xi32>
    %max3A_311 = arith.maxsi %max3A_310, %add3A_287 : vector<64x160xi32>
    %min3A_312 = arith.minsi %sub3A_308, %max3A_311 : vector<64x160xi32>
    %mul3A_313 = arith.muli %min3A_305, %convert_element_type3A_224 : vector<64x160xi32>
    %add3A_314 = arith.addi %select_n3A_208, %mul3A_313 : vector<64x160xi32>
    %add3A_315 = arith.addi %add3A_314, %min3A_312 : vector<64x160xi32>
    %mul3A_316 = arith.mulf %mul3A_228, %mul3A_239 : vector<64x160xf32>
    %jit3A_317 = arith.constant 0.000000e+00 : f32
    %broadcast_in_dim3A_318 = vector.broadcast %jit3A_317 : f32 to vector<64x160xf32>
    %select_n3A_319 = arith.select %and3A_298, %mul3A_316, %broadcast_in_dim3A_318 : vector<64x160xi1>, vector<64x160xf32>
    %add3A_320 = arith.constant 1 : i32
    %add3A_321 = vector.broadcast %add3A_320 : i32 to vector<64x160xi32>
    %add3A_322 = arith.addi %convert_element_type3A_221, %add3A_321 : vector<64x160xi32>
    %add3A_323 = arith.constant 0 : i32
    %add3A_324 = vector.broadcast %add3A_323 : i32 to vector<64x160xi32>
    %add3A_325 = arith.addi %convert_element_type3A_222, %add3A_324 : vector<64x160xi32>
    %ge3A_326 = arith.constant 0 : i32
    %ge3A_327 = vector.broadcast %ge3A_326 : i32 to vector<64x160xi32>
    %ge3A_328 = arith.cmpi sge, %add3A_322, %ge3A_327 : vector<64x160xi32>
    %lt3A_329 = arith.cmpi slt, %add3A_322, %convert_element_type3A_223 : vector<64x160xi32>
    %and3A_330 = arith.andi %ge3A_328, %lt3A_329 : vector<64x160xi1>
    %ge3A_331 = arith.constant 0 : i32
    %ge3A_332 = vector.broadcast %ge3A_331 : i32 to vector<64x160xi32>
    %ge3A_333 = arith.cmpi sge, %add3A_325, %ge3A_332 : vector<64x160xi32>
    %and3A_334 = arith.andi %and3A_330, %ge3A_333 : vector<64x160xi1>
    %lt3A_335 = arith.cmpi slt, %add3A_325, %convert_element_type3A_224 : vector<64x160xi32>
    %and3A_336 = arith.andi %and3A_334, %lt3A_335 : vector<64x160xi1>
    %sub3A_337 = arith.constant 1 : i32
    %sub3A_338 = vector.broadcast %sub3A_337 : i32 to vector<64x160xi32>
    %sub3A_339 = arith.subi %convert_element_type3A_223, %sub3A_338 : vector<64x160xi32>
    %jit3A_340 = arith.constant 0 : i32
    %max3A_341 = vector.broadcast %jit3A_340 : i32 to vector<64x160xi32>
    %max3A_342 = arith.maxsi %max3A_341, %add3A_322 : vector<64x160xi32>
    %min3A_343 = arith.minsi %sub3A_339, %max3A_342 : vector<64x160xi32>
    %sub3A_344 = arith.constant 1 : i32
    %sub3A_345 = vector.broadcast %sub3A_344 : i32 to vector<64x160xi32>
    %sub3A_346 = arith.subi %convert_element_type3A_224, %sub3A_345 : vector<64x160xi32>
    %jit3A_347 = arith.constant 0 : i32
    %max3A_348 = vector.broadcast %jit3A_347 : i32 to vector<64x160xi32>
    %max3A_349 = arith.maxsi %max3A_348, %add3A_325 : vector<64x160xi32>
    %min3A_350 = arith.minsi %sub3A_346, %max3A_349 : vector<64x160xi32>
    %mul3A_351 = arith.muli %min3A_343, %convert_element_type3A_224 : vector<64x160xi32>
    %add3A_352 = arith.addi %select_n3A_208, %mul3A_351 : vector<64x160xi32>
    %add3A_353 = arith.addi %add3A_352, %min3A_350 : vector<64x160xi32>
    %mul3A_354 = arith.mulf %mul3A_228, %mul3A_243 : vector<64x160xf32>
    %jit3A_355 = arith.constant 0.000000e+00 : f32
    %broadcast_in_dim3A_356 = vector.broadcast %jit3A_355 : f32 to vector<64x160xf32>
    %select_n3A_357 = arith.select %and3A_336, %mul3A_354, %broadcast_in_dim3A_356 : vector<64x160xi1>, vector<64x160xf32>
    %add3A_358 = arith.constant 1 : i32
    %add3A_359 = vector.broadcast %add3A_358 : i32 to vector<64x160xi32>
    %add3A_360 = arith.addi %convert_element_type3A_221, %add3A_359 : vector<64x160xi32>
    %add3A_361 = arith.constant 1 : i32
    %add3A_362 = vector.broadcast %add3A_361 : i32 to vector<64x160xi32>
    %add3A_363 = arith.addi %convert_element_type3A_222, %add3A_362 : vector<64x160xi32>
    %ge3A_364 = arith.constant 0 : i32
    %ge3A_365 = vector.broadcast %ge3A_364 : i32 to vector<64x160xi32>
    %ge3A_366 = arith.cmpi sge, %add3A_360, %ge3A_365 : vector<64x160xi32>
    %lt3A_367 = arith.cmpi slt, %add3A_360, %convert_element_type3A_223 : vector<64x160xi32>
    %and3A_368 = arith.andi %ge3A_366, %lt3A_367 : vector<64x160xi1>
    %ge3A_369 = arith.constant 0 : i32
    %ge3A_370 = vector.broadcast %ge3A_369 : i32 to vector<64x160xi32>
    %ge3A_371 = arith.cmpi sge, %add3A_363, %ge3A_370 : vector<64x160xi32>
    %and3A_372 = arith.andi %and3A_368, %ge3A_371 : vector<64x160xi1>
    %lt3A_373 = arith.cmpi slt, %add3A_363, %convert_element_type3A_224 : vector<64x160xi32>
    %and3A_374 = arith.andi %and3A_372, %lt3A_373 : vector<64x160xi1>
    %sub3A_375 = arith.constant 1 : i32
    %sub3A_376 = vector.broadcast %sub3A_375 : i32 to vector<64x160xi32>
    %sub3A_377 = arith.subi %convert_element_type3A_223, %sub3A_376 : vector<64x160xi32>
    %jit3A_378 = arith.constant 0 : i32
    %max3A_379 = vector.broadcast %jit3A_378 : i32 to vector<64x160xi32>
    %max3A_380 = arith.maxsi %max3A_379, %add3A_360 : vector<64x160xi32>
    %min3A_381 = arith.minsi %sub3A_377, %max3A_380 : vector<64x160xi32>
    %sub3A_382 = arith.constant 1 : i32
    %sub3A_383 = vector.broadcast %sub3A_382 : i32 to vector<64x160xi32>
    %sub3A_384 = arith.subi %convert_element_type3A_224, %sub3A_383 : vector<64x160xi32>
    %jit3A_385 = arith.constant 0 : i32
    %max3A_386 = vector.broadcast %jit3A_385 : i32 to vector<64x160xi32>
    %max3A_387 = arith.maxsi %max3A_386, %add3A_363 : vector<64x160xi32>
    %min3A_388 = arith.minsi %sub3A_384, %max3A_387 : vector<64x160xi32>
    %mul3A_389 = arith.muli %min3A_381, %convert_element_type3A_224 : vector<64x160xi32>
    %add3A_390 = arith.addi %select_n3A_208, %mul3A_389 : vector<64x160xi32>
    %add3A_391 = arith.addi %add3A_390, %min3A_388 : vector<64x160xi32>
    %mul3A_392 = arith.mulf %mul3A_228, %mul3A_244 : vector<64x160xf32>
    %jit3A_393 = arith.constant 0.000000e+00 : f32
    %broadcast_in_dim3A_394 = vector.broadcast %jit3A_393 : f32 to vector<64x160xf32>
    %select_n3A_395 = arith.select %and3A_374, %mul3A_392, %broadcast_in_dim3A_394 : vector<64x160xi1>, vector<64x160xf32>
    %add3A_396 = arith.constant 1 : i32
    %add3A_397 = vector.broadcast %add3A_396 : i32 to vector<64x160xi32>
    %add3A_398 = arith.addi %convert_element_type3A_155, %add3A_397 : vector<64x160xi32>
    %eq3A_399 = arith.constant 0 : i32
    %eq3A_400 = vector.broadcast %eq3A_399 : i32 to vector<64x160xi32>
    %eq3A_401 = arith.cmpi eq, %add3A_398, %eq3A_400 : vector<64x160xi32>
    %eq3A_402 = arith.constant 1 : i32
    %eq3A_403 = vector.broadcast %eq3A_402 : i32 to vector<64x160xi32>
    %eq3A_404 = arith.cmpi eq, %add3A_398, %eq3A_403 : vector<64x160xi32>
    %eq3A_405 = arith.constant 2 : i32
    %eq3A_406 = vector.broadcast %eq3A_405 : i32 to vector<64x160xi32>
    %eq3A_407 = arith.cmpi eq, %add3A_398, %eq3A_406 : vector<64x160xi32>
    %broadcast_in_dim3A_408 = vector.broadcast %get3A_41 : i32 to vector<64x160xi32>
    %broadcast_in_dim3A_409 = vector.broadcast %get3A_47 : i32 to vector<64x160xi32>
    %select_n3A_410 = arith.select %eq3A_407, %broadcast_in_dim3A_408, %broadcast_in_dim3A_409 : vector<64x160xi1>, vector<64x160xi32>
    %broadcast_in_dim3A_411 = vector.broadcast %get3A_35 : i32 to vector<64x160xi32>
    %select_n3A_412 = arith.select %eq3A_404, %broadcast_in_dim3A_411, %select_n3A_410 : vector<64x160xi1>, vector<64x160xi32>
    %broadcast_in_dim3A_413 = vector.broadcast %get3A_29 : i32 to vector<64x160xi32>
    %select_n3A_414 = arith.select %eq3A_401, %broadcast_in_dim3A_413, %select_n3A_412 : vector<64x160xi1>, vector<64x160xi32>
    %convert_element_type3A_415 = arith.sitofp %select_n3A_414 : vector<64x160xi32> to vector<64x160xf32>
    %eq3A_416 = arith.constant 0 : i32
    %eq3A_417 = vector.broadcast %eq3A_416 : i32 to vector<64x160xi32>
    %eq3A_418 = arith.cmpi eq, %add3A_398, %eq3A_417 : vector<64x160xi32>
    %eq3A_419 = arith.constant 1 : i32
    %eq3A_420 = vector.broadcast %eq3A_419 : i32 to vector<64x160xi32>
    %eq3A_421 = arith.cmpi eq, %add3A_398, %eq3A_420 : vector<64x160xi32>
    %eq3A_422 = arith.constant 2 : i32
    %eq3A_423 = vector.broadcast %eq3A_422 : i32 to vector<64x160xi32>
    %eq3A_424 = arith.cmpi eq, %add3A_398, %eq3A_423 : vector<64x160xi32>
    %broadcast_in_dim3A_425 = vector.broadcast %get3A_44 : i32 to vector<64x160xi32>
    %broadcast_in_dim3A_426 = vector.broadcast %get3A_50 : i32 to vector<64x160xi32>
    %select_n3A_427 = arith.select %eq3A_424, %broadcast_in_dim3A_425, %broadcast_in_dim3A_426 : vector<64x160xi1>, vector<64x160xi32>
    %broadcast_in_dim3A_428 = vector.broadcast %get3A_38 : i32 to vector<64x160xi32>
    %select_n3A_429 = arith.select %eq3A_421, %broadcast_in_dim3A_428, %select_n3A_427 : vector<64x160xi1>, vector<64x160xi32>
    %broadcast_in_dim3A_430 = vector.broadcast %get3A_32 : i32 to vector<64x160xi32>
    %select_n3A_431 = arith.select %eq3A_418, %broadcast_in_dim3A_430, %select_n3A_429 : vector<64x160xi1>, vector<64x160xi32>
    %convert_element_type3A_432 = arith.sitofp %select_n3A_431 : vector<64x160xi32> to vector<64x160xf32>
    %eq3A_433 = arith.constant 0 : i32
    %eq3A_434 = vector.broadcast %eq3A_433 : i32 to vector<64x160xi32>
    %eq3A_435 = arith.cmpi eq, %add3A_398, %eq3A_434 : vector<64x160xi32>
    %eq3A_436 = arith.constant 1 : i32
    %eq3A_437 = vector.broadcast %eq3A_436 : i32 to vector<64x160xi32>
    %eq3A_438 = arith.cmpi eq, %add3A_398, %eq3A_437 : vector<64x160xi32>
    %eq3A_439 = arith.constant 2 : i32
    %eq3A_440 = vector.broadcast %eq3A_439 : i32 to vector<64x160xi32>
    %eq3A_441 = arith.cmpi eq, %add3A_398, %eq3A_440 : vector<64x160xi32>
    %broadcast_in_dim3A_442 = vector.broadcast %get3A_56 : i32 to vector<64x160xi32>
    %broadcast_in_dim3A_443 = vector.broadcast %get3A_58 : i32 to vector<64x160xi32>
    %select_n3A_444 = arith.select %eq3A_441, %broadcast_in_dim3A_442, %broadcast_in_dim3A_443 : vector<64x160xi1>, vector<64x160xi32>
    %broadcast_in_dim3A_445 = vector.broadcast %get3A_54 : i32 to vector<64x160xi32>
    %select_n3A_446 = arith.select %eq3A_438, %broadcast_in_dim3A_445, %select_n3A_444 : vector<64x160xi1>, vector<64x160xi32>
    %broadcast_in_dim3A_447 = vector.broadcast %get3A_52 : i32 to vector<64x160xi32>
    %select_n3A_448 = arith.select %eq3A_435, %broadcast_in_dim3A_447, %select_n3A_446 : vector<64x160xi1>, vector<64x160xi32>
    %mul3A_449 = arith.mulf %add3A_109, %convert_element_type3A_415 : vector<64x160xf32>
    %sub3A_450 = arith.constant 5.000000e-01 : f32
    %sub3A_451 = vector.broadcast %sub3A_450 : f32 to vector<64x160xf32>
    %sub3A_452 = arith.subf %mul3A_449, %sub3A_451 : vector<64x160xf32>
    %mul3A_453 = arith.mulf %add3A_99, %convert_element_type3A_432 : vector<64x160xf32>
    %sub3A_454 = arith.constant 5.000000e-01 : f32
    %sub3A_455 = vector.broadcast %sub3A_454 : f32 to vector<64x160xf32>
    %sub3A_456 = arith.subf %mul3A_453, %sub3A_455 : vector<64x160xf32>
    %floor3A_457 = math.floor %sub3A_452 : vector<64x160xf32>
    %floor3A_458 = math.floor %sub3A_456 : vector<64x160xf32>
    %sub3A_459 = arith.subf %sub3A_452, %floor3A_457 : vector<64x160xf32>
    %sub3A_460 = arith.subf %sub3A_456, %floor3A_458 : vector<64x160xf32>
    %convert_element_type3A_461 = arith.fptosi %floor3A_457 : vector<64x160xf32> to vector<64x160xi32>
    %convert_element_type3A_462 = arith.fptosi %floor3A_458 : vector<64x160xf32> to vector<64x160xi32>
    %convert_element_type3A_463 = arith.fptosi %convert_element_type3A_415 : vector<64x160xf32> to vector<64x160xi32>
    %convert_element_type3A_464 = arith.fptosi %convert_element_type3A_432 : vector<64x160xf32> to vector<64x160xi32>
    %mul3A_465 = arith.mulf %div3A, %min3A_154 : vector<64x160xf32>
    %sub3A_466 = arith.constant 1.000000e+00 : f32
    %sub3A_467 = vector.broadcast %sub3A_466 : f32 to vector<64x160xf32>
    %sub3A_468 = arith.subf %sub3A_467, %sub3A_459 : vector<64x160xf32>
    %sub3A_469 = arith.constant 1.000000e+00 : f32
    %sub3A_470 = vector.broadcast %sub3A_469 : f32 to vector<64x160xf32>
    %sub3A_471 = arith.subf %sub3A_470, %sub3A_460 : vector<64x160xf32>
    %mul3A_472 = arith.mulf %sub3A_468, %sub3A_471 : vector<64x160xf32>
    %sub3A_473 = arith.constant 1.000000e+00 : f32
    %sub3A_474 = vector.broadcast %sub3A_473 : f32 to vector<64x160xf32>
    %sub3A_475 = arith.subf %sub3A_474, %sub3A_459 : vector<64x160xf32>
    %mul3A_476 = arith.mulf %sub3A_475, %sub3A_460 : vector<64x160xf32>
    %sub3A_477 = arith.constant 1.000000e+00 : f32
    %sub3A_478 = vector.broadcast %sub3A_477 : f32 to vector<64x160xf32>
    %sub3A_479 = arith.subf %sub3A_478, %sub3A_460 : vector<64x160xf32>
    %mul3A_480 = arith.mulf %sub3A_459, %sub3A_479 : vector<64x160xf32>
    %mul3A_481 = arith.mulf %sub3A_459, %sub3A_460 : vector<64x160xf32>
    %add3A_482 = arith.constant 0 : i32
    %add3A_483 = vector.broadcast %add3A_482 : i32 to vector<64x160xi32>
    %add3A_484 = arith.addi %convert_element_type3A_461, %add3A_483 : vector<64x160xi32>
    %add3A_485 = arith.constant 0 : i32
    %add3A_486 = vector.broadcast %add3A_485 : i32 to vector<64x160xi32>
    %add3A_487 = arith.addi %convert_element_type3A_462, %add3A_486 : vector<64x160xi32>
    %ge3A_488 = arith.constant 0 : i32
    %ge3A_489 = vector.broadcast %ge3A_488 : i32 to vector<64x160xi32>
    %ge3A_490 = arith.cmpi sge, %add3A_484, %ge3A_489 : vector<64x160xi32>
    %lt3A_491 = arith.cmpi slt, %add3A_484, %convert_element_type3A_463 : vector<64x160xi32>
    %and3A_492 = arith.andi %ge3A_490, %lt3A_491 : vector<64x160xi1>
    %ge3A_493 = arith.constant 0 : i32
    %ge3A_494 = vector.broadcast %ge3A_493 : i32 to vector<64x160xi32>
    %ge3A_495 = arith.cmpi sge, %add3A_487, %ge3A_494 : vector<64x160xi32>
    %and3A_496 = arith.andi %and3A_492, %ge3A_495 : vector<64x160xi1>
    %lt3A_497 = arith.cmpi slt, %add3A_487, %convert_element_type3A_464 : vector<64x160xi32>
    %and3A_498 = arith.andi %and3A_496, %lt3A_497 : vector<64x160xi1>
    %sub3A_499 = arith.constant 1 : i32
    %sub3A_500 = vector.broadcast %sub3A_499 : i32 to vector<64x160xi32>
    %sub3A_501 = arith.subi %convert_element_type3A_463, %sub3A_500 : vector<64x160xi32>
    %jit3A_502 = arith.constant 0 : i32
    %max3A_503 = vector.broadcast %jit3A_502 : i32 to vector<64x160xi32>
    %max3A_504 = arith.maxsi %max3A_503, %add3A_484 : vector<64x160xi32>
    %min3A_505 = arith.minsi %sub3A_501, %max3A_504 : vector<64x160xi32>
    %sub3A_506 = arith.constant 1 : i32
    %sub3A_507 = vector.broadcast %sub3A_506 : i32 to vector<64x160xi32>
    %sub3A_508 = arith.subi %convert_element_type3A_464, %sub3A_507 : vector<64x160xi32>
    %jit3A_509 = arith.constant 0 : i32
    %max3A_510 = vector.broadcast %jit3A_509 : i32 to vector<64x160xi32>
    %max3A_511 = arith.maxsi %max3A_510, %add3A_487 : vector<64x160xi32>
    %min3A_512 = arith.minsi %sub3A_508, %max3A_511 : vector<64x160xi32>
    %mul3A_513 = arith.muli %min3A_505, %convert_element_type3A_464 : vector<64x160xi32>
    %add3A_514 = arith.addi %select_n3A_448, %mul3A_513 : vector<64x160xi32>
    %add3A_515 = arith.addi %add3A_514, %min3A_512 : vector<64x160xi32>
    %mul3A_516 = arith.mulf %mul3A_465, %mul3A_472 : vector<64x160xf32>
    %jit3A_517 = arith.constant 0.000000e+00 : f32
    %broadcast_in_dim3A_518 = vector.broadcast %jit3A_517 : f32 to vector<64x160xf32>
    %select_n3A_519 = arith.select %and3A_498, %mul3A_516, %broadcast_in_dim3A_518 : vector<64x160xi1>, vector<64x160xf32>
    %add3A_520 = arith.constant 0 : i32
    %add3A_521 = vector.broadcast %add3A_520 : i32 to vector<64x160xi32>
    %add3A_522 = arith.addi %convert_element_type3A_461, %add3A_521 : vector<64x160xi32>
    %add3A_523 = arith.constant 1 : i32
    %add3A_524 = vector.broadcast %add3A_523 : i32 to vector<64x160xi32>
    %add3A_525 = arith.addi %convert_element_type3A_462, %add3A_524 : vector<64x160xi32>
    %ge3A_526 = arith.constant 0 : i32
    %ge3A_527 = vector.broadcast %ge3A_526 : i32 to vector<64x160xi32>
    %ge3A_528 = arith.cmpi sge, %add3A_522, %ge3A_527 : vector<64x160xi32>
    %lt3A_529 = arith.cmpi slt, %add3A_522, %convert_element_type3A_463 : vector<64x160xi32>
    %and3A_530 = arith.andi %ge3A_528, %lt3A_529 : vector<64x160xi1>
    %ge3A_531 = arith.constant 0 : i32
    %ge3A_532 = vector.broadcast %ge3A_531 : i32 to vector<64x160xi32>
    %ge3A_533 = arith.cmpi sge, %add3A_525, %ge3A_532 : vector<64x160xi32>
    %and3A_534 = arith.andi %and3A_530, %ge3A_533 : vector<64x160xi1>
    %lt3A_535 = arith.cmpi slt, %add3A_525, %convert_element_type3A_464 : vector<64x160xi32>
    %and3A_536 = arith.andi %and3A_534, %lt3A_535 : vector<64x160xi1>
    %sub3A_537 = arith.constant 1 : i32
    %sub3A_538 = vector.broadcast %sub3A_537 : i32 to vector<64x160xi32>
    %sub3A_539 = arith.subi %convert_element_type3A_463, %sub3A_538 : vector<64x160xi32>
    %jit3A_540 = arith.constant 0 : i32
    %max3A_541 = vector.broadcast %jit3A_540 : i32 to vector<64x160xi32>
    %max3A_542 = arith.maxsi %max3A_541, %add3A_522 : vector<64x160xi32>
    %min3A_543 = arith.minsi %sub3A_539, %max3A_542 : vector<64x160xi32>
    %sub3A_544 = arith.constant 1 : i32
    %sub3A_545 = vector.broadcast %sub3A_544 : i32 to vector<64x160xi32>
    %sub3A_546 = arith.subi %convert_element_type3A_464, %sub3A_545 : vector<64x160xi32>
    %jit3A_547 = arith.constant 0 : i32
    %max3A_548 = vector.broadcast %jit3A_547 : i32 to vector<64x160xi32>
    %max3A_549 = arith.maxsi %max3A_548, %add3A_525 : vector<64x160xi32>
    %min3A_550 = arith.minsi %sub3A_546, %max3A_549 : vector<64x160xi32>
    %mul3A_551 = arith.muli %min3A_543, %convert_element_type3A_464 : vector<64x160xi32>
    %add3A_552 = arith.addi %select_n3A_448, %mul3A_551 : vector<64x160xi32>
    %add3A_553 = arith.addi %add3A_552, %min3A_550 : vector<64x160xi32>
    %mul3A_554 = arith.mulf %mul3A_465, %mul3A_476 : vector<64x160xf32>
    %jit3A_555 = arith.constant 0.000000e+00 : f32
    %broadcast_in_dim3A_556 = vector.broadcast %jit3A_555 : f32 to vector<64x160xf32>
    %select_n3A_557 = arith.select %and3A_536, %mul3A_554, %broadcast_in_dim3A_556 : vector<64x160xi1>, vector<64x160xf32>
    %add3A_558 = arith.constant 1 : i32
    %add3A_559 = vector.broadcast %add3A_558 : i32 to vector<64x160xi32>
    %add3A_560 = arith.addi %convert_element_type3A_461, %add3A_559 : vector<64x160xi32>
    %add3A_561 = arith.constant 0 : i32
    %add3A_562 = vector.broadcast %add3A_561 : i32 to vector<64x160xi32>
    %add3A_563 = arith.addi %convert_element_type3A_462, %add3A_562 : vector<64x160xi32>
    %ge3A_564 = arith.constant 0 : i32
    %ge3A_565 = vector.broadcast %ge3A_564 : i32 to vector<64x160xi32>
    %ge3A_566 = arith.cmpi sge, %add3A_560, %ge3A_565 : vector<64x160xi32>
    %lt3A_567 = arith.cmpi slt, %add3A_560, %convert_element_type3A_463 : vector<64x160xi32>
    %and3A_568 = arith.andi %ge3A_566, %lt3A_567 : vector<64x160xi1>
    %ge3A_569 = arith.constant 0 : i32
    %ge3A_570 = vector.broadcast %ge3A_569 : i32 to vector<64x160xi32>
    %ge3A_571 = arith.cmpi sge, %add3A_563, %ge3A_570 : vector<64x160xi32>
    %and3A_572 = arith.andi %and3A_568, %ge3A_571 : vector<64x160xi1>
    %lt3A_573 = arith.cmpi slt, %add3A_563, %convert_element_type3A_464 : vector<64x160xi32>
    %and3A_574 = arith.andi %and3A_572, %lt3A_573 : vector<64x160xi1>
    %sub3A_575 = arith.constant 1 : i32
    %sub3A_576 = vector.broadcast %sub3A_575 : i32 to vector<64x160xi32>
    %sub3A_577 = arith.subi %convert_element_type3A_463, %sub3A_576 : vector<64x160xi32>
    %jit3A_578 = arith.constant 0 : i32
    %max3A_579 = vector.broadcast %jit3A_578 : i32 to vector<64x160xi32>
    %max3A_580 = arith.maxsi %max3A_579, %add3A_560 : vector<64x160xi32>
    %min3A_581 = arith.minsi %sub3A_577, %max3A_580 : vector<64x160xi32>
    %sub3A_582 = arith.constant 1 : i32
    %sub3A_583 = vector.broadcast %sub3A_582 : i32 to vector<64x160xi32>
    %sub3A_584 = arith.subi %convert_element_type3A_464, %sub3A_583 : vector<64x160xi32>
    %jit3A_585 = arith.constant 0 : i32
    %max3A_586 = vector.broadcast %jit3A_585 : i32 to vector<64x160xi32>
    %max3A_587 = arith.maxsi %max3A_586, %add3A_563 : vector<64x160xi32>
    %min3A_588 = arith.minsi %sub3A_584, %max3A_587 : vector<64x160xi32>
    %mul3A_589 = arith.muli %min3A_581, %convert_element_type3A_464 : vector<64x160xi32>
    %add3A_590 = arith.addi %select_n3A_448, %mul3A_589 : vector<64x160xi32>
    %add3A_591 = arith.addi %add3A_590, %min3A_588 : vector<64x160xi32>
    %mul3A_592 = arith.mulf %mul3A_465, %mul3A_480 : vector<64x160xf32>
    %jit3A_593 = arith.constant 0.000000e+00 : f32
    %broadcast_in_dim3A_594 = vector.broadcast %jit3A_593 : f32 to vector<64x160xf32>
    %select_n3A_595 = arith.select %and3A_574, %mul3A_592, %broadcast_in_dim3A_594 : vector<64x160xi1>, vector<64x160xf32>
    %add3A_596 = arith.constant 1 : i32
    %add3A_597 = vector.broadcast %add3A_596 : i32 to vector<64x160xi32>
    %add3A_598 = arith.addi %convert_element_type3A_461, %add3A_597 : vector<64x160xi32>
    %add3A_599 = arith.constant 1 : i32
    %add3A_600 = vector.broadcast %add3A_599 : i32 to vector<64x160xi32>
    %add3A_601 = arith.addi %convert_element_type3A_462, %add3A_600 : vector<64x160xi32>
    %ge3A_602 = arith.constant 0 : i32
    %ge3A_603 = vector.broadcast %ge3A_602 : i32 to vector<64x160xi32>
    %ge3A_604 = arith.cmpi sge, %add3A_598, %ge3A_603 : vector<64x160xi32>
    %lt3A_605 = arith.cmpi slt, %add3A_598, %convert_element_type3A_463 : vector<64x160xi32>
    %and3A_606 = arith.andi %ge3A_604, %lt3A_605 : vector<64x160xi1>
    %ge3A_607 = arith.constant 0 : i32
    %ge3A_608 = vector.broadcast %ge3A_607 : i32 to vector<64x160xi32>
    %ge3A_609 = arith.cmpi sge, %add3A_601, %ge3A_608 : vector<64x160xi32>
    %and3A_610 = arith.andi %and3A_606, %ge3A_609 : vector<64x160xi1>
    %lt3A_611 = arith.cmpi slt, %add3A_601, %convert_element_type3A_464 : vector<64x160xi32>
    %and3A_612 = arith.andi %and3A_610, %lt3A_611 : vector<64x160xi1>
    %sub3A_613 = arith.constant 1 : i32
    %sub3A_614 = vector.broadcast %sub3A_613 : i32 to vector<64x160xi32>
    %sub3A_615 = arith.subi %convert_element_type3A_463, %sub3A_614 : vector<64x160xi32>
    %jit3A_616 = arith.constant 0 : i32
    %max3A_617 = vector.broadcast %jit3A_616 : i32 to vector<64x160xi32>
    %max3A_618 = arith.maxsi %max3A_617, %add3A_598 : vector<64x160xi32>
    %min3A_619 = arith.minsi %sub3A_615, %max3A_618 : vector<64x160xi32>
    %sub3A_620 = arith.constant 1 : i32
    %sub3A_621 = vector.broadcast %sub3A_620 : i32 to vector<64x160xi32>
    %sub3A_622 = arith.subi %convert_element_type3A_464, %sub3A_621 : vector<64x160xi32>
    %jit3A_623 = arith.constant 0 : i32
    %max3A_624 = vector.broadcast %jit3A_623 : i32 to vector<64x160xi32>
    %max3A_625 = arith.maxsi %max3A_624, %add3A_601 : vector<64x160xi32>
    %min3A_626 = arith.minsi %sub3A_622, %max3A_625 : vector<64x160xi32>
    %mul3A_627 = arith.muli %min3A_619, %convert_element_type3A_464 : vector<64x160xi32>
    %add3A_628 = arith.addi %select_n3A_448, %mul3A_627 : vector<64x160xi32>
    %add3A_629 = arith.addi %add3A_628, %min3A_626 : vector<64x160xi32>
    %mul3A_630 = arith.mulf %mul3A_465, %mul3A_481 : vector<64x160xf32>
    %jit3A_631 = arith.constant 0.000000e+00 : f32
    %broadcast_in_dim3A_632 = vector.broadcast %jit3A_631 : f32 to vector<64x160xf32>
    %select_n3A_633 = arith.select %and3A_612, %mul3A_630, %broadcast_in_dim3A_632 : vector<64x160xi1>, vector<64x160xf32>
    %slice3A_634 = vector.extract_strided_slice %add3A_277 {offsets = [0, 0], sizes = [8, 160], strides = [1, 1]} : vector<64x160xi32> to vector<8x160xi32>
    %swap3A = arith.constant 0 : index
    %swap3A_635 = arith.constant 0 : index
    %swap3A_636 = arith.constant 0 : index
    %swap3A_637 = arith.constant 0 : index
    %swap3A_638 = vector.load %arg10[%swap3A, %swap3A_635, %swap3A_636, %swap3A_637] : memref<8x1x64x160xi32, #tpu.memory_space<vmem>>, vector<1x1x8x160xi32>
    %swap3A_639 = vector.shape_cast %swap3A_638 : vector<1x1x8x160xi32> to vector<8x160xi32>
    %swap3A_640 = vector.shape_cast %slice3A_634 : vector<8x160xi32> to vector<1x1x8x160xi32>
    tpu.vector_store %arg10[%swap3A, %swap3A_635, %swap3A_636, %swap3A_637], %swap3A_640 {strides = array<i32>} : memref<8x1x64x160xi32, #tpu.memory_space<vmem>>, vector<1x1x8x160xi32>,
    %slice3A_641 = vector.extract_strided_slice %select_n3A_281 {offsets = [0, 0], sizes = [8, 160], strides = [1, 1]} : vector<64x160xf32> to vector<8x160xf32>
    %swap3A_642 = arith.constant 0 : index
    %swap3A_643 = arith.constant 0 : index
    %swap3A_644 = arith.constant 0 : index
    %swap3A_645 = arith.constant 0 : index
    %swap3A_646 = vector.load %arg11[%swap3A_642, %swap3A_643, %swap3A_644, %swap3A_645] : memref<8x1x64x160xf32, #tpu.memory_space<vmem>>, vector<1x1x8x160xf32>
    %swap3A_647 = vector.shape_cast %swap3A_646 : vector<1x1x8x160xf32> to vector<8x160xf32>
    %swap3A_648 = vector.shape_cast %slice3A_641 : vector<8x160xf32> to vector<1x1x8x160xf32>
    tpu.vector_store %arg11[%swap3A_642, %swap3A_643, %swap3A_644, %swap3A_645], %swap3A_648 {strides = array<i32>} : memref<8x1x64x160xf32, #tpu.memory_space<vmem>>, vector<1x1x8x160xf32>,
    %slice3A_649 = vector.extract_strided_slice %add3A_315 {offsets = [0, 0], sizes = [8, 160], strides = [1, 1]} : vector<64x160xi32> to vector<8x160xi32>
    %swap3A_650 = arith.constant 0 : index
    %swap3A_651 = arith.constant 0 : index
    %swap3A_652 = arith.constant 8 : index
    %swap3A_653 = arith.constant 0 : index
    %swap3A_654 = vector.load %arg10[%swap3A_650, %swap3A_651, %swap3A_652, %swap3A_653] : memref<8x1x64x160xi32, #tpu.memory_space<vmem>>, vector<1x1x8x160xi32>
    %swap3A_655 = vector.shape_cast %swap3A_654 : vector<1x1x8x160xi32> to vector<8x160xi32>
    %swap3A_656 = vector.shape_cast %slice3A_649 : vector<8x160xi32> to vector<1x1x8x160xi32>
    tpu.vector_store %arg10[%swap3A_650, %swap3A_651, %swap3A_652, %swap3A_653], %swap3A_656 {strides = array<i32>} : memref<8x1x64x160xi32, #tpu.memory_space<vmem>>, vector<1x1x8x160xi32>,
    %slice3A_657 = vector.extract_strided_slice %select_n3A_319 {offsets = [0, 0], sizes = [8, 160], strides = [1, 1]} : vector<64x160xf32> to vector<8x160xf32>
    %swap3A_658 = arith.constant 0 : index
    %swap3A_659 = arith.constant 0 : index
    %swap3A_660 = arith.constant 8 : index
    %swap3A_661 = arith.constant 0 : index
    %swap3A_662 = vector.load %arg11[%swap3A_658, %swap3A_659, %swap3A_660, %swap3A_661] : memref<8x1x64x160xf32, #tpu.memory_space<vmem>>, vector<1x1x8x160xf32>
    %swap3A_663 = vector.shape_cast %swap3A_662 : vector<1x1x8x160xf32> to vector<8x160xf32>
    %swap3A_664 = vector.shape_cast %slice3A_657 : vector<8x160xf32> to vector<1x1x8x160xf32>
    tpu.vector_store %arg11[%swap3A_658, %swap3A_659, %swap3A_660, %swap3A_661], %swap3A_664 {strides = array<i32>} : memref<8x1x64x160xf32, #tpu.memory_space<vmem>>, vector<1x1x8x160xf32>,
    %slice3A_665 = vector.extract_strided_slice %add3A_353 {offsets = [0, 0], sizes = [8, 160], strides = [1, 1]} : vector<64x160xi32> to vector<8x160xi32>
    %swap3A_666 = arith.constant 0 : index
    %swap3A_667 = arith.constant 0 : index
    %swap3A_668 = arith.constant 16 : index
    %swap3A_669 = arith.constant 0 : index
    %swap3A_670 = vector.load %arg10[%swap3A_666, %swap3A_667, %swap3A_668, %swap3A_669] : memref<8x1x64x160xi32, #tpu.memory_space<vmem>>, vector<1x1x8x160xi32>
    %swap3A_671 = vector.shape_cast %swap3A_670 : vector<1x1x8x160xi32> to vector<8x160xi32>
    %swap3A_672 = vector.shape_cast %slice3A_665 : vector<8x160xi32> to vector<1x1x8x160xi32>
    tpu.vector_store %arg10[%swap3A_666, %swap3A_667, %swap3A_668, %swap3A_669], %swap3A_672 {strides = array<i32>} : memref<8x1x64x160xi32, #tpu.memory_space<vmem>>, vector<1x1x8x160xi32>,
    %slice3A_673 = vector.extract_strided_slice %select_n3A_357 {offsets = [0, 0], sizes = [8, 160], strides = [1, 1]} : vector<64x160xf32> to vector<8x160xf32>
    %swap3A_674 = arith.constant 0 : index
    %swap3A_675 = arith.constant 0 : index
    %swap3A_676 = arith.constant 16 : index
    %swap3A_677 = arith.constant 0 : index
    %swap3A_678 = vector.load %arg11[%swap3A_674, %swap3A_675, %swap3A_676, %swap3A_677] : memref<8x1x64x160xf32, #tpu.memory_space<vmem>>, vector<1x1x8x160xf32>
    %swap3A_679 = vector.shape_cast %swap3A_678 : vector<1x1x8x160xf32> to vector<8x160xf32>
    %swap3A_680 = vector.shape_cast %slice3A_673 : vector<8x160xf32> to vector<1x1x8x160xf32>
    tpu.vector_store %arg11[%swap3A_674, %swap3A_675, %swap3A_676, %swap3A_677], %swap3A_680 {strides = array<i32>} : memref<8x1x64x160xf32, #tpu.memory_space<vmem>>, vector<1x1x8x160xf32>,
    %slice3A_681 = vector.extract_strided_slice %add3A_391 {offsets = [0, 0], sizes = [8, 160], strides = [1, 1]} : vector<64x160xi32> to vector<8x160xi32>
    %swap3A_682 = arith.constant 0 : index
    %swap3A_683 = arith.constant 0 : index
    %swap3A_684 = arith.constant 24 : index
    %swap3A_685 = arith.constant 0 : index
    %swap3A_686 = vector.load %arg10[%swap3A_682, %swap3A_683, %swap3A_684, %swap3A_685] : memref<8x1x64x160xi32, #tpu.memory_space<vmem>>, vector<1x1x8x160xi32>
    %swap3A_687 = vector.shape_cast %swap3A_686 : vector<1x1x8x160xi32> to vector<8x160xi32>
    %swap3A_688 = vector.shape_cast %slice3A_681 : vector<8x160xi32> to vector<1x1x8x160xi32>
    tpu.vector_store %arg10[%swap3A_682, %swap3A_683, %swap3A_684, %swap3A_685], %swap3A_688 {strides = array<i32>} : memref<8x1x64x160xi32, #tpu.memory_space<vmem>>, vector<1x1x8x160xi32>,
    %slice3A_689 = vector.extract_strided_slice %select_n3A_395 {offsets = [0, 0], sizes = [8, 160], strides = [1, 1]} : vector<64x160xf32> to vector<8x160xf32>
    %swap3A_690 = arith.constant 0 : index
    %swap3A_691 = arith.constant 0 : index
    %swap3A_692 = arith.constant 24 : index
    %swap3A_693 = arith.constant 0 : index
    %swap3A_694 = vector.load %arg11[%swap3A_690, %swap3A_691, %swap3A_692, %swap3A_693] : memref<8x1x64x160xf32, #tpu.memory_space<vmem>>, vector<1x1x8x160xf32>
    %swap3A_695 = vector.shape_cast %swap3A_694 : vector<1x1x8x160xf32> to vector<8x160xf32>
    %swap3A_696 = vector.shape_cast %slice3A_689 : vector<8x160xf32> to vector<1x1x8x160xf32>
    tpu.vector_store %arg11[%swap3A_690, %swap3A_691, %swap3A_692, %swap3A_693], %swap3A_696 {strides = array<i32>} : memref<8x1x64x160xf32, #tpu.memory_space<vmem>>, vector<1x1x8x160xf32>,
    %slice3A_697 = vector.extract_strided_slice %add3A_515 {offsets = [0, 0], sizes = [8, 160], strides = [1, 1]} : vector<64x160xi32> to vector<8x160xi32>
    %swap3A_698 = arith.constant 0 : index
    %swap3A_699 = arith.constant 0 : index
    %swap3A_700 = arith.constant 32 : index
    %swap3A_701 = arith.constant 0 : index
    %swap3A_702 = vector.load %arg10[%swap3A_698, %swap3A_699, %swap3A_700, %swap3A_701] : memref<8x1x64x160xi32, #tpu.memory_space<vmem>>, vector<1x1x8x160xi32>
    %swap3A_703 = vector.shape_cast %swap3A_702 : vector<1x1x8x160xi32> to vector<8x160xi32>
    %swap3A_704 = vector.shape_cast %slice3A_697 : vector<8x160xi32> to vector<1x1x8x160xi32>
    tpu.vector_store %arg10[%swap3A_698, %swap3A_699, %swap3A_700, %swap3A_701], %swap3A_704 {strides = array<i32>} : memref<8x1x64x160xi32, #tpu.memory_space<vmem>>, vector<1x1x8x160xi32>,
    %slice3A_705 = vector.extract_strided_slice %select_n3A_519 {offsets = [0, 0], sizes = [8, 160], strides = [1, 1]} : vector<64x160xf32> to vector<8x160xf32>
    %swap3A_706 = arith.constant 0 : index
    %swap3A_707 = arith.constant 0 : index
    %swap3A_708 = arith.constant 32 : index
    %swap3A_709 = arith.constant 0 : index
    %swap3A_710 = vector.load %arg11[%swap3A_706, %swap3A_707, %swap3A_708, %swap3A_709] : memref<8x1x64x160xf32, #tpu.memory_space<vmem>>, vector<1x1x8x160xf32>
    %swap3A_711 = vector.shape_cast %swap3A_710 : vector<1x1x8x160xf32> to vector<8x160xf32>
    %swap3A_712 = vector.shape_cast %slice3A_705 : vector<8x160xf32> to vector<1x1x8x160xf32>
    tpu.vector_store %arg11[%swap3A_706, %swap3A_707, %swap3A_708, %swap3A_709], %swap3A_712 {strides = array<i32>} : memref<8x1x64x160xf32, #tpu.memory_space<vmem>>, vector<1x1x8x160xf32>,
    %slice3A_713 = vector.extract_strided_slice %add3A_553 {offsets = [0, 0], sizes = [8, 160], strides = [1, 1]} : vector<64x160xi32> to vector<8x160xi32>
    %swap3A_714 = arith.constant 0 : index
    %swap3A_715 = arith.constant 0 : index
    %swap3A_716 = arith.constant 40 : index
    %swap3A_717 = arith.constant 0 : index
    %swap3A_718 = vector.load %arg10[%swap3A_714, %swap3A_715, %swap3A_716, %swap3A_717] : memref<8x1x64x160xi32, #tpu.memory_space<vmem>>, vector<1x1x8x160xi32>
    %swap3A_719 = vector.shape_cast %swap3A_718 : vector<1x1x8x160xi32> to vector<8x160xi32>
    %swap3A_720 = vector.shape_cast %slice3A_713 : vector<8x160xi32> to vector<1x1x8x160xi32>
    tpu.vector_store %arg10[%swap3A_714, %swap3A_715, %swap3A_716, %swap3A_717], %swap3A_720 {strides = array<i32>} : memref<8x1x64x160xi32, #tpu.memory_space<vmem>>, vector<1x1x8x160xi32>,
    %slice3A_721 = vector.extract_strided_slice %select_n3A_557 {offsets = [0, 0], sizes = [8, 160], strides = [1, 1]} : vector<64x160xf32> to vector<8x160xf32>
    %swap3A_722 = arith.constant 0 : index
    %swap3A_723 = arith.constant 0 : index
    %swap3A_724 = arith.constant 40 : index
    %swap3A_725 = arith.constant 0 : index
    %swap3A_726 = vector.load %arg11[%swap3A_722, %swap3A_723, %swap3A_724, %swap3A_725] : memref<8x1x64x160xf32, #tpu.memory_space<vmem>>, vector<1x1x8x160xf32>
    %swap3A_727 = vector.shape_cast %swap3A_726 : vector<1x1x8x160xf32> to vector<8x160xf32>
    %swap3A_728 = vector.shape_cast %slice3A_721 : vector<8x160xf32> to vector<1x1x8x160xf32>
    tpu.vector_store %arg11[%swap3A_722, %swap3A_723, %swap3A_724, %swap3A_725], %swap3A_728 {strides = array<i32>} : memref<8x1x64x160xf32, #tpu.memory_space<vmem>>, vector<1x1x8x160xf32>,
    %slice3A_729 = vector.extract_strided_slice %add3A_591 {offsets = [0, 0], sizes = [8, 160], strides = [1, 1]} : vector<64x160xi32> to vector<8x160xi32>
    %swap3A_730 = arith.constant 0 : index
    %swap3A_731 = arith.constant 0 : index
    %swap3A_732 = arith.constant 48 : index
    %swap3A_733 = arith.constant 0 : index
    %swap3A_734 = vector.load %arg10[%swap3A_730, %swap3A_731, %swap3A_732, %swap3A_733] : memref<8x1x64x160xi32, #tpu.memory_space<vmem>>, vector<1x1x8x160xi32>
    %swap3A_735 = vector.shape_cast %swap3A_734 : vector<1x1x8x160xi32> to vector<8x160xi32>
    %swap3A_736 = vector.shape_cast %slice3A_729 : vector<8x160xi32> to vector<1x1x8x160xi32>
    tpu.vector_store %arg10[%swap3A_730, %swap3A_731, %swap3A_732, %swap3A_733], %swap3A_736 {strides = array<i32>} : memref<8x1x64x160xi32, #tpu.memory_space<vmem>>, vector<1x1x8x160xi32>,
    %slice3A_737 = vector.extract_strided_slice %select_n3A_595 {offsets = [0, 0], sizes = [8, 160], strides = [1, 1]} : vector<64x160xf32> to vector<8x160xf32>
    %swap3A_738 = arith.constant 0 : index
    %swap3A_739 = arith.constant 0 : index
    %swap3A_740 = arith.constant 48 : index
    %swap3A_741 = arith.constant 0 : index
    %swap3A_742 = vector.load %arg11[%swap3A_738, %swap3A_739, %swap3A_740, %swap3A_741] : memref<8x1x64x160xf32, #tpu.memory_space<vmem>>, vector<1x1x8x160xf32>
    %swap3A_743 = vector.shape_cast %swap3A_742 : vector<1x1x8x160xf32> to vector<8x160xf32>
    %swap3A_744 = vector.shape_cast %slice3A_737 : vector<8x160xf32> to vector<1x1x8x160xf32>
    tpu.vector_store %arg11[%swap3A_738, %swap3A_739, %swap3A_740, %swap3A_741], %swap3A_744 {strides = array<i32>} : memref<8x1x64x160xf32, #tpu.memory_space<vmem>>, vector<1x1x8x160xf32>,
    %slice3A_745 = vector.extract_strided_slice %add3A_629 {offsets = [0, 0], sizes = [8, 160], strides = [1, 1]} : vector<64x160xi32> to vector<8x160xi32>
    %swap3A_746 = arith.constant 0 : index
    %swap3A_747 = arith.constant 0 : index
    %swap3A_748 = arith.constant 56 : index
    %swap3A_749 = arith.constant 0 : index
    %swap3A_750 = vector.load %arg10[%swap3A_746, %swap3A_747, %swap3A_748, %swap3A_749] : memref<8x1x64x160xi32, #tpu.memory_space<vmem>>, vector<1x1x8x160xi32>
    %swap3A_751 = vector.shape_cast %swap3A_750 : vector<1x1x8x160xi32> to vector<8x160xi32>
    %swap3A_752 = vector.shape_cast %slice3A_745 : vector<8x160xi32> to vector<1x1x8x160xi32>
    tpu.vector_store %arg10[%swap3A_746, %swap3A_747, %swap3A_748, %swap3A_749], %swap3A_752 {strides = array<i32>} : memref<8x1x64x160xi32, #tpu.memory_space<vmem>>, vector<1x1x8x160xi32>,
    %slice3A_753 = vector.extract_strided_slice %select_n3A_633 {offsets = [0, 0], sizes = [8, 160], strides = [1, 1]} : vector<64x160xf32> to vector<8x160xf32>
    %swap3A_754 = arith.constant 0 : index
    %swap3A_755 = arith.constant 0 : index
    %swap3A_756 = arith.constant 56 : index
    %swap3A_757 = arith.constant 0 : index
    %swap3A_758 = vector.load %arg11[%swap3A_754, %swap3A_755, %swap3A_756, %swap3A_757] : memref<8x1x64x160xf32, #tpu.memory_space<vmem>>, vector<1x1x8x160xf32>
    %swap3A_759 = vector.shape_cast %swap3A_758 : vector<1x1x8x160xf32> to vector<8x160xf32>
    %swap3A_760 = vector.shape_cast %slice3A_753 : vector<8x160xf32> to vector<1x1x8x160xf32>
    tpu.vector_store %arg11[%swap3A_754, %swap3A_755, %swap3A_756, %swap3A_757], %swap3A_760 {strides = array<i32>} : memref<8x1x64x160xf32, #tpu.memory_space<vmem>>, vector<1x1x8x160xf32>,
    %slice3A_761 = vector.extract_strided_slice %add3A_277 {offsets = [8, 0], sizes = [8, 160], strides = [1, 1]} : vector<64x160xi32> to vector<8x160xi32>
    %swap3A_762 = arith.constant 1 : index
    %swap3A_763 = arith.constant 0 : index
    %swap3A_764 = arith.constant 0 : index
    %swap3A_765 = arith.constant 0 : index
    %swap3A_766 = vector.load %arg10[%swap3A_762, %swap3A_763, %swap3A_764, %swap3A_765] : memref<8x1x64x160xi32, #tpu.memory_space<vmem>>, vector<1x1x8x160xi32>
    %swap3A_767 = vector.shape_cast %swap3A_766 : vector<1x1x8x160xi32> to vector<8x160xi32>
    %swap3A_768 = vector.shape_cast %slice3A_761 : vector<8x160xi32> to vector<1x1x8x160xi32>
    tpu.vector_store %arg10[%swap3A_762, %swap3A_763, %swap3A_764, %swap3A_765], %swap3A_768 {strides = array<i32>} : memref<8x1x64x160xi32, #tpu.memory_space<vmem>>, vector<1x1x8x160xi32>,
    %slice3A_769 = vector.extract_strided_slice %select_n3A_281 {offsets = [8, 0], sizes = [8, 160], strides = [1, 1]} : vector<64x160xf32> to vector<8x160xf32>
    %swap3A_770 = arith.constant 1 : index
    %swap3A_771 = arith.constant 0 : index
    %swap3A_772 = arith.constant 0 : index
    %swap3A_773 = arith.constant 0 : index
    %swap3A_774 = vector.load %arg11[%swap3A_770, %swap3A_771, %swap3A_772, %swap3A_773] : memref<8x1x64x160xf32, #tpu.memory_space<vmem>>, vector<1x1x8x160xf32>
    %swap3A_775 = vector.shape_cast %swap3A_774 : vector<1x1x8x160xf32> to vector<8x160xf32>
    %swap3A_776 = vector.shape_cast %slice3A_769 : vector<8x160xf32> to vector<1x1x8x160xf32>
    tpu.vector_store %arg11[%swap3A_770, %swap3A_771, %swap3A_772, %swap3A_773], %swap3A_776 {strides = array<i32>} : memref<8x1x64x160xf32, #tpu.memory_space<vmem>>, vector<1x1x8x160xf32>,
    %slice3A_777 = vector.extract_strided_slice %add3A_315 {offsets = [8, 0], sizes = [8, 160], strides = [1, 1]} : vector<64x160xi32> to vector<8x160xi32>
    %swap3A_778 = arith.constant 1 : index
    %swap3A_779 = arith.constant 0 : index
    %swap3A_780 = arith.constant 8 : index
    %swap3A_781 = arith.constant 0 : index
    %swap3A_782 = vector.load %arg10[%swap3A_778, %swap3A_779, %swap3A_780, %swap3A_781] : memref<8x1x64x160xi32, #tpu.memory_space<vmem>>, vector<1x1x8x160xi32>
    %swap3A_783 = vector.shape_cast %swap3A_782 : vector<1x1x8x160xi32> to vector<8x160xi32>
    %swap3A_784 = vector.shape_cast %slice3A_777 : vector<8x160xi32> to vector<1x1x8x160xi32>
    tpu.vector_store %arg10[%swap3A_778, %swap3A_779, %swap3A_780, %swap3A_781], %swap3A_784 {strides = array<i32>} : memref<8x1x64x160xi32, #tpu.memory_space<vmem>>, vector<1x1x8x160xi32>,
    %slice3A_785 = vector.extract_strided_slice %select_n3A_319 {offsets = [8, 0], sizes = [8, 160], strides = [1, 1]} : vector<64x160xf32> to vector<8x160xf32>
    %swap3A_786 = arith.constant 1 : index
    %swap3A_787 = arith.constant 0 : index
    %swap3A_788 = arith.constant 8 : index
    %swap3A_789 = arith.constant 0 : index
    %swap3A_790 = vector.load %arg11[%swap3A_786, %swap3A_787, %swap3A_788, %swap3A_789] : memref<8x1x64x160xf32, #tpu.memory_space<vmem>>, vector<1x1x8x160xf32>
    %swap3A_791 = vector.shape_cast %swap3A_790 : vector<1x1x8x160xf32> to vector<8x160xf32>
    %swap3A_792 = vector.shape_cast %slice3A_785 : vector<8x160xf32> to vector<1x1x8x160xf32>
    tpu.vector_store %arg11[%swap3A_786, %swap3A_787, %swap3A_788, %swap3A_789], %swap3A_792 {strides = array<i32>} : memref<8x1x64x160xf32, #tpu.memory_space<vmem>>, vector<1x1x8x160xf32>,
    %slice3A_793 = vector.extract_strided_slice %add3A_353 {offsets = [8, 0], sizes = [8, 160], strides = [1, 1]} : vector<64x160xi32> to vector<8x160xi32>
    %swap3A_794 = arith.constant 1 : index
    %swap3A_795 = arith.constant 0 : index
    %swap3A_796 = arith.constant 16 : index
    %swap3A_797 = arith.constant 0 : index
    %swap3A_798 = vector.load %arg10[%swap3A_794, %swap3A_795, %swap3A_796, %swap3A_797] : memref<8x1x64x160xi32, #tpu.memory_space<vmem>>, vector<1x1x8x160xi32>
    %swap3A_799 = vector.shape_cast %swap3A_798 : vector<1x1x8x160xi32> to vector<8x160xi32>
    %swap3A_800 = vector.shape_cast %slice3A_793 : vector<8x160xi32> to vector<1x1x8x160xi32>
    tpu.vector_store %arg10[%swap3A_794, %swap3A_795, %swap3A_796, %swap3A_797], %swap3A_800 {strides = array<i32>} : memref<8x1x64x160xi32, #tpu.memory_space<vmem>>, vector<1x1x8x160xi32>,
    %slice3A_801 = vector.extract_strided_slice %select_n3A_357 {offsets = [8, 0], sizes = [8, 160], strides = [1, 1]} : vector<64x160xf32> to vector<8x160xf32>
    %swap3A_802 = arith.constant 1 : index
    %swap3A_803 = arith.constant 0 : index
    %swap3A_804 = arith.constant 16 : index
    %swap3A_805 = arith.constant 0 : index
    %swap3A_806 = vector.load %arg11[%swap3A_802, %swap3A_803, %swap3A_804, %swap3A_805] : memref<8x1x64x160xf32, #tpu.memory_space<vmem>>, vector<1x1x8x160xf32>
    %swap3A_807 = vector.shape_cast %swap3A_806 : vector<1x1x8x160xf32> to vector<8x160xf32>
    %swap3A_808 = vector.shape_cast %slice3A_801 : vector<8x160xf32> to vector<1x1x8x160xf32>
    tpu.vector_store %arg11[%swap3A_802, %swap3A_803, %swap3A_804, %swap3A_805], %swap3A_808 {strides = array<i32>} : memref<8x1x64x160xf32, #tpu.memory_space<vmem>>, vector<1x1x8x160xf32>,
    %slice3A_809 = vector.extract_strided_slice %add3A_391 {offsets = [8, 0], sizes = [8, 160], strides = [1, 1]} : vector<64x160xi32> to vector<8x160xi32>
    %swap3A_810 = arith.constant 1 : index
    %swap3A_811 = arith.constant 0 : index
    %swap3A_812 = arith.constant 24 : index
    %swap3A_813 = arith.constant 0 : index
    %swap3A_814 = vector.load %arg10[%swap3A_810, %swap3A_811, %swap3A_812, %swap3A_813] : memref<8x1x64x160xi32, #tpu.memory_space<vmem>>, vector<1x1x8x160xi32>
    %swap3A_815 = vector.shape_cast %swap3A_814 : vector<1x1x8x160xi32> to vector<8x160xi32>
    %swap3A_816 = vector.shape_cast %slice3A_809 : vector<8x160xi32> to vector<1x1x8x160xi32>
    tpu.vector_store %arg10[%swap3A_810, %swap3A_811, %swap3A_812, %swap3A_813], %swap3A_816 {strides = array<i32>} : memref<8x1x64x160xi32, #tpu.memory_space<vmem>>, vector<1x1x8x160xi32>,
    %slice3A_817 = vector.extract_strided_slice %select_n3A_395 {offsets = [8, 0], sizes = [8, 160], strides = [1, 1]} : vector<64x160xf32> to vector<8x160xf32>
    %swap3A_818 = arith.constant 1 : index
    %swap3A_819 = arith.constant 0 : index
    %swap3A_820 = arith.constant 24 : index
    %swap3A_821 = arith.constant 0 : index
    %swap3A_822 = vector.load %arg11[%swap3A_818, %swap3A_819, %swap3A_820, %swap3A_821] : memref<8x1x64x160xf32, #tpu.memory_space<vmem>>, vector<1x1x8x160xf32>
    %swap3A_823 = vector.shape_cast %swap3A_822 : vector<1x1x8x160xf32> to vector<8x160xf32>
    %swap3A_824 = vector.shape_cast %slice3A_817 : vector<8x160xf32> to vector<1x1x8x160xf32>
    tpu.vector_store %arg11[%swap3A_818, %swap3A_819, %swap3A_820, %swap3A_821], %swap3A_824 {strides = array<i32>} : memref<8x1x64x160xf32, #tpu.memory_space<vmem>>, vector<1x1x8x160xf32>,
    %slice3A_825 = vector.extract_strided_slice %add3A_515 {offsets = [8, 0], sizes = [8, 160], strides = [1, 1]} : vector<64x160xi32> to vector<8x160xi32>
    %swap3A_826 = arith.constant 1 : index
    %swap3A_827 = arith.constant 0 : index
    %swap3A_828 = arith.constant 32 : index
    %swap3A_829 = arith.constant 0 : index
    %swap3A_830 = vector.load %arg10[%swap3A_826, %swap3A_827, %swap3A_828, %swap3A_829] : memref<8x1x64x160xi32, #tpu.memory_space<vmem>>, vector<1x1x8x160xi32>
    %swap3A_831 = vector.shape_cast %swap3A_830 : vector<1x1x8x160xi32> to vector<8x160xi32>
    %swap3A_832 = vector.shape_cast %slice3A_825 : vector<8x160xi32> to vector<1x1x8x160xi32>
    tpu.vector_store %arg10[%swap3A_826, %swap3A_827, %swap3A_828, %swap3A_829], %swap3A_832 {strides = array<i32>} : memref<8x1x64x160xi32, #tpu.memory_space<vmem>>, vector<1x1x8x160xi32>,
    %slice3A_833 = vector.extract_strided_slice %select_n3A_519 {offsets = [8, 0], sizes = [8, 160], strides = [1, 1]} : vector<64x160xf32> to vector<8x160xf32>
    %swap3A_834 = arith.constant 1 : index
    %swap3A_835 = arith.constant 0 : index
    %swap3A_836 = arith.constant 32 : index
    %swap3A_837 = arith.constant 0 : index
    %swap3A_838 = vector.load %arg11[%swap3A_834, %swap3A_835, %swap3A_836, %swap3A_837] : memref<8x1x64x160xf32, #tpu.memory_space<vmem>>, vector<1x1x8x160xf32>
    %swap3A_839 = vector.shape_cast %swap3A_838 : vector<1x1x8x160xf32> to vector<8x160xf32>
    %swap3A_840 = vector.shape_cast %slice3A_833 : vector<8x160xf32> to vector<1x1x8x160xf32>
    tpu.vector_store %arg11[%swap3A_834, %swap3A_835, %swap3A_836, %swap3A_837], %swap3A_840 {strides = array<i32>} : memref<8x1x64x160xf32, #tpu.memory_space<vmem>>, vector<1x1x8x160xf32>,
    %slice3A_841 = vector.extract_strided_slice %add3A_553 {offsets = [8, 0], sizes = [8, 160], strides = [1, 1]} : vector<64x160xi32> to vector<8x160xi32>
    %swap3A_842 = arith.constant 1 : index
    %swap3A_843 = arith.constant 0 : index
    %swap3A_844 = arith.constant 40 : index
    %swap3A_845 = arith.constant 0 : index
    %swap3A_846 = vector.load %arg10[%swap3A_842, %swap3A_843, %swap3A_844, %swap3A_845] : memref<8x1x64x160xi32, #tpu.memory_space<vmem>>, vector<1x1x8x160xi32>
    %swap3A_847 = vector.shape_cast %swap3A_846 : vector<1x1x8x160xi32> to vector<8x160xi32>
    %swap3A_848 = vector.shape_cast %slice3A_841 : vector<8x160xi32> to vector<1x1x8x160xi32>
    tpu.vector_store %arg10[%swap3A_842, %swap3A_843, %swap3A_844, %swap3A_845], %swap3A_848 {strides = array<i32>} : memref<8x1x64x160xi32, #tpu.memory_space<vmem>>, vector<1x1x8x160xi32>,
    %slice3A_849 = vector.extract_strided_slice %select_n3A_557 {offsets = [8, 0], sizes = [8, 160], strides = [1, 1]} : vector<64x160xf32> to vector<8x160xf32>
    %swap3A_850 = arith.constant 1 : index
    %swap3A_851 = arith.constant 0 : index
    %swap3A_852 = arith.constant 40 : index
    %swap3A_853 = arith.constant 0 : index
    %swap3A_854 = vector.load %arg11[%swap3A_850, %swap3A_851, %swap3A_852, %swap3A_853] : memref<8x1x64x160xf32, #tpu.memory_space<vmem>>, vector<1x1x8x160xf32>
    %swap3A_855 = vector.shape_cast %swap3A_854 : vector<1x1x8x160xf32> to vector<8x160xf32>
    %swap3A_856 = vector.shape_cast %slice3A_849 : vector<8x160xf32> to vector<1x1x8x160xf32>
    tpu.vector_store %arg11[%swap3A_850, %swap3A_851, %swap3A_852, %swap3A_853], %swap3A_856 {strides = array<i32>} : memref<8x1x64x160xf32, #tpu.memory_space<vmem>>, vector<1x1x8x160xf32>,
    %slice3A_857 = vector.extract_strided_slice %add3A_591 {offsets = [8, 0], sizes = [8, 160], strides = [1, 1]} : vector<64x160xi32> to vector<8x160xi32>
    %swap3A_858 = arith.constant 1 : index
    %swap3A_859 = arith.constant 0 : index
    %swap3A_860 = arith.constant 48 : index
    %swap3A_861 = arith.constant 0 : index
    %swap3A_862 = vector.load %arg10[%swap3A_858, %swap3A_859, %swap3A_860, %swap3A_861] : memref<8x1x64x160xi32, #tpu.memory_space<vmem>>, vector<1x1x8x160xi32>
    %swap3A_863 = vector.shape_cast %swap3A_862 : vector<1x1x8x160xi32> to vector<8x160xi32>
    %swap3A_864 = vector.shape_cast %slice3A_857 : vector<8x160xi32> to vector<1x1x8x160xi32>
    tpu.vector_store %arg10[%swap3A_858, %swap3A_859, %swap3A_860, %swap3A_861], %swap3A_864 {strides = array<i32>} : memref<8x1x64x160xi32, #tpu.memory_space<vmem>>, vector<1x1x8x160xi32>,
    %slice3A_865 = vector.extract_strided_slice %select_n3A_595 {offsets = [8, 0], sizes = [8, 160], strides = [1, 1]} : vector<64x160xf32> to vector<8x160xf32>
    %swap3A_866 = arith.constant 1 : index
    %swap3A_867 = arith.constant 0 : index
    %swap3A_868 = arith.constant 48 : index
    %swap3A_869 = arith.constant 0 : index
    %swap3A_870 = vector.load %arg11[%swap3A_866, %swap3A_867, %swap3A_868, %swap3A_869] : memref<8x1x64x160xf32, #tpu.memory_space<vmem>>, vector<1x1x8x160xf32>
    %swap3A_871 = vector.shape_cast %swap3A_870 : vector<1x1x8x160xf32> to vector<8x160xf32>
    %swap3A_872 = vector.shape_cast %slice3A_865 : vector<8x160xf32> to vector<1x1x8x160xf32>
    tpu.vector_store %arg11[%swap3A_866, %swap3A_867, %swap3A_868, %swap3A_869], %swap3A_872 {strides = array<i32>} : memref<8x1x64x160xf32, #tpu.memory_space<vmem>>, vector<1x1x8x160xf32>,
    %slice3A_873 = vector.extract_strided_slice %add3A_629 {offsets = [8, 0], sizes = [8, 160], strides = [1, 1]} : vector<64x160xi32> to vector<8x160xi32>
    %swap3A_874 = arith.constant 1 : index
    %swap3A_875 = arith.constant 0 : index
    %swap3A_876 = arith.constant 56 : index
    %swap3A_877 = arith.constant 0 : index
    %swap3A_878 = vector.load %arg10[%swap3A_874, %swap3A_875, %swap3A_876, %swap3A_877] : memref<8x1x64x160xi32, #tpu.memory_space<vmem>>, vector<1x1x8x160xi32>
    %swap3A_879 = vector.shape_cast %swap3A_878 : vector<1x1x8x160xi32> to vector<8x160xi32>
    %swap3A_880 = vector.shape_cast %slice3A_873 : vector<8x160xi32> to vector<1x1x8x160xi32>
    tpu.vector_store %arg10[%swap3A_874, %swap3A_875, %swap3A_876, %swap3A_877], %swap3A_880 {strides = array<i32>} : memref<8x1x64x160xi32, #tpu.memory_space<vmem>>, vector<1x1x8x160xi32>,
    %slice3A_881 = vector.extract_strided_slice %select_n3A_633 {offsets = [8, 0], sizes = [8, 160], strides = [1, 1]} : vector<64x160xf32> to vector<8x160xf32>
    %swap3A_882 = arith.constant 1 : index
    %swap3A_883 = arith.constant 0 : index
    %swap3A_884 = arith.constant 56 : index
    %swap3A_885 = arith.constant 0 : index
    %swap3A_886 = vector.load %arg11[%swap3A_882, %swap3A_883, %swap3A_884, %swap3A_885] : memref<8x1x64x160xf32, #tpu.memory_space<vmem>>, vector<1x1x8x160xf32>
    %swap3A_887 = vector.shape_cast %swap3A_886 : vector<1x1x8x160xf32> to vector<8x160xf32>
    %swap3A_888 = vector.shape_cast %slice3A_881 : vector<8x160xf32> to vector<1x1x8x160xf32>
    tpu.vector_store %arg11[%swap3A_882, %swap3A_883, %swap3A_884, %swap3A_885], %swap3A_888 {strides = array<i32>} : memref<8x1x64x160xf32, #tpu.memory_space<vmem>>, vector<1x1x8x160xf32>,
    %slice3A_889 = vector.extract_strided_slice %add3A_277 {offsets = [16, 0], sizes = [8, 160], strides = [1, 1]} : vector<64x160xi32> to vector<8x160xi32>
    %swap3A_890 = arith.constant 2 : index
    %swap3A_891 = arith.constant 0 : index
    %swap3A_892 = arith.constant 0 : index
    %swap3A_893 = arith.constant 0 : index
    %swap3A_894 = vector.load %arg10[%swap3A_890, %swap3A_891, %swap3A_892, %swap3A_893] : memref<8x1x64x160xi32, #tpu.memory_space<vmem>>, vector<1x1x8x160xi32>
    %swap3A_895 = vector.shape_cast %swap3A_894 : vector<1x1x8x160xi32> to vector<8x160xi32>
    %swap3A_896 = vector.shape_cast %slice3A_889 : vector<8x160xi32> to vector<1x1x8x160xi32>
    tpu.vector_store %arg10[%swap3A_890, %swap3A_891, %swap3A_892, %swap3A_893], %swap3A_896 {strides = array<i32>} : memref<8x1x64x160xi32, #tpu.memory_space<vmem>>, vector<1x1x8x160xi32>,
    %slice3A_897 = vector.extract_strided_slice %select_n3A_281 {offsets = [16, 0], sizes = [8, 160], strides = [1, 1]} : vector<64x160xf32> to vector<8x160xf32>
    %swap3A_898 = arith.constant 2 : index
    %swap3A_899 = arith.constant 0 : index
    %swap3A_900 = arith.constant 0 : index
    %swap3A_901 = arith.constant 0 : index
    %swap3A_902 = vector.load %arg11[%swap3A_898, %swap3A_899, %swap3A_900, %swap3A_901] : memref<8x1x64x160xf32, #tpu.memory_space<vmem>>, vector<1x1x8x160xf32>
    %swap3A_903 = vector.shape_cast %swap3A_902 : vector<1x1x8x160xf32> to vector<8x160xf32>
    %swap3A_904 = vector.shape_cast %slice3A_897 : vector<8x160xf32> to vector<1x1x8x160xf32>
    tpu.vector_store %arg11[%swap3A_898, %swap3A_899, %swap3A_900, %swap3A_901], %swap3A_904 {strides = array<i32>} : memref<8x1x64x160xf32, #tpu.memory_space<vmem>>, vector<1x1x8x160xf32>,
    %slice3A_905 = vector.extract_strided_slice %add3A_315 {offsets = [16, 0], sizes = [8, 160], strides = [1, 1]} : vector<64x160xi32> to vector<8x160xi32>
    %swap3A_906 = arith.constant 2 : index
    %swap3A_907 = arith.constant 0 : index
    %swap3A_908 = arith.constant 8 : index
    %swap3A_909 = arith.constant 0 : index
    %swap3A_910 = vector.load %arg10[%swap3A_906, %swap3A_907, %swap3A_908, %swap3A_909] : memref<8x1x64x160xi32, #tpu.memory_space<vmem>>, vector<1x1x8x160xi32>
    %swap3A_911 = vector.shape_cast %swap3A_910 : vector<1x1x8x160xi32> to vector<8x160xi32>
    %swap3A_912 = vector.shape_cast %slice3A_905 : vector<8x160xi32> to vector<1x1x8x160xi32>
    tpu.vector_store %arg10[%swap3A_906, %swap3A_907, %swap3A_908, %swap3A_909], %swap3A_912 {strides = array<i32>} : memref<8x1x64x160xi32, #tpu.memory_space<vmem>>, vector<1x1x8x160xi32>,
    %slice3A_913 = vector.extract_strided_slice %select_n3A_319 {offsets = [16, 0], sizes = [8, 160], strides = [1, 1]} : vector<64x160xf32> to vector<8x160xf32>
    %swap3A_914 = arith.constant 2 : index
    %swap3A_915 = arith.constant 0 : index
    %swap3A_916 = arith.constant 8 : index
    %swap3A_917 = arith.constant 0 : index
    %swap3A_918 = vector.load %arg11[%swap3A_914, %swap3A_915, %swap3A_916, %swap3A_917] : memref<8x1x64x160xf32, #tpu.memory_space<vmem>>, vector<1x1x8x160xf32>
    %swap3A_919 = vector.shape_cast %swap3A_918 : vector<1x1x8x160xf32> to vector<8x160xf32>
    %swap3A_920 = vector.shape_cast %slice3A_913 : vector<8x160xf32> to vector<1x1x8x160xf32>
    tpu.vector_store %arg11[%swap3A_914, %swap3A_915, %swap3A_916, %swap3A_917], %swap3A_920 {strides = array<i32>} : memref<8x1x64x160xf32, #tpu.memory_space<vmem>>, vector<1x1x8x160xf32>,
    %slice3A_921 = vector.extract_strided_slice %add3A_353 {offsets = [16, 0], sizes = [8, 160], strides = [1, 1]} : vector<64x160xi32> to vector<8x160xi32>
    %swap3A_922 = arith.constant 2 : index
    %swap3A_923 = arith.constant 0 : index
    %swap3A_924 = arith.constant 16 : index
    %swap3A_925 = arith.constant 0 : index
    %swap3A_926 = vector.load %arg10[%swap3A_922, %swap3A_923, %swap3A_924, %swap3A_925] : memref<8x1x64x160xi32, #tpu.memory_space<vmem>>, vector<1x1x8x160xi32>
    %swap3A_927 = vector.shape_cast %swap3A_926 : vector<1x1x8x160xi32> to vector<8x160xi32>
    %swap3A_928 = vector.shape_cast %slice3A_921 : vector<8x160xi32> to vector<1x1x8x160xi32>
    tpu.vector_store %arg10[%swap3A_922, %swap3A_923, %swap3A_924, %swap3A_925], %swap3A_928 {strides = array<i32>} : memref<8x1x64x160xi32, #tpu.memory_space<vmem>>, vector<1x1x8x160xi32>,
    %slice3A_929 = vector.extract_strided_slice %select_n3A_357 {offsets = [16, 0], sizes = [8, 160], strides = [1, 1]} : vector<64x160xf32> to vector<8x160xf32>
    %swap3A_930 = arith.constant 2 : index
    %swap3A_931 = arith.constant 0 : index
    %swap3A_932 = arith.constant 16 : index
    %swap3A_933 = arith.constant 0 : index
    %swap3A_934 = vector.load %arg11[%swap3A_930, %swap3A_931, %swap3A_932, %swap3A_933] : memref<8x1x64x160xf32, #tpu.memory_space<vmem>>, vector<1x1x8x160xf32>
    %swap3A_935 = vector.shape_cast %swap3A_934 : vector<1x1x8x160xf32> to vector<8x160xf32>
    %swap3A_936 = vector.shape_cast %slice3A_929 : vector<8x160xf32> to vector<1x1x8x160xf32>
    tpu.vector_store %arg11[%swap3A_930, %swap3A_931, %swap3A_932, %swap3A_933], %swap3A_936 {strides = array<i32>} : memref<8x1x64x160xf32, #tpu.memory_space<vmem>>, vector<1x1x8x160xf32>,
    %slice3A_937 = vector.extract_strided_slice %add3A_391 {offsets = [16, 0], sizes = [8, 160], strides = [1, 1]} : vector<64x160xi32> to vector<8x160xi32>
    %swap3A_938 = arith.constant 2 : index
    %swap3A_939 = arith.constant 0 : index
    %swap3A_940 = arith.constant 24 : index
    %swap3A_941 = arith.constant 0 : index
    %swap3A_942 = vector.load %arg10[%swap3A_938, %swap3A_939, %swap3A_940, %swap3A_941] : memref<8x1x64x160xi32, #tpu.memory_space<vmem>>, vector<1x1x8x160xi32>
    %swap3A_943 = vector.shape_cast %swap3A_942 : vector<1x1x8x160xi32> to vector<8x160xi32>
    %swap3A_944 = vector.shape_cast %slice3A_937 : vector<8x160xi32> to vector<1x1x8x160xi32>
    tpu.vector_store %arg10[%swap3A_938, %swap3A_939, %swap3A_940, %swap3A_941], %swap3A_944 {strides = array<i32>} : memref<8x1x64x160xi32, #tpu.memory_space<vmem>>, vector<1x1x8x160xi32>,
    %slice3A_945 = vector.extract_strided_slice %select_n3A_395 {offsets = [16, 0], sizes = [8, 160], strides = [1, 1]} : vector<64x160xf32> to vector<8x160xf32>
    %swap3A_946 = arith.constant 2 : index
    %swap3A_947 = arith.constant 0 : index
    %swap3A_948 = arith.constant 24 : index
    %swap3A_949 = arith.constant 0 : index
    %swap3A_950 = vector.load %arg11[%swap3A_946, %swap3A_947, %swap3A_948, %swap3A_949] : memref<8x1x64x160xf32, #tpu.memory_space<vmem>>, vector<1x1x8x160xf32>
    %swap3A_951 = vector.shape_cast %swap3A_950 : vector<1x1x8x160xf32> to vector<8x160xf32>
    %swap3A_952 = vector.shape_cast %slice3A_945 : vector<8x160xf32> to vector<1x1x8x160xf32>
    tpu.vector_store %arg11[%swap3A_946, %swap3A_947, %swap3A_948, %swap3A_949], %swap3A_952 {strides = array<i32>} : memref<8x1x64x160xf32, #tpu.memory_space<vmem>>, vector<1x1x8x160xf32>,
    %slice3A_953 = vector.extract_strided_slice %add3A_515 {offsets = [16, 0], sizes = [8, 160], strides = [1, 1]} : vector<64x160xi32> to vector<8x160xi32>
    %swap3A_954 = arith.constant 2 : index
    %swap3A_955 = arith.constant 0 : index
    %swap3A_956 = arith.constant 32 : index
    %swap3A_957 = arith.constant 0 : index
    %swap3A_958 = vector.load %arg10[%swap3A_954, %swap3A_955, %swap3A_956, %swap3A_957] : memref<8x1x64x160xi32, #tpu.memory_space<vmem>>, vector<1x1x8x160xi32>
    %swap3A_959 = vector.shape_cast %swap3A_958 : vector<1x1x8x160xi32> to vector<8x160xi32>
    %swap3A_960 = vector.shape_cast %slice3A_953 : vector<8x160xi32> to vector<1x1x8x160xi32>
    tpu.vector_store %arg10[%swap3A_954, %swap3A_955, %swap3A_956, %swap3A_957], %swap3A_960 {strides = array<i32>} : memref<8x1x64x160xi32, #tpu.memory_space<vmem>>, vector<1x1x8x160xi32>,
    %slice3A_961 = vector.extract_strided_slice %select_n3A_519 {offsets = [16, 0], sizes = [8, 160], strides = [1, 1]} : vector<64x160xf32> to vector<8x160xf32>
    %swap3A_962 = arith.constant 2 : index
    %swap3A_963 = arith.constant 0 : index
    %swap3A_964 = arith.constant 32 : index
    %swap3A_965 = arith.constant 0 : index
    %swap3A_966 = vector.load %arg11[%swap3A_962, %swap3A_963, %swap3A_964, %swap3A_965] : memref<8x1x64x160xf32, #tpu.memory_space<vmem>>, vector<1x1x8x160xf32>
    %swap3A_967 = vector.shape_cast %swap3A_966 : vector<1x1x8x160xf32> to vector<8x160xf32>
    %swap3A_968 = vector.shape_cast %slice3A_961 : vector<8x160xf32> to vector<1x1x8x160xf32>
    tpu.vector_store %arg11[%swap3A_962, %swap3A_963, %swap3A_964, %swap3A_965], %swap3A_968 {strides = array<i32>} : memref<8x1x64x160xf32, #tpu.memory_space<vmem>>, vector<1x1x8x160xf32>,
    %slice3A_969 = vector.extract_strided_slice %add3A_553 {offsets = [16, 0], sizes = [8, 160], strides = [1, 1]} : vector<64x160xi32> to vector<8x160xi32>
    %swap3A_970 = arith.constant 2 : index
    %swap3A_971 = arith.constant 0 : index
    %swap3A_972 = arith.constant 40 : index
    %swap3A_973 = arith.constant 0 : index
    %swap3A_974 = vector.load %arg10[%swap3A_970, %swap3A_971, %swap3A_972, %swap3A_973] : memref<8x1x64x160xi32, #tpu.memory_space<vmem>>, vector<1x1x8x160xi32>
    %swap3A_975 = vector.shape_cast %swap3A_974 : vector<1x1x8x160xi32> to vector<8x160xi32>
    %swap3A_976 = vector.shape_cast %slice3A_969 : vector<8x160xi32> to vector<1x1x8x160xi32>
    tpu.vector_store %arg10[%swap3A_970, %swap3A_971, %swap3A_972, %swap3A_973], %swap3A_976 {strides = array<i32>} : memref<8x1x64x160xi32, #tpu.memory_space<vmem>>, vector<1x1x8x160xi32>,
    %slice3A_977 = vector.extract_strided_slice %select_n3A_557 {offsets = [16, 0], sizes = [8, 160], strides = [1, 1]} : vector<64x160xf32> to vector<8x160xf32>
    %swap3A_978 = arith.constant 2 : index
    %swap3A_979 = arith.constant 0 : index
    %swap3A_980 = arith.constant 40 : index
    %swap3A_981 = arith.constant 0 : index
    %swap3A_982 = vector.load %arg11[%swap3A_978, %swap3A_979, %swap3A_980, %swap3A_981] : memref<8x1x64x160xf32, #tpu.memory_space<vmem>>, vector<1x1x8x160xf32>
    %swap3A_983 = vector.shape_cast %swap3A_982 : vector<1x1x8x160xf32> to vector<8x160xf32>
    %swap3A_984 = vector.shape_cast %slice3A_977 : vector<8x160xf32> to vector<1x1x8x160xf32>
    tpu.vector_store %arg11[%swap3A_978, %swap3A_979, %swap3A_980, %swap3A_981], %swap3A_984 {strides = array<i32>} : memref<8x1x64x160xf32, #tpu.memory_space<vmem>>, vector<1x1x8x160xf32>,
    %slice3A_985 = vector.extract_strided_slice %add3A_591 {offsets = [16, 0], sizes = [8, 160], strides = [1, 1]} : vector<64x160xi32> to vector<8x160xi32>
    %swap3A_986 = arith.constant 2 : index
    %swap3A_987 = arith.constant 0 : index
    %swap3A_988 = arith.constant 48 : index
    %swap3A_989 = arith.constant 0 : index
    %swap3A_990 = vector.load %arg10[%swap3A_986, %swap3A_987, %swap3A_988, %swap3A_989] : memref<8x1x64x160xi32, #tpu.memory_space<vmem>>, vector<1x1x8x160xi32>
    %swap3A_991 = vector.shape_cast %swap3A_990 : vector<1x1x8x160xi32> to vector<8x160xi32>
    %swap3A_992 = vector.shape_cast %slice3A_985 : vector<8x160xi32> to vector<1x1x8x160xi32>
    tpu.vector_store %arg10[%swap3A_986, %swap3A_987, %swap3A_988, %swap3A_989], %swap3A_992 {strides = array<i32>} : memref<8x1x64x160xi32, #tpu.memory_space<vmem>>, vector<1x1x8x160xi32>,
    %slice3A_993 = vector.extract_strided_slice %select_n3A_595 {offsets = [16, 0], sizes = [8, 160], strides = [1, 1]} : vector<64x160xf32> to vector<8x160xf32>
    %swap3A_994 = arith.constant 2 : index
    %swap3A_995 = arith.constant 0 : index
    %swap3A_996 = arith.constant 48 : index
    %swap3A_997 = arith.constant 0 : index
    %swap3A_998 = vector.load %arg11[%swap3A_994, %swap3A_995, %swap3A_996, %swap3A_997] : memref<8x1x64x160xf32, #tpu.memory_space<vmem>>, vector<1x1x8x160xf32>
    %swap3A_999 = vector.shape_cast %swap3A_998 : vector<1x1x8x160xf32> to vector<8x160xf32>
    %swap3A_1000 = vector.shape_cast %slice3A_993 : vector<8x160xf32> to vector<1x1x8x160xf32>
    tpu.vector_store %arg11[%swap3A_994, %swap3A_995, %swap3A_996, %swap3A_997], %swap3A_1000 {strides = array<i32>} : memref<8x1x64x160xf32, #tpu.memory_space<vmem>>, vector<1x1x8x160xf32>,
    %slice3A_1001 = vector.extract_strided_slice %add3A_629 {offsets = [16, 0], sizes = [8, 160], strides = [1, 1]} : vector<64x160xi32> to vector<8x160xi32>
    %swap3A_1002 = arith.constant 2 : index
    %swap3A_1003 = arith.constant 0 : index
    %swap3A_1004 = arith.constant 56 : index
    %swap3A_1005 = arith.constant 0 : index
    %swap3A_1006 = vector.load %arg10[%swap3A_1002, %swap3A_1003, %swap3A_1004, %swap3A_1005] : memref<8x1x64x160xi32, #tpu.memory_space<vmem>>, vector<1x1x8x160xi32>
    %swap3A_1007 = vector.shape_cast %swap3A_1006 : vector<1x1x8x160xi32> to vector<8x160xi32>
    %swap3A_1008 = vector.shape_cast %slice3A_1001 : vector<8x160xi32> to vector<1x1x8x160xi32>
    tpu.vector_store %arg10[%swap3A_1002, %swap3A_1003, %swap3A_1004, %swap3A_1005], %swap3A_1008 {strides = array<i32>} : memref<8x1x64x160xi32, #tpu.memory_space<vmem>>, vector<1x1x8x160xi32>,
    %slice3A_1009 = vector.extract_strided_slice %select_n3A_633 {offsets = [16, 0], sizes = [8, 160], strides = [1, 1]} : vector<64x160xf32> to vector<8x160xf32>
    %swap3A_1010 = arith.constant 2 : index
    %swap3A_1011 = arith.constant 0 : index
    %swap3A_1012 = arith.constant 56 : index
    %swap3A_1013 = arith.constant 0 : index
    %swap3A_1014 = vector.load %arg11[%swap3A_1010, %swap3A_1011, %swap3A_1012, %swap3A_1013] : memref<8x1x64x160xf32, #tpu.memory_space<vmem>>, vector<1x1x8x160xf32>
    %swap3A_1015 = vector.shape_cast %swap3A_1014 : vector<1x1x8x160xf32> to vector<8x160xf32>
    %swap3A_1016 = vector.shape_cast %slice3A_1009 : vector<8x160xf32> to vector<1x1x8x160xf32>
    tpu.vector_store %arg11[%swap3A_1010, %swap3A_1011, %swap3A_1012, %swap3A_1013], %swap3A_1016 {strides = array<i32>} : memref<8x1x64x160xf32, #tpu.memory_space<vmem>>, vector<1x1x8x160xf32>,
    %slice3A_1017 = vector.extract_strided_slice %add3A_277 {offsets = [24, 0], sizes = [8, 160], strides = [1, 1]} : vector<64x160xi32> to vector<8x160xi32>
    %swap3A_1018 = arith.constant 3 : index
    %swap3A_1019 = arith.constant 0 : index
    %swap3A_1020 = arith.constant 0 : index
    %swap3A_1021 = arith.constant 0 : index
    %swap3A_1022 = vector.load %arg10[%swap3A_1018, %swap3A_1019, %swap3A_1020, %swap3A_1021] : memref<8x1x64x160xi32, #tpu.memory_space<vmem>>, vector<1x1x8x160xi32>
    %swap3A_1023 = vector.shape_cast %swap3A_1022 : vector<1x1x8x160xi32> to vector<8x160xi32>
    %swap3A_1024 = vector.shape_cast %slice3A_1017 : vector<8x160xi32> to vector<1x1x8x160xi32>
    tpu.vector_store %arg10[%swap3A_1018, %swap3A_1019, %swap3A_1020, %swap3A_1021], %swap3A_1024 {strides = array<i32>} : memref<8x1x64x160xi32, #tpu.memory_space<vmem>>, vector<1x1x8x160xi32>,
    %slice3A_1025 = vector.extract_strided_slice %select_n3A_281 {offsets = [24, 0], sizes = [8, 160], strides = [1, 1]} : vector<64x160xf32> to vector<8x160xf32>
    %swap3A_1026 = arith.constant 3 : index
    %swap3A_1027 = arith.constant 0 : index
    %swap3A_1028 = arith.constant 0 : index
    %swap3A_1029 = arith.constant 0 : index
    %swap3A_1030 = vector.load %arg11[%swap3A_1026, %swap3A_1027, %swap3A_1028, %swap3A_1029] : memref<8x1x64x160xf32, #tpu.memory_space<vmem>>, vector<1x1x8x160xf32>
    %swap3A_1031 = vector.shape_cast %swap3A_1030 : vector<1x1x8x160xf32> to vector<8x160xf32>
    %swap3A_1032 = vector.shape_cast %slice3A_1025 : vector<8x160xf32> to vector<1x1x8x160xf32>
    tpu.vector_store %arg11[%swap3A_1026, %swap3A_1027, %swap3A_1028, %swap3A_1029], %swap3A_1032 {strides = array<i32>} : memref<8x1x64x160xf32, #tpu.memory_space<vmem>>, vector<1x1x8x160xf32>,
    %slice3A_1033 = vector.extract_strided_slice %add3A_315 {offsets = [24, 0], sizes = [8, 160], strides = [1, 1]} : vector<64x160xi32> to vector<8x160xi32>
    %swap3A_1034 = arith.constant 3 : index
    %swap3A_1035 = arith.constant 0 : index
    %swap3A_1036 = arith.constant 8 : index
    %swap3A_1037 = arith.constant 0 : index
    %swap3A_1038 = vector.load %arg10[%swap3A_1034, %swap3A_1035, %swap3A_1036, %swap3A_1037] : memref<8x1x64x160xi32, #tpu.memory_space<vmem>>, vector<1x1x8x160xi32>
    %swap3A_1039 = vector.shape_cast %swap3A_1038 : vector<1x1x8x160xi32> to vector<8x160xi32>
    %swap3A_1040 = vector.shape_cast %slice3A_1033 : vector<8x160xi32> to vector<1x1x8x160xi32>
    tpu.vector_store %arg10[%swap3A_1034, %swap3A_1035, %swap3A_1036, %swap3A_1037], %swap3A_1040 {strides = array<i32>} : memref<8x1x64x160xi32, #tpu.memory_space<vmem>>, vector<1x1x8x160xi32>,
    %slice3A_1041 = vector.extract_strided_slice %select_n3A_319 {offsets = [24, 0], sizes = [8, 160], strides = [1, 1]} : vector<64x160xf32> to vector<8x160xf32>
    %swap3A_1042 = arith.constant 3 : index
    %swap3A_1043 = arith.constant 0 : index
    %swap3A_1044 = arith.constant 8 : index
    %swap3A_1045 = arith.constant 0 : index
    %swap3A_1046 = vector.load %arg11[%swap3A_1042, %swap3A_1043, %swap3A_1044, %swap3A_1045] : memref<8x1x64x160xf32, #tpu.memory_space<vmem>>, vector<1x1x8x160xf32>
    %swap3A_1047 = vector.shape_cast %swap3A_1046 : vector<1x1x8x160xf32> to vector<8x160xf32>
    %swap3A_1048 = vector.shape_cast %slice3A_1041 : vector<8x160xf32> to vector<1x1x8x160xf32>
    tpu.vector_store %arg11[%swap3A_1042, %swap3A_1043, %swap3A_1044, %swap3A_1045], %swap3A_1048 {strides = array<i32>} : memref<8x1x64x160xf32, #tpu.memory_space<vmem>>, vector<1x1x8x160xf32>,
    %slice3A_1049 = vector.extract_strided_slice %add3A_353 {offsets = [24, 0], sizes = [8, 160], strides = [1, 1]} : vector<64x160xi32> to vector<8x160xi32>
    %swap3A_1050 = arith.constant 3 : index
    %swap3A_1051 = arith.constant 0 : index
    %swap3A_1052 = arith.constant 16 : index
    %swap3A_1053 = arith.constant 0 : index
    %swap3A_1054 = vector.load %arg10[%swap3A_1050, %swap3A_1051, %swap3A_1052, %swap3A_1053] : memref<8x1x64x160xi32, #tpu.memory_space<vmem>>, vector<1x1x8x160xi32>
    %swap3A_1055 = vector.shape_cast %swap3A_1054 : vector<1x1x8x160xi32> to vector<8x160xi32>
    %swap3A_1056 = vector.shape_cast %slice3A_1049 : vector<8x160xi32> to vector<1x1x8x160xi32>
    tpu.vector_store %arg10[%swap3A_1050, %swap3A_1051, %swap3A_1052, %swap3A_1053], %swap3A_1056 {strides = array<i32>} : memref<8x1x64x160xi32, #tpu.memory_space<vmem>>, vector<1x1x8x160xi32>,
    %slice3A_1057 = vector.extract_strided_slice %select_n3A_357 {offsets = [24, 0], sizes = [8, 160], strides = [1, 1]} : vector<64x160xf32> to vector<8x160xf32>
    %swap3A_1058 = arith.constant 3 : index
    %swap3A_1059 = arith.constant 0 : index
    %swap3A_1060 = arith.constant 16 : index
    %swap3A_1061 = arith.constant 0 : index
    %swap3A_1062 = vector.load %arg11[%swap3A_1058, %swap3A_1059, %swap3A_1060, %swap3A_1061] : memref<8x1x64x160xf32, #tpu.memory_space<vmem>>, vector<1x1x8x160xf32>
    %swap3A_1063 = vector.shape_cast %swap3A_1062 : vector<1x1x8x160xf32> to vector<8x160xf32>
    %swap3A_1064 = vector.shape_cast %slice3A_1057 : vector<8x160xf32> to vector<1x1x8x160xf32>
    tpu.vector_store %arg11[%swap3A_1058, %swap3A_1059, %swap3A_1060, %swap3A_1061], %swap3A_1064 {strides = array<i32>} : memref<8x1x64x160xf32, #tpu.memory_space<vmem>>, vector<1x1x8x160xf32>,
    %slice3A_1065 = vector.extract_strided_slice %add3A_391 {offsets = [24, 0], sizes = [8, 160], strides = [1, 1]} : vector<64x160xi32> to vector<8x160xi32>
    %swap3A_1066 = arith.constant 3 : index
    %swap3A_1067 = arith.constant 0 : index
    %swap3A_1068 = arith.constant 24 : index
    %swap3A_1069 = arith.constant 0 : index
    %swap3A_1070 = vector.load %arg10[%swap3A_1066, %swap3A_1067, %swap3A_1068, %swap3A_1069] : memref<8x1x64x160xi32, #tpu.memory_space<vmem>>, vector<1x1x8x160xi32>
    %swap3A_1071 = vector.shape_cast %swap3A_1070 : vector<1x1x8x160xi32> to vector<8x160xi32>
    %swap3A_1072 = vector.shape_cast %slice3A_1065 : vector<8x160xi32> to vector<1x1x8x160xi32>
    tpu.vector_store %arg10[%swap3A_1066, %swap3A_1067, %swap3A_1068, %swap3A_1069], %swap3A_1072 {strides = array<i32>} : memref<8x1x64x160xi32, #tpu.memory_space<vmem>>, vector<1x1x8x160xi32>,
    %slice3A_1073 = vector.extract_strided_slice %select_n3A_395 {offsets = [24, 0], sizes = [8, 160], strides = [1, 1]} : vector<64x160xf32> to vector<8x160xf32>
    %swap3A_1074 = arith.constant 3 : index
    %swap3A_1075 = arith.constant 0 : index
    %swap3A_1076 = arith.constant 24 : index
    %swap3A_1077 = arith.constant 0 : index
    %swap3A_1078 = vector.load %arg11[%swap3A_1074, %swap3A_1075, %swap3A_1076, %swap3A_1077] : memref<8x1x64x160xf32, #tpu.memory_space<vmem>>, vector<1x1x8x160xf32>
    %swap3A_1079 = vector.shape_cast %swap3A_1078 : vector<1x1x8x160xf32> to vector<8x160xf32>
    %swap3A_1080 = vector.shape_cast %slice3A_1073 : vector<8x160xf32> to vector<1x1x8x160xf32>
    tpu.vector_store %arg11[%swap3A_1074, %swap3A_1075, %swap3A_1076, %swap3A_1077], %swap3A_1080 {strides = array<i32>} : memref<8x1x64x160xf32, #tpu.memory_space<vmem>>, vector<1x1x8x160xf32>,
    %slice3A_1081 = vector.extract_strided_slice %add3A_515 {offsets = [24, 0], sizes = [8, 160], strides = [1, 1]} : vector<64x160xi32> to vector<8x160xi32>
    %swap3A_1082 = arith.constant 3 : index
    %swap3A_1083 = arith.constant 0 : index
    %swap3A_1084 = arith.constant 32 : index
    %swap3A_1085 = arith.constant 0 : index
    %swap3A_1086 = vector.load %arg10[%swap3A_1082, %swap3A_1083, %swap3A_1084, %swap3A_1085] : memref<8x1x64x160xi32, #tpu.memory_space<vmem>>, vector<1x1x8x160xi32>
    %swap3A_1087 = vector.shape_cast %swap3A_1086 : vector<1x1x8x160xi32> to vector<8x160xi32>
    %swap3A_1088 = vector.shape_cast %slice3A_1081 : vector<8x160xi32> to vector<1x1x8x160xi32>
    tpu.vector_store %arg10[%swap3A_1082, %swap3A_1083, %swap3A_1084, %swap3A_1085], %swap3A_1088 {strides = array<i32>} : memref<8x1x64x160xi32, #tpu.memory_space<vmem>>, vector<1x1x8x160xi32>,
    %slice3A_1089 = vector.extract_strided_slice %select_n3A_519 {offsets = [24, 0], sizes = [8, 160], strides = [1, 1]} : vector<64x160xf32> to vector<8x160xf32>
    %swap3A_1090 = arith.constant 3 : index
    %swap3A_1091 = arith.constant 0 : index
    %swap3A_1092 = arith.constant 32 : index
    %swap3A_1093 = arith.constant 0 : index
    %swap3A_1094 = vector.load %arg11[%swap3A_1090, %swap3A_1091, %swap3A_1092, %swap3A_1093] : memref<8x1x64x160xf32, #tpu.memory_space<vmem>>, vector<1x1x8x160xf32>
    %swap3A_1095 = vector.shape_cast %swap3A_1094 : vector<1x1x8x160xf32> to vector<8x160xf32>
    %swap3A_1096 = vector.shape_cast %slice3A_1089 : vector<8x160xf32> to vector<1x1x8x160xf32>
    tpu.vector_store %arg11[%swap3A_1090, %swap3A_1091, %swap3A_1092, %swap3A_1093], %swap3A_1096 {strides = array<i32>} : memref<8x1x64x160xf32, #tpu.memory_space<vmem>>, vector<1x1x8x160xf32>,
    %slice3A_1097 = vector.extract_strided_slice %add3A_553 {offsets = [24, 0], sizes = [8, 160], strides = [1, 1]} : vector<64x160xi32> to vector<8x160xi32>
    %swap3A_1098 = arith.constant 3 : index
    %swap3A_1099 = arith.constant 0 : index
    %swap3A_1100 = arith.constant 40 : index
    %swap3A_1101 = arith.constant 0 : index
    %swap3A_1102 = vector.load %arg10[%swap3A_1098, %swap3A_1099, %swap3A_1100, %swap3A_1101] : memref<8x1x64x160xi32, #tpu.memory_space<vmem>>, vector<1x1x8x160xi32>
    %swap3A_1103 = vector.shape_cast %swap3A_1102 : vector<1x1x8x160xi32> to vector<8x160xi32>
    %swap3A_1104 = vector.shape_cast %slice3A_1097 : vector<8x160xi32> to vector<1x1x8x160xi32>
    tpu.vector_store %arg10[%swap3A_1098, %swap3A_1099, %swap3A_1100, %swap3A_1101], %swap3A_1104 {strides = array<i32>} : memref<8x1x64x160xi32, #tpu.memory_space<vmem>>, vector<1x1x8x160xi32>,
    %slice3A_1105 = vector.extract_strided_slice %select_n3A_557 {offsets = [24, 0], sizes = [8, 160], strides = [1, 1]} : vector<64x160xf32> to vector<8x160xf32>
    %swap3A_1106 = arith.constant 3 : index
    %swap3A_1107 = arith.constant 0 : index
    %swap3A_1108 = arith.constant 40 : index
    %swap3A_1109 = arith.constant 0 : index
    %swap3A_1110 = vector.load %arg11[%swap3A_1106, %swap3A_1107, %swap3A_1108, %swap3A_1109] : memref<8x1x64x160xf32, #tpu.memory_space<vmem>>, vector<1x1x8x160xf32>
    %swap3A_1111 = vector.shape_cast %swap3A_1110 : vector<1x1x8x160xf32> to vector<8x160xf32>
    %swap3A_1112 = vector.shape_cast %slice3A_1105 : vector<8x160xf32> to vector<1x1x8x160xf32>
    tpu.vector_store %arg11[%swap3A_1106, %swap3A_1107, %swap3A_1108, %swap3A_1109], %swap3A_1112 {strides = array<i32>} : memref<8x1x64x160xf32, #tpu.memory_space<vmem>>, vector<1x1x8x160xf32>,
    %slice3A_1113 = vector.extract_strided_slice %add3A_591 {offsets = [24, 0], sizes = [8, 160], strides = [1, 1]} : vector<64x160xi32> to vector<8x160xi32>
    %swap3A_1114 = arith.constant 3 : index
    %swap3A_1115 = arith.constant 0 : index
    %swap3A_1116 = arith.constant 48 : index
    %swap3A_1117 = arith.constant 0 : index
    %swap3A_1118 = vector.load %arg10[%swap3A_1114, %swap3A_1115, %swap3A_1116, %swap3A_1117] : memref<8x1x64x160xi32, #tpu.memory_space<vmem>>, vector<1x1x8x160xi32>
    %swap3A_1119 = vector.shape_cast %swap3A_1118 : vector<1x1x8x160xi32> to vector<8x160xi32>
    %swap3A_1120 = vector.shape_cast %slice3A_1113 : vector<8x160xi32> to vector<1x1x8x160xi32>
    tpu.vector_store %arg10[%swap3A_1114, %swap3A_1115, %swap3A_1116, %swap3A_1117], %swap3A_1120 {strides = array<i32>} : memref<8x1x64x160xi32, #tpu.memory_space<vmem>>, vector<1x1x8x160xi32>,
    %slice3A_1121 = vector.extract_strided_slice %select_n3A_595 {offsets = [24, 0], sizes = [8, 160], strides = [1, 1]} : vector<64x160xf32> to vector<8x160xf32>
    %swap3A_1122 = arith.constant 3 : index
    %swap3A_1123 = arith.constant 0 : index
    %swap3A_1124 = arith.constant 48 : index
    %swap3A_1125 = arith.constant 0 : index
    %swap3A_1126 = vector.load %arg11[%swap3A_1122, %swap3A_1123, %swap3A_1124, %swap3A_1125] : memref<8x1x64x160xf32, #tpu.memory_space<vmem>>, vector<1x1x8x160xf32>
    %swap3A_1127 = vector.shape_cast %swap3A_1126 : vector<1x1x8x160xf32> to vector<8x160xf32>
    %swap3A_1128 = vector.shape_cast %slice3A_1121 : vector<8x160xf32> to vector<1x1x8x160xf32>
    tpu.vector_store %arg11[%swap3A_1122, %swap3A_1123, %swap3A_1124, %swap3A_1125], %swap3A_1128 {strides = array<i32>} : memref<8x1x64x160xf32, #tpu.memory_space<vmem>>, vector<1x1x8x160xf32>,
    %slice3A_1129 = vector.extract_strided_slice %add3A_629 {offsets = [24, 0], sizes = [8, 160], strides = [1, 1]} : vector<64x160xi32> to vector<8x160xi32>
    %swap3A_1130 = arith.constant 3 : index
    %swap3A_1131 = arith.constant 0 : index
    %swap3A_1132 = arith.constant 56 : index
    %swap3A_1133 = arith.constant 0 : index
    %swap3A_1134 = vector.load %arg10[%swap3A_1130, %swap3A_1131, %swap3A_1132, %swap3A_1133] : memref<8x1x64x160xi32, #tpu.memory_space<vmem>>, vector<1x1x8x160xi32>
    %swap3A_1135 = vector.shape_cast %swap3A_1134 : vector<1x1x8x160xi32> to vector<8x160xi32>
    %swap3A_1136 = vector.shape_cast %slice3A_1129 : vector<8x160xi32> to vector<1x1x8x160xi32>
    tpu.vector_store %arg10[%swap3A_1130, %swap3A_1131, %swap3A_1132, %swap3A_1133], %swap3A_1136 {strides = array<i32>} : memref<8x1x64x160xi32, #tpu.memory_space<vmem>>, vector<1x1x8x160xi32>,
    %slice3A_1137 = vector.extract_strided_slice %select_n3A_633 {offsets = [24, 0], sizes = [8, 160], strides = [1, 1]} : vector<64x160xf32> to vector<8x160xf32>
    %swap3A_1138 = arith.constant 3 : index
    %swap3A_1139 = arith.constant 0 : index
    %swap3A_1140 = arith.constant 56 : index
    %swap3A_1141 = arith.constant 0 : index
    %swap3A_1142 = vector.load %arg11[%swap3A_1138, %swap3A_1139, %swap3A_1140, %swap3A_1141] : memref<8x1x64x160xf32, #tpu.memory_space<vmem>>, vector<1x1x8x160xf32>
    %swap3A_1143 = vector.shape_cast %swap3A_1142 : vector<1x1x8x160xf32> to vector<8x160xf32>
    %swap3A_1144 = vector.shape_cast %slice3A_1137 : vector<8x160xf32> to vector<1x1x8x160xf32>
    tpu.vector_store %arg11[%swap3A_1138, %swap3A_1139, %swap3A_1140, %swap3A_1141], %swap3A_1144 {strides = array<i32>} : memref<8x1x64x160xf32, #tpu.memory_space<vmem>>, vector<1x1x8x160xf32>,
    %slice3A_1145 = vector.extract_strided_slice %add3A_277 {offsets = [32, 0], sizes = [8, 160], strides = [1, 1]} : vector<64x160xi32> to vector<8x160xi32>
    %swap3A_1146 = arith.constant 4 : index
    %swap3A_1147 = arith.constant 0 : index
    %swap3A_1148 = arith.constant 0 : index
    %swap3A_1149 = arith.constant 0 : index
    %swap3A_1150 = vector.load %arg10[%swap3A_1146, %swap3A_1147, %swap3A_1148, %swap3A_1149] : memref<8x1x64x160xi32, #tpu.memory_space<vmem>>, vector<1x1x8x160xi32>
    %swap3A_1151 = vector.shape_cast %swap3A_1150 : vector<1x1x8x160xi32> to vector<8x160xi32>
    %swap3A_1152 = vector.shape_cast %slice3A_1145 : vector<8x160xi32> to vector<1x1x8x160xi32>
    tpu.vector_store %arg10[%swap3A_1146, %swap3A_1147, %swap3A_1148, %swap3A_1149], %swap3A_1152 {strides = array<i32>} : memref<8x1x64x160xi32, #tpu.memory_space<vmem>>, vector<1x1x8x160xi32>,
    %slice3A_1153 = vector.extract_strided_slice %select_n3A_281 {offsets = [32, 0], sizes = [8, 160], strides = [1, 1]} : vector<64x160xf32> to vector<8x160xf32>
    %swap3A_1154 = arith.constant 4 : index
    %swap3A_1155 = arith.constant 0 : index
    %swap3A_1156 = arith.constant 0 : index
    %swap3A_1157 = arith.constant 0 : index
    %swap3A_1158 = vector.load %arg11[%swap3A_1154, %swap3A_1155, %swap3A_1156, %swap3A_1157] : memref<8x1x64x160xf32, #tpu.memory_space<vmem>>, vector<1x1x8x160xf32>
    %swap3A_1159 = vector.shape_cast %swap3A_1158 : vector<1x1x8x160xf32> to vector<8x160xf32>
    %swap3A_1160 = vector.shape_cast %slice3A_1153 : vector<8x160xf32> to vector<1x1x8x160xf32>
    tpu.vector_store %arg11[%swap3A_1154, %swap3A_1155, %swap3A_1156, %swap3A_1157], %swap3A_1160 {strides = array<i32>} : memref<8x1x64x160xf32, #tpu.memory_space<vmem>>, vector<1x1x8x160xf32>,
    %slice3A_1161 = vector.extract_strided_slice %add3A_315 {offsets = [32, 0], sizes = [8, 160], strides = [1, 1]} : vector<64x160xi32> to vector<8x160xi32>
    %swap3A_1162 = arith.constant 4 : index
    %swap3A_1163 = arith.constant 0 : index
    %swap3A_1164 = arith.constant 8 : index
    %swap3A_1165 = arith.constant 0 : index
    %swap3A_1166 = vector.load %arg10[%swap3A_1162, %swap3A_1163, %swap3A_1164, %swap3A_1165] : memref<8x1x64x160xi32, #tpu.memory_space<vmem>>, vector<1x1x8x160xi32>
    %swap3A_1167 = vector.shape_cast %swap3A_1166 : vector<1x1x8x160xi32> to vector<8x160xi32>
    %swap3A_1168 = vector.shape_cast %slice3A_1161 : vector<8x160xi32> to vector<1x1x8x160xi32>
    tpu.vector_store %arg10[%swap3A_1162, %swap3A_1163, %swap3A_1164, %swap3A_1165], %swap3A_1168 {strides = array<i32>} : memref<8x1x64x160xi32, #tpu.memory_space<vmem>>, vector<1x1x8x160xi32>,
    %slice3A_1169 = vector.extract_strided_slice %select_n3A_319 {offsets = [32, 0], sizes = [8, 160], strides = [1, 1]} : vector<64x160xf32> to vector<8x160xf32>
    %swap3A_1170 = arith.constant 4 : index
    %swap3A_1171 = arith.constant 0 : index
    %swap3A_1172 = arith.constant 8 : index
    %swap3A_1173 = arith.constant 0 : index
    %swap3A_1174 = vector.load %arg11[%swap3A_1170, %swap3A_1171, %swap3A_1172, %swap3A_1173] : memref<8x1x64x160xf32, #tpu.memory_space<vmem>>, vector<1x1x8x160xf32>
    %swap3A_1175 = vector.shape_cast %swap3A_1174 : vector<1x1x8x160xf32> to vector<8x160xf32>
    %swap3A_1176 = vector.shape_cast %slice3A_1169 : vector<8x160xf32> to vector<1x1x8x160xf32>
    tpu.vector_store %arg11[%swap3A_1170, %swap3A_1171, %swap3A_1172, %swap3A_1173], %swap3A_1176 {strides = array<i32>} : memref<8x1x64x160xf32, #tpu.memory_space<vmem>>, vector<1x1x8x160xf32>,
    %slice3A_1177 = vector.extract_strided_slice %add3A_353 {offsets = [32, 0], sizes = [8, 160], strides = [1, 1]} : vector<64x160xi32> to vector<8x160xi32>
    %swap3A_1178 = arith.constant 4 : index
    %swap3A_1179 = arith.constant 0 : index
    %swap3A_1180 = arith.constant 16 : index
    %swap3A_1181 = arith.constant 0 : index
    %swap3A_1182 = vector.load %arg10[%swap3A_1178, %swap3A_1179, %swap3A_1180, %swap3A_1181] : memref<8x1x64x160xi32, #tpu.memory_space<vmem>>, vector<1x1x8x160xi32>
    %swap3A_1183 = vector.shape_cast %swap3A_1182 : vector<1x1x8x160xi32> to vector<8x160xi32>
    %swap3A_1184 = vector.shape_cast %slice3A_1177 : vector<8x160xi32> to vector<1x1x8x160xi32>
    tpu.vector_store %arg10[%swap3A_1178, %swap3A_1179, %swap3A_1180, %swap3A_1181], %swap3A_1184 {strides = array<i32>} : memref<8x1x64x160xi32, #tpu.memory_space<vmem>>, vector<1x1x8x160xi32>,
    %slice3A_1185 = vector.extract_strided_slice %select_n3A_357 {offsets = [32, 0], sizes = [8, 160], strides = [1, 1]} : vector<64x160xf32> to vector<8x160xf32>
    %swap3A_1186 = arith.constant 4 : index
    %swap3A_1187 = arith.constant 0 : index
    %swap3A_1188 = arith.constant 16 : index
    %swap3A_1189 = arith.constant 0 : index
    %swap3A_1190 = vector.load %arg11[%swap3A_1186, %swap3A_1187, %swap3A_1188, %swap3A_1189] : memref<8x1x64x160xf32, #tpu.memory_space<vmem>>, vector<1x1x8x160xf32>
    %swap3A_1191 = vector.shape_cast %swap3A_1190 : vector<1x1x8x160xf32> to vector<8x160xf32>
    %swap3A_1192 = vector.shape_cast %slice3A_1185 : vector<8x160xf32> to vector<1x1x8x160xf32>
    tpu.vector_store %arg11[%swap3A_1186, %swap3A_1187, %swap3A_1188, %swap3A_1189], %swap3A_1192 {strides = array<i32>} : memref<8x1x64x160xf32, #tpu.memory_space<vmem>>, vector<1x1x8x160xf32>,
    %slice3A_1193 = vector.extract_strided_slice %add3A_391 {offsets = [32, 0], sizes = [8, 160], strides = [1, 1]} : vector<64x160xi32> to vector<8x160xi32>
    %swap3A_1194 = arith.constant 4 : index
    %swap3A_1195 = arith.constant 0 : index
    %swap3A_1196 = arith.constant 24 : index
    %swap3A_1197 = arith.constant 0 : index
    %swap3A_1198 = vector.load %arg10[%swap3A_1194, %swap3A_1195, %swap3A_1196, %swap3A_1197] : memref<8x1x64x160xi32, #tpu.memory_space<vmem>>, vector<1x1x8x160xi32>
    %swap3A_1199 = vector.shape_cast %swap3A_1198 : vector<1x1x8x160xi32> to vector<8x160xi32>
    %swap3A_1200 = vector.shape_cast %slice3A_1193 : vector<8x160xi32> to vector<1x1x8x160xi32>
    tpu.vector_store %arg10[%swap3A_1194, %swap3A_1195, %swap3A_1196, %swap3A_1197], %swap3A_1200 {strides = array<i32>} : memref<8x1x64x160xi32, #tpu.memory_space<vmem>>, vector<1x1x8x160xi32>,
    %slice3A_1201 = vector.extract_strided_slice %select_n3A_395 {offsets = [32, 0], sizes = [8, 160], strides = [1, 1]} : vector<64x160xf32> to vector<8x160xf32>
    %swap3A_1202 = arith.constant 4 : index
    %swap3A_1203 = arith.constant 0 : index
    %swap3A_1204 = arith.constant 24 : index
    %swap3A_1205 = arith.constant 0 : index
    %swap3A_1206 = vector.load %arg11[%swap3A_1202, %swap3A_1203, %swap3A_1204, %swap3A_1205] : memref<8x1x64x160xf32, #tpu.memory_space<vmem>>, vector<1x1x8x160xf32>
    %swap3A_1207 = vector.shape_cast %swap3A_1206 : vector<1x1x8x160xf32> to vector<8x160xf32>
    %swap3A_1208 = vector.shape_cast %slice3A_1201 : vector<8x160xf32> to vector<1x1x8x160xf32>
    tpu.vector_store %arg11[%swap3A_1202, %swap3A_1203, %swap3A_1204, %swap3A_1205], %swap3A_1208 {strides = array<i32>} : memref<8x1x64x160xf32, #tpu.memory_space<vmem>>, vector<1x1x8x160xf32>,
    %slice3A_1209 = vector.extract_strided_slice %add3A_515 {offsets = [32, 0], sizes = [8, 160], strides = [1, 1]} : vector<64x160xi32> to vector<8x160xi32>
    %swap3A_1210 = arith.constant 4 : index
    %swap3A_1211 = arith.constant 0 : index
    %swap3A_1212 = arith.constant 32 : index
    %swap3A_1213 = arith.constant 0 : index
    %swap3A_1214 = vector.load %arg10[%swap3A_1210, %swap3A_1211, %swap3A_1212, %swap3A_1213] : memref<8x1x64x160xi32, #tpu.memory_space<vmem>>, vector<1x1x8x160xi32>
    %swap3A_1215 = vector.shape_cast %swap3A_1214 : vector<1x1x8x160xi32> to vector<8x160xi32>
    %swap3A_1216 = vector.shape_cast %slice3A_1209 : vector<8x160xi32> to vector<1x1x8x160xi32>
    tpu.vector_store %arg10[%swap3A_1210, %swap3A_1211, %swap3A_1212, %swap3A_1213], %swap3A_1216 {strides = array<i32>} : memref<8x1x64x160xi32, #tpu.memory_space<vmem>>, vector<1x1x8x160xi32>,
    %slice3A_1217 = vector.extract_strided_slice %select_n3A_519 {offsets = [32, 0], sizes = [8, 160], strides = [1, 1]} : vector<64x160xf32> to vector<8x160xf32>
    %swap3A_1218 = arith.constant 4 : index
    %swap3A_1219 = arith.constant 0 : index
    %swap3A_1220 = arith.constant 32 : index
    %swap3A_1221 = arith.constant 0 : index
    %swap3A_1222 = vector.load %arg11[%swap3A_1218, %swap3A_1219, %swap3A_1220, %swap3A_1221] : memref<8x1x64x160xf32, #tpu.memory_space<vmem>>, vector<1x1x8x160xf32>
    %swap3A_1223 = vector.shape_cast %swap3A_1222 : vector<1x1x8x160xf32> to vector<8x160xf32>
    %swap3A_1224 = vector.shape_cast %slice3A_1217 : vector<8x160xf32> to vector<1x1x8x160xf32>
    tpu.vector_store %arg11[%swap3A_1218, %swap3A_1219, %swap3A_1220, %swap3A_1221], %swap3A_1224 {strides = array<i32>} : memref<8x1x64x160xf32, #tpu.memory_space<vmem>>, vector<1x1x8x160xf32>,
    %slice3A_1225 = vector.extract_strided_slice %add3A_553 {offsets = [32, 0], sizes = [8, 160], strides = [1, 1]} : vector<64x160xi32> to vector<8x160xi32>
    %swap3A_1226 = arith.constant 4 : index
    %swap3A_1227 = arith.constant 0 : index
    %swap3A_1228 = arith.constant 40 : index
    %swap3A_1229 = arith.constant 0 : index
    %swap3A_1230 = vector.load %arg10[%swap3A_1226, %swap3A_1227, %swap3A_1228, %swap3A_1229] : memref<8x1x64x160xi32, #tpu.memory_space<vmem>>, vector<1x1x8x160xi32>
    %swap3A_1231 = vector.shape_cast %swap3A_1230 : vector<1x1x8x160xi32> to vector<8x160xi32>
    %swap3A_1232 = vector.shape_cast %slice3A_1225 : vector<8x160xi32> to vector<1x1x8x160xi32>
    tpu.vector_store %arg10[%swap3A_1226, %swap3A_1227, %swap3A_1228, %swap3A_1229], %swap3A_1232 {strides = array<i32>} : memref<8x1x64x160xi32, #tpu.memory_space<vmem>>, vector<1x1x8x160xi32>,
    %slice3A_1233 = vector.extract_strided_slice %select_n3A_557 {offsets = [32, 0], sizes = [8, 160], strides = [1, 1]} : vector<64x160xf32> to vector<8x160xf32>
    %swap3A_1234 = arith.constant 4 : index
    %swap3A_1235 = arith.constant 0 : index
    %swap3A_1236 = arith.constant 40 : index
    %swap3A_1237 = arith.constant 0 : index
    %swap3A_1238 = vector.load %arg11[%swap3A_1234, %swap3A_1235, %swap3A_1236, %swap3A_1237] : memref<8x1x64x160xf32, #tpu.memory_space<vmem>>, vector<1x1x8x160xf32>
    %swap3A_1239 = vector.shape_cast %swap3A_1238 : vector<1x1x8x160xf32> to vector<8x160xf32>
    %swap3A_1240 = vector.shape_cast %slice3A_1233 : vector<8x160xf32> to vector<1x1x8x160xf32>
    tpu.vector_store %arg11[%swap3A_1234, %swap3A_1235, %swap3A_1236, %swap3A_1237], %swap3A_1240 {strides = array<i32>} : memref<8x1x64x160xf32, #tpu.memory_space<vmem>>, vector<1x1x8x160xf32>,
    %slice3A_1241 = vector.extract_strided_slice %add3A_591 {offsets = [32, 0], sizes = [8, 160], strides = [1, 1]} : vector<64x160xi32> to vector<8x160xi32>
    %swap3A_1242 = arith.constant 4 : index
    %swap3A_1243 = arith.constant 0 : index
    %swap3A_1244 = arith.constant 48 : index
    %swap3A_1245 = arith.constant 0 : index
    %swap3A_1246 = vector.load %arg10[%swap3A_1242, %swap3A_1243, %swap3A_1244, %swap3A_1245] : memref<8x1x64x160xi32, #tpu.memory_space<vmem>>, vector<1x1x8x160xi32>
    %swap3A_1247 = vector.shape_cast %swap3A_1246 : vector<1x1x8x160xi32> to vector<8x160xi32>
    %swap3A_1248 = vector.shape_cast %slice3A_1241 : vector<8x160xi32> to vector<1x1x8x160xi32>
    tpu.vector_store %arg10[%swap3A_1242, %swap3A_1243, %swap3A_1244, %swap3A_1245], %swap3A_1248 {strides = array<i32>} : memref<8x1x64x160xi32, #tpu.memory_space<vmem>>, vector<1x1x8x160xi32>,
    %slice3A_1249 = vector.extract_strided_slice %select_n3A_595 {offsets = [32, 0], sizes = [8, 160], strides = [1, 1]} : vector<64x160xf32> to vector<8x160xf32>
    %swap3A_1250 = arith.constant 4 : index
    %swap3A_1251 = arith.constant 0 : index
    %swap3A_1252 = arith.constant 48 : index
    %swap3A_1253 = arith.constant 0 : index
    %swap3A_1254 = vector.load %arg11[%swap3A_1250, %swap3A_1251, %swap3A_1252, %swap3A_1253] : memref<8x1x64x160xf32, #tpu.memory_space<vmem>>, vector<1x1x8x160xf32>
    %swap3A_1255 = vector.shape_cast %swap3A_1254 : vector<1x1x8x160xf32> to vector<8x160xf32>
    %swap3A_1256 = vector.shape_cast %slice3A_1249 : vector<8x160xf32> to vector<1x1x8x160xf32>
    tpu.vector_store %arg11[%swap3A_1250, %swap3A_1251, %swap3A_1252, %swap3A_1253], %swap3A_1256 {strides = array<i32>} : memref<8x1x64x160xf32, #tpu.memory_space<vmem>>, vector<1x1x8x160xf32>,
    %slice3A_1257 = vector.extract_strided_slice %add3A_629 {offsets = [32, 0], sizes = [8, 160], strides = [1, 1]} : vector<64x160xi32> to vector<8x160xi32>
    %swap3A_1258 = arith.constant 4 : index
    %swap3A_1259 = arith.constant 0 : index
    %swap3A_1260 = arith.constant 56 : index
    %swap3A_1261 = arith.constant 0 : index
    %swap3A_1262 = vector.load %arg10[%swap3A_1258, %swap3A_1259, %swap3A_1260, %swap3A_1261] : memref<8x1x64x160xi32, #tpu.memory_space<vmem>>, vector<1x1x8x160xi32>
    %swap3A_1263 = vector.shape_cast %swap3A_1262 : vector<1x1x8x160xi32> to vector<8x160xi32>
    %swap3A_1264 = vector.shape_cast %slice3A_1257 : vector<8x160xi32> to vector<1x1x8x160xi32>
    tpu.vector_store %arg10[%swap3A_1258, %swap3A_1259, %swap3A_1260, %swap3A_1261], %swap3A_1264 {strides = array<i32>} : memref<8x1x64x160xi32, #tpu.memory_space<vmem>>, vector<1x1x8x160xi32>,
    %slice3A_1265 = vector.extract_strided_slice %select_n3A_633 {offsets = [32, 0], sizes = [8, 160], strides = [1, 1]} : vector<64x160xf32> to vector<8x160xf32>
    %swap3A_1266 = arith.constant 4 : index
    %swap3A_1267 = arith.constant 0 : index
    %swap3A_1268 = arith.constant 56 : index
    %swap3A_1269 = arith.constant 0 : index
    %swap3A_1270 = vector.load %arg11[%swap3A_1266, %swap3A_1267, %swap3A_1268, %swap3A_1269] : memref<8x1x64x160xf32, #tpu.memory_space<vmem>>, vector<1x1x8x160xf32>
    %swap3A_1271 = vector.shape_cast %swap3A_1270 : vector<1x1x8x160xf32> to vector<8x160xf32>
    %swap3A_1272 = vector.shape_cast %slice3A_1265 : vector<8x160xf32> to vector<1x1x8x160xf32>
    tpu.vector_store %arg11[%swap3A_1266, %swap3A_1267, %swap3A_1268, %swap3A_1269], %swap3A_1272 {strides = array<i32>} : memref<8x1x64x160xf32, #tpu.memory_space<vmem>>, vector<1x1x8x160xf32>,
    %slice3A_1273 = vector.extract_strided_slice %add3A_277 {offsets = [40, 0], sizes = [8, 160], strides = [1, 1]} : vector<64x160xi32> to vector<8x160xi32>
    %swap3A_1274 = arith.constant 5 : index
    %swap3A_1275 = arith.constant 0 : index
    %swap3A_1276 = arith.constant 0 : index
    %swap3A_1277 = arith.constant 0 : index
    %swap3A_1278 = vector.load %arg10[%swap3A_1274, %swap3A_1275, %swap3A_1276, %swap3A_1277] : memref<8x1x64x160xi32, #tpu.memory_space<vmem>>, vector<1x1x8x160xi32>
    %swap3A_1279 = vector.shape_cast %swap3A_1278 : vector<1x1x8x160xi32> to vector<8x160xi32>
    %swap3A_1280 = vector.shape_cast %slice3A_1273 : vector<8x160xi32> to vector<1x1x8x160xi32>
    tpu.vector_store %arg10[%swap3A_1274, %swap3A_1275, %swap3A_1276, %swap3A_1277], %swap3A_1280 {strides = array<i32>} : memref<8x1x64x160xi32, #tpu.memory_space<vmem>>, vector<1x1x8x160xi32>,
    %slice3A_1281 = vector.extract_strided_slice %select_n3A_281 {offsets = [40, 0], sizes = [8, 160], strides = [1, 1]} : vector<64x160xf32> to vector<8x160xf32>
    %swap3A_1282 = arith.constant 5 : index
    %swap3A_1283 = arith.constant 0 : index
    %swap3A_1284 = arith.constant 0 : index
    %swap3A_1285 = arith.constant 0 : index
    %swap3A_1286 = vector.load %arg11[%swap3A_1282, %swap3A_1283, %swap3A_1284, %swap3A_1285] : memref<8x1x64x160xf32, #tpu.memory_space<vmem>>, vector<1x1x8x160xf32>
    %swap3A_1287 = vector.shape_cast %swap3A_1286 : vector<1x1x8x160xf32> to vector<8x160xf32>
    %swap3A_1288 = vector.shape_cast %slice3A_1281 : vector<8x160xf32> to vector<1x1x8x160xf32>
    tpu.vector_store %arg11[%swap3A_1282, %swap3A_1283, %swap3A_1284, %swap3A_1285], %swap3A_1288 {strides = array<i32>} : memref<8x1x64x160xf32, #tpu.memory_space<vmem>>, vector<1x1x8x160xf32>,
    %slice3A_1289 = vector.extract_strided_slice %add3A_315 {offsets = [40, 0], sizes = [8, 160], strides = [1, 1]} : vector<64x160xi32> to vector<8x160xi32>
    %swap3A_1290 = arith.constant 5 : index
    %swap3A_1291 = arith.constant 0 : index
    %swap3A_1292 = arith.constant 8 : index
    %swap3A_1293 = arith.constant 0 : index
    %swap3A_1294 = vector.load %arg10[%swap3A_1290, %swap3A_1291, %swap3A_1292, %swap3A_1293] : memref<8x1x64x160xi32, #tpu.memory_space<vmem>>, vector<1x1x8x160xi32>
    %swap3A_1295 = vector.shape_cast %swap3A_1294 : vector<1x1x8x160xi32> to vector<8x160xi32>
    %swap3A_1296 = vector.shape_cast %slice3A_1289 : vector<8x160xi32> to vector<1x1x8x160xi32>
    tpu.vector_store %arg10[%swap3A_1290, %swap3A_1291, %swap3A_1292, %swap3A_1293], %swap3A_1296 {strides = array<i32>} : memref<8x1x64x160xi32, #tpu.memory_space<vmem>>, vector<1x1x8x160xi32>,
    %slice3A_1297 = vector.extract_strided_slice %select_n3A_319 {offsets = [40, 0], sizes = [8, 160], strides = [1, 1]} : vector<64x160xf32> to vector<8x160xf32>
    %swap3A_1298 = arith.constant 5 : index
    %swap3A_1299 = arith.constant 0 : index
    %swap3A_1300 = arith.constant 8 : index
    %swap3A_1301 = arith.constant 0 : index
    %swap3A_1302 = vector.load %arg11[%swap3A_1298, %swap3A_1299, %swap3A_1300, %swap3A_1301] : memref<8x1x64x160xf32, #tpu.memory_space<vmem>>, vector<1x1x8x160xf32>
    %swap3A_1303 = vector.shape_cast %swap3A_1302 : vector<1x1x8x160xf32> to vector<8x160xf32>
    %swap3A_1304 = vector.shape_cast %slice3A_1297 : vector<8x160xf32> to vector<1x1x8x160xf32>
    tpu.vector_store %arg11[%swap3A_1298, %swap3A_1299, %swap3A_1300, %swap3A_1301], %swap3A_1304 {strides = array<i32>} : memref<8x1x64x160xf32, #tpu.memory_space<vmem>>, vector<1x1x8x160xf32>,
    %slice3A_1305 = vector.extract_strided_slice %add3A_353 {offsets = [40, 0], sizes = [8, 160], strides = [1, 1]} : vector<64x160xi32> to vector<8x160xi32>
    %swap3A_1306 = arith.constant 5 : index
    %swap3A_1307 = arith.constant 0 : index
    %swap3A_1308 = arith.constant 16 : index
    %swap3A_1309 = arith.constant 0 : index
    %swap3A_1310 = vector.load %arg10[%swap3A_1306, %swap3A_1307, %swap3A_1308, %swap3A_1309] : memref<8x1x64x160xi32, #tpu.memory_space<vmem>>, vector<1x1x8x160xi32>
    %swap3A_1311 = vector.shape_cast %swap3A_1310 : vector<1x1x8x160xi32> to vector<8x160xi32>
    %swap3A_1312 = vector.shape_cast %slice3A_1305 : vector<8x160xi32> to vector<1x1x8x160xi32>
    tpu.vector_store %arg10[%swap3A_1306, %swap3A_1307, %swap3A_1308, %swap3A_1309], %swap3A_1312 {strides = array<i32>} : memref<8x1x64x160xi32, #tpu.memory_space<vmem>>, vector<1x1x8x160xi32>,
    %slice3A_1313 = vector.extract_strided_slice %select_n3A_357 {offsets = [40, 0], sizes = [8, 160], strides = [1, 1]} : vector<64x160xf32> to vector<8x160xf32>
    %swap3A_1314 = arith.constant 5 : index
    %swap3A_1315 = arith.constant 0 : index
    %swap3A_1316 = arith.constant 16 : index
    %swap3A_1317 = arith.constant 0 : index
    %swap3A_1318 = vector.load %arg11[%swap3A_1314, %swap3A_1315, %swap3A_1316, %swap3A_1317] : memref<8x1x64x160xf32, #tpu.memory_space<vmem>>, vector<1x1x8x160xf32>
    %swap3A_1319 = vector.shape_cast %swap3A_1318 : vector<1x1x8x160xf32> to vector<8x160xf32>
    %swap3A_1320 = vector.shape_cast %slice3A_1313 : vector<8x160xf32> to vector<1x1x8x160xf32>
    tpu.vector_store %arg11[%swap3A_1314, %swap3A_1315, %swap3A_1316, %swap3A_1317], %swap3A_1320 {strides = array<i32>} : memref<8x1x64x160xf32, #tpu.memory_space<vmem>>, vector<1x1x8x160xf32>,
    %slice3A_1321 = vector.extract_strided_slice %add3A_391 {offsets = [40, 0], sizes = [8, 160], strides = [1, 1]} : vector<64x160xi32> to vector<8x160xi32>
    %swap3A_1322 = arith.constant 5 : index
    %swap3A_1323 = arith.constant 0 : index
    %swap3A_1324 = arith.constant 24 : index
    %swap3A_1325 = arith.constant 0 : index
    %swap3A_1326 = vector.load %arg10[%swap3A_1322, %swap3A_1323, %swap3A_1324, %swap3A_1325] : memref<8x1x64x160xi32, #tpu.memory_space<vmem>>, vector<1x1x8x160xi32>
    %swap3A_1327 = vector.shape_cast %swap3A_1326 : vector<1x1x8x160xi32> to vector<8x160xi32>
    %swap3A_1328 = vector.shape_cast %slice3A_1321 : vector<8x160xi32> to vector<1x1x8x160xi32>
    tpu.vector_store %arg10[%swap3A_1322, %swap3A_1323, %swap3A_1324, %swap3A_1325], %swap3A_1328 {strides = array<i32>} : memref<8x1x64x160xi32, #tpu.memory_space<vmem>>, vector<1x1x8x160xi32>,
    %slice3A_1329 = vector.extract_strided_slice %select_n3A_395 {offsets = [40, 0], sizes = [8, 160], strides = [1, 1]} : vector<64x160xf32> to vector<8x160xf32>
    %swap3A_1330 = arith.constant 5 : index
    %swap3A_1331 = arith.constant 0 : index
    %swap3A_1332 = arith.constant 24 : index
    %swap3A_1333 = arith.constant 0 : index
    %swap3A_1334 = vector.load %arg11[%swap3A_1330, %swap3A_1331, %swap3A_1332, %swap3A_1333] : memref<8x1x64x160xf32, #tpu.memory_space<vmem>>, vector<1x1x8x160xf32>
    %swap3A_1335 = vector.shape_cast %swap3A_1334 : vector<1x1x8x160xf32> to vector<8x160xf32>
    %swap3A_1336 = vector.shape_cast %slice3A_1329 : vector<8x160xf32> to vector<1x1x8x160xf32>
    tpu.vector_store %arg11[%swap3A_1330, %swap3A_1331, %swap3A_1332, %swap3A_1333], %swap3A_1336 {strides = array<i32>} : memref<8x1x64x160xf32, #tpu.memory_space<vmem>>, vector<1x1x8x160xf32>,
    %slice3A_1337 = vector.extract_strided_slice %add3A_515 {offsets = [40, 0], sizes = [8, 160], strides = [1, 1]} : vector<64x160xi32> to vector<8x160xi32>
    %swap3A_1338 = arith.constant 5 : index
    %swap3A_1339 = arith.constant 0 : index
    %swap3A_1340 = arith.constant 32 : index
    %swap3A_1341 = arith.constant 0 : index
    %swap3A_1342 = vector.load %arg10[%swap3A_1338, %swap3A_1339, %swap3A_1340, %swap3A_1341] : memref<8x1x64x160xi32, #tpu.memory_space<vmem>>, vector<1x1x8x160xi32>
    %swap3A_1343 = vector.shape_cast %swap3A_1342 : vector<1x1x8x160xi32> to vector<8x160xi32>
    %swap3A_1344 = vector.shape_cast %slice3A_1337 : vector<8x160xi32> to vector<1x1x8x160xi32>
    tpu.vector_store %arg10[%swap3A_1338, %swap3A_1339, %swap3A_1340, %swap3A_1341], %swap3A_1344 {strides = array<i32>} : memref<8x1x64x160xi32, #tpu.memory_space<vmem>>, vector<1x1x8x160xi32>,
    %slice3A_1345 = vector.extract_strided_slice %select_n3A_519 {offsets = [40, 0], sizes = [8, 160], strides = [1, 1]} : vector<64x160xf32> to vector<8x160xf32>
    %swap3A_1346 = arith.constant 5 : index
    %swap3A_1347 = arith.constant 0 : index
    %swap3A_1348 = arith.constant 32 : index
    %swap3A_1349 = arith.constant 0 : index
    %swap3A_1350 = vector.load %arg11[%swap3A_1346, %swap3A_1347, %swap3A_1348, %swap3A_1349] : memref<8x1x64x160xf32, #tpu.memory_space<vmem>>, vector<1x1x8x160xf32>
    %swap3A_1351 = vector.shape_cast %swap3A_1350 : vector<1x1x8x160xf32> to vector<8x160xf32>
    %swap3A_1352 = vector.shape_cast %slice3A_1345 : vector<8x160xf32> to vector<1x1x8x160xf32>
    tpu.vector_store %arg11[%swap3A_1346, %swap3A_1347, %swap3A_1348, %swap3A_1349], %swap3A_1352 {strides = array<i32>} : memref<8x1x64x160xf32, #tpu.memory_space<vmem>>, vector<1x1x8x160xf32>,
    %slice3A_1353 = vector.extract_strided_slice %add3A_553 {offsets = [40, 0], sizes = [8, 160], strides = [1, 1]} : vector<64x160xi32> to vector<8x160xi32>
    %swap3A_1354 = arith.constant 5 : index
    %swap3A_1355 = arith.constant 0 : index
    %swap3A_1356 = arith.constant 40 : index
    %swap3A_1357 = arith.constant 0 : index
    %swap3A_1358 = vector.load %arg10[%swap3A_1354, %swap3A_1355, %swap3A_1356, %swap3A_1357] : memref<8x1x64x160xi32, #tpu.memory_space<vmem>>, vector<1x1x8x160xi32>
    %swap3A_1359 = vector.shape_cast %swap3A_1358 : vector<1x1x8x160xi32> to vector<8x160xi32>
    %swap3A_1360 = vector.shape_cast %slice3A_1353 : vector<8x160xi32> to vector<1x1x8x160xi32>
    tpu.vector_store %arg10[%swap3A_1354, %swap3A_1355, %swap3A_1356, %swap3A_1357], %swap3A_1360 {strides = array<i32>} : memref<8x1x64x160xi32, #tpu.memory_space<vmem>>, vector<1x1x8x160xi32>,
    %slice3A_1361 = vector.extract_strided_slice %select_n3A_557 {offsets = [40, 0], sizes = [8, 160], strides = [1, 1]} : vector<64x160xf32> to vector<8x160xf32>
    %swap3A_1362 = arith.constant 5 : index
    %swap3A_1363 = arith.constant 0 : index
    %swap3A_1364 = arith.constant 40 : index
    %swap3A_1365 = arith.constant 0 : index
    %swap3A_1366 = vector.load %arg11[%swap3A_1362, %swap3A_1363, %swap3A_1364, %swap3A_1365] : memref<8x1x64x160xf32, #tpu.memory_space<vmem>>, vector<1x1x8x160xf32>
    %swap3A_1367 = vector.shape_cast %swap3A_1366 : vector<1x1x8x160xf32> to vector<8x160xf32>
    %swap3A_1368 = vector.shape_cast %slice3A_1361 : vector<8x160xf32> to vector<1x1x8x160xf32>
    tpu.vector_store %arg11[%swap3A_1362, %swap3A_1363, %swap3A_1364, %swap3A_1365], %swap3A_1368 {strides = array<i32>} : memref<8x1x64x160xf32, #tpu.memory_space<vmem>>, vector<1x1x8x160xf32>,
    %slice3A_1369 = vector.extract_strided_slice %add3A_591 {offsets = [40, 0], sizes = [8, 160], strides = [1, 1]} : vector<64x160xi32> to vector<8x160xi32>
    %swap3A_1370 = arith.constant 5 : index
    %swap3A_1371 = arith.constant 0 : index
    %swap3A_1372 = arith.constant 48 : index
    %swap3A_1373 = arith.constant 0 : index
    %swap3A_1374 = vector.load %arg10[%swap3A_1370, %swap3A_1371, %swap3A_1372, %swap3A_1373] : memref<8x1x64x160xi32, #tpu.memory_space<vmem>>, vector<1x1x8x160xi32>
    %swap3A_1375 = vector.shape_cast %swap3A_1374 : vector<1x1x8x160xi32> to vector<8x160xi32>
    %swap3A_1376 = vector.shape_cast %slice3A_1369 : vector<8x160xi32> to vector<1x1x8x160xi32>
    tpu.vector_store %arg10[%swap3A_1370, %swap3A_1371, %swap3A_1372, %swap3A_1373], %swap3A_1376 {strides = array<i32>} : memref<8x1x64x160xi32, #tpu.memory_space<vmem>>, vector<1x1x8x160xi32>,
    %slice3A_1377 = vector.extract_strided_slice %select_n3A_595 {offsets = [40, 0], sizes = [8, 160], strides = [1, 1]} : vector<64x160xf32> to vector<8x160xf32>
    %swap3A_1378 = arith.constant 5 : index
    %swap3A_1379 = arith.constant 0 : index
    %swap3A_1380 = arith.constant 48 : index
    %swap3A_1381 = arith.constant 0 : index
    %swap3A_1382 = vector.load %arg11[%swap3A_1378, %swap3A_1379, %swap3A_1380, %swap3A_1381] : memref<8x1x64x160xf32, #tpu.memory_space<vmem>>, vector<1x1x8x160xf32>
    %swap3A_1383 = vector.shape_cast %swap3A_1382 : vector<1x1x8x160xf32> to vector<8x160xf32>
    %swap3A_1384 = vector.shape_cast %slice3A_1377 : vector<8x160xf32> to vector<1x1x8x160xf32>
    tpu.vector_store %arg11[%swap3A_1378, %swap3A_1379, %swap3A_1380, %swap3A_1381], %swap3A_1384 {strides = array<i32>} : memref<8x1x64x160xf32, #tpu.memory_space<vmem>>, vector<1x1x8x160xf32>,
    %slice3A_1385 = vector.extract_strided_slice %add3A_629 {offsets = [40, 0], sizes = [8, 160], strides = [1, 1]} : vector<64x160xi32> to vector<8x160xi32>
    %swap3A_1386 = arith.constant 5 : index
    %swap3A_1387 = arith.constant 0 : index
    %swap3A_1388 = arith.constant 56 : index
    %swap3A_1389 = arith.constant 0 : index
    %swap3A_1390 = vector.load %arg10[%swap3A_1386, %swap3A_1387, %swap3A_1388, %swap3A_1389] : memref<8x1x64x160xi32, #tpu.memory_space<vmem>>, vector<1x1x8x160xi32>
    %swap3A_1391 = vector.shape_cast %swap3A_1390 : vector<1x1x8x160xi32> to vector<8x160xi32>
    %swap3A_1392 = vector.shape_cast %slice3A_1385 : vector<8x160xi32> to vector<1x1x8x160xi32>
    tpu.vector_store %arg10[%swap3A_1386, %swap3A_1387, %swap3A_1388, %swap3A_1389], %swap3A_1392 {strides = array<i32>} : memref<8x1x64x160xi32, #tpu.memory_space<vmem>>, vector<1x1x8x160xi32>,
    %slice3A_1393 = vector.extract_strided_slice %select_n3A_633 {offsets = [40, 0], sizes = [8, 160], strides = [1, 1]} : vector<64x160xf32> to vector<8x160xf32>
    %swap3A_1394 = arith.constant 5 : index
    %swap3A_1395 = arith.constant 0 : index
    %swap3A_1396 = arith.constant 56 : index
    %swap3A_1397 = arith.constant 0 : index
    %swap3A_1398 = vector.load %arg11[%swap3A_1394, %swap3A_1395, %swap3A_1396, %swap3A_1397] : memref<8x1x64x160xf32, #tpu.memory_space<vmem>>, vector<1x1x8x160xf32>
    %swap3A_1399 = vector.shape_cast %swap3A_1398 : vector<1x1x8x160xf32> to vector<8x160xf32>
    %swap3A_1400 = vector.shape_cast %slice3A_1393 : vector<8x160xf32> to vector<1x1x8x160xf32>
    tpu.vector_store %arg11[%swap3A_1394, %swap3A_1395, %swap3A_1396, %swap3A_1397], %swap3A_1400 {strides = array<i32>} : memref<8x1x64x160xf32, #tpu.memory_space<vmem>>, vector<1x1x8x160xf32>,
    %slice3A_1401 = vector.extract_strided_slice %add3A_277 {offsets = [48, 0], sizes = [8, 160], strides = [1, 1]} : vector<64x160xi32> to vector<8x160xi32>
    %swap3A_1402 = arith.constant 6 : index
    %swap3A_1403 = arith.constant 0 : index
    %swap3A_1404 = arith.constant 0 : index
    %swap3A_1405 = arith.constant 0 : index
    %swap3A_1406 = vector.load %arg10[%swap3A_1402, %swap3A_1403, %swap3A_1404, %swap3A_1405] : memref<8x1x64x160xi32, #tpu.memory_space<vmem>>, vector<1x1x8x160xi32>
    %swap3A_1407 = vector.shape_cast %swap3A_1406 : vector<1x1x8x160xi32> to vector<8x160xi32>
    %swap3A_1408 = vector.shape_cast %slice3A_1401 : vector<8x160xi32> to vector<1x1x8x160xi32>
    tpu.vector_store %arg10[%swap3A_1402, %swap3A_1403, %swap3A_1404, %swap3A_1405], %swap3A_1408 {strides = array<i32>} : memref<8x1x64x160xi32, #tpu.memory_space<vmem>>, vector<1x1x8x160xi32>,
    %slice3A_1409 = vector.extract_strided_slice %select_n3A_281 {offsets = [48, 0], sizes = [8, 160], strides = [1, 1]} : vector<64x160xf32> to vector<8x160xf32>
    %swap3A_1410 = arith.constant 6 : index
    %swap3A_1411 = arith.constant 0 : index
    %swap3A_1412 = arith.constant 0 : index
    %swap3A_1413 = arith.constant 0 : index
    %swap3A_1414 = vector.load %arg11[%swap3A_1410, %swap3A_1411, %swap3A_1412, %swap3A_1413] : memref<8x1x64x160xf32, #tpu.memory_space<vmem>>, vector<1x1x8x160xf32>
    %swap3A_1415 = vector.shape_cast %swap3A_1414 : vector<1x1x8x160xf32> to vector<8x160xf32>
    %swap3A_1416 = vector.shape_cast %slice3A_1409 : vector<8x160xf32> to vector<1x1x8x160xf32>
    tpu.vector_store %arg11[%swap3A_1410, %swap3A_1411, %swap3A_1412, %swap3A_1413], %swap3A_1416 {strides = array<i32>} : memref<8x1x64x160xf32, #tpu.memory_space<vmem>>, vector<1x1x8x160xf32>,
    %slice3A_1417 = vector.extract_strided_slice %add3A_315 {offsets = [48, 0], sizes = [8, 160], strides = [1, 1]} : vector<64x160xi32> to vector<8x160xi32>
    %swap3A_1418 = arith.constant 6 : index
    %swap3A_1419 = arith.constant 0 : index
    %swap3A_1420 = arith.constant 8 : index
    %swap3A_1421 = arith.constant 0 : index
    %swap3A_1422 = vector.load %arg10[%swap3A_1418, %swap3A_1419, %swap3A_1420, %swap3A_1421] : memref<8x1x64x160xi32, #tpu.memory_space<vmem>>, vector<1x1x8x160xi32>
    %swap3A_1423 = vector.shape_cast %swap3A_1422 : vector<1x1x8x160xi32> to vector<8x160xi32>
    %swap3A_1424 = vector.shape_cast %slice3A_1417 : vector<8x160xi32> to vector<1x1x8x160xi32>
    tpu.vector_store %arg10[%swap3A_1418, %swap3A_1419, %swap3A_1420, %swap3A_1421], %swap3A_1424 {strides = array<i32>} : memref<8x1x64x160xi32, #tpu.memory_space<vmem>>, vector<1x1x8x160xi32>,
    %slice3A_1425 = vector.extract_strided_slice %select_n3A_319 {offsets = [48, 0], sizes = [8, 160], strides = [1, 1]} : vector<64x160xf32> to vector<8x160xf32>
    %swap3A_1426 = arith.constant 6 : index
    %swap3A_1427 = arith.constant 0 : index
    %swap3A_1428 = arith.constant 8 : index
    %swap3A_1429 = arith.constant 0 : index
    %swap3A_1430 = vector.load %arg11[%swap3A_1426, %swap3A_1427, %swap3A_1428, %swap3A_1429] : memref<8x1x64x160xf32, #tpu.memory_space<vmem>>, vector<1x1x8x160xf32>
    %swap3A_1431 = vector.shape_cast %swap3A_1430 : vector<1x1x8x160xf32> to vector<8x160xf32>
    %swap3A_1432 = vector.shape_cast %slice3A_1425 : vector<8x160xf32> to vector<1x1x8x160xf32>
    tpu.vector_store %arg11[%swap3A_1426, %swap3A_1427, %swap3A_1428, %swap3A_1429], %swap3A_1432 {strides = array<i32>} : memref<8x1x64x160xf32, #tpu.memory_space<vmem>>, vector<1x1x8x160xf32>,
    %slice3A_1433 = vector.extract_strided_slice %add3A_353 {offsets = [48, 0], sizes = [8, 160], strides = [1, 1]} : vector<64x160xi32> to vector<8x160xi32>
    %swap3A_1434 = arith.constant 6 : index
    %swap3A_1435 = arith.constant 0 : index
    %swap3A_1436 = arith.constant 16 : index
    %swap3A_1437 = arith.constant 0 : index
    %swap3A_1438 = vector.load %arg10[%swap3A_1434, %swap3A_1435, %swap3A_1436, %swap3A_1437] : memref<8x1x64x160xi32, #tpu.memory_space<vmem>>, vector<1x1x8x160xi32>
    %swap3A_1439 = vector.shape_cast %swap3A_1438 : vector<1x1x8x160xi32> to vector<8x160xi32>
    %swap3A_1440 = vector.shape_cast %slice3A_1433 : vector<8x160xi32> to vector<1x1x8x160xi32>
    tpu.vector_store %arg10[%swap3A_1434, %swap3A_1435, %swap3A_1436, %swap3A_1437], %swap3A_1440 {strides = array<i32>} : memref<8x1x64x160xi32, #tpu.memory_space<vmem>>, vector<1x1x8x160xi32>,
    %slice3A_1441 = vector.extract_strided_slice %select_n3A_357 {offsets = [48, 0], sizes = [8, 160], strides = [1, 1]} : vector<64x160xf32> to vector<8x160xf32>
    %swap3A_1442 = arith.constant 6 : index
    %swap3A_1443 = arith.constant 0 : index
    %swap3A_1444 = arith.constant 16 : index
    %swap3A_1445 = arith.constant 0 : index
    %swap3A_1446 = vector.load %arg11[%swap3A_1442, %swap3A_1443, %swap3A_1444, %swap3A_1445] : memref<8x1x64x160xf32, #tpu.memory_space<vmem>>, vector<1x1x8x160xf32>
    %swap3A_1447 = vector.shape_cast %swap3A_1446 : vector<1x1x8x160xf32> to vector<8x160xf32>
    %swap3A_1448 = vector.shape_cast %slice3A_1441 : vector<8x160xf32> to vector<1x1x8x160xf32>
    tpu.vector_store %arg11[%swap3A_1442, %swap3A_1443, %swap3A_1444, %swap3A_1445], %swap3A_1448 {strides = array<i32>} : memref<8x1x64x160xf32, #tpu.memory_space<vmem>>, vector<1x1x8x160xf32>,
    %slice3A_1449 = vector.extract_strided_slice %add3A_391 {offsets = [48, 0], sizes = [8, 160], strides = [1, 1]} : vector<64x160xi32> to vector<8x160xi32>
    %swap3A_1450 = arith.constant 6 : index
    %swap3A_1451 = arith.constant 0 : index
    %swap3A_1452 = arith.constant 24 : index
    %swap3A_1453 = arith.constant 0 : index
    %swap3A_1454 = vector.load %arg10[%swap3A_1450, %swap3A_1451, %swap3A_1452, %swap3A_1453] : memref<8x1x64x160xi32, #tpu.memory_space<vmem>>, vector<1x1x8x160xi32>
    %swap3A_1455 = vector.shape_cast %swap3A_1454 : vector<1x1x8x160xi32> to vector<8x160xi32>
    %swap3A_1456 = vector.shape_cast %slice3A_1449 : vector<8x160xi32> to vector<1x1x8x160xi32>
    tpu.vector_store %arg10[%swap3A_1450, %swap3A_1451, %swap3A_1452, %swap3A_1453], %swap3A_1456 {strides = array<i32>} : memref<8x1x64x160xi32, #tpu.memory_space<vmem>>, vector<1x1x8x160xi32>,
    %slice3A_1457 = vector.extract_strided_slice %select_n3A_395 {offsets = [48, 0], sizes = [8, 160], strides = [1, 1]} : vector<64x160xf32> to vector<8x160xf32>
    %swap3A_1458 = arith.constant 6 : index
    %swap3A_1459 = arith.constant 0 : index
    %swap3A_1460 = arith.constant 24 : index
    %swap3A_1461 = arith.constant 0 : index
    %swap3A_1462 = vector.load %arg11[%swap3A_1458, %swap3A_1459, %swap3A_1460, %swap3A_1461] : memref<8x1x64x160xf32, #tpu.memory_space<vmem>>, vector<1x1x8x160xf32>
    %swap3A_1463 = vector.shape_cast %swap3A_1462 : vector<1x1x8x160xf32> to vector<8x160xf32>
    %swap3A_1464 = vector.shape_cast %slice3A_1457 : vector<8x160xf32> to vector<1x1x8x160xf32>
    tpu.vector_store %arg11[%swap3A_1458, %swap3A_1459, %swap3A_1460, %swap3A_1461], %swap3A_1464 {strides = array<i32>} : memref<8x1x64x160xf32, #tpu.memory_space<vmem>>, vector<1x1x8x160xf32>,
    %slice3A_1465 = vector.extract_strided_slice %add3A_515 {offsets = [48, 0], sizes = [8, 160], strides = [1, 1]} : vector<64x160xi32> to vector<8x160xi32>
    %swap3A_1466 = arith.constant 6 : index
    %swap3A_1467 = arith.constant 0 : index
    %swap3A_1468 = arith.constant 32 : index
    %swap3A_1469 = arith.constant 0 : index
    %swap3A_1470 = vector.load %arg10[%swap3A_1466, %swap3A_1467, %swap3A_1468, %swap3A_1469] : memref<8x1x64x160xi32, #tpu.memory_space<vmem>>, vector<1x1x8x160xi32>
    %swap3A_1471 = vector.shape_cast %swap3A_1470 : vector<1x1x8x160xi32> to vector<8x160xi32>
    %swap3A_1472 = vector.shape_cast %slice3A_1465 : vector<8x160xi32> to vector<1x1x8x160xi32>
    tpu.vector_store %arg10[%swap3A_1466, %swap3A_1467, %swap3A_1468, %swap3A_1469], %swap3A_1472 {strides = array<i32>} : memref<8x1x64x160xi32, #tpu.memory_space<vmem>>, vector<1x1x8x160xi32>,
    %slice3A_1473 = vector.extract_strided_slice %select_n3A_519 {offsets = [48, 0], sizes = [8, 160], strides = [1, 1]} : vector<64x160xf32> to vector<8x160xf32>
    %swap3A_1474 = arith.constant 6 : index
    %swap3A_1475 = arith.constant 0 : index
    %swap3A_1476 = arith.constant 32 : index
    %swap3A_1477 = arith.constant 0 : index
    %swap3A_1478 = vector.load %arg11[%swap3A_1474, %swap3A_1475, %swap3A_1476, %swap3A_1477] : memref<8x1x64x160xf32, #tpu.memory_space<vmem>>, vector<1x1x8x160xf32>
    %swap3A_1479 = vector.shape_cast %swap3A_1478 : vector<1x1x8x160xf32> to vector<8x160xf32>
    %swap3A_1480 = vector.shape_cast %slice3A_1473 : vector<8x160xf32> to vector<1x1x8x160xf32>
    tpu.vector_store %arg11[%swap3A_1474, %swap3A_1475, %swap3A_1476, %swap3A_1477], %swap3A_1480 {strides = array<i32>} : memref<8x1x64x160xf32, #tpu.memory_space<vmem>>, vector<1x1x8x160xf32>,
    %slice3A_1481 = vector.extract_strided_slice %add3A_553 {offsets = [48, 0], sizes = [8, 160], strides = [1, 1]} : vector<64x160xi32> to vector<8x160xi32>
    %swap3A_1482 = arith.constant 6 : index
    %swap3A_1483 = arith.constant 0 : index
    %swap3A_1484 = arith.constant 40 : index
    %swap3A_1485 = arith.constant 0 : index
    %swap3A_1486 = vector.load %arg10[%swap3A_1482, %swap3A_1483, %swap3A_1484, %swap3A_1485] : memref<8x1x64x160xi32, #tpu.memory_space<vmem>>, vector<1x1x8x160xi32>
    %swap3A_1487 = vector.shape_cast %swap3A_1486 : vector<1x1x8x160xi32> to vector<8x160xi32>
    %swap3A_1488 = vector.shape_cast %slice3A_1481 : vector<8x160xi32> to vector<1x1x8x160xi32>
    tpu.vector_store %arg10[%swap3A_1482, %swap3A_1483, %swap3A_1484, %swap3A_1485], %swap3A_1488 {strides = array<i32>} : memref<8x1x64x160xi32, #tpu.memory_space<vmem>>, vector<1x1x8x160xi32>,
    %slice3A_1489 = vector.extract_strided_slice %select_n3A_557 {offsets = [48, 0], sizes = [8, 160], strides = [1, 1]} : vector<64x160xf32> to vector<8x160xf32>
    %swap3A_1490 = arith.constant 6 : index
    %swap3A_1491 = arith.constant 0 : index
    %swap3A_1492 = arith.constant 40 : index
    %swap3A_1493 = arith.constant 0 : index
    %swap3A_1494 = vector.load %arg11[%swap3A_1490, %swap3A_1491, %swap3A_1492, %swap3A_1493] : memref<8x1x64x160xf32, #tpu.memory_space<vmem>>, vector<1x1x8x160xf32>
    %swap3A_1495 = vector.shape_cast %swap3A_1494 : vector<1x1x8x160xf32> to vector<8x160xf32>
    %swap3A_1496 = vector.shape_cast %slice3A_1489 : vector<8x160xf32> to vector<1x1x8x160xf32>
    tpu.vector_store %arg11[%swap3A_1490, %swap3A_1491, %swap3A_1492, %swap3A_1493], %swap3A_1496 {strides = array<i32>} : memref<8x1x64x160xf32, #tpu.memory_space<vmem>>, vector<1x1x8x160xf32>,
    %slice3A_1497 = vector.extract_strided_slice %add3A_591 {offsets = [48, 0], sizes = [8, 160], strides = [1, 1]} : vector<64x160xi32> to vector<8x160xi32>
    %swap3A_1498 = arith.constant 6 : index
    %swap3A_1499 = arith.constant 0 : index
    %swap3A_1500 = arith.constant 48 : index
    %swap3A_1501 = arith.constant 0 : index
    %swap3A_1502 = vector.load %arg10[%swap3A_1498, %swap3A_1499, %swap3A_1500, %swap3A_1501] : memref<8x1x64x160xi32, #tpu.memory_space<vmem>>, vector<1x1x8x160xi32>
    %swap3A_1503 = vector.shape_cast %swap3A_1502 : vector<1x1x8x160xi32> to vector<8x160xi32>
    %swap3A_1504 = vector.shape_cast %slice3A_1497 : vector<8x160xi32> to vector<1x1x8x160xi32>
    tpu.vector_store %arg10[%swap3A_1498, %swap3A_1499, %swap3A_1500, %swap3A_1501], %swap3A_1504 {strides = array<i32>} : memref<8x1x64x160xi32, #tpu.memory_space<vmem>>, vector<1x1x8x160xi32>,
    %slice3A_1505 = vector.extract_strided_slice %select_n3A_595 {offsets = [48, 0], sizes = [8, 160], strides = [1, 1]} : vector<64x160xf32> to vector<8x160xf32>
    %swap3A_1506 = arith.constant 6 : index
    %swap3A_1507 = arith.constant 0 : index
    %swap3A_1508 = arith.constant 48 : index
    %swap3A_1509 = arith.constant 0 : index
    %swap3A_1510 = vector.load %arg11[%swap3A_1506, %swap3A_1507, %swap3A_1508, %swap3A_1509] : memref<8x1x64x160xf32, #tpu.memory_space<vmem>>, vector<1x1x8x160xf32>
    %swap3A_1511 = vector.shape_cast %swap3A_1510 : vector<1x1x8x160xf32> to vector<8x160xf32>
    %swap3A_1512 = vector.shape_cast %slice3A_1505 : vector<8x160xf32> to vector<1x1x8x160xf32>
    tpu.vector_store %arg11[%swap3A_1506, %swap3A_1507, %swap3A_1508, %swap3A_1509], %swap3A_1512 {strides = array<i32>} : memref<8x1x64x160xf32, #tpu.memory_space<vmem>>, vector<1x1x8x160xf32>,
    %slice3A_1513 = vector.extract_strided_slice %add3A_629 {offsets = [48, 0], sizes = [8, 160], strides = [1, 1]} : vector<64x160xi32> to vector<8x160xi32>
    %swap3A_1514 = arith.constant 6 : index
    %swap3A_1515 = arith.constant 0 : index
    %swap3A_1516 = arith.constant 56 : index
    %swap3A_1517 = arith.constant 0 : index
    %swap3A_1518 = vector.load %arg10[%swap3A_1514, %swap3A_1515, %swap3A_1516, %swap3A_1517] : memref<8x1x64x160xi32, #tpu.memory_space<vmem>>, vector<1x1x8x160xi32>
    %swap3A_1519 = vector.shape_cast %swap3A_1518 : vector<1x1x8x160xi32> to vector<8x160xi32>
    %swap3A_1520 = vector.shape_cast %slice3A_1513 : vector<8x160xi32> to vector<1x1x8x160xi32>
    tpu.vector_store %arg10[%swap3A_1514, %swap3A_1515, %swap3A_1516, %swap3A_1517], %swap3A_1520 {strides = array<i32>} : memref<8x1x64x160xi32, #tpu.memory_space<vmem>>, vector<1x1x8x160xi32>,
    %slice3A_1521 = vector.extract_strided_slice %select_n3A_633 {offsets = [48, 0], sizes = [8, 160], strides = [1, 1]} : vector<64x160xf32> to vector<8x160xf32>
    %swap3A_1522 = arith.constant 6 : index
    %swap3A_1523 = arith.constant 0 : index
    %swap3A_1524 = arith.constant 56 : index
    %swap3A_1525 = arith.constant 0 : index
    %swap3A_1526 = vector.load %arg11[%swap3A_1522, %swap3A_1523, %swap3A_1524, %swap3A_1525] : memref<8x1x64x160xf32, #tpu.memory_space<vmem>>, vector<1x1x8x160xf32>
    %swap3A_1527 = vector.shape_cast %swap3A_1526 : vector<1x1x8x160xf32> to vector<8x160xf32>
    %swap3A_1528 = vector.shape_cast %slice3A_1521 : vector<8x160xf32> to vector<1x1x8x160xf32>
    tpu.vector_store %arg11[%swap3A_1522, %swap3A_1523, %swap3A_1524, %swap3A_1525], %swap3A_1528 {strides = array<i32>} : memref<8x1x64x160xf32, #tpu.memory_space<vmem>>, vector<1x1x8x160xf32>,
    %slice3A_1529 = vector.extract_strided_slice %add3A_277 {offsets = [56, 0], sizes = [8, 160], strides = [1, 1]} : vector<64x160xi32> to vector<8x160xi32>
    %swap3A_1530 = arith.constant 7 : index
    %swap3A_1531 = arith.constant 0 : index
    %swap3A_1532 = arith.constant 0 : index
    %swap3A_1533 = arith.constant 0 : index
    %swap3A_1534 = vector.load %arg10[%swap3A_1530, %swap3A_1531, %swap3A_1532, %swap3A_1533] : memref<8x1x64x160xi32, #tpu.memory_space<vmem>>, vector<1x1x8x160xi32>
    %swap3A_1535 = vector.shape_cast %swap3A_1534 : vector<1x1x8x160xi32> to vector<8x160xi32>
    %swap3A_1536 = vector.shape_cast %slice3A_1529 : vector<8x160xi32> to vector<1x1x8x160xi32>
    tpu.vector_store %arg10[%swap3A_1530, %swap3A_1531, %swap3A_1532, %swap3A_1533], %swap3A_1536 {strides = array<i32>} : memref<8x1x64x160xi32, #tpu.memory_space<vmem>>, vector<1x1x8x160xi32>,
    %slice3A_1537 = vector.extract_strided_slice %select_n3A_281 {offsets = [56, 0], sizes = [8, 160], strides = [1, 1]} : vector<64x160xf32> to vector<8x160xf32>
    %swap3A_1538 = arith.constant 7 : index
    %swap3A_1539 = arith.constant 0 : index
    %swap3A_1540 = arith.constant 0 : index
    %swap3A_1541 = arith.constant 0 : index
    %swap3A_1542 = vector.load %arg11[%swap3A_1538, %swap3A_1539, %swap3A_1540, %swap3A_1541] : memref<8x1x64x160xf32, #tpu.memory_space<vmem>>, vector<1x1x8x160xf32>
    %swap3A_1543 = vector.shape_cast %swap3A_1542 : vector<1x1x8x160xf32> to vector<8x160xf32>
    %swap3A_1544 = vector.shape_cast %slice3A_1537 : vector<8x160xf32> to vector<1x1x8x160xf32>
    tpu.vector_store %arg11[%swap3A_1538, %swap3A_1539, %swap3A_1540, %swap3A_1541], %swap3A_1544 {strides = array<i32>} : memref<8x1x64x160xf32, #tpu.memory_space<vmem>>, vector<1x1x8x160xf32>,
    %slice3A_1545 = vector.extract_strided_slice %add3A_315 {offsets = [56, 0], sizes = [8, 160], strides = [1, 1]} : vector<64x160xi32> to vector<8x160xi32>
    %swap3A_1546 = arith.constant 7 : index
    %swap3A_1547 = arith.constant 0 : index
    %swap3A_1548 = arith.constant 8 : index
    %swap3A_1549 = arith.constant 0 : index
    %swap3A_1550 = vector.load %arg10[%swap3A_1546, %swap3A_1547, %swap3A_1548, %swap3A_1549] : memref<8x1x64x160xi32, #tpu.memory_space<vmem>>, vector<1x1x8x160xi32>
    %swap3A_1551 = vector.shape_cast %swap3A_1550 : vector<1x1x8x160xi32> to vector<8x160xi32>
    %swap3A_1552 = vector.shape_cast %slice3A_1545 : vector<8x160xi32> to vector<1x1x8x160xi32>
    tpu.vector_store %arg10[%swap3A_1546, %swap3A_1547, %swap3A_1548, %swap3A_1549], %swap3A_1552 {strides = array<i32>} : memref<8x1x64x160xi32, #tpu.memory_space<vmem>>, vector<1x1x8x160xi32>,
    %slice3A_1553 = vector.extract_strided_slice %select_n3A_319 {offsets = [56, 0], sizes = [8, 160], strides = [1, 1]} : vector<64x160xf32> to vector<8x160xf32>
    %swap3A_1554 = arith.constant 7 : index
    %swap3A_1555 = arith.constant 0 : index
    %swap3A_1556 = arith.constant 8 : index
    %swap3A_1557 = arith.constant 0 : index
    %swap3A_1558 = vector.load %arg11[%swap3A_1554, %swap3A_1555, %swap3A_1556, %swap3A_1557] : memref<8x1x64x160xf32, #tpu.memory_space<vmem>>, vector<1x1x8x160xf32>
    %swap3A_1559 = vector.shape_cast %swap3A_1558 : vector<1x1x8x160xf32> to vector<8x160xf32>
    %swap3A_1560 = vector.shape_cast %slice3A_1553 : vector<8x160xf32> to vector<1x1x8x160xf32>
    tpu.vector_store %arg11[%swap3A_1554, %swap3A_1555, %swap3A_1556, %swap3A_1557], %swap3A_1560 {strides = array<i32>} : memref<8x1x64x160xf32, #tpu.memory_space<vmem>>, vector<1x1x8x160xf32>,
    %slice3A_1561 = vector.extract_strided_slice %add3A_353 {offsets = [56, 0], sizes = [8, 160], strides = [1, 1]} : vector<64x160xi32> to vector<8x160xi32>
    %swap3A_1562 = arith.constant 7 : index
    %swap3A_1563 = arith.constant 0 : index
    %swap3A_1564 = arith.constant 16 : index
    %swap3A_1565 = arith.constant 0 : index
    %swap3A_1566 = vector.load %arg10[%swap3A_1562, %swap3A_1563, %swap3A_1564, %swap3A_1565] : memref<8x1x64x160xi32, #tpu.memory_space<vmem>>, vector<1x1x8x160xi32>
    %swap3A_1567 = vector.shape_cast %swap3A_1566 : vector<1x1x8x160xi32> to vector<8x160xi32>
    %swap3A_1568 = vector.shape_cast %slice3A_1561 : vector<8x160xi32> to vector<1x1x8x160xi32>
    tpu.vector_store %arg10[%swap3A_1562, %swap3A_1563, %swap3A_1564, %swap3A_1565], %swap3A_1568 {strides = array<i32>} : memref<8x1x64x160xi32, #tpu.memory_space<vmem>>, vector<1x1x8x160xi32>,
    %slice3A_1569 = vector.extract_strided_slice %select_n3A_357 {offsets = [56, 0], sizes = [8, 160], strides = [1, 1]} : vector<64x160xf32> to vector<8x160xf32>
    %swap3A_1570 = arith.constant 7 : index
    %swap3A_1571 = arith.constant 0 : index
    %swap3A_1572 = arith.constant 16 : index
    %swap3A_1573 = arith.constant 0 : index
    %swap3A_1574 = vector.load %arg11[%swap3A_1570, %swap3A_1571, %swap3A_1572, %swap3A_1573] : memref<8x1x64x160xf32, #tpu.memory_space<vmem>>, vector<1x1x8x160xf32>
    %swap3A_1575 = vector.shape_cast %swap3A_1574 : vector<1x1x8x160xf32> to vector<8x160xf32>
    %swap3A_1576 = vector.shape_cast %slice3A_1569 : vector<8x160xf32> to vector<1x1x8x160xf32>
    tpu.vector_store %arg11[%swap3A_1570, %swap3A_1571, %swap3A_1572, %swap3A_1573], %swap3A_1576 {strides = array<i32>} : memref<8x1x64x160xf32, #tpu.memory_space<vmem>>, vector<1x1x8x160xf32>,
    %slice3A_1577 = vector.extract_strided_slice %add3A_391 {offsets = [56, 0], sizes = [8, 160], strides = [1, 1]} : vector<64x160xi32> to vector<8x160xi32>
    %swap3A_1578 = arith.constant 7 : index
    %swap3A_1579 = arith.constant 0 : index
    %swap3A_1580 = arith.constant 24 : index
    %swap3A_1581 = arith.constant 0 : index
    %swap3A_1582 = vector.load %arg10[%swap3A_1578, %swap3A_1579, %swap3A_1580, %swap3A_1581] : memref<8x1x64x160xi32, #tpu.memory_space<vmem>>, vector<1x1x8x160xi32>
    %swap3A_1583 = vector.shape_cast %swap3A_1582 : vector<1x1x8x160xi32> to vector<8x160xi32>
    %swap3A_1584 = vector.shape_cast %slice3A_1577 : vector<8x160xi32> to vector<1x1x8x160xi32>
    tpu.vector_store %arg10[%swap3A_1578, %swap3A_1579, %swap3A_1580, %swap3A_1581], %swap3A_1584 {strides = array<i32>} : memref<8x1x64x160xi32, #tpu.memory_space<vmem>>, vector<1x1x8x160xi32>,
    %slice3A_1585 = vector.extract_strided_slice %select_n3A_395 {offsets = [56, 0], sizes = [8, 160], strides = [1, 1]} : vector<64x160xf32> to vector<8x160xf32>
    %swap3A_1586 = arith.constant 7 : index
    %swap3A_1587 = arith.constant 0 : index
    %swap3A_1588 = arith.constant 24 : index
    %swap3A_1589 = arith.constant 0 : index
    %swap3A_1590 = vector.load %arg11[%swap3A_1586, %swap3A_1587, %swap3A_1588, %swap3A_1589] : memref<8x1x64x160xf32, #tpu.memory_space<vmem>>, vector<1x1x8x160xf32>
    %swap3A_1591 = vector.shape_cast %swap3A_1590 : vector<1x1x8x160xf32> to vector<8x160xf32>
    %swap3A_1592 = vector.shape_cast %slice3A_1585 : vector<8x160xf32> to vector<1x1x8x160xf32>
    tpu.vector_store %arg11[%swap3A_1586, %swap3A_1587, %swap3A_1588, %swap3A_1589], %swap3A_1592 {strides = array<i32>} : memref<8x1x64x160xf32, #tpu.memory_space<vmem>>, vector<1x1x8x160xf32>,
    %slice3A_1593 = vector.extract_strided_slice %add3A_515 {offsets = [56, 0], sizes = [8, 160], strides = [1, 1]} : vector<64x160xi32> to vector<8x160xi32>
    %swap3A_1594 = arith.constant 7 : index
    %swap3A_1595 = arith.constant 0 : index
    %swap3A_1596 = arith.constant 32 : index
    %swap3A_1597 = arith.constant 0 : index
    %swap3A_1598 = vector.load %arg10[%swap3A_1594, %swap3A_1595, %swap3A_1596, %swap3A_1597] : memref<8x1x64x160xi32, #tpu.memory_space<vmem>>, vector<1x1x8x160xi32>
    %swap3A_1599 = vector.shape_cast %swap3A_1598 : vector<1x1x8x160xi32> to vector<8x160xi32>
    %swap3A_1600 = vector.shape_cast %slice3A_1593 : vector<8x160xi32> to vector<1x1x8x160xi32>
    tpu.vector_store %arg10[%swap3A_1594, %swap3A_1595, %swap3A_1596, %swap3A_1597], %swap3A_1600 {strides = array<i32>} : memref<8x1x64x160xi32, #tpu.memory_space<vmem>>, vector<1x1x8x160xi32>,
    %slice3A_1601 = vector.extract_strided_slice %select_n3A_519 {offsets = [56, 0], sizes = [8, 160], strides = [1, 1]} : vector<64x160xf32> to vector<8x160xf32>
    %swap3A_1602 = arith.constant 7 : index
    %swap3A_1603 = arith.constant 0 : index
    %swap3A_1604 = arith.constant 32 : index
    %swap3A_1605 = arith.constant 0 : index
    %swap3A_1606 = vector.load %arg11[%swap3A_1602, %swap3A_1603, %swap3A_1604, %swap3A_1605] : memref<8x1x64x160xf32, #tpu.memory_space<vmem>>, vector<1x1x8x160xf32>
    %swap3A_1607 = vector.shape_cast %swap3A_1606 : vector<1x1x8x160xf32> to vector<8x160xf32>
    %swap3A_1608 = vector.shape_cast %slice3A_1601 : vector<8x160xf32> to vector<1x1x8x160xf32>
    tpu.vector_store %arg11[%swap3A_1602, %swap3A_1603, %swap3A_1604, %swap3A_1605], %swap3A_1608 {strides = array<i32>} : memref<8x1x64x160xf32, #tpu.memory_space<vmem>>, vector<1x1x8x160xf32>,
    %slice3A_1609 = vector.extract_strided_slice %add3A_553 {offsets = [56, 0], sizes = [8, 160], strides = [1, 1]} : vector<64x160xi32> to vector<8x160xi32>
    %swap3A_1610 = arith.constant 7 : index
    %swap3A_1611 = arith.constant 0 : index
    %swap3A_1612 = arith.constant 40 : index
    %swap3A_1613 = arith.constant 0 : index
    %swap3A_1614 = vector.load %arg10[%swap3A_1610, %swap3A_1611, %swap3A_1612, %swap3A_1613] : memref<8x1x64x160xi32, #tpu.memory_space<vmem>>, vector<1x1x8x160xi32>
    %swap3A_1615 = vector.shape_cast %swap3A_1614 : vector<1x1x8x160xi32> to vector<8x160xi32>
    %swap3A_1616 = vector.shape_cast %slice3A_1609 : vector<8x160xi32> to vector<1x1x8x160xi32>
    tpu.vector_store %arg10[%swap3A_1610, %swap3A_1611, %swap3A_1612, %swap3A_1613], %swap3A_1616 {strides = array<i32>} : memref<8x1x64x160xi32, #tpu.memory_space<vmem>>, vector<1x1x8x160xi32>,
    %slice3A_1617 = vector.extract_strided_slice %select_n3A_557 {offsets = [56, 0], sizes = [8, 160], strides = [1, 1]} : vector<64x160xf32> to vector<8x160xf32>
    %swap3A_1618 = arith.constant 7 : index
    %swap3A_1619 = arith.constant 0 : index
    %swap3A_1620 = arith.constant 40 : index
    %swap3A_1621 = arith.constant 0 : index
    %swap3A_1622 = vector.load %arg11[%swap3A_1618, %swap3A_1619, %swap3A_1620, %swap3A_1621] : memref<8x1x64x160xf32, #tpu.memory_space<vmem>>, vector<1x1x8x160xf32>
    %swap3A_1623 = vector.shape_cast %swap3A_1622 : vector<1x1x8x160xf32> to vector<8x160xf32>
    %swap3A_1624 = vector.shape_cast %slice3A_1617 : vector<8x160xf32> to vector<1x1x8x160xf32>
    tpu.vector_store %arg11[%swap3A_1618, %swap3A_1619, %swap3A_1620, %swap3A_1621], %swap3A_1624 {strides = array<i32>} : memref<8x1x64x160xf32, #tpu.memory_space<vmem>>, vector<1x1x8x160xf32>,
    %slice3A_1625 = vector.extract_strided_slice %add3A_591 {offsets = [56, 0], sizes = [8, 160], strides = [1, 1]} : vector<64x160xi32> to vector<8x160xi32>
    %swap3A_1626 = arith.constant 7 : index
    %swap3A_1627 = arith.constant 0 : index
    %swap3A_1628 = arith.constant 48 : index
    %swap3A_1629 = arith.constant 0 : index
    %swap3A_1630 = vector.load %arg10[%swap3A_1626, %swap3A_1627, %swap3A_1628, %swap3A_1629] : memref<8x1x64x160xi32, #tpu.memory_space<vmem>>, vector<1x1x8x160xi32>
    %swap3A_1631 = vector.shape_cast %swap3A_1630 : vector<1x1x8x160xi32> to vector<8x160xi32>
    %swap3A_1632 = vector.shape_cast %slice3A_1625 : vector<8x160xi32> to vector<1x1x8x160xi32>
    tpu.vector_store %arg10[%swap3A_1626, %swap3A_1627, %swap3A_1628, %swap3A_1629], %swap3A_1632 {strides = array<i32>} : memref<8x1x64x160xi32, #tpu.memory_space<vmem>>, vector<1x1x8x160xi32>,
    %slice3A_1633 = vector.extract_strided_slice %select_n3A_595 {offsets = [56, 0], sizes = [8, 160], strides = [1, 1]} : vector<64x160xf32> to vector<8x160xf32>
    %swap3A_1634 = arith.constant 7 : index
    %swap3A_1635 = arith.constant 0 : index
    %swap3A_1636 = arith.constant 48 : index
    %swap3A_1637 = arith.constant 0 : index
    %swap3A_1638 = vector.load %arg11[%swap3A_1634, %swap3A_1635, %swap3A_1636, %swap3A_1637] : memref<8x1x64x160xf32, #tpu.memory_space<vmem>>, vector<1x1x8x160xf32>
    %swap3A_1639 = vector.shape_cast %swap3A_1638 : vector<1x1x8x160xf32> to vector<8x160xf32>
    %swap3A_1640 = vector.shape_cast %slice3A_1633 : vector<8x160xf32> to vector<1x1x8x160xf32>
    tpu.vector_store %arg11[%swap3A_1634, %swap3A_1635, %swap3A_1636, %swap3A_1637], %swap3A_1640 {strides = array<i32>} : memref<8x1x64x160xf32, #tpu.memory_space<vmem>>, vector<1x1x8x160xf32>,
    %slice3A_1641 = vector.extract_strided_slice %add3A_629 {offsets = [56, 0], sizes = [8, 160], strides = [1, 1]} : vector<64x160xi32> to vector<8x160xi32>
    %swap3A_1642 = arith.constant 7 : index
    %swap3A_1643 = arith.constant 0 : index
    %swap3A_1644 = arith.constant 56 : index
    %swap3A_1645 = arith.constant 0 : index
    %swap3A_1646 = vector.load %arg10[%swap3A_1642, %swap3A_1643, %swap3A_1644, %swap3A_1645] : memref<8x1x64x160xi32, #tpu.memory_space<vmem>>, vector<1x1x8x160xi32>
    %swap3A_1647 = vector.shape_cast %swap3A_1646 : vector<1x1x8x160xi32> to vector<8x160xi32>
    %swap3A_1648 = vector.shape_cast %slice3A_1641 : vector<8x160xi32> to vector<1x1x8x160xi32>
    tpu.vector_store %arg10[%swap3A_1642, %swap3A_1643, %swap3A_1644, %swap3A_1645], %swap3A_1648 {strides = array<i32>} : memref<8x1x64x160xi32, #tpu.memory_space<vmem>>, vector<1x1x8x160xi32>,
    %slice3A_1649 = vector.extract_strided_slice %select_n3A_633 {offsets = [56, 0], sizes = [8, 160], strides = [1, 1]} : vector<64x160xf32> to vector<8x160xf32>
    %swap3A_1650 = arith.constant 7 : index
    %swap3A_1651 = arith.constant 0 : index
    %swap3A_1652 = arith.constant 56 : index
    %swap3A_1653 = arith.constant 0 : index
    %swap3A_1654 = vector.load %arg11[%swap3A_1650, %swap3A_1651, %swap3A_1652, %swap3A_1653] : memref<8x1x64x160xf32, #tpu.memory_space<vmem>>, vector<1x1x8x160xf32>
    %swap3A_1655 = vector.shape_cast %swap3A_1654 : vector<1x1x8x160xf32> to vector<8x160xf32>
    %swap3A_1656 = vector.shape_cast %slice3A_1649 : vector<8x160xf32> to vector<1x1x8x160xf32>
    tpu.vector_store %arg11[%swap3A_1650, %swap3A_1651, %swap3A_1652, %swap3A_1653], %swap3A_1656 {strides = array<i32>} : memref<8x1x64x160xf32, #tpu.memory_space<vmem>>, vector<1x1x8x160xf32>,
    return
  }
  func.func @transform_0(%arg0: i32, %arg1: i32) -> (i32, i32, i32, i32) {
    %add3A = arith.constant 17 : i32
    %add3A_0 = arith.addi %arg1, %add3A : i32
    %c0_i32 = arith.constant 0 : i32
    %c0_i32_1 = arith.constant 0 : i32
    %c0_i32_2 = arith.constant 0 : i32
    return %arg0, %add3A_0, %c0_i32, %c0_i32_1 : i32, i32, i32, i32
  }
  func.func @transform_1(%arg0: i32, %arg1: i32) -> (i32, i32, i32, i32) {
    %add3A = arith.constant 17 : i32
    %add3A_0 = arith.addi %arg1, %add3A : i32
    %c0_i32 = arith.constant 0 : i32
    %c0_i32_1 = arith.constant 0 : i32
    %c0_i32_2 = arith.constant 0 : i32
    return %arg0, %add3A_0, %c0_i32, %c0_i32_1 : i32, i32, i32, i32
  }
  func.func @transform_2(%arg0: i32, %arg1: i32) -> (i32, i32, i32, i32) {
    %add3A = arith.constant 17 : i32
    %add3A_0 = arith.addi %arg1, %add3A : i32
    %c0_i32 = arith.constant 0 : i32
    %c0_i32_1 = arith.constant 0 : i32
    %c0_i32_2 = arith.constant 0 : i32
    return %arg0, %add3A_0, %c0_i32, %c0_i32_1 : i32, i32, i32, i32
  }
  func.func @transform_3(%arg0: i32, %arg1: i32) -> (i32, i32) {
    %c0_i32 = arith.constant 0 : i32
    %c0_i32_0 = arith.constant 0 : i32
    %c0_i32_1 = arith.constant 0 : i32
    return %c0_i32, %c0_i32_0 : i32, i32
  }
  func.func @transform_4(%arg0: i32, %arg1: i32) -> (i32, i32) {
    %c0_i32 = arith.constant 0 : i32
    %c0_i32_0 = arith.constant 0 : i32
    %c0_i32_1 = arith.constant 0 : i32
    return %c0_i32, %c0_i32_0 : i32, i32
  }
  func.func @transform_5(%arg0: i32, %arg1: i32) -> (i32, i32) {
    %c0_i32 = arith.constant 0 : i32
    %c0_i32_0 = arith.constant 0 : i32
    %c0_i32_1 = arith.constant 0 : i32
    return %c0_i32, %c0_i32_0 : i32, i32
  }
  func.func @transform_6(%arg0: i32, %arg1: i32) -> (i32, i32) {
    %c0_i32 = arith.constant 0 : i32
    %c0_i32_0 = arith.constant 0 : i32
    %c0_i32_1 = arith.constant 0 : i32
    return %c0_i32, %c0_i32_0 : i32, i32
  }
  func.func @transform_7(%arg0: i32, %arg1: i32) -> i32 {
    %c0_i32 = arith.constant 0 : i32
    %c0_i32_0 = arith.constant 0 : i32
    return %c0_i32 : i32
  }
  func.func @transform_8(%arg0: i32, %arg1: i32) -> (i32, i32, i32, i32) {
    %c0_i32 = arith.constant 0 : i32
    %c0_i32_0 = arith.constant 0 : i32
    %c0_i32_1 = arith.constant 0 : i32
    return %arg0, %arg1, %c0_i32, %c0_i32_0 : i32, i32, i32, i32
  }
  func.func @transform_9(%arg0: i32, %arg1: i32) -> (i32, i32, i32, i32) {
    %c0_i32 = arith.constant 0 : i32
    %c0_i32_0 = arith.constant 0 : i32
    %c0_i32_1 = arith.constant 0 : i32
    return %arg0, %arg1, %c0_i32, %c0_i32_0 : i32, i32, i32, i32
  }
}

module attributes {stable_mosaic.version = 14 : i64} {
  func.func @_prep_body(%arg0: i32, %arg1: i32, %arg2: memref<1x1x256x160xf32, #tpu.memory_space<vmem>>, %arg3: memref<1x1x2x160xf32, #tpu.memory_space<vmem>>, %arg4: memref<1x1x1x160xi32, #tpu.memory_space<vmem>>, %arg5: memref<256x256xf32, #tpu.memory_space<vmem>>, %arg6: memref<256x1xf32, #tpu.memory_space<vmem>>, %arg7: memref<64x64xf32, #tpu.memory_space<vmem>>, %arg8: memref<4x2xi32, #tpu.memory_space<smem>>, %arg9: memref<4xi32, #tpu.memory_space<smem>>, %arg10: memref<8x1x64x160xi32, #tpu.memory_space<vmem>>, %arg11: memref<8x1x64x160xf32, #tpu.memory_space<vmem>>) attributes {dimension_semantics = [#tpu.dimension_semantics<arbitrary>, #tpu.dimension_semantics<arbitrary>], iteration_bounds = array<i64: 2, 17>, scalar_prefetch = 0 : i64, scratch_operands = 0 : i64, tpu.core_type = #tpu.core_type<tc>, window_params = [{transform_indices = @transform_0, window_bounds = array<i64: 1, 1, 256, 160>}, {transform_indices = @transform_1, window_bounds = array<i64: 1, 1, 2, 160>}, {transform_indices = @transform_2, window_bounds = array<i64: 1, 1, 1, 160>}, {pipeline_mode = #tpu.pipeline_mode<synchronous>, transform_indices = @transform_3, window_bounds = array<i64: 256, 256>}, {pipeline_mode = #tpu.pipeline_mode<synchronous>, transform_indices = @transform_4, window_bounds = array<i64: 256, 1>}, {pipeline_mode = #tpu.pipeline_mode<synchronous>, transform_indices = @transform_5, window_bounds = array<i64: 64, 64>}, {transform_indices = @transform_6, window_bounds = array<i64: 4, 2>}, {transform_indices = @transform_7, window_bounds = array<i64: 4>}, {transform_indices = @transform_8, window_bounds = array<i64: 8, 1, 64, 160>}, {transform_indices = @transform_9, window_bounds = array<i64: 8, 1, 64, 160>}]} {
    %get3A = arith.constant 0 : index
    %get3A_0 = arith.constant 0 : index
    %get3A_1 = arith.constant 0 : index
    %get3A_2 = arith.constant 0 : index
    %get3A_3 = vector.load %arg2[%get3A, %get3A_0, %get3A_1, %get3A_2] : memref<1x1x256x160xf32, #tpu.memory_space<vmem>>, vector<1x1x256x160xf32>
    %get3A_4 = vector.shape_cast %get3A_3 : vector<1x1x256x160xf32> to vector<256x160xf32>
    %get3A_5 = arith.constant 0 : index
    %get3A_6 = arith.constant 0 : index
    %get3A_7 = vector.load %arg5[%get3A_5, %get3A_6] : memref<256x256xf32, #tpu.memory_space<vmem>>, vector<256x256xf32>
    %dot_general3A = arith.constant dense<0.000000e+00> : vector<256x160xf32>
    %dot_general3A_8 = tpu.matmul %get3A_7, %get3A_4, %dot_general3A {dimension_numbers = #tpu.dot_dimension_numbers<[1], [0], [0], [1], [0, 0, 1, 1], [], []>, transpose_lhs_hint = false} : vector<256x256xf32>, vector<256x160xf32>, vector<256x160xf32> -> vector<256x160xf32>
    %get3A_9 = arith.constant 0 : index
    %get3A_10 = arith.constant 0 : index
    %get3A_11 = vector.load %arg6[%get3A_9, %get3A_10] : memref<256x1xf32, #tpu.memory_space<vmem>>, vector<256x1xf32>
    %add3A = vector.broadcast %get3A_11 : vector<256x1xf32> to vector<256x160xf32>
    %add3A_12 = arith.addf %dot_general3A_8, %add3A : vector<256x160xf32>
    %slice3A = vector.extract_strided_slice %add3A_12 {offsets = [0, 0], sizes = [64, 160], strides = [1, 1]} : vector<256x160xf32> to vector<64x160xf32>
    %slice3A_13 = vector.extract_strided_slice %add3A_12 {offsets = [64, 0], sizes = [64, 160], strides = [1, 1]} : vector<256x160xf32> to vector<64x160xf32>
    %slice3A_14 = vector.extract_strided_slice %add3A_12 {offsets = [128, 0], sizes = [64, 160], strides = [1, 1]} : vector<256x160xf32> to vector<64x160xf32>
    %slice3A_15 = vector.extract_strided_slice %add3A_12 {offsets = [192, 0], sizes = [64, 160], strides = [1, 1]} : vector<256x160xf32> to vector<64x160xf32>
    %exp3A = math.exp %slice3A_15 : vector<64x160xf32>
    %get3A_16 = arith.constant 0 : index
    %get3A_17 = arith.constant 0 : index
    %get3A_18 = vector.load %arg7[%get3A_16, %get3A_17] : memref<64x64xf32, #tpu.memory_space<vmem>>, vector<64x64xf32>
    %dot_general3A_19 = arith.constant dense<0.000000e+00> : vector<64x160xf32>
    %dot_general3A_20 = tpu.matmul %get3A_18, %exp3A, %dot_general3A_19 {dimension_numbers = #tpu.dot_dimension_numbers<[1], [0], [0], [1], [0, 0, 1, 1], [], []>, transpose_lhs_hint = false} : vector<64x64xf32>, vector<64x160xf32>, vector<64x160xf32> -> vector<64x160xf32>
    %div3A = arith.divf %exp3A, %dot_general3A_20 : vector<64x160xf32>
    %get3A_21 = arith.constant 0 : index
    %get3A_22 = arith.constant 0 : index
    %get3A_23 = arith.constant 0 : index
    %get3A_24 = arith.constant 0 : index
    %get3A_25 = vector.load %arg4[%get3A_21, %get3A_22, %get3A_23, %get3A_24] : memref<1x1x1x160xi32, #tpu.memory_space<vmem>>, vector<1x1x1x160xi32>
    %get3A_26 = vector.shape_cast %get3A_25 : vector<1x1x1x160xi32> to vector<1x160xi32>
    %convert_element_type3A = arith.sitofp %get3A_26 : vector<1x160xi32> to vector<1x160xf32>
    %get3A_27 = arith.constant 0 : index
    %get3A_28 = arith.constant 0 : index
    %get3A_29 = memref.load %arg8[%get3A_27, %get3A_28] : memref<4x2xi32, #tpu.memory_space<smem>>
    %get3A_30 = arith.constant 0 : index
    %get3A_31 = arith.constant 1 : index
    %get3A_32 = memref.load %arg8[%get3A_30, %get3A_31] : memref<4x2xi32, #tpu.memory_space<smem>>
    %get3A_33 = arith.constant 1 : index
    %get3A_34 = arith.constant 0 : index
    %get3A_35 = memref.load %arg8[%get3A_33, %get3A_34] : memref<4x2xi32, #tpu.memory_space<smem>>
    %get3A_36 = arith.constant 1 : index
    %get3A_37 = arith.constant 1 : index
    %get3A_38 = memref.load %arg8[%get3A_36, %get3A_37] : memref<4x2xi32, #tpu.memory_space<smem>>
    %get3A_39 = arith.constant 2 : index
    %get3A_40 = arith.constant 0 : index
    %get3A_41 = memref.load %arg8[%get3A_39, %get3A_40] : memref<4x2xi32, #tpu.memory_space<smem>>
    %get3A_42 = arith.constant 2 : index
    %get3A_43 = arith.constant 1 : index
    %get3A_44 = memref.load %arg8[%get3A_42, %get3A_43] : memref<4x2xi32, #tpu.memory_space<smem>>
    %get3A_45 = arith.constant 3 : index
    %get3A_46 = arith.constant 0 : index
    %get3A_47 = memref.load %arg8[%get3A_45, %get3A_46] : memref<4x2xi32, #tpu.memory_space<smem>>
    %get3A_48 = arith.constant 3 : index
    %get3A_49 = arith.constant 1 : index
    %get3A_50 = memref.load %arg8[%get3A_48, %get3A_49] : memref<4x2xi32, #tpu.memory_space<smem>>
    %get3A_51 = arith.constant 0 : index
    %get3A_52 = memref.load %arg9[%get3A_51] : memref<4xi32, #tpu.memory_space<smem>>
    %get3A_53 = arith.constant 1 : index
    %get3A_54 = memref.load %arg9[%get3A_53] : memref<4xi32, #tpu.memory_space<smem>>
    %get3A_55 = arith.constant 2 : index
    %get3A_56 = memref.load %arg9[%get3A_55] : memref<4xi32, #tpu.memory_space<smem>>
    %get3A_57 = arith.constant 3 : index
    %get3A_58 = memref.load %arg9[%get3A_57] : memref<4xi32, #tpu.memory_space<smem>>
    %eq3A = arith.constant 0 : i32
    %eq3A_59 = vector.broadcast %eq3A : i32 to vector<1x160xi32>
    %eq3A_60 = arith.cmpi eq, %get3A_26, %eq3A_59 : vector<1x160xi32>
    %eq3A_61 = arith.constant 1 : i32
    %eq3A_62 = vector.broadcast %eq3A_61 : i32 to vector<1x160xi32>
    %eq3A_63 = arith.cmpi eq, %get3A_26, %eq3A_62 : vector<1x160xi32>
    %eq3A_64 = arith.constant 2 : i32
    %eq3A_65 = vector.broadcast %eq3A_64 : i32 to vector<1x160xi32>
    %eq3A_66 = arith.cmpi eq, %get3A_26, %eq3A_65 : vector<1x160xi32>
    %broadcast_in_dim3A = vector.broadcast %get3A_44 : i32 to vector<1x160xi32>
    %broadcast_in_dim3A_67 = vector.broadcast %get3A_50 : i32 to vector<1x160xi32>
    %select_n3A = arith.select %eq3A_66, %broadcast_in_dim3A, %broadcast_in_dim3A_67 : vector<1x160xi1>, vector<1x160xi32>
    %broadcast_in_dim3A_68 = vector.broadcast %get3A_38 : i32 to vector<1x160xi32>
    %select_n3A_69 = arith.select %eq3A_63, %broadcast_in_dim3A_68, %select_n3A : vector<1x160xi1>, vector<1x160xi32>
    %broadcast_in_dim3A_70 = vector.broadcast %get3A_32 : i32 to vector<1x160xi32>
    %select_n3A_71 = arith.select %eq3A_60, %broadcast_in_dim3A_70, %select_n3A_69 : vector<1x160xi1>, vector<1x160xi32>
    %convert_element_type3A_72 = arith.sitofp %select_n3A_71 : vector<1x160xi32> to vector<1x160xf32>
    %eq3A_73 = arith.constant 0 : i32
    %eq3A_74 = vector.broadcast %eq3A_73 : i32 to vector<1x160xi32>
    %eq3A_75 = arith.cmpi eq, %get3A_26, %eq3A_74 : vector<1x160xi32>
    %eq3A_76 = arith.constant 1 : i32
    %eq3A_77 = vector.broadcast %eq3A_76 : i32 to vector<1x160xi32>
    %eq3A_78 = arith.cmpi eq, %get3A_26, %eq3A_77 : vector<1x160xi32>
    %eq3A_79 = arith.constant 2 : i32
    %eq3A_80 = vector.broadcast %eq3A_79 : i32 to vector<1x160xi32>
    %eq3A_81 = arith.cmpi eq, %get3A_26, %eq3A_80 : vector<1x160xi32>
    %broadcast_in_dim3A_82 = vector.broadcast %get3A_41 : i32 to vector<1x160xi32>
    %broadcast_in_dim3A_83 = vector.broadcast %get3A_47 : i32 to vector<1x160xi32>
    %select_n3A_84 = arith.select %eq3A_81, %broadcast_in_dim3A_82, %broadcast_in_dim3A_83 : vector<1x160xi1>, vector<1x160xi32>
    %broadcast_in_dim3A_85 = vector.broadcast %get3A_35 : i32 to vector<1x160xi32>
    %select_n3A_86 = arith.select %eq3A_78, %broadcast_in_dim3A_85, %select_n3A_84 : vector<1x160xi1>, vector<1x160xi32>
    %broadcast_in_dim3A_87 = vector.broadcast %get3A_29 : i32 to vector<1x160xi32>
    %select_n3A_88 = arith.select %eq3A_75, %broadcast_in_dim3A_87, %select_n3A_86 : vector<1x160xi1>, vector<1x160xi32>
    %convert_element_type3A_89 = arith.sitofp %select_n3A_88 : vector<1x160xi32> to vector<1x160xf32>
    %get3A_90 = arith.constant 0 : index
    %get3A_91 = arith.constant 0 : index
    %get3A_92 = arith.constant 0 : index
    %get3A_93 = arith.constant 0 : index
    %get3A_94 = vector.load %arg3[%get3A_90, %get3A_91, %get3A_92, %get3A_93] : memref<1x1x2x160xf32, #tpu.memory_space<vmem>>, vector<1x1x1x160xf32>
    %get3A_95 = vector.shape_cast %get3A_94 : vector<1x1x1x160xf32> to vector<1x160xf32>
    %div3A_96 = vector.broadcast %convert_element_type3A_72 : vector<1x160xf32> to vector<64x160xf32>
    %div3A_97 = arith.divf %slice3A, %div3A_96 : vector<64x160xf32>
    %add3A_98 = vector.broadcast %get3A_95 : vector<1x160xf32> to vector<64x160xf32>
    %add3A_99 = arith.addf %add3A_98, %div3A_97 : vector<64x160xf32>
    %get3A_100 = arith.constant 0 : index
    %get3A_101 = arith.constant 0 : index
    %get3A_102 = arith.constant 1 : index
    %get3A_103 = arith.constant 0 : index
    %get3A_104 = vector.load %arg3[%get3A_100, %get3A_101, %get3A_102, %get3A_103] : memref<1x1x2x160xf32, #tpu.memory_space<vmem>>, vector<1x1x1x160xf32>
    %get3A_105 = vector.shape_cast %get3A_104 : vector<1x1x1x160xf32> to vector<1x160xf32>
    %div3A_106 = vector.broadcast %convert_element_type3A_89 : vector<1x160xf32> to vector<64x160xf32>
    %div3A_107 = arith.divf %slice3A_13, %div3A_106 : vector<64x160xf32>
    %add3A_108 = vector.broadcast %get3A_105 : vector<1x160xf32> to vector<64x160xf32>
    %add3A_109 = arith.addf %add3A_108, %div3A_107 : vector<64x160xf32>
    %iota3A = tpu.iota {dimensions = array<i32: 0>} : vector<64x160xi32>
    %jit3A = arith.constant 2 : i32
    %eq3A_110 = arith.constant 0 : i32
    %eq3A_111 = arith.cmpi eq, %jit3A, %eq3A_110 : i32
    %jit3A_112 = arith.constant 1 : i32
    %select_n3A_113 = arith.select %eq3A_111, %jit3A_112, %jit3A : i32
    %rem3A = vector.broadcast %select_n3A_113 : i32 to vector<64x160xi32>
    %rem3A_114 = arith.remsi %iota3A, %rem3A : vector<64x160xi32>
    %ne3A = arith.constant 0 : i32
    %ne3A_115 = vector.broadcast %ne3A : i32 to vector<64x160xi32>
    %ne3A_116 = arith.cmpi ne, %rem3A_114, %ne3A_115 : vector<64x160xi32>
    %lt3A = arith.constant 0 : i32
    %lt3A_117 = vector.broadcast %lt3A : i32 to vector<64x160xi32>
    %lt3A_118 = arith.cmpi slt, %rem3A_114, %lt3A_117 : vector<64x160xi32>
    %lt3A_119 = arith.constant 0 : i32
    %lt3A_120 = arith.cmpi slt, %select_n3A_113, %lt3A_119 : i32
    %ne3A_121 = vector.broadcast %lt3A_120 : i1 to vector<64x160xi1>
    %ne3A_122 = vector.broadcast %ne3A_121 : vector<64x160xi1> to vector<64x160xi1>
    %ne3A_123 = arith.xori %lt3A_118, %ne3A_122 : vector<64x160xi1>
    %and3A = arith.andi %ne3A_123, %ne3A_116 : vector<64x160xi1>
    %add3A_124 = vector.broadcast %select_n3A_113 : i32 to vector<64x160xi32>
    %add3A_125 = arith.addi %rem3A_114, %add3A_124 : vector<64x160xi32>
    %select_n3A_126 = arith.select %and3A, %add3A_125, %rem3A_114 : vector<64x160xi1>, vector<64x160xi32>
    %convert_element_type3A_127 = arith.sitofp %select_n3A_126 : vector<64x160xi32> to vector<64x160xf32>
    %sub3A = arith.constant 5.000000e-01 : f32
    %sub3A_128 = vector.broadcast %sub3A : f32 to vector<64x160xf32>
    %sub3A_129 = arith.subf %convert_element_type3A_127, %sub3A_128 : vector<64x160xf32>
    %add3A_130 = vector.broadcast %convert_element_type3A : vector<1x160xf32> to vector<64x160xf32>
    %add3A_131 = arith.addf %add3A_130, %sub3A_129 : vector<64x160xf32>
    %tanh3A = math.tanh %slice3A_14 : vector<64x160xf32>
    %add3A_132 = arith.addf %add3A_131, %tanh3A : vector<64x160xf32>
    %div3A_133 = arith.constant 3.000000e+00 : f32
    %div3A_134 = vector.broadcast %div3A_133 : f32 to vector<64x160xf32>
    %div3A_135 = arith.divf %add3A_132, %div3A_134 : vector<64x160xf32>
    %jit3A_136 = arith.constant 0.000000e+00 : f32
    %jit3A_137 = arith.constant 1.000000e+00 : f32
    %max3A = vector.broadcast %jit3A_136 : f32 to vector<64x160xf32>
    %max3A_138 = arith.maximumf %max3A, %div3A_135 : vector<64x160xf32>
    %min3A = vector.broadcast %jit3A_137 : f32 to vector<64x160xf32>
    %min3A_139 = arith.minimumf %min3A, %max3A_138 : vector<64x160xf32>
    %mul3A = arith.constant 3.000000e+00 : f32
    %mul3A_140 = vector.broadcast %mul3A : f32 to vector<64x160xf32>
    %mul3A_141 = arith.mulf %min3A_139, %mul3A_140 : vector<64x160xf32>
    %floor3A = math.floor %mul3A_141 : vector<64x160xf32>
    %jit3A_142 = arith.constant 0.000000e+00 : f32
    %jit3A_143 = arith.constant 2.000000e+00 : f32
    %max3A_144 = vector.broadcast %jit3A_142 : f32 to vector<64x160xf32>
    %max3A_145 = arith.maximumf %max3A_144, %floor3A : vector<64x160xf32>
    %min3A_146 = vector.broadcast %jit3A_143 : f32 to vector<64x160xf32>
    %min3A_147 = arith.minimumf %min3A_146, %max3A_145 : vector<64x160xf32>
    %sub3A_148 = arith.subf %mul3A_141, %min3A_147 : vector<64x160xf32>
    %jit3A_149 = arith.constant 0.000000e+00 : f32
    %jit3A_150 = arith.constant 1.000000e+00 : f32
    %max3A_151 = vector.broadcast %jit3A_149 : f32 to vector<64x160xf32>
    %max3A_152 = arith.maximumf %max3A_151, %sub3A_148 : vector<64x160xf32>
    %min3A_153 = vector.broadcast %jit3A_150 : f32 to vector<64x160xf32>
    %min3A_154 = arith.minimumf %min3A_153, %max3A_152 : vector<64x160xf32>
    %convert_element_type3A_155 = arith.fptosi %min3A_147 : vector<64x160xf32> to vector<64x160xi32>
    %add3A_156 = arith.constant 0 : i32
    %add3A_157 = vector.broadcast %add3A_156 : i32 to vector<64x160xi32>
    %add3A_158 = arith.addi %convert_element_type3A_155, %add3A_157 : vector<64x160xi32>
    %eq3A_159 = arith.constant 0 : i32
    %eq3A_160 = vector.broadcast %eq3A_159 : i32 to vector<64x160xi32>
    %eq3A_161 = arith.cmpi eq, %add3A_158, %eq3A_160 : vector<64x160xi32>
    %eq3A_162 = arith.constant 1 : i32
    %eq3A_163 = vector.broadcast %eq3A_162 : i32 to vector<64x160xi32>
    %eq3A_164 = arith.cmpi eq, %add3A_158, %eq3A_163 : vector<64x160xi32>
    %eq3A_165 = arith.constant 2 : i32
    %eq3A_166 = vector.broadcast %eq3A_165 : i32 to vector<64x160xi32>
    %eq3A_167 = arith.cmpi eq, %add3A_158, %eq3A_166 : vector<64x160xi32>
    %broadcast_in_dim3A_168 = vector.broadcast %get3A_41 : i32 to vector<64x160xi32>
    %broadcast_in_dim3A_169 = vector.broadcast %get3A_47 : i32 to vector<64x160xi32>
    %select_n3A_170 = arith.select %eq3A_167, %broadcast_in_dim3A_168, %broadcast_in_dim3A_169 : vector<64x160xi1>, vector<64x160xi32>
    %broadcast_in_dim3A_171 = vector.broadcast %get3A_35 : i32 to vector<64x160xi32>
    %select_n3A_172 = arith.select %eq3A_164, %broadcast_in_dim3A_171, %select_n3A_170 : vector<64x160xi1>, vector<64x160xi32>
    %broadcast_in_dim3A_173 = vector.broadcast %get3A_29 : i32 to vector<64x160xi32>
    %select_n3A_174 = arith.select %eq3A_161, %broadcast_in_dim3A_173, %select_n3A_172 : vector<64x160xi1>, vector<64x160xi32>
    %convert_element_type3A_175 = arith.sitofp %select_n3A_174 : vector<64x160xi32> to vector<64x160xf32>
    %eq3A_176 = arith.constant 0 : i32
    %eq3A_177 = vector.broadcast %eq3A_176 : i32 to vector<64x160xi32>
    %eq3A_178 = arith.cmpi eq, %add3A_158, %eq3A_177 : vector<64x160xi32>
    %eq3A_179 = arith.constant 1 : i32
    %eq3A_180 = vector.broadcast %eq3A_179 : i32 to vector<64x160xi32>
    %eq3A_181 = arith.cmpi eq, %add3A_158, %eq3A_180 : vector<64x160xi32>
    %eq3A_182 = arith.constant 2 : i32
    %eq3A_183 = vector.broadcast %eq3A_182 : i32 to vector<64x160xi32>
    %eq3A_184 = arith.cmpi eq, %add3A_158, %eq3A_183 : vector<64x160xi32>
    %broadcast_in_dim3A_185 = vector.broadcast %get3A_44 : i32 to vector<64x160xi32>
    %broadcast_in_dim3A_186 = vector.broadcast %get3A_50 : i32 to vector<64x160xi32>
    %select_n3A_187 = arith.select %eq3A_184, %broadcast_in_dim3A_185, %broadcast_in_dim3A_186 : vector<64x160xi1>, vector<64x160xi32>
    %broadcast_in_dim3A_188 = vector.broadcast %get3A_38 : i32 to vector<64x160xi32>
    %select_n3A_189 = arith.select %eq3A_181, %broadcast_in_dim3A_188, %select_n3A_187 : vector<64x160xi1>, vector<64x160xi32>
    %broadcast_in_dim3A_190 = vector.broadcast %get3A_32 : i32 to vector<64x160xi32>
    %select_n3A_191 = arith.select %eq3A_178, %broadcast_in_dim3A_190, %select_n3A_189 : vector<64x160xi1>, vector<64x160xi32>
    %convert_element_type3A_192 = arith.sitofp %select_n3A_191 : vector<64x160xi32> to vector<64x160xf32>
    %eq3A_193 = arith.constant 0 : i32
    %eq3A_194 = vector.broadcast %eq3A_193 : i32 to vector<64x160xi32>
    %eq3A_195 = arith.cmpi eq, %add3A_158, %eq3A_194 : vector<64x160xi32>
    %eq3A_196 = arith.constant 1 : i32
    %eq3A_197 = vector.broadcast %eq3A_196 : i32 to vector<64x160xi32>
    %eq3A_198 = arith.cmpi eq, %add3A_158, %eq3A_197 : vector<64x160xi32>
    %eq3A_199 = arith.constant 2 : i32
    %eq3A_200 = vector.broadcast %eq3A_199 : i32 to vector<64x160xi32>
    %eq3A_201 = arith.cmpi eq, %add3A_158, %eq3A_200 : vector<64x160xi32>
    %broadcast_in_dim3A_202 = vector.broadcast %get3A_56 : i32 to vector<64x160xi32>
    %broadcast_in_dim3A_203 = vector.broadcast %get3A_58 : i32 to vector<64x160xi32>
    %select_n3A_204 = arith.select %eq3A_201, %broadcast_in_dim3A_202, %broadcast_in_dim3A_203 : vector<64x160xi1>, vector<64x160xi32>
    %broadcast_in_dim3A_205 = vector.broadcast %get3A_54 : i32 to vector<64x160xi32>
    %select_n3A_206 = arith.select %eq3A_198, %broadcast_in_dim3A_205, %select_n3A_204 : vector<64x160xi1>, vector<64x160xi32>
    %broadcast_in_dim3A_207 = vector.broadcast %get3A_52 : i32 to vector<64x160xi32>
    %select_n3A_208 = arith.select %eq3A_195, %broadcast_in_dim3A_207, %select_n3A_206 : vector<64x160xi1>, vector<64x160xi32>
    %mul3A_209 = arith.mulf %add3A_109, %convert_element_type3A_175 : vector<64x160xf32>
    %sub3A_210 = arith.constant 5.000000e-01 : f32
    %sub3A_211 = vector.broadcast %sub3A_210 : f32 to vector<64x160xf32>
    %sub3A_212 = arith.subf %mul3A_209, %sub3A_211 : vector<64x160xf32>
    %mul3A_213 = arith.mulf %add3A_99, %convert_element_type3A_192 : vector<64x160xf32>
    %sub3A_214 = arith.constant 5.000000e-01 : f32
    %sub3A_215 = vector.broadcast %sub3A_214 : f32 to vector<64x160xf32>
    %sub3A_216 = arith.subf %mul3A_213, %sub3A_215 : vector<64x160xf32>
    %floor3A_217 = math.floor %sub3A_212 : vector<64x160xf32>
    %floor3A_218 = math.floor %sub3A_216 : vector<64x160xf32>
    %sub3A_219 = arith.subf %sub3A_212, %floor3A_217 : vector<64x160xf32>
    %sub3A_220 = arith.subf %sub3A_216, %floor3A_218 : vector<64x160xf32>
    %convert_element_type3A_221 = arith.fptosi %floor3A_217 : vector<64x160xf32> to vector<64x160xi32>
    %convert_element_type3A_222 = arith.fptosi %floor3A_218 : vector<64x160xf32> to vector<64x160xi32>
    %convert_element_type3A_223 = arith.fptosi %convert_element_type3A_175 : vector<64x160xf32> to vector<64x160xi32>
    %convert_element_type3A_224 = arith.fptosi %convert_element_type3A_192 : vector<64x160xf32> to vector<64x160xi32>
    %sub3A_225 = arith.constant 1.000000e+00 : f32
    %sub3A_226 = vector.broadcast %sub3A_225 : f32 to vector<64x160xf32>
    %sub3A_227 = arith.subf %sub3A_226, %min3A_154 : vector<64x160xf32>
    %mul3A_228 = arith.mulf %div3A, %sub3A_227 : vector<64x160xf32>
    %sub3A_229 = arith.constant 1.000000e+00 : f32
    %sub3A_230 = vector.broadcast %sub3A_229 : f32 to vector<64x160xf32>
    %sub3A_231 = arith.subf %sub3A_230, %sub3A_219 : vector<64x160xf32>
    %sub3A_232 = arith.constant 1.000000e+00 : f32
    %sub3A_233 = vector.broadcast %sub3A_232 : f32 to vector<64x160xf32>
    %sub3A_234 = arith.subf %sub3A_233, %sub3A_220 : vector<64x160xf32>
    %mul3A_235 = arith.mulf %sub3A_231, %sub3A_234 : vector<64x160xf32>
    %sub3A_236 = arith.constant 1.000000e+00 : f32
    %sub3A_237 = vector.broadcast %sub3A_236 : f32 to vector<64x160xf32>
    %sub3A_238 = arith.subf %sub3A_237, %sub3A_219 : vector<64x160xf32>
    %mul3A_239 = arith.mulf %sub3A_238, %sub3A_220 : vector<64x160xf32>
    %sub3A_240 = arith.constant 1.000000e+00 : f32
    %sub3A_241 = vector.broadcast %sub3A_240 : f32 to vector<64x160xf32>
    %sub3A_242 = arith.subf %sub3A_241, %sub3A_220 : vector<64x160xf32>
    %mul3A_243 = arith.mulf %sub3A_219, %sub3A_242 : vector<64x160xf32>
    %mul3A_244 = arith.mulf %sub3A_219, %sub3A_220 : vector<64x160xf32>
    %add3A_245 = arith.constant 0 : i32
    %add3A_246 = vector.broadcast %add3A_245 : i32 to vector<64x160xi32>
    %add3A_247 = arith.addi %convert_element_type3A_221, %add3A_246 : vector<64x160xi32>
    %add3A_248 = arith.constant 0 : i32
    %add3A_249 = vector.broadcast %add3A_248 : i32 to vector<64x160xi32>
    %add3A_250 = arith.addi %convert_element_type3A_222, %add3A_249 : vector<64x160xi32>
    %ge3A = arith.constant 0 : i32
    %ge3A_251 = vector.broadcast %ge3A : i32 to vector<64x160xi32>
    %ge3A_252 = arith.cmpi sge, %add3A_247, %ge3A_251 : vector<64x160xi32>
    %lt3A_253 = arith.cmpi slt, %add3A_247, %convert_element_type3A_223 : vector<64x160xi32>
    %and3A_254 = arith.andi %ge3A_252, %lt3A_253 : vector<64x160xi1>
    %ge3A_255 = arith.constant 0 : i32
    %ge3A_256 = vector.broadcast %ge3A_255 : i32 to vector<64x160xi32>
    %ge3A_257 = arith.cmpi sge, %add3A_250, %ge3A_256 : vector<64x160xi32>
    %and3A_258 = arith.andi %and3A_254, %ge3A_257 : vector<64x160xi1>
    %lt3A_259 = arith.cmpi slt, %add3A_250, %convert_element_type3A_224 : vector<64x160xi32>
    %and3A_260 = arith.andi %and3A_258, %lt3A_259 : vector<64x160xi1>
    %sub3A_261 = arith.constant 1 : i32
    %sub3A_262 = vector.broadcast %sub3A_261 : i32 to vector<64x160xi32>
    %sub3A_263 = arith.subi %convert_element_type3A_223, %sub3A_262 : vector<64x160xi32>
    %jit3A_264 = arith.constant 0 : i32
    %max3A_265 = vector.broadcast %jit3A_264 : i32 to vector<64x160xi32>
    %max3A_266 = arith.maxsi %max3A_265, %add3A_247 : vector<64x160xi32>
    %min3A_267 = arith.minsi %sub3A_263, %max3A_266 : vector<64x160xi32>
    %sub3A_268 = arith.constant 1 : i32
    %sub3A_269 = vector.broadcast %sub3A_268 : i32 to vector<64x160xi32>
    %sub3A_270 = arith.subi %convert_element_type3A_224, %sub3A_269 : vector<64x160xi32>
    %jit3A_271 = arith.constant 0 : i32
    %max3A_272 = vector.broadcast %jit3A_271 : i32 to vector<64x160xi32>
    %max3A_273 = arith.maxsi %max3A_272, %add3A_250 : vector<64x160xi32>
    %min3A_274 = arith.minsi %sub3A_270, %max3A_273 : vector<64x160xi32>
    %mul3A_275 = arith.muli %min3A_267, %convert_element_type3A_224 : vector<64x160xi32>
    %add3A_276 = arith.addi %select_n3A_208, %mul3A_275 : vector<64x160xi32>
    %add3A_277 = arith.addi %add3A_276, %min3A_274 : vector<64x160xi32>
    %mul3A_278 = arith.mulf %mul3A_228, %mul3A_235 : vector<64x160xf32>
    %jit3A_279 = arith.constant 0.000000e+00 : f32
    %broadcast_in_dim3A_280 = vector.broadcast %jit3A_279 : f32 to vector<64x160xf32>
    %select_n3A_281 = arith.select %and3A_260, %mul3A_278, %broadcast_in_dim3A_280 : vector<64x160xi1>, vector<64x160xf32>
    %add3A_282 = arith.constant 0 : i32
    %add3A_283 = vector.broadcast %add3A_282 : i32 to vector<64x160xi32>
    %add3A_284 = arith.addi %convert_element_type3A_221, %add3A_283 : vector<64x160xi32>
    %add3A_285 = arith.constant 1 : i32
    %add3A_286 = vector.broadcast %add3A_285 : i32 to vector<64x160xi32>
    %add3A_287 = arith.addi %convert_element_type3A_222, %add3A_286 : vector<64x160xi32>
    %ge3A_288 = arith.constant 0 : i32
    %ge3A_289 = vector.broadcast %ge3A_288 : i32 to vector<64x160xi32>
    %ge3A_290 = arith.cmpi sge, %add3A_284, %ge3A_289 : vector<64x160xi32>
    %lt3A_291 = arith.cmpi slt, %add3A_284, %convert_element_type3A_223 : vector<64x160xi32>
    %and3A_292 = arith.andi %ge3A_290, %lt3A_291 : vector<64x160xi1>
    %ge3A_293 = arith.constant 0 : i32
    %ge3A_294 = vector.broadcast %ge3A_293 : i32 to vector<64x160xi32>
    %ge3A_295 = arith.cmpi sge, %add3A_287, %ge3A_294 : vector<64x160xi32>
    %and3A_296 = arith.andi %and3A_292, %ge3A_295 : vector<64x160xi1>
    %lt3A_297 = arith.cmpi slt, %add3A_287, %convert_element_type3A_224 : vector<64x160xi32>
    %and3A_298 = arith.andi %and3A_296, %lt3A_297 : vector<64x160xi1>
    %sub3A_299 = arith.constant 1 : i32
    %sub3A_300 = vector.broadcast %sub3A_299 : i32 to vector<64x160xi32>
    %sub3A_301 = arith.subi %convert_element_type3A_223, %sub3A_300 : vector<64x160xi32>
    %jit3A_302 = arith.constant 0 : i32
    %max3A_303 = vector.broadcast %jit3A_302 : i32 to vector<64x160xi32>
    %max3A_304 = arith.maxsi %max3A_303, %add3A_284 : vector<64x160xi32>
    %min3A_305 = arith.minsi %sub3A_301, %max3A_304 : vector<64x160xi32>
    %sub3A_306 = arith.constant 1 : i32
    %sub3A_307 = vector.broadcast %sub3A_306 : i32 to vector<64x160xi32>
    %sub3A_308 = arith.subi %convert_element_type3A_224, %sub3A_307 : vector<64x160xi32>
    %jit3A_309 = arith.constant 0 : i32
    %max3A_310 = vector.broadcast %jit3A_309 : i32 to vector<64x160xi32>
    %max3A_311 = arith.maxsi %max3A_310, %add3A_287 : vector<64x160xi32>
    %min3A_312 = arith.minsi %sub3A_308, %max3A_311 : vector<64x160xi32>
    %mul3A_313 = arith.muli %min3A_305, %convert_element_type3A_224 : vector<64x160xi32>
    %add3A_314 = arith.addi %select_n3A_208, %mul3A_313 : vector<64x160xi32>
    %add3A_315 = arith.addi %add3A_314, %min3A_312 : vector<64x160xi32>
    %mul3A_316 = arith.mulf %mul3A_228, %mul3A_239 : vector<64x160xf32>
    %jit3A_317 = arith.constant 0.000000e+00 : f32
    %broadcast_in_dim3A_318 = vector.broadcast %jit3A_317 : f32 to vector<64x160xf32>
    %select_n3A_319 = arith.select %and3A_298, %mul3A_316, %broadcast_in_dim3A_318 : vector<64x160xi1>, vector<64x160xf32>
    %add3A_320 = arith.constant 1 : i32
    %add3A_321 = vector.broadcast %add3A_320 : i32 to vector<64x160xi32>
    %add3A_322 = arith.addi %convert_element_type3A_221, %add3A_321 : vector<64x160xi32>
    %add3A_323 = arith.constant 0 : i32
    %add3A_324 = vector.broadcast %add3A_323 : i32 to vector<64x160xi32>
    %add3A_325 = arith.addi %convert_element_type3A_222, %add3A_324 : vector<64x160xi32>
    %ge3A_326 = arith.constant 0 : i32
    %ge3A_327 = vector.broadcast %ge3A_326 : i32 to vector<64x160xi32>
    %ge3A_328 = arith.cmpi sge, %add3A_322, %ge3A_327 : vector<64x160xi32>
    %lt3A_329 = arith.cmpi slt, %add3A_322, %convert_element_type3A_223 : vector<64x160xi32>
    %and3A_330 = arith.andi %ge3A_328, %lt3A_329 : vector<64x160xi1>
    %ge3A_331 = arith.constant 0 : i32
    %ge3A_332 = vector.broadcast %ge3A_331 : i32 to vector<64x160xi32>
    %ge3A_333 = arith.cmpi sge, %add3A_325, %ge3A_332 : vector<64x160xi32>
    %and3A_334 = arith.andi %and3A_330, %ge3A_333 : vector<64x160xi1>
    %lt3A_335 = arith.cmpi slt, %add3A_325, %convert_element_type3A_224 : vector<64x160xi32>
    %and3A_336 = arith.andi %and3A_334, %lt3A_335 : vector<64x160xi1>
    %sub3A_337 = arith.constant 1 : i32
    %sub3A_338 = vector.broadcast %sub3A_337 : i32 to vector<64x160xi32>
    %sub3A_339 = arith.subi %convert_element_type3A_223, %sub3A_338 : vector<64x160xi32>
    %jit3A_340 = arith.constant 0 : i32
    %max3A_341 = vector.broadcast %jit3A_340 : i32 to vector<64x160xi32>
    %max3A_342 = arith.maxsi %max3A_341, %add3A_322 : vector<64x160xi32>
    %min3A_343 = arith.minsi %sub3A_339, %max3A_342 : vector<64x160xi32>
    %sub3A_344 = arith.constant 1 : i32
    %sub3A_345 = vector.broadcast %sub3A_344 : i32 to vector<64x160xi32>
    %sub3A_346 = arith.subi %convert_element_type3A_224, %sub3A_345 : vector<64x160xi32>
    %jit3A_347 = arith.constant 0 : i32
    %max3A_348 = vector.broadcast %jit3A_347 : i32 to vector<64x160xi32>
    %max3A_349 = arith.maxsi %max3A_348, %add3A_325 : vector<64x160xi32>
    %min3A_350 = arith.minsi %sub3A_346, %max3A_349 : vector<64x160xi32>
    %mul3A_351 = arith.muli %min3A_343, %convert_element_type3A_224 : vector<64x160xi32>
    %add3A_352 = arith.addi %select_n3A_208, %mul3A_351 : vector<64x160xi32>
    %add3A_353 = arith.addi %add3A_352, %min3A_350 : vector<64x160xi32>
    %mul3A_354 = arith.mulf %mul3A_228, %mul3A_243 : vector<64x160xf32>
    %jit3A_355 = arith.constant 0.000000e+00 : f32
    %broadcast_in_dim3A_356 = vector.broadcast %jit3A_355 : f32 to vector<64x160xf32>
    %select_n3A_357 = arith.select %and3A_336, %mul3A_354, %broadcast_in_dim3A_356 : vector<64x160xi1>, vector<64x160xf32>
    %add3A_358 = arith.constant 1 : i32
    %add3A_359 = vector.broadcast %add3A_358 : i32 to vector<64x160xi32>
    %add3A_360 = arith.addi %convert_element_type3A_221, %add3A_359 : vector<64x160xi32>
    %add3A_361 = arith.constant 1 : i32
    %add3A_362 = vector.broadcast %add3A_361 : i32 to vector<64x160xi32>
    %add3A_363 = arith.addi %convert_element_type3A_222, %add3A_362 : vector<64x160xi32>
    %ge3A_364 = arith.constant 0 : i32
    %ge3A_365 = vector.broadcast %ge3A_364 : i32 to vector<64x160xi32>
    %ge3A_366 = arith.cmpi sge, %add3A_360, %ge3A_365 : vector<64x160xi32>
    %lt3A_367 = arith.cmpi slt, %add3A_360, %convert_element_type3A_223 : vector<64x160xi32>
    %and3A_368 = arith.andi %ge3A_366, %lt3A_367 : vector<64x160xi1>
    %ge3A_369 = arith.constant 0 : i32
    %ge3A_370 = vector.broadcast %ge3A_369 : i32 to vector<64x160xi32>
    %ge3A_371 = arith.cmpi sge, %add3A_363, %ge3A_370 : vector<64x160xi32>
    %and3A_372 = arith.andi %and3A_368, %ge3A_371 : vector<64x160xi1>
    %lt3A_373 = arith.cmpi slt, %add3A_363, %convert_element_type3A_224 : vector<64x160xi32>
    %and3A_374 = arith.andi %and3A_372, %lt3A_373 : vector<64x160xi1>
    %sub3A_375 = arith.constant 1 : i32
    %sub3A_376 = vector.broadcast %sub3A_375 : i32 to vector<64x160xi32>
    %sub3A_377 = arith.subi %convert_element_type3A_223, %sub3A_376 : vector<64x160xi32>
    %jit3A_378 = arith.constant 0 : i32
    %max3A_379 = vector.broadcast %jit3A_378 : i32 to vector<64x160xi32>
    %max3A_380 = arith.maxsi %max3A_379, %add3A_360 : vector<64x160xi32>
    %min3A_381 = arith.minsi %sub3A_377, %max3A_380 : vector<64x160xi32>
    %sub3A_382 = arith.constant 1 : i32
    %sub3A_383 = vector.broadcast %sub3A_382 : i32 to vector<64x160xi32>
    %sub3A_384 = arith.subi %convert_element_type3A_224, %sub3A_383 : vector<64x160xi32>
    %jit3A_385 = arith.constant 0 : i32
    %max3A_386 = vector.broadcast %jit3A_385 : i32 to vector<64x160xi32>
    %max3A_387 = arith.maxsi %max3A_386, %add3A_363 : vector<64x160xi32>
    %min3A_388 = arith.minsi %sub3A_384, %max3A_387 : vector<64x160xi32>
    %mul3A_389 = arith.muli %min3A_381, %convert_element_type3A_224 : vector<64x160xi32>
    %add3A_390 = arith.addi %select_n3A_208, %mul3A_389 : vector<64x160xi32>
    %add3A_391 = arith.addi %add3A_390, %min3A_388 : vector<64x160xi32>
    %mul3A_392 = arith.mulf %mul3A_228, %mul3A_244 : vector<64x160xf32>
    %jit3A_393 = arith.constant 0.000000e+00 : f32
    %broadcast_in_dim3A_394 = vector.broadcast %jit3A_393 : f32 to vector<64x160xf32>
    %select_n3A_395 = arith.select %and3A_374, %mul3A_392, %broadcast_in_dim3A_394 : vector<64x160xi1>, vector<64x160xf32>
    %add3A_396 = arith.constant 1 : i32
    %add3A_397 = vector.broadcast %add3A_396 : i32 to vector<64x160xi32>
    %add3A_398 = arith.addi %convert_element_type3A_155, %add3A_397 : vector<64x160xi32>
    %eq3A_399 = arith.constant 0 : i32
    %eq3A_400 = vector.broadcast %eq3A_399 : i32 to vector<64x160xi32>
    %eq3A_401 = arith.cmpi eq, %add3A_398, %eq3A_400 : vector<64x160xi32>
    %eq3A_402 = arith.constant 1 : i32
    %eq3A_403 = vector.broadcast %eq3A_402 : i32 to vector<64x160xi32>
    %eq3A_404 = arith.cmpi eq, %add3A_398, %eq3A_403 : vector<64x160xi32>
    %eq3A_405 = arith.constant 2 : i32
    %eq3A_406 = vector.broadcast %eq3A_405 : i32 to vector<64x160xi32>
    %eq3A_407 = arith.cmpi eq, %add3A_398, %eq3A_406 : vector<64x160xi32>
    %broadcast_in_dim3A_408 = vector.broadcast %get3A_41 : i32 to vector<64x160xi32>
    %broadcast_in_dim3A_409 = vector.broadcast %get3A_47 : i32 to vector<64x160xi32>
    %select_n3A_410 = arith.select %eq3A_407, %broadcast_in_dim3A_408, %broadcast_in_dim3A_409 : vector<64x160xi1>, vector<64x160xi32>
    %broadcast_in_dim3A_411 = vector.broadcast %get3A_35 : i32 to vector<64x160xi32>
    %select_n3A_412 = arith.select %eq3A_404, %broadcast_in_dim3A_411, %select_n3A_410 : vector<64x160xi1>, vector<64x160xi32>
    %broadcast_in_dim3A_413 = vector.broadcast %get3A_29 : i32 to vector<64x160xi32>
    %select_n3A_414 = arith.select %eq3A_401, %broadcast_in_dim3A_413, %select_n3A_412 : vector<64x160xi1>, vector<64x160xi32>
    %convert_element_type3A_415 = arith.sitofp %select_n3A_414 : vector<64x160xi32> to vector<64x160xf32>
    %eq3A_416 = arith.constant 0 : i32
    %eq3A_417 = vector.broadcast %eq3A_416 : i32 to vector<64x160xi32>
    %eq3A_418 = arith.cmpi eq, %add3A_398, %eq3A_417 : vector<64x160xi32>
    %eq3A_419 = arith.constant 1 : i32
    %eq3A_420 = vector.broadcast %eq3A_419 : i32 to vector<64x160xi32>
    %eq3A_421 = arith.cmpi eq, %add3A_398, %eq3A_420 : vector<64x160xi32>
    %eq3A_422 = arith.constant 2 : i32
    %eq3A_423 = vector.broadcast %eq3A_422 : i32 to vector<64x160xi32>
    %eq3A_424 = arith.cmpi eq, %add3A_398, %eq3A_423 : vector<64x160xi32>
    %broadcast_in_dim3A_425 = vector.broadcast %get3A_44 : i32 to vector<64x160xi32>
    %broadcast_in_dim3A_426 = vector.broadcast %get3A_50 : i32 to vector<64x160xi32>
    %select_n3A_427 = arith.select %eq3A_424, %broadcast_in_dim3A_425, %broadcast_in_dim3A_426 : vector<64x160xi1>, vector<64x160xi32>
    %broadcast_in_dim3A_428 = vector.broadcast %get3A_38 : i32 to vector<64x160xi32>
    %select_n3A_429 = arith.select %eq3A_421, %broadcast_in_dim3A_428, %select_n3A_427 : vector<64x160xi1>, vector<64x160xi32>
    %broadcast_in_dim3A_430 = vector.broadcast %get3A_32 : i32 to vector<64x160xi32>
    %select_n3A_431 = arith.select %eq3A_418, %broadcast_in_dim3A_430, %select_n3A_429 : vector<64x160xi1>, vector<64x160xi32>
    %convert_element_type3A_432 = arith.sitofp %select_n3A_431 : vector<64x160xi32> to vector<64x160xf32>
    %eq3A_433 = arith.constant 0 : i32
    %eq3A_434 = vector.broadcast %eq3A_433 : i32 to vector<64x160xi32>
    %eq3A_435 = arith.cmpi eq, %add3A_398, %eq3A_434 : vector<64x160xi32>
    %eq3A_436 = arith.constant 1 : i32
    %eq3A_437 = vector.broadcast %eq3A_436 : i32 to vector<64x160xi32>
    %eq3A_438 = arith.cmpi eq, %add3A_398, %eq3A_437 : vector<64x160xi32>
    %eq3A_439 = arith.constant 2 : i32
    %eq3A_440 = vector.broadcast %eq3A_439 : i32 to vector<64x160xi32>
    %eq3A_441 = arith.cmpi eq, %add3A_398, %eq3A_440 : vector<64x160xi32>
    %broadcast_in_dim3A_442 = vector.broadcast %get3A_56 : i32 to vector<64x160xi32>
    %broadcast_in_dim3A_443 = vector.broadcast %get3A_58 : i32 to vector<64x160xi32>
    %select_n3A_444 = arith.select %eq3A_441, %broadcast_in_dim3A_442, %broadcast_in_dim3A_443 : vector<64x160xi1>, vector<64x160xi32>
    %broadcast_in_dim3A_445 = vector.broadcast %get3A_54 : i32 to vector<64x160xi32>
    %select_n3A_446 = arith.select %eq3A_438, %broadcast_in_dim3A_445, %select_n3A_444 : vector<64x160xi1>, vector<64x160xi32>
    %broadcast_in_dim3A_447 = vector.broadcast %get3A_52 : i32 to vector<64x160xi32>
    %select_n3A_448 = arith.select %eq3A_435, %broadcast_in_dim3A_447, %select_n3A_446 : vector<64x160xi1>, vector<64x160xi32>
    %mul3A_449 = arith.mulf %add3A_109, %convert_element_type3A_415 : vector<64x160xf32>
    %sub3A_450 = arith.constant 5.000000e-01 : f32
    %sub3A_451 = vector.broadcast %sub3A_450 : f32 to vector<64x160xf32>
    %sub3A_452 = arith.subf %mul3A_449, %sub3A_451 : vector<64x160xf32>
    %mul3A_453 = arith.mulf %add3A_99, %convert_element_type3A_432 : vector<64x160xf32>
    %sub3A_454 = arith.constant 5.000000e-01 : f32
    %sub3A_455 = vector.broadcast %sub3A_454 : f32 to vector<64x160xf32>
    %sub3A_456 = arith.subf %mul3A_453, %sub3A_455 : vector<64x160xf32>
    %floor3A_457 = math.floor %sub3A_452 : vector<64x160xf32>
    %floor3A_458 = math.floor %sub3A_456 : vector<64x160xf32>
    %sub3A_459 = arith.subf %sub3A_452, %floor3A_457 : vector<64x160xf32>
    %sub3A_460 = arith.subf %sub3A_456, %floor3A_458 : vector<64x160xf32>
    %convert_element_type3A_461 = arith.fptosi %floor3A_457 : vector<64x160xf32> to vector<64x160xi32>
    %convert_element_type3A_462 = arith.fptosi %floor3A_458 : vector<64x160xf32> to vector<64x160xi32>
    %convert_element_type3A_463 = arith.fptosi %convert_element_type3A_415 : vector<64x160xf32> to vector<64x160xi32>
    %convert_element_type3A_464 = arith.fptosi %convert_element_type3A_432 : vector<64x160xf32> to vector<64x160xi32>
    %mul3A_465 = arith.mulf %div3A, %min3A_154 : vector<64x160xf32>
    %sub3A_466 = arith.constant 1.000000e+00 : f32
    %sub3A_467 = vector.broadcast %sub3A_466 : f32 to vector<64x160xf32>
    %sub3A_468 = arith.subf %sub3A_467, %sub3A_459 : vector<64x160xf32>
    %sub3A_469 = arith.constant 1.000000e+00 : f32
    %sub3A_470 = vector.broadcast %sub3A_469 : f32 to vector<64x160xf32>
    %sub3A_471 = arith.subf %sub3A_470, %sub3A_460 : vector<64x160xf32>
    %mul3A_472 = arith.mulf %sub3A_468, %sub3A_471 : vector<64x160xf32>
    %sub3A_473 = arith.constant 1.000000e+00 : f32
    %sub3A_474 = vector.broadcast %sub3A_473 : f32 to vector<64x160xf32>
    %sub3A_475 = arith.subf %sub3A_474, %sub3A_459 : vector<64x160xf32>
    %mul3A_476 = arith.mulf %sub3A_475, %sub3A_460 : vector<64x160xf32>
    %sub3A_477 = arith.constant 1.000000e+00 : f32
    %sub3A_478 = vector.broadcast %sub3A_477 : f32 to vector<64x160xf32>
    %sub3A_479 = arith.subf %sub3A_478, %sub3A_460 : vector<64x160xf32>
    %mul3A_480 = arith.mulf %sub3A_459, %sub3A_479 : vector<64x160xf32>
    %mul3A_481 = arith.mulf %sub3A_459, %sub3A_460 : vector<64x160xf32>
    %add3A_482 = arith.constant 0 : i32
    %add3A_483 = vector.broadcast %add3A_482 : i32 to vector<64x160xi32>
    %add3A_484 = arith.addi %convert_element_type3A_461, %add3A_483 : vector<64x160xi32>
    %add3A_485 = arith.constant 0 : i32
    %add3A_486 = vector.broadcast %add3A_485 : i32 to vector<64x160xi32>
    %add3A_487 = arith.addi %convert_element_type3A_462, %add3A_486 : vector<64x160xi32>
    %ge3A_488 = arith.constant 0 : i32
    %ge3A_489 = vector.broadcast %ge3A_488 : i32 to vector<64x160xi32>
    %ge3A_490 = arith.cmpi sge, %add3A_484, %ge3A_489 : vector<64x160xi32>
    %lt3A_491 = arith.cmpi slt, %add3A_484, %convert_element_type3A_463 : vector<64x160xi32>
    %and3A_492 = arith.andi %ge3A_490, %lt3A_491 : vector<64x160xi1>
    %ge3A_493 = arith.constant 0 : i32
    %ge3A_494 = vector.broadcast %ge3A_493 : i32 to vector<64x160xi32>
    %ge3A_495 = arith.cmpi sge, %add3A_487, %ge3A_494 : vector<64x160xi32>
    %and3A_496 = arith.andi %and3A_492, %ge3A_495 : vector<64x160xi1>
    %lt3A_497 = arith.cmpi slt, %add3A_487, %convert_element_type3A_464 : vector<64x160xi32>
    %and3A_498 = arith.andi %and3A_496, %lt3A_497 : vector<64x160xi1>
    %sub3A_499 = arith.constant 1 : i32
    %sub3A_500 = vector.broadcast %sub3A_499 : i32 to vector<64x160xi32>
    %sub3A_501 = arith.subi %convert_element_type3A_463, %sub3A_500 : vector<64x160xi32>
    %jit3A_502 = arith.constant 0 : i32
    %max3A_503 = vector.broadcast %jit3A_502 : i32 to vector<64x160xi32>
    %max3A_504 = arith.maxsi %max3A_503, %add3A_484 : vector<64x160xi32>
    %min3A_505 = arith.minsi %sub3A_501, %max3A_504 : vector<64x160xi32>
    %sub3A_506 = arith.constant 1 : i32
    %sub3A_507 = vector.broadcast %sub3A_506 : i32 to vector<64x160xi32>
    %sub3A_508 = arith.subi %convert_element_type3A_464, %sub3A_507 : vector<64x160xi32>
    %jit3A_509 = arith.constant 0 : i32
    %max3A_510 = vector.broadcast %jit3A_509 : i32 to vector<64x160xi32>
    %max3A_511 = arith.maxsi %max3A_510, %add3A_487 : vector<64x160xi32>
    %min3A_512 = arith.minsi %sub3A_508, %max3A_511 : vector<64x160xi32>
    %mul3A_513 = arith.muli %min3A_505, %convert_element_type3A_464 : vector<64x160xi32>
    %add3A_514 = arith.addi %select_n3A_448, %mul3A_513 : vector<64x160xi32>
    %add3A_515 = arith.addi %add3A_514, %min3A_512 : vector<64x160xi32>
    %mul3A_516 = arith.mulf %mul3A_465, %mul3A_472 : vector<64x160xf32>
    %jit3A_517 = arith.constant 0.000000e+00 : f32
    %broadcast_in_dim3A_518 = vector.broadcast %jit3A_517 : f32 to vector<64x160xf32>
    %select_n3A_519 = arith.select %and3A_498, %mul3A_516, %broadcast_in_dim3A_518 : vector<64x160xi1>, vector<64x160xf32>
    %add3A_520 = arith.constant 0 : i32
    %add3A_521 = vector.broadcast %add3A_520 : i32 to vector<64x160xi32>
    %add3A_522 = arith.addi %convert_element_type3A_461, %add3A_521 : vector<64x160xi32>
    %add3A_523 = arith.constant 1 : i32
    %add3A_524 = vector.broadcast %add3A_523 : i32 to vector<64x160xi32>
    %add3A_525 = arith.addi %convert_element_type3A_462, %add3A_524 : vector<64x160xi32>
    %ge3A_526 = arith.constant 0 : i32
    %ge3A_527 = vector.broadcast %ge3A_526 : i32 to vector<64x160xi32>
    %ge3A_528 = arith.cmpi sge, %add3A_522, %ge3A_527 : vector<64x160xi32>
    %lt3A_529 = arith.cmpi slt, %add3A_522, %convert_element_type3A_463 : vector<64x160xi32>
    %and3A_530 = arith.andi %ge3A_528, %lt3A_529 : vector<64x160xi1>
    %ge3A_531 = arith.constant 0 : i32
    %ge3A_532 = vector.broadcast %ge3A_531 : i32 to vector<64x160xi32>
    %ge3A_533 = arith.cmpi sge, %add3A_525, %ge3A_532 : vector<64x160xi32>
    %and3A_534 = arith.andi %and3A_530, %ge3A_533 : vector<64x160xi1>
    %lt3A_535 = arith.cmpi slt, %add3A_525, %convert_element_type3A_464 : vector<64x160xi32>
    %and3A_536 = arith.andi %and3A_534, %lt3A_535 : vector<64x160xi1>
    %sub3A_537 = arith.constant 1 : i32
    %sub3A_538 = vector.broadcast %sub3A_537 : i32 to vector<64x160xi32>
    %sub3A_539 = arith.subi %convert_element_type3A_463, %sub3A_538 : vector<64x160xi32>
    %jit3A_540 = arith.constant 0 : i32
    %max3A_541 = vector.broadcast %jit3A_540 : i32 to vector<64x160xi32>
    %max3A_542 = arith.maxsi %max3A_541, %add3A_522 : vector<64x160xi32>
    %min3A_543 = arith.minsi %sub3A_539, %max3A_542 : vector<64x160xi32>
    %sub3A_544 = arith.constant 1 : i32
    %sub3A_545 = vector.broadcast %sub3A_544 : i32 to vector<64x160xi32>
    %sub3A_546 = arith.subi %convert_element_type3A_464, %sub3A_545 : vector<64x160xi32>
    %jit3A_547 = arith.constant 0 : i32
    %max3A_548 = vector.broadcast %jit3A_547 : i32 to vector<64x160xi32>
    %max3A_549 = arith.maxsi %max3A_548, %add3A_525 : vector<64x160xi32>
    %min3A_550 = arith.minsi %sub3A_546, %max3A_549 : vector<64x160xi32>
    %mul3A_551 = arith.muli %min3A_543, %convert_element_type3A_464 : vector<64x160xi32>
    %add3A_552 = arith.addi %select_n3A_448, %mul3A_551 : vector<64x160xi32>
    %add3A_553 = arith.addi %add3A_552, %min3A_550 : vector<64x160xi32>
    %mul3A_554 = arith.mulf %mul3A_465, %mul3A_476 : vector<64x160xf32>
    %jit3A_555 = arith.constant 0.000000e+00 : f32
    %broadcast_in_dim3A_556 = vector.broadcast %jit3A_555 : f32 to vector<64x160xf32>
    %select_n3A_557 = arith.select %and3A_536, %mul3A_554, %broadcast_in_dim3A_556 : vector<64x160xi1>, vector<64x160xf32>
    %add3A_558 = arith.constant 1 : i32
    %add3A_559 = vector.broadcast %add3A_558 : i32 to vector<64x160xi32>
    %add3A_560 = arith.addi %convert_element_type3A_461, %add3A_559 : vector<64x160xi32>
    %add3A_561 = arith.constant 0 : i32
    %add3A_562 = vector.broadcast %add3A_561 : i32 to vector<64x160xi32>
    %add3A_563 = arith.addi %convert_element_type3A_462, %add3A_562 : vector<64x160xi32>
    %ge3A_564 = arith.constant 0 : i32
    %ge3A_565 = vector.broadcast %ge3A_564 : i32 to vector<64x160xi32>
    %ge3A_566 = arith.cmpi sge, %add3A_560, %ge3A_565 : vector<64x160xi32>
    %lt3A_567 = arith.cmpi slt, %add3A_560, %convert_element_type3A_463 : vector<64x160xi32>
    %and3A_568 = arith.andi %ge3A_566, %lt3A_567 : vector<64x160xi1>
    %ge3A_569 = arith.constant 0 : i32
    %ge3A_570 = vector.broadcast %ge3A_569 : i32 to vector<64x160xi32>
    %ge3A_571 = arith.cmpi sge, %add3A_563, %ge3A_570 : vector<64x160xi32>
    %and3A_572 = arith.andi %and3A_568, %ge3A_571 : vector<64x160xi1>
    %lt3A_573 = arith.cmpi slt, %add3A_563, %convert_element_type3A_464 : vector<64x160xi32>
    %and3A_574 = arith.andi %and3A_572, %lt3A_573 : vector<64x160xi1>
    %sub3A_575 = arith.constant 1 : i32
    %sub3A_576 = vector.broadcast %sub3A_575 : i32 to vector<64x160xi32>
    %sub3A_577 = arith.subi %convert_element_type3A_463, %sub3A_576 : vector<64x160xi32>
    %jit3A_578 = arith.constant 0 : i32
    %max3A_579 = vector.broadcast %jit3A_578 : i32 to vector<64x160xi32>
    %max3A_580 = arith.maxsi %max3A_579, %add3A_560 : vector<64x160xi32>
    %min3A_581 = arith.minsi %sub3A_577, %max3A_580 : vector<64x160xi32>
    %sub3A_582 = arith.constant 1 : i32
    %sub3A_583 = vector.broadcast %sub3A_582 : i32 to vector<64x160xi32>
    %sub3A_584 = arith.subi %convert_element_type3A_464, %sub3A_583 : vector<64x160xi32>
    %jit3A_585 = arith.constant 0 : i32
    %max3A_586 = vector.broadcast %jit3A_585 : i32 to vector<64x160xi32>
    %max3A_587 = arith.maxsi %max3A_586, %add3A_563 : vector<64x160xi32>
    %min3A_588 = arith.minsi %sub3A_584, %max3A_587 : vector<64x160xi32>
    %mul3A_589 = arith.muli %min3A_581, %convert_element_type3A_464 : vector<64x160xi32>
    %add3A_590 = arith.addi %select_n3A_448, %mul3A_589 : vector<64x160xi32>
    %add3A_591 = arith.addi %add3A_590, %min3A_588 : vector<64x160xi32>
    %mul3A_592 = arith.mulf %mul3A_465, %mul3A_480 : vector<64x160xf32>
    %jit3A_593 = arith.constant 0.000000e+00 : f32
    %broadcast_in_dim3A_594 = vector.broadcast %jit3A_593 : f32 to vector<64x160xf32>
    %select_n3A_595 = arith.select %and3A_574, %mul3A_592, %broadcast_in_dim3A_594 : vector<64x160xi1>, vector<64x160xf32>
    %add3A_596 = arith.constant 1 : i32
    %add3A_597 = vector.broadcast %add3A_596 : i32 to vector<64x160xi32>
    %add3A_598 = arith.addi %convert_element_type3A_461, %add3A_597 : vector<64x160xi32>
    %add3A_599 = arith.constant 1 : i32
    %add3A_600 = vector.broadcast %add3A_599 : i32 to vector<64x160xi32>
    %add3A_601 = arith.addi %convert_element_type3A_462, %add3A_600 : vector<64x160xi32>
    %ge3A_602 = arith.constant 0 : i32
    %ge3A_603 = vector.broadcast %ge3A_602 : i32 to vector<64x160xi32>
    %ge3A_604 = arith.cmpi sge, %add3A_598, %ge3A_603 : vector<64x160xi32>
    %lt3A_605 = arith.cmpi slt, %add3A_598, %convert_element_type3A_463 : vector<64x160xi32>
    %and3A_606 = arith.andi %ge3A_604, %lt3A_605 : vector<64x160xi1>
    %ge3A_607 = arith.constant 0 : i32
    %ge3A_608 = vector.broadcast %ge3A_607 : i32 to vector<64x160xi32>
    %ge3A_609 = arith.cmpi sge, %add3A_601, %ge3A_608 : vector<64x160xi32>
    %and3A_610 = arith.andi %and3A_606, %ge3A_609 : vector<64x160xi1>
    %lt3A_611 = arith.cmpi slt, %add3A_601, %convert_element_type3A_464 : vector<64x160xi32>
    %and3A_612 = arith.andi %and3A_610, %lt3A_611 : vector<64x160xi1>
    %sub3A_613 = arith.constant 1 : i32
    %sub3A_614 = vector.broadcast %sub3A_613 : i32 to vector<64x160xi32>
    %sub3A_615 = arith.subi %convert_element_type3A_463, %sub3A_614 : vector<64x160xi32>
    %jit3A_616 = arith.constant 0 : i32
    %max3A_617 = vector.broadcast %jit3A_616 : i32 to vector<64x160xi32>
    %max3A_618 = arith.maxsi %max3A_617, %add3A_598 : vector<64x160xi32>
    %min3A_619 = arith.minsi %sub3A_615, %max3A_618 : vector<64x160xi32>
    %sub3A_620 = arith.constant 1 : i32
    %sub3A_621 = vector.broadcast %sub3A_620 : i32 to vector<64x160xi32>
    %sub3A_622 = arith.subi %convert_element_type3A_464, %sub3A_621 : vector<64x160xi32>
    %jit3A_623 = arith.constant 0 : i32
    %max3A_624 = vector.broadcast %jit3A_623 : i32 to vector<64x160xi32>
    %max3A_625 = arith.maxsi %max3A_624, %add3A_601 : vector<64x160xi32>
    %min3A_626 = arith.minsi %sub3A_622, %max3A_625 : vector<64x160xi32>
    %mul3A_627 = arith.muli %min3A_619, %convert_element_type3A_464 : vector<64x160xi32>
    %add3A_628 = arith.addi %select_n3A_448, %mul3A_627 : vector<64x160xi32>
    %add3A_629 = arith.addi %add3A_628, %min3A_626 : vector<64x160xi32>
    %mul3A_630 = arith.mulf %mul3A_465, %mul3A_481 : vector<64x160xf32>
    %jit3A_631 = arith.constant 0.000000e+00 : f32
    %broadcast_in_dim3A_632 = vector.broadcast %jit3A_631 : f32 to vector<64x160xf32>
    %select_n3A_633 = arith.select %and3A_612, %mul3A_630, %broadcast_in_dim3A_632 : vector<64x160xi1>, vector<64x160xf32>
    %slice3A_634 = vector.extract_strided_slice %add3A_277 {offsets = [0, 0], sizes = [8, 160], strides = [1, 1]} : vector<64x160xi32> to vector<8x160xi32>
    %swap3A = arith.constant 0 : index
    %swap3A_635 = arith.constant 0 : index
    %swap3A_636 = arith.constant 0 : index
    %swap3A_637 = arith.constant 0 : index
    %swap3A_638 = vector.load %arg10[%swap3A, %swap3A_635, %swap3A_636, %swap3A_637] : memref<8x1x64x160xi32, #tpu.memory_space<vmem>>, vector<1x1x8x160xi32>
    %swap3A_639 = vector.shape_cast %swap3A_638 : vector<1x1x8x160xi32> to vector<8x160xi32>
    %swap3A_640 = vector.shape_cast %slice3A_634 : vector<8x160xi32> to vector<1x1x8x160xi32>
    tpu.vector_store %arg10[%swap3A, %swap3A_635, %swap3A_636, %swap3A_637], %swap3A_640 {strides = array<i32>} : memref<8x1x64x160xi32, #tpu.memory_space<vmem>>, vector<1x1x8x160xi32>,
    %slice3A_641 = vector.extract_strided_slice %select_n3A_281 {offsets = [0, 0], sizes = [8, 160], strides = [1, 1]} : vector<64x160xf32> to vector<8x160xf32>
    %swap3A_642 = arith.constant 0 : index
    %swap3A_643 = arith.constant 0 : index
    %swap3A_644 = arith.constant 0 : index
    %swap3A_645 = arith.constant 0 : index
    %swap3A_646 = vector.load %arg11[%swap3A_642, %swap3A_643, %swap3A_644, %swap3A_645] : memref<8x1x64x160xf32, #tpu.memory_space<vmem>>, vector<1x1x8x160xf32>
    %swap3A_647 = vector.shape_cast %swap3A_646 : vector<1x1x8x160xf32> to vector<8x160xf32>
    %swap3A_648 = vector.shape_cast %slice3A_641 : vector<8x160xf32> to vector<1x1x8x160xf32>
    tpu.vector_store %arg11[%swap3A_642, %swap3A_643, %swap3A_644, %swap3A_645], %swap3A_648 {strides = array<i32>} : memref<8x1x64x160xf32, #tpu.memory_space<vmem>>, vector<1x1x8x160xf32>,
    %slice3A_649 = vector.extract_strided_slice %add3A_315 {offsets = [0, 0], sizes = [8, 160], strides = [1, 1]} : vector<64x160xi32> to vector<8x160xi32>
    %swap3A_650 = arith.constant 0 : index
    %swap3A_651 = arith.constant 0 : index
    %swap3A_652 = arith.constant 8 : index
    %swap3A_653 = arith.constant 0 : index
    %swap3A_654 = vector.load %arg10[%swap3A_650, %swap3A_651, %swap3A_652, %swap3A_653] : memref<8x1x64x160xi32, #tpu.memory_space<vmem>>, vector<1x1x8x160xi32>
    %swap3A_655 = vector.shape_cast %swap3A_654 : vector<1x1x8x160xi32> to vector<8x160xi32>
    %swap3A_656 = vector.shape_cast %slice3A_649 : vector<8x160xi32> to vector<1x1x8x160xi32>
    tpu.vector_store %arg10[%swap3A_650, %swap3A_651, %swap3A_652, %swap3A_653], %swap3A_656 {strides = array<i32>} : memref<8x1x64x160xi32, #tpu.memory_space<vmem>>, vector<1x1x8x160xi32>,
    %slice3A_657 = vector.extract_strided_slice %select_n3A_319 {offsets = [0, 0], sizes = [8, 160], strides = [1, 1]} : vector<64x160xf32> to vector<8x160xf32>
    %swap3A_658 = arith.constant 0 : index
    %swap3A_659 = arith.constant 0 : index
    %swap3A_660 = arith.constant 8 : index
    %swap3A_661 = arith.constant 0 : index
    %swap3A_662 = vector.load %arg11[%swap3A_658, %swap3A_659, %swap3A_660, %swap3A_661] : memref<8x1x64x160xf32, #tpu.memory_space<vmem>>, vector<1x1x8x160xf32>
    %swap3A_663 = vector.shape_cast %swap3A_662 : vector<1x1x8x160xf32> to vector<8x160xf32>
    %swap3A_664 = vector.shape_cast %slice3A_657 : vector<8x160xf32> to vector<1x1x8x160xf32>
    tpu.vector_store %arg11[%swap3A_658, %swap3A_659, %swap3A_660, %swap3A_661], %swap3A_664 {strides = array<i32>} : memref<8x1x64x160xf32, #tpu.memory_space<vmem>>, vector<1x1x8x160xf32>,
    %slice3A_665 = vector.extract_strided_slice %add3A_353 {offsets = [0, 0], sizes = [8, 160], strides = [1, 1]} : vector<64x160xi32> to vector<8x160xi32>
    %swap3A_666 = arith.constant 0 : index
    %swap3A_667 = arith.constant 0 : index
    %swap3A_668 = arith.constant 16 : index
    %swap3A_669 = arith.constant 0 : index
    %swap3A_670 = vector.load %arg10[%swap3A_666, %swap3A_667, %swap3A_668, %swap3A_669] : memref<8x1x64x160xi32, #tpu.memory_space<vmem>>, vector<1x1x8x160xi32>
    %swap3A_671 = vector.shape_cast %swap3A_670 : vector<1x1x8x160xi32> to vector<8x160xi32>
    %swap3A_672 = vector.shape_cast %slice3A_665 : vector<8x160xi32> to vector<1x1x8x160xi32>
    tpu.vector_store %arg10[%swap3A_666, %swap3A_667, %swap3A_668, %swap3A_669], %swap3A_672 {strides = array<i32>} : memref<8x1x64x160xi32, #tpu.memory_space<vmem>>, vector<1x1x8x160xi32>,
    %slice3A_673 = vector.extract_strided_slice %select_n3A_357 {offsets = [0, 0], sizes = [8, 160], strides = [1, 1]} : vector<64x160xf32> to vector<8x160xf32>
    %swap3A_674 = arith.constant 0 : index
    %swap3A_675 = arith.constant 0 : index
    %swap3A_676 = arith.constant 16 : index
    %swap3A_677 = arith.constant 0 : index
    %swap3A_678 = vector.load %arg11[%swap3A_674, %swap3A_675, %swap3A_676, %swap3A_677] : memref<8x1x64x160xf32, #tpu.memory_space<vmem>>, vector<1x1x8x160xf32>
    %swap3A_679 = vector.shape_cast %swap3A_678 : vector<1x1x8x160xf32> to vector<8x160xf32>
    %swap3A_680 = vector.shape_cast %slice3A_673 : vector<8x160xf32> to vector<1x1x8x160xf32>
    tpu.vector_store %arg11[%swap3A_674, %swap3A_675, %swap3A_676, %swap3A_677], %swap3A_680 {strides = array<i32>} : memref<8x1x64x160xf32, #tpu.memory_space<vmem>>, vector<1x1x8x160xf32>,
    %slice3A_681 = vector.extract_strided_slice %add3A_391 {offsets = [0, 0], sizes = [8, 160], strides = [1, 1]} : vector<64x160xi32> to vector<8x160xi32>
    %swap3A_682 = arith.constant 0 : index
    %swap3A_683 = arith.constant 0 : index
    %swap3A_684 = arith.constant 24 : index
    %swap3A_685 = arith.constant 0 : index
    %swap3A_686 = vector.load %arg10[%swap3A_682, %swap3A_683, %swap3A_684, %swap3A_685] : memref<8x1x64x160xi32, #tpu.memory_space<vmem>>, vector<1x1x8x160xi32>
    %swap3A_687 = vector.shape_cast %swap3A_686 : vector<1x1x8x160xi32> to vector<8x160xi32>
    %swap3A_688 = vector.shape_cast %slice3A_681 : vector<8x160xi32> to vector<1x1x8x160xi32>
    tpu.vector_store %arg10[%swap3A_682, %swap3A_683, %swap3A_684, %swap3A_685], %swap3A_688 {strides = array<i32>} : memref<8x1x64x160xi32, #tpu.memory_space<vmem>>, vector<1x1x8x160xi32>,
    %slice3A_689 = vector.extract_strided_slice %select_n3A_395 {offsets = [0, 0], sizes = [8, 160], strides = [1, 1]} : vector<64x160xf32> to vector<8x160xf32>
    %swap3A_690 = arith.constant 0 : index
    %swap3A_691 = arith.constant 0 : index
    %swap3A_692 = arith.constant 24 : index
    %swap3A_693 = arith.constant 0 : index
    %swap3A_694 = vector.load %arg11[%swap3A_690, %swap3A_691, %swap3A_692, %swap3A_693] : memref<8x1x64x160xf32, #tpu.memory_space<vmem>>, vector<1x1x8x160xf32>
    %swap3A_695 = vector.shape_cast %swap3A_694 : vector<1x1x8x160xf32> to vector<8x160xf32>
    %swap3A_696 = vector.shape_cast %slice3A_689 : vector<8x160xf32> to vector<1x1x8x160xf32>
    tpu.vector_store %arg11[%swap3A_690, %swap3A_691, %swap3A_692, %swap3A_693], %swap3A_696 {strides = array<i32>} : memref<8x1x64x160xf32, #tpu.memory_space<vmem>>, vector<1x1x8x160xf32>,
    %slice3A_697 = vector.extract_strided_slice %add3A_515 {offsets = [0, 0], sizes = [8, 160], strides = [1, 1]} : vector<64x160xi32> to vector<8x160xi32>
    %swap3A_698 = arith.constant 0 : index
    %swap3A_699 = arith.constant 0 : index
    %swap3A_700 = arith.constant 32 : index
    %swap3A_701 = arith.constant 0 : index
    %swap3A_702 = vector.load %arg10[%swap3A_698, %swap3A_699, %swap3A_700, %swap3A_701] : memref<8x1x64x160xi32, #tpu.memory_space<vmem>>, vector<1x1x8x160xi32>
    %swap3A_703 = vector.shape_cast %swap3A_702 : vector<1x1x8x160xi32> to vector<8x160xi32>
    %swap3A_704 = vector.shape_cast %slice3A_697 : vector<8x160xi32> to vector<1x1x8x160xi32>
    tpu.vector_store %arg10[%swap3A_698, %swap3A_699, %swap3A_700, %swap3A_701], %swap3A_704 {strides = array<i32>} : memref<8x1x64x160xi32, #tpu.memory_space<vmem>>, vector<1x1x8x160xi32>,
    %slice3A_705 = vector.extract_strided_slice %select_n3A_519 {offsets = [0, 0], sizes = [8, 160], strides = [1, 1]} : vector<64x160xf32> to vector<8x160xf32>
    %swap3A_706 = arith.constant 0 : index
    %swap3A_707 = arith.constant 0 : index
    %swap3A_708 = arith.constant 32 : index
    %swap3A_709 = arith.constant 0 : index
    %swap3A_710 = vector.load %arg11[%swap3A_706, %swap3A_707, %swap3A_708, %swap3A_709] : memref<8x1x64x160xf32, #tpu.memory_space<vmem>>, vector<1x1x8x160xf32>
    %swap3A_711 = vector.shape_cast %swap3A_710 : vector<1x1x8x160xf32> to vector<8x160xf32>
    %swap3A_712 = vector.shape_cast %slice3A_705 : vector<8x160xf32> to vector<1x1x8x160xf32>
    tpu.vector_store %arg11[%swap3A_706, %swap3A_707, %swap3A_708, %swap3A_709], %swap3A_712 {strides = array<i32>} : memref<8x1x64x160xf32, #tpu.memory_space<vmem>>, vector<1x1x8x160xf32>,
    %slice3A_713 = vector.extract_strided_slice %add3A_553 {offsets = [0, 0], sizes = [8, 160], strides = [1, 1]} : vector<64x160xi32> to vector<8x160xi32>
    %swap3A_714 = arith.constant 0 : index
    %swap3A_715 = arith.constant 0 : index
    %swap3A_716 = arith.constant 40 : index
    %swap3A_717 = arith.constant 0 : index
    %swap3A_718 = vector.load %arg10[%swap3A_714, %swap3A_715, %swap3A_716, %swap3A_717] : memref<8x1x64x160xi32, #tpu.memory_space<vmem>>, vector<1x1x8x160xi32>
    %swap3A_719 = vector.shape_cast %swap3A_718 : vector<1x1x8x160xi32> to vector<8x160xi32>
    %swap3A_720 = vector.shape_cast %slice3A_713 : vector<8x160xi32> to vector<1x1x8x160xi32>
    tpu.vector_store %arg10[%swap3A_714, %swap3A_715, %swap3A_716, %swap3A_717], %swap3A_720 {strides = array<i32>} : memref<8x1x64x160xi32, #tpu.memory_space<vmem>>, vector<1x1x8x160xi32>,
    %slice3A_721 = vector.extract_strided_slice %select_n3A_557 {offsets = [0, 0], sizes = [8, 160], strides = [1, 1]} : vector<64x160xf32> to vector<8x160xf32>
    %swap3A_722 = arith.constant 0 : index
    %swap3A_723 = arith.constant 0 : index
    %swap3A_724 = arith.constant 40 : index
    %swap3A_725 = arith.constant 0 : index
    %swap3A_726 = vector.load %arg11[%swap3A_722, %swap3A_723, %swap3A_724, %swap3A_725] : memref<8x1x64x160xf32, #tpu.memory_space<vmem>>, vector<1x1x8x160xf32>
    %swap3A_727 = vector.shape_cast %swap3A_726 : vector<1x1x8x160xf32> to vector<8x160xf32>
    %swap3A_728 = vector.shape_cast %slice3A_721 : vector<8x160xf32> to vector<1x1x8x160xf32>
    tpu.vector_store %arg11[%swap3A_722, %swap3A_723, %swap3A_724, %swap3A_725], %swap3A_728 {strides = array<i32>} : memref<8x1x64x160xf32, #tpu.memory_space<vmem>>, vector<1x1x8x160xf32>,
    %slice3A_729 = vector.extract_strided_slice %add3A_591 {offsets = [0, 0], sizes = [8, 160], strides = [1, 1]} : vector<64x160xi32> to vector<8x160xi32>
    %swap3A_730 = arith.constant 0 : index
    %swap3A_731 = arith.constant 0 : index
    %swap3A_732 = arith.constant 48 : index
    %swap3A_733 = arith.constant 0 : index
    %swap3A_734 = vector.load %arg10[%swap3A_730, %swap3A_731, %swap3A_732, %swap3A_733] : memref<8x1x64x160xi32, #tpu.memory_space<vmem>>, vector<1x1x8x160xi32>
    %swap3A_735 = vector.shape_cast %swap3A_734 : vector<1x1x8x160xi32> to vector<8x160xi32>
    %swap3A_736 = vector.shape_cast %slice3A_729 : vector<8x160xi32> to vector<1x1x8x160xi32>
    tpu.vector_store %arg10[%swap3A_730, %swap3A_731, %swap3A_732, %swap3A_733], %swap3A_736 {strides = array<i32>} : memref<8x1x64x160xi32, #tpu.memory_space<vmem>>, vector<1x1x8x160xi32>,
    %slice3A_737 = vector.extract_strided_slice %select_n3A_595 {offsets = [0, 0], sizes = [8, 160], strides = [1, 1]} : vector<64x160xf32> to vector<8x160xf32>
    %swap3A_738 = arith.constant 0 : index
    %swap3A_739 = arith.constant 0 : index
    %swap3A_740 = arith.constant 48 : index
    %swap3A_741 = arith.constant 0 : index
    %swap3A_742 = vector.load %arg11[%swap3A_738, %swap3A_739, %swap3A_740, %swap3A_741] : memref<8x1x64x160xf32, #tpu.memory_space<vmem>>, vector<1x1x8x160xf32>
    %swap3A_743 = vector.shape_cast %swap3A_742 : vector<1x1x8x160xf32> to vector<8x160xf32>
    %swap3A_744 = vector.shape_cast %slice3A_737 : vector<8x160xf32> to vector<1x1x8x160xf32>
    tpu.vector_store %arg11[%swap3A_738, %swap3A_739, %swap3A_740, %swap3A_741], %swap3A_744 {strides = array<i32>} : memref<8x1x64x160xf32, #tpu.memory_space<vmem>>, vector<1x1x8x160xf32>,
    %slice3A_745 = vector.extract_strided_slice %add3A_629 {offsets = [0, 0], sizes = [8, 160], strides = [1, 1]} : vector<64x160xi32> to vector<8x160xi32>
    %swap3A_746 = arith.constant 0 : index
    %swap3A_747 = arith.constant 0 : index
    %swap3A_748 = arith.constant 56 : index
    %swap3A_749 = arith.constant 0 : index
    %swap3A_750 = vector.load %arg10[%swap3A_746, %swap3A_747, %swap3A_748, %swap3A_749] : memref<8x1x64x160xi32, #tpu.memory_space<vmem>>, vector<1x1x8x160xi32>
    %swap3A_751 = vector.shape_cast %swap3A_750 : vector<1x1x8x160xi32> to vector<8x160xi32>
    %swap3A_752 = vector.shape_cast %slice3A_745 : vector<8x160xi32> to vector<1x1x8x160xi32>
    tpu.vector_store %arg10[%swap3A_746, %swap3A_747, %swap3A_748, %swap3A_749], %swap3A_752 {strides = array<i32>} : memref<8x1x64x160xi32, #tpu.memory_space<vmem>>, vector<1x1x8x160xi32>,
    %slice3A_753 = vector.extract_strided_slice %select_n3A_633 {offsets = [0, 0], sizes = [8, 160], strides = [1, 1]} : vector<64x160xf32> to vector<8x160xf32>
    %swap3A_754 = arith.constant 0 : index
    %swap3A_755 = arith.constant 0 : index
    %swap3A_756 = arith.constant 56 : index
    %swap3A_757 = arith.constant 0 : index
    %swap3A_758 = vector.load %arg11[%swap3A_754, %swap3A_755, %swap3A_756, %swap3A_757] : memref<8x1x64x160xf32, #tpu.memory_space<vmem>>, vector<1x1x8x160xf32>
    %swap3A_759 = vector.shape_cast %swap3A_758 : vector<1x1x8x160xf32> to vector<8x160xf32>
    %swap3A_760 = vector.shape_cast %slice3A_753 : vector<8x160xf32> to vector<1x1x8x160xf32>
    tpu.vector_store %arg11[%swap3A_754, %swap3A_755, %swap3A_756, %swap3A_757], %swap3A_760 {strides = array<i32>} : memref<8x1x64x160xf32, #tpu.memory_space<vmem>>, vector<1x1x8x160xf32>,
    %slice3A_761 = vector.extract_strided_slice %add3A_277 {offsets = [8, 0], sizes = [8, 160], strides = [1, 1]} : vector<64x160xi32> to vector<8x160xi32>
    %swap3A_762 = arith.constant 1 : index
    %swap3A_763 = arith.constant 0 : index
    %swap3A_764 = arith.constant 0 : index
    %swap3A_765 = arith.constant 0 : index
    %swap3A_766 = vector.load %arg10[%swap3A_762, %swap3A_763, %swap3A_764, %swap3A_765] : memref<8x1x64x160xi32, #tpu.memory_space<vmem>>, vector<1x1x8x160xi32>
    %swap3A_767 = vector.shape_cast %swap3A_766 : vector<1x1x8x160xi32> to vector<8x160xi32>
    %swap3A_768 = vector.shape_cast %slice3A_761 : vector<8x160xi32> to vector<1x1x8x160xi32>
    tpu.vector_store %arg10[%swap3A_762, %swap3A_763, %swap3A_764, %swap3A_765], %swap3A_768 {strides = array<i32>} : memref<8x1x64x160xi32, #tpu.memory_space<vmem>>, vector<1x1x8x160xi32>,
    %slice3A_769 = vector.extract_strided_slice %select_n3A_281 {offsets = [8, 0], sizes = [8, 160], strides = [1, 1]} : vector<64x160xf32> to vector<8x160xf32>
    %swap3A_770 = arith.constant 1 : index
    %swap3A_771 = arith.constant 0 : index
    %swap3A_772 = arith.constant 0 : index
    %swap3A_773 = arith.constant 0 : index
    %swap3A_774 = vector.load %arg11[%swap3A_770, %swap3A_771, %swap3A_772, %swap3A_773] : memref<8x1x64x160xf32, #tpu.memory_space<vmem>>, vector<1x1x8x160xf32>
    %swap3A_775 = vector.shape_cast %swap3A_774 : vector<1x1x8x160xf32> to vector<8x160xf32>
    %swap3A_776 = vector.shape_cast %slice3A_769 : vector<8x160xf32> to vector<1x1x8x160xf32>
    tpu.vector_store %arg11[%swap3A_770, %swap3A_771, %swap3A_772, %swap3A_773], %swap3A_776 {strides = array<i32>} : memref<8x1x64x160xf32, #tpu.memory_space<vmem>>, vector<1x1x8x160xf32>,
    %slice3A_777 = vector.extract_strided_slice %add3A_315 {offsets = [8, 0], sizes = [8, 160], strides = [1, 1]} : vector<64x160xi32> to vector<8x160xi32>
    %swap3A_778 = arith.constant 1 : index
    %swap3A_779 = arith.constant 0 : index
    %swap3A_780 = arith.constant 8 : index
    %swap3A_781 = arith.constant 0 : index
    %swap3A_782 = vector.load %arg10[%swap3A_778, %swap3A_779, %swap3A_780, %swap3A_781] : memref<8x1x64x160xi32, #tpu.memory_space<vmem>>, vector<1x1x8x160xi32>
    %swap3A_783 = vector.shape_cast %swap3A_782 : vector<1x1x8x160xi32> to vector<8x160xi32>
    %swap3A_784 = vector.shape_cast %slice3A_777 : vector<8x160xi32> to vector<1x1x8x160xi32>
    tpu.vector_store %arg10[%swap3A_778, %swap3A_779, %swap3A_780, %swap3A_781], %swap3A_784 {strides = array<i32>} : memref<8x1x64x160xi32, #tpu.memory_space<vmem>>, vector<1x1x8x160xi32>,
    %slice3A_785 = vector.extract_strided_slice %select_n3A_319 {offsets = [8, 0], sizes = [8, 160], strides = [1, 1]} : vector<64x160xf32> to vector<8x160xf32>
    %swap3A_786 = arith.constant 1 : index
    %swap3A_787 = arith.constant 0 : index
    %swap3A_788 = arith.constant 8 : index
    %swap3A_789 = arith.constant 0 : index
    %swap3A_790 = vector.load %arg11[%swap3A_786, %swap3A_787, %swap3A_788, %swap3A_789] : memref<8x1x64x160xf32, #tpu.memory_space<vmem>>, vector<1x1x8x160xf32>
    %swap3A_791 = vector.shape_cast %swap3A_790 : vector<1x1x8x160xf32> to vector<8x160xf32>
    %swap3A_792 = vector.shape_cast %slice3A_785 : vector<8x160xf32> to vector<1x1x8x160xf32>
    tpu.vector_store %arg11[%swap3A_786, %swap3A_787, %swap3A_788, %swap3A_789], %swap3A_792 {strides = array<i32>} : memref<8x1x64x160xf32, #tpu.memory_space<vmem>>, vector<1x1x8x160xf32>,
    %slice3A_793 = vector.extract_strided_slice %add3A_353 {offsets = [8, 0], sizes = [8, 160], strides = [1, 1]} : vector<64x160xi32> to vector<8x160xi32>
    %swap3A_794 = arith.constant 1 : index
    %swap3A_795 = arith.constant 0 : index
    %swap3A_796 = arith.constant 16 : index
    %swap3A_797 = arith.constant 0 : index
    %swap3A_798 = vector.load %arg10[%swap3A_794, %swap3A_795, %swap3A_796, %swap3A_797] : memref<8x1x64x160xi32, #tpu.memory_space<vmem>>, vector<1x1x8x160xi32>
    %swap3A_799 = vector.shape_cast %swap3A_798 : vector<1x1x8x160xi32> to vector<8x160xi32>
    %swap3A_800 = vector.shape_cast %slice3A_793 : vector<8x160xi32> to vector<1x1x8x160xi32>
    tpu.vector_store %arg10[%swap3A_794, %swap3A_795, %swap3A_796, %swap3A_797], %swap3A_800 {strides = array<i32>} : memref<8x1x64x160xi32, #tpu.memory_space<vmem>>, vector<1x1x8x160xi32>,
    %slice3A_801 = vector.extract_strided_slice %select_n3A_357 {offsets = [8, 0], sizes = [8, 160], strides = [1, 1]} : vector<64x160xf32> to vector<8x160xf32>
    %swap3A_802 = arith.constant 1 : index
    %swap3A_803 = arith.constant 0 : index
    %swap3A_804 = arith.constant 16 : index
    %swap3A_805 = arith.constant 0 : index
    %swap3A_806 = vector.load %arg11[%swap3A_802, %swap3A_803, %swap3A_804, %swap3A_805] : memref<8x1x64x160xf32, #tpu.memory_space<vmem>>, vector<1x1x8x160xf32>
    %swap3A_807 = vector.shape_cast %swap3A_806 : vector<1x1x8x160xf32> to vector<8x160xf32>
    %swap3A_808 = vector.shape_cast %slice3A_801 : vector<8x160xf32> to vector<1x1x8x160xf32>
    tpu.vector_store %arg11[%swap3A_802, %swap3A_803, %swap3A_804, %swap3A_805], %swap3A_808 {strides = array<i32>} : memref<8x1x64x160xf32, #tpu.memory_space<vmem>>, vector<1x1x8x160xf32>,
    %slice3A_809 = vector.extract_strided_slice %add3A_391 {offsets = [8, 0], sizes = [8, 160], strides = [1, 1]} : vector<64x160xi32> to vector<8x160xi32>
    %swap3A_810 = arith.constant 1 : index
    %swap3A_811 = arith.constant 0 : index
    %swap3A_812 = arith.constant 24 : index
    %swap3A_813 = arith.constant 0 : index
    %swap3A_814 = vector.load %arg10[%swap3A_810, %swap3A_811, %swap3A_812, %swap3A_813] : memref<8x1x64x160xi32, #tpu.memory_space<vmem>>, vector<1x1x8x160xi32>
    %swap3A_815 = vector.shape_cast %swap3A_814 : vector<1x1x8x160xi32> to vector<8x160xi32>
    %swap3A_816 = vector.shape_cast %slice3A_809 : vector<8x160xi32> to vector<1x1x8x160xi32>
    tpu.vector_store %arg10[%swap3A_810, %swap3A_811, %swap3A_812, %swap3A_813], %swap3A_816 {strides = array<i32>} : memref<8x1x64x160xi32, #tpu.memory_space<vmem>>, vector<1x1x8x160xi32>,
    %slice3A_817 = vector.extract_strided_slice %select_n3A_395 {offsets = [8, 0], sizes = [8, 160], strides = [1, 1]} : vector<64x160xf32> to vector<8x160xf32>
    %swap3A_818 = arith.constant 1 : index
    %swap3A_819 = arith.constant 0 : index
    %swap3A_820 = arith.constant 24 : index
    %swap3A_821 = arith.constant 0 : index
    %swap3A_822 = vector.load %arg11[%swap3A_818, %swap3A_819, %swap3A_820, %swap3A_821] : memref<8x1x64x160xf32, #tpu.memory_space<vmem>>, vector<1x1x8x160xf32>
    %swap3A_823 = vector.shape_cast %swap3A_822 : vector<1x1x8x160xf32> to vector<8x160xf32>
    %swap3A_824 = vector.shape_cast %slice3A_817 : vector<8x160xf32> to vector<1x1x8x160xf32>
    tpu.vector_store %arg11[%swap3A_818, %swap3A_819, %swap3A_820, %swap3A_821], %swap3A_824 {strides = array<i32>} : memref<8x1x64x160xf32, #tpu.memory_space<vmem>>, vector<1x1x8x160xf32>,
    %slice3A_825 = vector.extract_strided_slice %add3A_515 {offsets = [8, 0], sizes = [8, 160], strides = [1, 1]} : vector<64x160xi32> to vector<8x160xi32>
    %swap3A_826 = arith.constant 1 : index
    %swap3A_827 = arith.constant 0 : index
    %swap3A_828 = arith.constant 32 : index
    %swap3A_829 = arith.constant 0 : index
    %swap3A_830 = vector.load %arg10[%swap3A_826, %swap3A_827, %swap3A_828, %swap3A_829] : memref<8x1x64x160xi32, #tpu.memory_space<vmem>>, vector<1x1x8x160xi32>
    %swap3A_831 = vector.shape_cast %swap3A_830 : vector<1x1x8x160xi32> to vector<8x160xi32>
    %swap3A_832 = vector.shape_cast %slice3A_825 : vector<8x160xi32> to vector<1x1x8x160xi32>
    tpu.vector_store %arg10[%swap3A_826, %swap3A_827, %swap3A_828, %swap3A_829], %swap3A_832 {strides = array<i32>} : memref<8x1x64x160xi32, #tpu.memory_space<vmem>>, vector<1x1x8x160xi32>,
    %slice3A_833 = vector.extract_strided_slice %select_n3A_519 {offsets = [8, 0], sizes = [8, 160], strides = [1, 1]} : vector<64x160xf32> to vector<8x160xf32>
    %swap3A_834 = arith.constant 1 : index
    %swap3A_835 = arith.constant 0 : index
    %swap3A_836 = arith.constant 32 : index
    %swap3A_837 = arith.constant 0 : index
    %swap3A_838 = vector.load %arg11[%swap3A_834, %swap3A_835, %swap3A_836, %swap3A_837] : memref<8x1x64x160xf32, #tpu.memory_space<vmem>>, vector<1x1x8x160xf32>
    %swap3A_839 = vector.shape_cast %swap3A_838 : vector<1x1x8x160xf32> to vector<8x160xf32>
    %swap3A_840 = vector.shape_cast %slice3A_833 : vector<8x160xf32> to vector<1x1x8x160xf32>
    tpu.vector_store %arg11[%swap3A_834, %swap3A_835, %swap3A_836, %swap3A_837], %swap3A_840 {strides = array<i32>} : memref<8x1x64x160xf32, #tpu.memory_space<vmem>>, vector<1x1x8x160xf32>,
    %slice3A_841 = vector.extract_strided_slice %add3A_553 {offsets = [8, 0], sizes = [8, 160], strides = [1, 1]} : vector<64x160xi32> to vector<8x160xi32>
    %swap3A_842 = arith.constant 1 : index
    %swap3A_843 = arith.constant 0 : index
    %swap3A_844 = arith.constant 40 : index
    %swap3A_845 = arith.constant 0 : index
    %swap3A_846 = vector.load %arg10[%swap3A_842, %swap3A_843, %swap3A_844, %swap3A_845] : memref<8x1x64x160xi32, #tpu.memory_space<vmem>>, vector<1x1x8x160xi32>
    %swap3A_847 = vector.shape_cast %swap3A_846 : vector<1x1x8x160xi32> to vector<8x160xi32>
    %swap3A_848 = vector.shape_cast %slice3A_841 : vector<8x160xi32> to vector<1x1x8x160xi32>
    tpu.vector_store %arg10[%swap3A_842, %swap3A_843, %swap3A_844, %swap3A_845], %swap3A_848 {strides = array<i32>} : memref<8x1x64x160xi32, #tpu.memory_space<vmem>>, vector<1x1x8x160xi32>,
    %slice3A_849 = vector.extract_strided_slice %select_n3A_557 {offsets = [8, 0], sizes = [8, 160], strides = [1, 1]} : vector<64x160xf32> to vector<8x160xf32>
    %swap3A_850 = arith.constant 1 : index
    %swap3A_851 = arith.constant 0 : index
    %swap3A_852 = arith.constant 40 : index
    %swap3A_853 = arith.constant 0 : index
    %swap3A_854 = vector.load %arg11[%swap3A_850, %swap3A_851, %swap3A_852, %swap3A_853] : memref<8x1x64x160xf32, #tpu.memory_space<vmem>>, vector<1x1x8x160xf32>
    %swap3A_855 = vector.shape_cast %swap3A_854 : vector<1x1x8x160xf32> to vector<8x160xf32>
    %swap3A_856 = vector.shape_cast %slice3A_849 : vector<8x160xf32> to vector<1x1x8x160xf32>
    tpu.vector_store %arg11[%swap3A_850, %swap3A_851, %swap3A_852, %swap3A_853], %swap3A_856 {strides = array<i32>} : memref<8x1x64x160xf32, #tpu.memory_space<vmem>>, vector<1x1x8x160xf32>,
    %slice3A_857 = vector.extract_strided_slice %add3A_591 {offsets = [8, 0], sizes = [8, 160], strides = [1, 1]} : vector<64x160xi32> to vector<8x160xi32>
    %swap3A_858 = arith.constant 1 : index
    %swap3A_859 = arith.constant 0 : index
    %swap3A_860 = arith.constant 48 : index
    %swap3A_861 = arith.constant 0 : index
    %swap3A_862 = vector.load %arg10[%swap3A_858, %swap3A_859, %swap3A_860, %swap3A_861] : memref<8x1x64x160xi32, #tpu.memory_space<vmem>>, vector<1x1x8x160xi32>
    %swap3A_863 = vector.shape_cast %swap3A_862 : vector<1x1x8x160xi32> to vector<8x160xi32>
    %swap3A_864 = vector.shape_cast %slice3A_857 : vector<8x160xi32> to vector<1x1x8x160xi32>
    tpu.vector_store %arg10[%swap3A_858, %swap3A_859, %swap3A_860, %swap3A_861], %swap3A_864 {strides = array<i32>} : memref<8x1x64x160xi32, #tpu.memory_space<vmem>>, vector<1x1x8x160xi32>,
    %slice3A_865 = vector.extract_strided_slice %select_n3A_595 {offsets = [8, 0], sizes = [8, 160], strides = [1, 1]} : vector<64x160xf32> to vector<8x160xf32>
    %swap3A_866 = arith.constant 1 : index
    %swap3A_867 = arith.constant 0 : index
    %swap3A_868 = arith.constant 48 : index
    %swap3A_869 = arith.constant 0 : index
    %swap3A_870 = vector.load %arg11[%swap3A_866, %swap3A_867, %swap3A_868, %swap3A_869] : memref<8x1x64x160xf32, #tpu.memory_space<vmem>>, vector<1x1x8x160xf32>
    %swap3A_871 = vector.shape_cast %swap3A_870 : vector<1x1x8x160xf32> to vector<8x160xf32>
    %swap3A_872 = vector.shape_cast %slice3A_865 : vector<8x160xf32> to vector<1x1x8x160xf32>
    tpu.vector_store %arg11[%swap3A_866, %swap3A_867, %swap3A_868, %swap3A_869], %swap3A_872 {strides = array<i32>} : memref<8x1x64x160xf32, #tpu.memory_space<vmem>>, vector<1x1x8x160xf32>,
    %slice3A_873 = vector.extract_strided_slice %add3A_629 {offsets = [8, 0], sizes = [8, 160], strides = [1, 1]} : vector<64x160xi32> to vector<8x160xi32>
    %swap3A_874 = arith.constant 1 : index
    %swap3A_875 = arith.constant 0 : index
    %swap3A_876 = arith.constant 56 : index
    %swap3A_877 = arith.constant 0 : index
    %swap3A_878 = vector.load %arg10[%swap3A_874, %swap3A_875, %swap3A_876, %swap3A_877] : memref<8x1x64x160xi32, #tpu.memory_space<vmem>>, vector<1x1x8x160xi32>
    %swap3A_879 = vector.shape_cast %swap3A_878 : vector<1x1x8x160xi32> to vector<8x160xi32>
    %swap3A_880 = vector.shape_cast %slice3A_873 : vector<8x160xi32> to vector<1x1x8x160xi32>
    tpu.vector_store %arg10[%swap3A_874, %swap3A_875, %swap3A_876, %swap3A_877], %swap3A_880 {strides = array<i32>} : memref<8x1x64x160xi32, #tpu.memory_space<vmem>>, vector<1x1x8x160xi32>,
    %slice3A_881 = vector.extract_strided_slice %select_n3A_633 {offsets = [8, 0], sizes = [8, 160], strides = [1, 1]} : vector<64x160xf32> to vector<8x160xf32>
    %swap3A_882 = arith.constant 1 : index
    %swap3A_883 = arith.constant 0 : index
    %swap3A_884 = arith.constant 56 : index
    %swap3A_885 = arith.constant 0 : index
    %swap3A_886 = vector.load %arg11[%swap3A_882, %swap3A_883, %swap3A_884, %swap3A_885] : memref<8x1x64x160xf32, #tpu.memory_space<vmem>>, vector<1x1x8x160xf32>
    %swap3A_887 = vector.shape_cast %swap3A_886 : vector<1x1x8x160xf32> to vector<8x160xf32>
    %swap3A_888 = vector.shape_cast %slice3A_881 : vector<8x160xf32> to vector<1x1x8x160xf32>
    tpu.vector_store %arg11[%swap3A_882, %swap3A_883, %swap3A_884, %swap3A_885], %swap3A_888 {strides = array<i32>} : memref<8x1x64x160xf32, #tpu.memory_space<vmem>>, vector<1x1x8x160xf32>,
    %slice3A_889 = vector.extract_strided_slice %add3A_277 {offsets = [16, 0], sizes = [8, 160], strides = [1, 1]} : vector<64x160xi32> to vector<8x160xi32>
    %swap3A_890 = arith.constant 2 : index
    %swap3A_891 = arith.constant 0 : index
    %swap3A_892 = arith.constant 0 : index
    %swap3A_893 = arith.constant 0 : index
    %swap3A_894 = vector.load %arg10[%swap3A_890, %swap3A_891, %swap3A_892, %swap3A_893] : memref<8x1x64x160xi32, #tpu.memory_space<vmem>>, vector<1x1x8x160xi32>
    %swap3A_895 = vector.shape_cast %swap3A_894 : vector<1x1x8x160xi32> to vector<8x160xi32>
    %swap3A_896 = vector.shape_cast %slice3A_889 : vector<8x160xi32> to vector<1x1x8x160xi32>
    tpu.vector_store %arg10[%swap3A_890, %swap3A_891, %swap3A_892, %swap3A_893], %swap3A_896 {strides = array<i32>} : memref<8x1x64x160xi32, #tpu.memory_space<vmem>>, vector<1x1x8x160xi32>,
    %slice3A_897 = vector.extract_strided_slice %select_n3A_281 {offsets = [16, 0], sizes = [8, 160], strides = [1, 1]} : vector<64x160xf32> to vector<8x160xf32>
    %swap3A_898 = arith.constant 2 : index
    %swap3A_899 = arith.constant 0 : index
    %swap3A_900 = arith.constant 0 : index
    %swap3A_901 = arith.constant 0 : index
    %swap3A_902 = vector.load %arg11[%swap3A_898, %swap3A_899, %swap3A_900, %swap3A_901] : memref<8x1x64x160xf32, #tpu.memory_space<vmem>>, vector<1x1x8x160xf32>
    %swap3A_903 = vector.shape_cast %swap3A_902 : vector<1x1x8x160xf32> to vector<8x160xf32>
    %swap3A_904 = vector.shape_cast %slice3A_897 : vector<8x160xf32> to vector<1x1x8x160xf32>
    tpu.vector_store %arg11[%swap3A_898, %swap3A_899, %swap3A_900, %swap3A_901], %swap3A_904 {strides = array<i32>} : memref<8x1x64x160xf32, #tpu.memory_space<vmem>>, vector<1x1x8x160xf32>,
    %slice3A_905 = vector.extract_strided_slice %add3A_315 {offsets = [16, 0], sizes = [8, 160], strides = [1, 1]} : vector<64x160xi32> to vector<8x160xi32>
    %swap3A_906 = arith.constant 2 : index
    %swap3A_907 = arith.constant 0 : index
    %swap3A_908 = arith.constant 8 : index
    %swap3A_909 = arith.constant 0 : index
    %swap3A_910 = vector.load %arg10[%swap3A_906, %swap3A_907, %swap3A_908, %swap3A_909] : memref<8x1x64x160xi32, #tpu.memory_space<vmem>>, vector<1x1x8x160xi32>
    %swap3A_911 = vector.shape_cast %swap3A_910 : vector<1x1x8x160xi32> to vector<8x160xi32>
    %swap3A_912 = vector.shape_cast %slice3A_905 : vector<8x160xi32> to vector<1x1x8x160xi32>
    tpu.vector_store %arg10[%swap3A_906, %swap3A_907, %swap3A_908, %swap3A_909], %swap3A_912 {strides = array<i32>} : memref<8x1x64x160xi32, #tpu.memory_space<vmem>>, vector<1x1x8x160xi32>,
    %slice3A_913 = vector.extract_strided_slice %select_n3A_319 {offsets = [16, 0], sizes = [8, 160], strides = [1, 1]} : vector<64x160xf32> to vector<8x160xf32>
    %swap3A_914 = arith.constant 2 : index
    %swap3A_915 = arith.constant 0 : index
    %swap3A_916 = arith.constant 8 : index
    %swap3A_917 = arith.constant 0 : index
    %swap3A_918 = vector.load %arg11[%swap3A_914, %swap3A_915, %swap3A_916, %swap3A_917] : memref<8x1x64x160xf32, #tpu.memory_space<vmem>>, vector<1x1x8x160xf32>
    %swap3A_919 = vector.shape_cast %swap3A_918 : vector<1x1x8x160xf32> to vector<8x160xf32>
    %swap3A_920 = vector.shape_cast %slice3A_913 : vector<8x160xf32> to vector<1x1x8x160xf32>
    tpu.vector_store %arg11[%swap3A_914, %swap3A_915, %swap3A_916, %swap3A_917], %swap3A_920 {strides = array<i32>} : memref<8x1x64x160xf32, #tpu.memory_space<vmem>>, vector<1x1x8x160xf32>,
    %slice3A_921 = vector.extract_strided_slice %add3A_353 {offsets = [16, 0], sizes = [8, 160], strides = [1, 1]} : vector<64x160xi32> to vector<8x160xi32>
    %swap3A_922 = arith.constant 2 : index
    %swap3A_923 = arith.constant 0 : index
    %swap3A_924 = arith.constant 16 : index
    %swap3A_925 = arith.constant 0 : index
    %swap3A_926 = vector.load %arg10[%swap3A_922, %swap3A_923, %swap3A_924, %swap3A_925] : memref<8x1x64x160xi32, #tpu.memory_space<vmem>>, vector<1x1x8x160xi32>
    %swap3A_927 = vector.shape_cast %swap3A_926 : vector<1x1x8x160xi32> to vector<8x160xi32>
    %swap3A_928 = vector.shape_cast %slice3A_921 : vector<8x160xi32> to vector<1x1x8x160xi32>
    tpu.vector_store %arg10[%swap3A_922, %swap3A_923, %swap3A_924, %swap3A_925], %swap3A_928 {strides = array<i32>} : memref<8x1x64x160xi32, #tpu.memory_space<vmem>>, vector<1x1x8x160xi32>,
    %slice3A_929 = vector.extract_strided_slice %select_n3A_357 {offsets = [16, 0], sizes = [8, 160], strides = [1, 1]} : vector<64x160xf32> to vector<8x160xf32>
    %swap3A_930 = arith.constant 2 : index
    %swap3A_931 = arith.constant 0 : index
    %swap3A_932 = arith.constant 16 : index
    %swap3A_933 = arith.constant 0 : index
    %swap3A_934 = vector.load %arg11[%swap3A_930, %swap3A_931, %swap3A_932, %swap3A_933] : memref<8x1x64x160xf32, #tpu.memory_space<vmem>>, vector<1x1x8x160xf32>
    %swap3A_935 = vector.shape_cast %swap3A_934 : vector<1x1x8x160xf32> to vector<8x160xf32>
    %swap3A_936 = vector.shape_cast %slice3A_929 : vector<8x160xf32> to vector<1x1x8x160xf32>
    tpu.vector_store %arg11[%swap3A_930, %swap3A_931, %swap3A_932, %swap3A_933], %swap3A_936 {strides = array<i32>} : memref<8x1x64x160xf32, #tpu.memory_space<vmem>>, vector<1x1x8x160xf32>,
    %slice3A_937 = vector.extract_strided_slice %add3A_391 {offsets = [16, 0], sizes = [8, 160], strides = [1, 1]} : vector<64x160xi32> to vector<8x160xi32>
    %swap3A_938 = arith.constant 2 : index
    %swap3A_939 = arith.constant 0 : index
    %swap3A_940 = arith.constant 24 : index
    %swap3A_941 = arith.constant 0 : index
    %swap3A_942 = vector.load %arg10[%swap3A_938, %swap3A_939, %swap3A_940, %swap3A_941] : memref<8x1x64x160xi32, #tpu.memory_space<vmem>>, vector<1x1x8x160xi32>
    %swap3A_943 = vector.shape_cast %swap3A_942 : vector<1x1x8x160xi32> to vector<8x160xi32>
    %swap3A_944 = vector.shape_cast %slice3A_937 : vector<8x160xi32> to vector<1x1x8x160xi32>
    tpu.vector_store %arg10[%swap3A_938, %swap3A_939, %swap3A_940, %swap3A_941], %swap3A_944 {strides = array<i32>} : memref<8x1x64x160xi32, #tpu.memory_space<vmem>>, vector<1x1x8x160xi32>,
    %slice3A_945 = vector.extract_strided_slice %select_n3A_395 {offsets = [16, 0], sizes = [8, 160], strides = [1, 1]} : vector<64x160xf32> to vector<8x160xf32>
    %swap3A_946 = arith.constant 2 : index
    %swap3A_947 = arith.constant 0 : index
    %swap3A_948 = arith.constant 24 : index
    %swap3A_949 = arith.constant 0 : index
    %swap3A_950 = vector.load %arg11[%swap3A_946, %swap3A_947, %swap3A_948, %swap3A_949] : memref<8x1x64x160xf32, #tpu.memory_space<vmem>>, vector<1x1x8x160xf32>
    %swap3A_951 = vector.shape_cast %swap3A_950 : vector<1x1x8x160xf32> to vector<8x160xf32>
    %swap3A_952 = vector.shape_cast %slice3A_945 : vector<8x160xf32> to vector<1x1x8x160xf32>
    tpu.vector_store %arg11[%swap3A_946, %swap3A_947, %swap3A_948, %swap3A_949], %swap3A_952 {strides = array<i32>} : memref<8x1x64x160xf32, #tpu.memory_space<vmem>>, vector<1x1x8x160xf32>,
    %slice3A_953 = vector.extract_strided_slice %add3A_515 {offsets = [16, 0], sizes = [8, 160], strides = [1, 1]} : vector<64x160xi32> to vector<8x160xi32>
    %swap3A_954 = arith.constant 2 : index
    %swap3A_955 = arith.constant 0 : index
    %swap3A_956 = arith.constant 32 : index
    %swap3A_957 = arith.constant 0 : index
    %swap3A_958 = vector.load %arg10[%swap3A_954, %swap3A_955, %swap3A_956, %swap3A_957] : memref<8x1x64x160xi32, #tpu.memory_space<vmem>>, vector<1x1x8x160xi32>
    %swap3A_959 = vector.shape_cast %swap3A_958 : vector<1x1x8x160xi32> to vector<8x160xi32>
    %swap3A_960 = vector.shape_cast %slice3A_953 : vector<8x160xi32> to vector<1x1x8x160xi32>
    tpu.vector_store %arg10[%swap3A_954, %swap3A_955, %swap3A_956, %swap3A_957], %swap3A_960 {strides = array<i32>} : memref<8x1x64x160xi32, #tpu.memory_space<vmem>>, vector<1x1x8x160xi32>,
    %slice3A_961 = vector.extract_strided_slice %select_n3A_519 {offsets = [16, 0], sizes = [8, 160], strides = [1, 1]} : vector<64x160xf32> to vector<8x160xf32>
    %swap3A_962 = arith.constant 2 : index
    %swap3A_963 = arith.constant 0 : index
    %swap3A_964 = arith.constant 32 : index
    %swap3A_965 = arith.constant 0 : index
    %swap3A_966 = vector.load %arg11[%swap3A_962, %swap3A_963, %swap3A_964, %swap3A_965] : memref<8x1x64x160xf32, #tpu.memory_space<vmem>>, vector<1x1x8x160xf32>
    %swap3A_967 = vector.shape_cast %swap3A_966 : vector<1x1x8x160xf32> to vector<8x160xf32>
    %swap3A_968 = vector.shape_cast %slice3A_961 : vector<8x160xf32> to vector<1x1x8x160xf32>
    tpu.vector_store %arg11[%swap3A_962, %swap3A_963, %swap3A_964, %swap3A_965], %swap3A_968 {strides = array<i32>} : memref<8x1x64x160xf32, #tpu.memory_space<vmem>>, vector<1x1x8x160xf32>,
    %slice3A_969 = vector.extract_strided_slice %add3A_553 {offsets = [16, 0], sizes = [8, 160], strides = [1, 1]} : vector<64x160xi32> to vector<8x160xi32>
    %swap3A_970 = arith.constant 2 : index
    %swap3A_971 = arith.constant 0 : index
    %swap3A_972 = arith.constant 40 : index
    %swap3A_973 = arith.constant 0 : index
    %swap3A_974 = vector.load %arg10[%swap3A_970, %swap3A_971, %swap3A_972, %swap3A_973] : memref<8x1x64x160xi32, #tpu.memory_space<vmem>>, vector<1x1x8x160xi32>
    %swap3A_975 = vector.shape_cast %swap3A_974 : vector<1x1x8x160xi32> to vector<8x160xi32>
    %swap3A_976 = vector.shape_cast %slice3A_969 : vector<8x160xi32> to vector<1x1x8x160xi32>
    tpu.vector_store %arg10[%swap3A_970, %swap3A_971, %swap3A_972, %swap3A_973], %swap3A_976 {strides = array<i32>} : memref<8x1x64x160xi32, #tpu.memory_space<vmem>>, vector<1x1x8x160xi32>,
    %slice3A_977 = vector.extract_strided_slice %select_n3A_557 {offsets = [16, 0], sizes = [8, 160], strides = [1, 1]} : vector<64x160xf32> to vector<8x160xf32>
    %swap3A_978 = arith.constant 2 : index
    %swap3A_979 = arith.constant 0 : index
    %swap3A_980 = arith.constant 40 : index
    %swap3A_981 = arith.constant 0 : index
    %swap3A_982 = vector.load %arg11[%swap3A_978, %swap3A_979, %swap3A_980, %swap3A_981] : memref<8x1x64x160xf32, #tpu.memory_space<vmem>>, vector<1x1x8x160xf32>
    %swap3A_983 = vector.shape_cast %swap3A_982 : vector<1x1x8x160xf32> to vector<8x160xf32>
    %swap3A_984 = vector.shape_cast %slice3A_977 : vector<8x160xf32> to vector<1x1x8x160xf32>
    tpu.vector_store %arg11[%swap3A_978, %swap3A_979, %swap3A_980, %swap3A_981], %swap3A_984 {strides = array<i32>} : memref<8x1x64x160xf32, #tpu.memory_space<vmem>>, vector<1x1x8x160xf32>,
    %slice3A_985 = vector.extract_strided_slice %add3A_591 {offsets = [16, 0], sizes = [8, 160], strides = [1, 1]} : vector<64x160xi32> to vector<8x160xi32>
    %swap3A_986 = arith.constant 2 : index
    %swap3A_987 = arith.constant 0 : index
    %swap3A_988 = arith.constant 48 : index
    %swap3A_989 = arith.constant 0 : index
    %swap3A_990 = vector.load %arg10[%swap3A_986, %swap3A_987, %swap3A_988, %swap3A_989] : memref<8x1x64x160xi32, #tpu.memory_space<vmem>>, vector<1x1x8x160xi32>
    %swap3A_991 = vector.shape_cast %swap3A_990 : vector<1x1x8x160xi32> to vector<8x160xi32>
    %swap3A_992 = vector.shape_cast %slice3A_985 : vector<8x160xi32> to vector<1x1x8x160xi32>
    tpu.vector_store %arg10[%swap3A_986, %swap3A_987, %swap3A_988, %swap3A_989], %swap3A_992 {strides = array<i32>} : memref<8x1x64x160xi32, #tpu.memory_space<vmem>>, vector<1x1x8x160xi32>,
    %slice3A_993 = vector.extract_strided_slice %select_n3A_595 {offsets = [16, 0], sizes = [8, 160], strides = [1, 1]} : vector<64x160xf32> to vector<8x160xf32>
    %swap3A_994 = arith.constant 2 : index
    %swap3A_995 = arith.constant 0 : index
    %swap3A_996 = arith.constant 48 : index
    %swap3A_997 = arith.constant 0 : index
    %swap3A_998 = vector.load %arg11[%swap3A_994, %swap3A_995, %swap3A_996, %swap3A_997] : memref<8x1x64x160xf32, #tpu.memory_space<vmem>>, vector<1x1x8x160xf32>
    %swap3A_999 = vector.shape_cast %swap3A_998 : vector<1x1x8x160xf32> to vector<8x160xf32>
    %swap3A_1000 = vector.shape_cast %slice3A_993 : vector<8x160xf32> to vector<1x1x8x160xf32>
    tpu.vector_store %arg11[%swap3A_994, %swap3A_995, %swap3A_996, %swap3A_997], %swap3A_1000 {strides = array<i32>} : memref<8x1x64x160xf32, #tpu.memory_space<vmem>>, vector<1x1x8x160xf32>,
    %slice3A_1001 = vector.extract_strided_slice %add3A_629 {offsets = [16, 0], sizes = [8, 160], strides = [1, 1]} : vector<64x160xi32> to vector<8x160xi32>
    %swap3A_1002 = arith.constant 2 : index
    %swap3A_1003 = arith.constant 0 : index
    %swap3A_1004 = arith.constant 56 : index
    %swap3A_1005 = arith.constant 0 : index
    %swap3A_1006 = vector.load %arg10[%swap3A_1002, %swap3A_1003, %swap3A_1004, %swap3A_1005] : memref<8x1x64x160xi32, #tpu.memory_space<vmem>>, vector<1x1x8x160xi32>
    %swap3A_1007 = vector.shape_cast %swap3A_1006 : vector<1x1x8x160xi32> to vector<8x160xi32>
    %swap3A_1008 = vector.shape_cast %slice3A_1001 : vector<8x160xi32> to vector<1x1x8x160xi32>
    tpu.vector_store %arg10[%swap3A_1002, %swap3A_1003, %swap3A_1004, %swap3A_1005], %swap3A_1008 {strides = array<i32>} : memref<8x1x64x160xi32, #tpu.memory_space<vmem>>, vector<1x1x8x160xi32>,
    %slice3A_1009 = vector.extract_strided_slice %select_n3A_633 {offsets = [16, 0], sizes = [8, 160], strides = [1, 1]} : vector<64x160xf32> to vector<8x160xf32>
    %swap3A_1010 = arith.constant 2 : index
    %swap3A_1011 = arith.constant 0 : index
    %swap3A_1012 = arith.constant 56 : index
    %swap3A_1013 = arith.constant 0 : index
    %swap3A_1014 = vector.load %arg11[%swap3A_1010, %swap3A_1011, %swap3A_1012, %swap3A_1013] : memref<8x1x64x160xf32, #tpu.memory_space<vmem>>, vector<1x1x8x160xf32>
    %swap3A_1015 = vector.shape_cast %swap3A_1014 : vector<1x1x8x160xf32> to vector<8x160xf32>
    %swap3A_1016 = vector.shape_cast %slice3A_1009 : vector<8x160xf32> to vector<1x1x8x160xf32>
    tpu.vector_store %arg11[%swap3A_1010, %swap3A_1011, %swap3A_1012, %swap3A_1013], %swap3A_1016 {strides = array<i32>} : memref<8x1x64x160xf32, #tpu.memory_space<vmem>>, vector<1x1x8x160xf32>,
    %slice3A_1017 = vector.extract_strided_slice %add3A_277 {offsets = [24, 0], sizes = [8, 160], strides = [1, 1]} : vector<64x160xi32> to vector<8x160xi32>
    %swap3A_1018 = arith.constant 3 : index
    %swap3A_1019 = arith.constant 0 : index
    %swap3A_1020 = arith.constant 0 : index
    %swap3A_1021 = arith.constant 0 : index
    %swap3A_1022 = vector.load %arg10[%swap3A_1018, %swap3A_1019, %swap3A_1020, %swap3A_1021] : memref<8x1x64x160xi32, #tpu.memory_space<vmem>>, vector<1x1x8x160xi32>
    %swap3A_1023 = vector.shape_cast %swap3A_1022 : vector<1x1x8x160xi32> to vector<8x160xi32>
    %swap3A_1024 = vector.shape_cast %slice3A_1017 : vector<8x160xi32> to vector<1x1x8x160xi32>
    tpu.vector_store %arg10[%swap3A_1018, %swap3A_1019, %swap3A_1020, %swap3A_1021], %swap3A_1024 {strides = array<i32>} : memref<8x1x64x160xi32, #tpu.memory_space<vmem>>, vector<1x1x8x160xi32>,
    %slice3A_1025 = vector.extract_strided_slice %select_n3A_281 {offsets = [24, 0], sizes = [8, 160], strides = [1, 1]} : vector<64x160xf32> to vector<8x160xf32>
    %swap3A_1026 = arith.constant 3 : index
    %swap3A_1027 = arith.constant 0 : index
    %swap3A_1028 = arith.constant 0 : index
    %swap3A_1029 = arith.constant 0 : index
    %swap3A_1030 = vector.load %arg11[%swap3A_1026, %swap3A_1027, %swap3A_1028, %swap3A_1029] : memref<8x1x64x160xf32, #tpu.memory_space<vmem>>, vector<1x1x8x160xf32>
    %swap3A_1031 = vector.shape_cast %swap3A_1030 : vector<1x1x8x160xf32> to vector<8x160xf32>
    %swap3A_1032 = vector.shape_cast %slice3A_1025 : vector<8x160xf32> to vector<1x1x8x160xf32>
    tpu.vector_store %arg11[%swap3A_1026, %swap3A_1027, %swap3A_1028, %swap3A_1029], %swap3A_1032 {strides = array<i32>} : memref<8x1x64x160xf32, #tpu.memory_space<vmem>>, vector<1x1x8x160xf32>,
    %slice3A_1033 = vector.extract_strided_slice %add3A_315 {offsets = [24, 0], sizes = [8, 160], strides = [1, 1]} : vector<64x160xi32> to vector<8x160xi32>
    %swap3A_1034 = arith.constant 3 : index
    %swap3A_1035 = arith.constant 0 : index
    %swap3A_1036 = arith.constant 8 : index
    %swap3A_1037 = arith.constant 0 : index
    %swap3A_1038 = vector.load %arg10[%swap3A_1034, %swap3A_1035, %swap3A_1036, %swap3A_1037] : memref<8x1x64x160xi32, #tpu.memory_space<vmem>>, vector<1x1x8x160xi32>
    %swap3A_1039 = vector.shape_cast %swap3A_1038 : vector<1x1x8x160xi32> to vector<8x160xi32>
    %swap3A_1040 = vector.shape_cast %slice3A_1033 : vector<8x160xi32> to vector<1x1x8x160xi32>
    tpu.vector_store %arg10[%swap3A_1034, %swap3A_1035, %swap3A_1036, %swap3A_1037], %swap3A_1040 {strides = array<i32>} : memref<8x1x64x160xi32, #tpu.memory_space<vmem>>, vector<1x1x8x160xi32>,
    %slice3A_1041 = vector.extract_strided_slice %select_n3A_319 {offsets = [24, 0], sizes = [8, 160], strides = [1, 1]} : vector<64x160xf32> to vector<8x160xf32>
    %swap3A_1042 = arith.constant 3 : index
    %swap3A_1043 = arith.constant 0 : index
    %swap3A_1044 = arith.constant 8 : index
    %swap3A_1045 = arith.constant 0 : index
    %swap3A_1046 = vector.load %arg11[%swap3A_1042, %swap3A_1043, %swap3A_1044, %swap3A_1045] : memref<8x1x64x160xf32, #tpu.memory_space<vmem>>, vector<1x1x8x160xf32>
    %swap3A_1047 = vector.shape_cast %swap3A_1046 : vector<1x1x8x160xf32> to vector<8x160xf32>
    %swap3A_1048 = vector.shape_cast %slice3A_1041 : vector<8x160xf32> to vector<1x1x8x160xf32>
    tpu.vector_store %arg11[%swap3A_1042, %swap3A_1043, %swap3A_1044, %swap3A_1045], %swap3A_1048 {strides = array<i32>} : memref<8x1x64x160xf32, #tpu.memory_space<vmem>>, vector<1x1x8x160xf32>,
    %slice3A_1049 = vector.extract_strided_slice %add3A_353 {offsets = [24, 0], sizes = [8, 160], strides = [1, 1]} : vector<64x160xi32> to vector<8x160xi32>
    %swap3A_1050 = arith.constant 3 : index
    %swap3A_1051 = arith.constant 0 : index
    %swap3A_1052 = arith.constant 16 : index
    %swap3A_1053 = arith.constant 0 : index
    %swap3A_1054 = vector.load %arg10[%swap3A_1050, %swap3A_1051, %swap3A_1052, %swap3A_1053] : memref<8x1x64x160xi32, #tpu.memory_space<vmem>>, vector<1x1x8x160xi32>
    %swap3A_1055 = vector.shape_cast %swap3A_1054 : vector<1x1x8x160xi32> to vector<8x160xi32>
    %swap3A_1056 = vector.shape_cast %slice3A_1049 : vector<8x160xi32> to vector<1x1x8x160xi32>
    tpu.vector_store %arg10[%swap3A_1050, %swap3A_1051, %swap3A_1052, %swap3A_1053], %swap3A_1056 {strides = array<i32>} : memref<8x1x64x160xi32, #tpu.memory_space<vmem>>, vector<1x1x8x160xi32>,
    %slice3A_1057 = vector.extract_strided_slice %select_n3A_357 {offsets = [24, 0], sizes = [8, 160], strides = [1, 1]} : vector<64x160xf32> to vector<8x160xf32>
    %swap3A_1058 = arith.constant 3 : index
    %swap3A_1059 = arith.constant 0 : index
    %swap3A_1060 = arith.constant 16 : index
    %swap3A_1061 = arith.constant 0 : index
    %swap3A_1062 = vector.load %arg11[%swap3A_1058, %swap3A_1059, %swap3A_1060, %swap3A_1061] : memref<8x1x64x160xf32, #tpu.memory_space<vmem>>, vector<1x1x8x160xf32>
    %swap3A_1063 = vector.shape_cast %swap3A_1062 : vector<1x1x8x160xf32> to vector<8x160xf32>
    %swap3A_1064 = vector.shape_cast %slice3A_1057 : vector<8x160xf32> to vector<1x1x8x160xf32>
    tpu.vector_store %arg11[%swap3A_1058, %swap3A_1059, %swap3A_1060, %swap3A_1061], %swap3A_1064 {strides = array<i32>} : memref<8x1x64x160xf32, #tpu.memory_space<vmem>>, vector<1x1x8x160xf32>,
    %slice3A_1065 = vector.extract_strided_slice %add3A_391 {offsets = [24, 0], sizes = [8, 160], strides = [1, 1]} : vector<64x160xi32> to vector<8x160xi32>
    %swap3A_1066 = arith.constant 3 : index
    %swap3A_1067 = arith.constant 0 : index
    %swap3A_1068 = arith.constant 24 : index
    %swap3A_1069 = arith.constant 0 : index
    %swap3A_1070 = vector.load %arg10[%swap3A_1066, %swap3A_1067, %swap3A_1068, %swap3A_1069] : memref<8x1x64x160xi32, #tpu.memory_space<vmem>>, vector<1x1x8x160xi32>
    %swap3A_1071 = vector.shape_cast %swap3A_1070 : vector<1x1x8x160xi32> to vector<8x160xi32>
    %swap3A_1072 = vector.shape_cast %slice3A_1065 : vector<8x160xi32> to vector<1x1x8x160xi32>
    tpu.vector_store %arg10[%swap3A_1066, %swap3A_1067, %swap3A_1068, %swap3A_1069], %swap3A_1072 {strides = array<i32>} : memref<8x1x64x160xi32, #tpu.memory_space<vmem>>, vector<1x1x8x160xi32>,
    %slice3A_1073 = vector.extract_strided_slice %select_n3A_395 {offsets = [24, 0], sizes = [8, 160], strides = [1, 1]} : vector<64x160xf32> to vector<8x160xf32>
    %swap3A_1074 = arith.constant 3 : index
    %swap3A_1075 = arith.constant 0 : index
    %swap3A_1076 = arith.constant 24 : index
    %swap3A_1077 = arith.constant 0 : index
    %swap3A_1078 = vector.load %arg11[%swap3A_1074, %swap3A_1075, %swap3A_1076, %swap3A_1077] : memref<8x1x64x160xf32, #tpu.memory_space<vmem>>, vector<1x1x8x160xf32>
    %swap3A_1079 = vector.shape_cast %swap3A_1078 : vector<1x1x8x160xf32> to vector<8x160xf32>
    %swap3A_1080 = vector.shape_cast %slice3A_1073 : vector<8x160xf32> to vector<1x1x8x160xf32>
    tpu.vector_store %arg11[%swap3A_1074, %swap3A_1075, %swap3A_1076, %swap3A_1077], %swap3A_1080 {strides = array<i32>} : memref<8x1x64x160xf32, #tpu.memory_space<vmem>>, vector<1x1x8x160xf32>,
    %slice3A_1081 = vector.extract_strided_slice %add3A_515 {offsets = [24, 0], sizes = [8, 160], strides = [1, 1]} : vector<64x160xi32> to vector<8x160xi32>
    %swap3A_1082 = arith.constant 3 : index
    %swap3A_1083 = arith.constant 0 : index
    %swap3A_1084 = arith.constant 32 : index
    %swap3A_1085 = arith.constant 0 : index
    %swap3A_1086 = vector.load %arg10[%swap3A_1082, %swap3A_1083, %swap3A_1084, %swap3A_1085] : memref<8x1x64x160xi32, #tpu.memory_space<vmem>>, vector<1x1x8x160xi32>
    %swap3A_1087 = vector.shape_cast %swap3A_1086 : vector<1x1x8x160xi32> to vector<8x160xi32>
    %swap3A_1088 = vector.shape_cast %slice3A_1081 : vector<8x160xi32> to vector<1x1x8x160xi32>
    tpu.vector_store %arg10[%swap3A_1082, %swap3A_1083, %swap3A_1084, %swap3A_1085], %swap3A_1088 {strides = array<i32>} : memref<8x1x64x160xi32, #tpu.memory_space<vmem>>, vector<1x1x8x160xi32>,
    %slice3A_1089 = vector.extract_strided_slice %select_n3A_519 {offsets = [24, 0], sizes = [8, 160], strides = [1, 1]} : vector<64x160xf32> to vector<8x160xf32>
    %swap3A_1090 = arith.constant 3 : index
    %swap3A_1091 = arith.constant 0 : index
    %swap3A_1092 = arith.constant 32 : index
    %swap3A_1093 = arith.constant 0 : index
    %swap3A_1094 = vector.load %arg11[%swap3A_1090, %swap3A_1091, %swap3A_1092, %swap3A_1093] : memref<8x1x64x160xf32, #tpu.memory_space<vmem>>, vector<1x1x8x160xf32>
    %swap3A_1095 = vector.shape_cast %swap3A_1094 : vector<1x1x8x160xf32> to vector<8x160xf32>
    %swap3A_1096 = vector.shape_cast %slice3A_1089 : vector<8x160xf32> to vector<1x1x8x160xf32>
    tpu.vector_store %arg11[%swap3A_1090, %swap3A_1091, %swap3A_1092, %swap3A_1093], %swap3A_1096 {strides = array<i32>} : memref<8x1x64x160xf32, #tpu.memory_space<vmem>>, vector<1x1x8x160xf32>,
    %slice3A_1097 = vector.extract_strided_slice %add3A_553 {offsets = [24, 0], sizes = [8, 160], strides = [1, 1]} : vector<64x160xi32> to vector<8x160xi32>
    %swap3A_1098 = arith.constant 3 : index
    %swap3A_1099 = arith.constant 0 : index
    %swap3A_1100 = arith.constant 40 : index
    %swap3A_1101 = arith.constant 0 : index
    %swap3A_1102 = vector.load %arg10[%swap3A_1098, %swap3A_1099, %swap3A_1100, %swap3A_1101] : memref<8x1x64x160xi32, #tpu.memory_space<vmem>>, vector<1x1x8x160xi32>
    %swap3A_1103 = vector.shape_cast %swap3A_1102 : vector<1x1x8x160xi32> to vector<8x160xi32>
    %swap3A_1104 = vector.shape_cast %slice3A_1097 : vector<8x160xi32> to vector<1x1x8x160xi32>
    tpu.vector_store %arg10[%swap3A_1098, %swap3A_1099, %swap3A_1100, %swap3A_1101], %swap3A_1104 {strides = array<i32>} : memref<8x1x64x160xi32, #tpu.memory_space<vmem>>, vector<1x1x8x160xi32>,
    %slice3A_1105 = vector.extract_strided_slice %select_n3A_557 {offsets = [24, 0], sizes = [8, 160], strides = [1, 1]} : vector<64x160xf32> to vector<8x160xf32>
    %swap3A_1106 = arith.constant 3 : index
    %swap3A_1107 = arith.constant 0 : index
    %swap3A_1108 = arith.constant 40 : index
    %swap3A_1109 = arith.constant 0 : index
    %swap3A_1110 = vector.load %arg11[%swap3A_1106, %swap3A_1107, %swap3A_1108, %swap3A_1109] : memref<8x1x64x160xf32, #tpu.memory_space<vmem>>, vector<1x1x8x160xf32>
    %swap3A_1111 = vector.shape_cast %swap3A_1110 : vector<1x1x8x160xf32> to vector<8x160xf32>
    %swap3A_1112 = vector.shape_cast %slice3A_1105 : vector<8x160xf32> to vector<1x1x8x160xf32>
    tpu.vector_store %arg11[%swap3A_1106, %swap3A_1107, %swap3A_1108, %swap3A_1109], %swap3A_1112 {strides = array<i32>} : memref<8x1x64x160xf32, #tpu.memory_space<vmem>>, vector<1x1x8x160xf32>,
    %slice3A_1113 = vector.extract_strided_slice %add3A_591 {offsets = [24, 0], sizes = [8, 160], strides = [1, 1]} : vector<64x160xi32> to vector<8x160xi32>
    %swap3A_1114 = arith.constant 3 : index
    %swap3A_1115 = arith.constant 0 : index
    %swap3A_1116 = arith.constant 48 : index
    %swap3A_1117 = arith.constant 0 : index
    %swap3A_1118 = vector.load %arg10[%swap3A_1114, %swap3A_1115, %swap3A_1116, %swap3A_1117] : memref<8x1x64x160xi32, #tpu.memory_space<vmem>>, vector<1x1x8x160xi32>
    %swap3A_1119 = vector.shape_cast %swap3A_1118 : vector<1x1x8x160xi32> to vector<8x160xi32>
    %swap3A_1120 = vector.shape_cast %slice3A_1113 : vector<8x160xi32> to vector<1x1x8x160xi32>
    tpu.vector_store %arg10[%swap3A_1114, %swap3A_1115, %swap3A_1116, %swap3A_1117], %swap3A_1120 {strides = array<i32>} : memref<8x1x64x160xi32, #tpu.memory_space<vmem>>, vector<1x1x8x160xi32>,
    %slice3A_1121 = vector.extract_strided_slice %select_n3A_595 {offsets = [24, 0], sizes = [8, 160], strides = [1, 1]} : vector<64x160xf32> to vector<8x160xf32>
    %swap3A_1122 = arith.constant 3 : index
    %swap3A_1123 = arith.constant 0 : index
    %swap3A_1124 = arith.constant 48 : index
    %swap3A_1125 = arith.constant 0 : index
    %swap3A_1126 = vector.load %arg11[%swap3A_1122, %swap3A_1123, %swap3A_1124, %swap3A_1125] : memref<8x1x64x160xf32, #tpu.memory_space<vmem>>, vector<1x1x8x160xf32>
    %swap3A_1127 = vector.shape_cast %swap3A_1126 : vector<1x1x8x160xf32> to vector<8x160xf32>
    %swap3A_1128 = vector.shape_cast %slice3A_1121 : vector<8x160xf32> to vector<1x1x8x160xf32>
    tpu.vector_store %arg11[%swap3A_1122, %swap3A_1123, %swap3A_1124, %swap3A_1125], %swap3A_1128 {strides = array<i32>} : memref<8x1x64x160xf32, #tpu.memory_space<vmem>>, vector<1x1x8x160xf32>,
    %slice3A_1129 = vector.extract_strided_slice %add3A_629 {offsets = [24, 0], sizes = [8, 160], strides = [1, 1]} : vector<64x160xi32> to vector<8x160xi32>
    %swap3A_1130 = arith.constant 3 : index
    %swap3A_1131 = arith.constant 0 : index
    %swap3A_1132 = arith.constant 56 : index
    %swap3A_1133 = arith.constant 0 : index
    %swap3A_1134 = vector.load %arg10[%swap3A_1130, %swap3A_1131, %swap3A_1132, %swap3A_1133] : memref<8x1x64x160xi32, #tpu.memory_space<vmem>>, vector<1x1x8x160xi32>
    %swap3A_1135 = vector.shape_cast %swap3A_1134 : vector<1x1x8x160xi32> to vector<8x160xi32>
    %swap3A_1136 = vector.shape_cast %slice3A_1129 : vector<8x160xi32> to vector<1x1x8x160xi32>
    tpu.vector_store %arg10[%swap3A_1130, %swap3A_1131, %swap3A_1132, %swap3A_1133], %swap3A_1136 {strides = array<i32>} : memref<8x1x64x160xi32, #tpu.memory_space<vmem>>, vector<1x1x8x160xi32>,
    %slice3A_1137 = vector.extract_strided_slice %select_n3A_633 {offsets = [24, 0], sizes = [8, 160], strides = [1, 1]} : vector<64x160xf32> to vector<8x160xf32>
    %swap3A_1138 = arith.constant 3 : index
    %swap3A_1139 = arith.constant 0 : index
    %swap3A_1140 = arith.constant 56 : index
    %swap3A_1141 = arith.constant 0 : index
    %swap3A_1142 = vector.load %arg11[%swap3A_1138, %swap3A_1139, %swap3A_1140, %swap3A_1141] : memref<8x1x64x160xf32, #tpu.memory_space<vmem>>, vector<1x1x8x160xf32>
    %swap3A_1143 = vector.shape_cast %swap3A_1142 : vector<1x1x8x160xf32> to vector<8x160xf32>
    %swap3A_1144 = vector.shape_cast %slice3A_1137 : vector<8x160xf32> to vector<1x1x8x160xf32>
    tpu.vector_store %arg11[%swap3A_1138, %swap3A_1139, %swap3A_1140, %swap3A_1141], %swap3A_1144 {strides = array<i32>} : memref<8x1x64x160xf32, #tpu.memory_space<vmem>>, vector<1x1x8x160xf32>,
    %slice3A_1145 = vector.extract_strided_slice %add3A_277 {offsets = [32, 0], sizes = [8, 160], strides = [1, 1]} : vector<64x160xi32> to vector<8x160xi32>
    %swap3A_1146 = arith.constant 4 : index
    %swap3A_1147 = arith.constant 0 : index
    %swap3A_1148 = arith.constant 0 : index
    %swap3A_1149 = arith.constant 0 : index
    %swap3A_1150 = vector.load %arg10[%swap3A_1146, %swap3A_1147, %swap3A_1148, %swap3A_1149] : memref<8x1x64x160xi32, #tpu.memory_space<vmem>>, vector<1x1x8x160xi32>
    %swap3A_1151 = vector.shape_cast %swap3A_1150 : vector<1x1x8x160xi32> to vector<8x160xi32>
    %swap3A_1152 = vector.shape_cast %slice3A_1145 : vector<8x160xi32> to vector<1x1x8x160xi32>
    tpu.vector_store %arg10[%swap3A_1146, %swap3A_1147, %swap3A_1148, %swap3A_1149], %swap3A_1152 {strides = array<i32>} : memref<8x1x64x160xi32, #tpu.memory_space<vmem>>, vector<1x1x8x160xi32>,
    %slice3A_1153 = vector.extract_strided_slice %select_n3A_281 {offsets = [32, 0], sizes = [8, 160], strides = [1, 1]} : vector<64x160xf32> to vector<8x160xf32>
    %swap3A_1154 = arith.constant 4 : index
    %swap3A_1155 = arith.constant 0 : index
    %swap3A_1156 = arith.constant 0 : index
    %swap3A_1157 = arith.constant 0 : index
    %swap3A_1158 = vector.load %arg11[%swap3A_1154, %swap3A_1155, %swap3A_1156, %swap3A_1157] : memref<8x1x64x160xf32, #tpu.memory_space<vmem>>, vector<1x1x8x160xf32>
    %swap3A_1159 = vector.shape_cast %swap3A_1158 : vector<1x1x8x160xf32> to vector<8x160xf32>
    %swap3A_1160 = vector.shape_cast %slice3A_1153 : vector<8x160xf32> to vector<1x1x8x160xf32>
    tpu.vector_store %arg11[%swap3A_1154, %swap3A_1155, %swap3A_1156, %swap3A_1157], %swap3A_1160 {strides = array<i32>} : memref<8x1x64x160xf32, #tpu.memory_space<vmem>>, vector<1x1x8x160xf32>,
    %slice3A_1161 = vector.extract_strided_slice %add3A_315 {offsets = [32, 0], sizes = [8, 160], strides = [1, 1]} : vector<64x160xi32> to vector<8x160xi32>
    %swap3A_1162 = arith.constant 4 : index
    %swap3A_1163 = arith.constant 0 : index
    %swap3A_1164 = arith.constant 8 : index
    %swap3A_1165 = arith.constant 0 : index
    %swap3A_1166 = vector.load %arg10[%swap3A_1162, %swap3A_1163, %swap3A_1164, %swap3A_1165] : memref<8x1x64x160xi32, #tpu.memory_space<vmem>>, vector<1x1x8x160xi32>
    %swap3A_1167 = vector.shape_cast %swap3A_1166 : vector<1x1x8x160xi32> to vector<8x160xi32>
    %swap3A_1168 = vector.shape_cast %slice3A_1161 : vector<8x160xi32> to vector<1x1x8x160xi32>
    tpu.vector_store %arg10[%swap3A_1162, %swap3A_1163, %swap3A_1164, %swap3A_1165], %swap3A_1168 {strides = array<i32>} : memref<8x1x64x160xi32, #tpu.memory_space<vmem>>, vector<1x1x8x160xi32>,
    %slice3A_1169 = vector.extract_strided_slice %select_n3A_319 {offsets = [32, 0], sizes = [8, 160], strides = [1, 1]} : vector<64x160xf32> to vector<8x160xf32>
    %swap3A_1170 = arith.constant 4 : index
    %swap3A_1171 = arith.constant 0 : index
    %swap3A_1172 = arith.constant 8 : index
    %swap3A_1173 = arith.constant 0 : index
    %swap3A_1174 = vector.load %arg11[%swap3A_1170, %swap3A_1171, %swap3A_1172, %swap3A_1173] : memref<8x1x64x160xf32, #tpu.memory_space<vmem>>, vector<1x1x8x160xf32>
    %swap3A_1175 = vector.shape_cast %swap3A_1174 : vector<1x1x8x160xf32> to vector<8x160xf32>
    %swap3A_1176 = vector.shape_cast %slice3A_1169 : vector<8x160xf32> to vector<1x1x8x160xf32>
    tpu.vector_store %arg11[%swap3A_1170, %swap3A_1171, %swap3A_1172, %swap3A_1173], %swap3A_1176 {strides = array<i32>} : memref<8x1x64x160xf32, #tpu.memory_space<vmem>>, vector<1x1x8x160xf32>,
    %slice3A_1177 = vector.extract_strided_slice %add3A_353 {offsets = [32, 0], sizes = [8, 160], strides = [1, 1]} : vector<64x160xi32> to vector<8x160xi32>
    %swap3A_1178 = arith.constant 4 : index
    %swap3A_1179 = arith.constant 0 : index
    %swap3A_1180 = arith.constant 16 : index
    %swap3A_1181 = arith.constant 0 : index
    %swap3A_1182 = vector.load %arg10[%swap3A_1178, %swap3A_1179, %swap3A_1180, %swap3A_1181] : memref<8x1x64x160xi32, #tpu.memory_space<vmem>>, vector<1x1x8x160xi32>
    %swap3A_1183 = vector.shape_cast %swap3A_1182 : vector<1x1x8x160xi32> to vector<8x160xi32>
    %swap3A_1184 = vector.shape_cast %slice3A_1177 : vector<8x160xi32> to vector<1x1x8x160xi32>
    tpu.vector_store %arg10[%swap3A_1178, %swap3A_1179, %swap3A_1180, %swap3A_1181], %swap3A_1184 {strides = array<i32>} : memref<8x1x64x160xi32, #tpu.memory_space<vmem>>, vector<1x1x8x160xi32>,
    %slice3A_1185 = vector.extract_strided_slice %select_n3A_357 {offsets = [32, 0], sizes = [8, 160], strides = [1, 1]} : vector<64x160xf32> to vector<8x160xf32>
    %swap3A_1186 = arith.constant 4 : index
    %swap3A_1187 = arith.constant 0 : index
    %swap3A_1188 = arith.constant 16 : index
    %swap3A_1189 = arith.constant 0 : index
    %swap3A_1190 = vector.load %arg11[%swap3A_1186, %swap3A_1187, %swap3A_1188, %swap3A_1189] : memref<8x1x64x160xf32, #tpu.memory_space<vmem>>, vector<1x1x8x160xf32>
    %swap3A_1191 = vector.shape_cast %swap3A_1190 : vector<1x1x8x160xf32> to vector<8x160xf32>
    %swap3A_1192 = vector.shape_cast %slice3A_1185 : vector<8x160xf32> to vector<1x1x8x160xf32>
    tpu.vector_store %arg11[%swap3A_1186, %swap3A_1187, %swap3A_1188, %swap3A_1189], %swap3A_1192 {strides = array<i32>} : memref<8x1x64x160xf32, #tpu.memory_space<vmem>>, vector<1x1x8x160xf32>,
    %slice3A_1193 = vector.extract_strided_slice %add3A_391 {offsets = [32, 0], sizes = [8, 160], strides = [1, 1]} : vector<64x160xi32> to vector<8x160xi32>
    %swap3A_1194 = arith.constant 4 : index
    %swap3A_1195 = arith.constant 0 : index
    %swap3A_1196 = arith.constant 24 : index
    %swap3A_1197 = arith.constant 0 : index
    %swap3A_1198 = vector.load %arg10[%swap3A_1194, %swap3A_1195, %swap3A_1196, %swap3A_1197] : memref<8x1x64x160xi32, #tpu.memory_space<vmem>>, vector<1x1x8x160xi32>
    %swap3A_1199 = vector.shape_cast %swap3A_1198 : vector<1x1x8x160xi32> to vector<8x160xi32>
    %swap3A_1200 = vector.shape_cast %slice3A_1193 : vector<8x160xi32> to vector<1x1x8x160xi32>
    tpu.vector_store %arg10[%swap3A_1194, %swap3A_1195, %swap3A_1196, %swap3A_1197], %swap3A_1200 {strides = array<i32>} : memref<8x1x64x160xi32, #tpu.memory_space<vmem>>, vector<1x1x8x160xi32>,
    %slice3A_1201 = vector.extract_strided_slice %select_n3A_395 {offsets = [32, 0], sizes = [8, 160], strides = [1, 1]} : vector<64x160xf32> to vector<8x160xf32>
    %swap3A_1202 = arith.constant 4 : index
    %swap3A_1203 = arith.constant 0 : index
    %swap3A_1204 = arith.constant 24 : index
    %swap3A_1205 = arith.constant 0 : index
    %swap3A_1206 = vector.load %arg11[%swap3A_1202, %swap3A_1203, %swap3A_1204, %swap3A_1205] : memref<8x1x64x160xf32, #tpu.memory_space<vmem>>, vector<1x1x8x160xf32>
    %swap3A_1207 = vector.shape_cast %swap3A_1206 : vector<1x1x8x160xf32> to vector<8x160xf32>
    %swap3A_1208 = vector.shape_cast %slice3A_1201 : vector<8x160xf32> to vector<1x1x8x160xf32>
    tpu.vector_store %arg11[%swap3A_1202, %swap3A_1203, %swap3A_1204, %swap3A_1205], %swap3A_1208 {strides = array<i32>} : memref<8x1x64x160xf32, #tpu.memory_space<vmem>>, vector<1x1x8x160xf32>,
    %slice3A_1209 = vector.extract_strided_slice %add3A_515 {offsets = [32, 0], sizes = [8, 160], strides = [1, 1]} : vector<64x160xi32> to vector<8x160xi32>
    %swap3A_1210 = arith.constant 4 : index
    %swap3A_1211 = arith.constant 0 : index
    %swap3A_1212 = arith.constant 32 : index
    %swap3A_1213 = arith.constant 0 : index
    %swap3A_1214 = vector.load %arg10[%swap3A_1210, %swap3A_1211, %swap3A_1212, %swap3A_1213] : memref<8x1x64x160xi32, #tpu.memory_space<vmem>>, vector<1x1x8x160xi32>
    %swap3A_1215 = vector.shape_cast %swap3A_1214 : vector<1x1x8x160xi32> to vector<8x160xi32>
    %swap3A_1216 = vector.shape_cast %slice3A_1209 : vector<8x160xi32> to vector<1x1x8x160xi32>
    tpu.vector_store %arg10[%swap3A_1210, %swap3A_1211, %swap3A_1212, %swap3A_1213], %swap3A_1216 {strides = array<i32>} : memref<8x1x64x160xi32, #tpu.memory_space<vmem>>, vector<1x1x8x160xi32>,
    %slice3A_1217 = vector.extract_strided_slice %select_n3A_519 {offsets = [32, 0], sizes = [8, 160], strides = [1, 1]} : vector<64x160xf32> to vector<8x160xf32>
    %swap3A_1218 = arith.constant 4 : index
    %swap3A_1219 = arith.constant 0 : index
    %swap3A_1220 = arith.constant 32 : index
    %swap3A_1221 = arith.constant 0 : index
    %swap3A_1222 = vector.load %arg11[%swap3A_1218, %swap3A_1219, %swap3A_1220, %swap3A_1221] : memref<8x1x64x160xf32, #tpu.memory_space<vmem>>, vector<1x1x8x160xf32>
    %swap3A_1223 = vector.shape_cast %swap3A_1222 : vector<1x1x8x160xf32> to vector<8x160xf32>
    %swap3A_1224 = vector.shape_cast %slice3A_1217 : vector<8x160xf32> to vector<1x1x8x160xf32>
    tpu.vector_store %arg11[%swap3A_1218, %swap3A_1219, %swap3A_1220, %swap3A_1221], %swap3A_1224 {strides = array<i32>} : memref<8x1x64x160xf32, #tpu.memory_space<vmem>>, vector<1x1x8x160xf32>,
    %slice3A_1225 = vector.extract_strided_slice %add3A_553 {offsets = [32, 0], sizes = [8, 160], strides = [1, 1]} : vector<64x160xi32> to vector<8x160xi32>
    %swap3A_1226 = arith.constant 4 : index
    %swap3A_1227 = arith.constant 0 : index
    %swap3A_1228 = arith.constant 40 : index
    %swap3A_1229 = arith.constant 0 : index
    %swap3A_1230 = vector.load %arg10[%swap3A_1226, %swap3A_1227, %swap3A_1228, %swap3A_1229] : memref<8x1x64x160xi32, #tpu.memory_space<vmem>>, vector<1x1x8x160xi32>
    %swap3A_1231 = vector.shape_cast %swap3A_1230 : vector<1x1x8x160xi32> to vector<8x160xi32>
    %swap3A_1232 = vector.shape_cast %slice3A_1225 : vector<8x160xi32> to vector<1x1x8x160xi32>
    tpu.vector_store %arg10[%swap3A_1226, %swap3A_1227, %swap3A_1228, %swap3A_1229], %swap3A_1232 {strides = array<i32>} : memref<8x1x64x160xi32, #tpu.memory_space<vmem>>, vector<1x1x8x160xi32>,
    %slice3A_1233 = vector.extract_strided_slice %select_n3A_557 {offsets = [32, 0], sizes = [8, 160], strides = [1, 1]} : vector<64x160xf32> to vector<8x160xf32>
    %swap3A_1234 = arith.constant 4 : index
    %swap3A_1235 = arith.constant 0 : index
    %swap3A_1236 = arith.constant 40 : index
    %swap3A_1237 = arith.constant 0 : index
    %swap3A_1238 = vector.load %arg11[%swap3A_1234, %swap3A_1235, %swap3A_1236, %swap3A_1237] : memref<8x1x64x160xf32, #tpu.memory_space<vmem>>, vector<1x1x8x160xf32>
    %swap3A_1239 = vector.shape_cast %swap3A_1238 : vector<1x1x8x160xf32> to vector<8x160xf32>
    %swap3A_1240 = vector.shape_cast %slice3A_1233 : vector<8x160xf32> to vector<1x1x8x160xf32>
    tpu.vector_store %arg11[%swap3A_1234, %swap3A_1235, %swap3A_1236, %swap3A_1237], %swap3A_1240 {strides = array<i32>} : memref<8x1x64x160xf32, #tpu.memory_space<vmem>>, vector<1x1x8x160xf32>,
    %slice3A_1241 = vector.extract_strided_slice %add3A_591 {offsets = [32, 0], sizes = [8, 160], strides = [1, 1]} : vector<64x160xi32> to vector<8x160xi32>
    %swap3A_1242 = arith.constant 4 : index
    %swap3A_1243 = arith.constant 0 : index
    %swap3A_1244 = arith.constant 48 : index
    %swap3A_1245 = arith.constant 0 : index
    %swap3A_1246 = vector.load %arg10[%swap3A_1242, %swap3A_1243, %swap3A_1244, %swap3A_1245] : memref<8x1x64x160xi32, #tpu.memory_space<vmem>>, vector<1x1x8x160xi32>
    %swap3A_1247 = vector.shape_cast %swap3A_1246 : vector<1x1x8x160xi32> to vector<8x160xi32>
    %swap3A_1248 = vector.shape_cast %slice3A_1241 : vector<8x160xi32> to vector<1x1x8x160xi32>
    tpu.vector_store %arg10[%swap3A_1242, %swap3A_1243, %swap3A_1244, %swap3A_1245], %swap3A_1248 {strides = array<i32>} : memref<8x1x64x160xi32, #tpu.memory_space<vmem>>, vector<1x1x8x160xi32>,
    %slice3A_1249 = vector.extract_strided_slice %select_n3A_595 {offsets = [32, 0], sizes = [8, 160], strides = [1, 1]} : vector<64x160xf32> to vector<8x160xf32>
    %swap3A_1250 = arith.constant 4 : index
    %swap3A_1251 = arith.constant 0 : index
    %swap3A_1252 = arith.constant 48 : index
    %swap3A_1253 = arith.constant 0 : index
    %swap3A_1254 = vector.load %arg11[%swap3A_1250, %swap3A_1251, %swap3A_1252, %swap3A_1253] : memref<8x1x64x160xf32, #tpu.memory_space<vmem>>, vector<1x1x8x160xf32>
    %swap3A_1255 = vector.shape_cast %swap3A_1254 : vector<1x1x8x160xf32> to vector<8x160xf32>
    %swap3A_1256 = vector.shape_cast %slice3A_1249 : vector<8x160xf32> to vector<1x1x8x160xf32>
    tpu.vector_store %arg11[%swap3A_1250, %swap3A_1251, %swap3A_1252, %swap3A_1253], %swap3A_1256 {strides = array<i32>} : memref<8x1x64x160xf32, #tpu.memory_space<vmem>>, vector<1x1x8x160xf32>,
    %slice3A_1257 = vector.extract_strided_slice %add3A_629 {offsets = [32, 0], sizes = [8, 160], strides = [1, 1]} : vector<64x160xi32> to vector<8x160xi32>
    %swap3A_1258 = arith.constant 4 : index
    %swap3A_1259 = arith.constant 0 : index
    %swap3A_1260 = arith.constant 56 : index
    %swap3A_1261 = arith.constant 0 : index
    %swap3A_1262 = vector.load %arg10[%swap3A_1258, %swap3A_1259, %swap3A_1260, %swap3A_1261] : memref<8x1x64x160xi32, #tpu.memory_space<vmem>>, vector<1x1x8x160xi32>
    %swap3A_1263 = vector.shape_cast %swap3A_1262 : vector<1x1x8x160xi32> to vector<8x160xi32>
    %swap3A_1264 = vector.shape_cast %slice3A_1257 : vector<8x160xi32> to vector<1x1x8x160xi32>
    tpu.vector_store %arg10[%swap3A_1258, %swap3A_1259, %swap3A_1260, %swap3A_1261], %swap3A_1264 {strides = array<i32>} : memref<8x1x64x160xi32, #tpu.memory_space<vmem>>, vector<1x1x8x160xi32>,
    %slice3A_1265 = vector.extract_strided_slice %select_n3A_633 {offsets = [32, 0], sizes = [8, 160], strides = [1, 1]} : vector<64x160xf32> to vector<8x160xf32>
    %swap3A_1266 = arith.constant 4 : index
    %swap3A_1267 = arith.constant 0 : index
    %swap3A_1268 = arith.constant 56 : index
    %swap3A_1269 = arith.constant 0 : index
    %swap3A_1270 = vector.load %arg11[%swap3A_1266, %swap3A_1267, %swap3A_1268, %swap3A_1269] : memref<8x1x64x160xf32, #tpu.memory_space<vmem>>, vector<1x1x8x160xf32>
    %swap3A_1271 = vector.shape_cast %swap3A_1270 : vector<1x1x8x160xf32> to vector<8x160xf32>
    %swap3A_1272 = vector.shape_cast %slice3A_1265 : vector<8x160xf32> to vector<1x1x8x160xf32>
    tpu.vector_store %arg11[%swap3A_1266, %swap3A_1267, %swap3A_1268, %swap3A_1269], %swap3A_1272 {strides = array<i32>} : memref<8x1x64x160xf32, #tpu.memory_space<vmem>>, vector<1x1x8x160xf32>,
    %slice3A_1273 = vector.extract_strided_slice %add3A_277 {offsets = [40, 0], sizes = [8, 160], strides = [1, 1]} : vector<64x160xi32> to vector<8x160xi32>
    %swap3A_1274 = arith.constant 5 : index
    %swap3A_1275 = arith.constant 0 : index
    %swap3A_1276 = arith.constant 0 : index
    %swap3A_1277 = arith.constant 0 : index
    %swap3A_1278 = vector.load %arg10[%swap3A_1274, %swap3A_1275, %swap3A_1276, %swap3A_1277] : memref<8x1x64x160xi32, #tpu.memory_space<vmem>>, vector<1x1x8x160xi32>
    %swap3A_1279 = vector.shape_cast %swap3A_1278 : vector<1x1x8x160xi32> to vector<8x160xi32>
    %swap3A_1280 = vector.shape_cast %slice3A_1273 : vector<8x160xi32> to vector<1x1x8x160xi32>
    tpu.vector_store %arg10[%swap3A_1274, %swap3A_1275, %swap3A_1276, %swap3A_1277], %swap3A_1280 {strides = array<i32>} : memref<8x1x64x160xi32, #tpu.memory_space<vmem>>, vector<1x1x8x160xi32>,
    %slice3A_1281 = vector.extract_strided_slice %select_n3A_281 {offsets = [40, 0], sizes = [8, 160], strides = [1, 1]} : vector<64x160xf32> to vector<8x160xf32>
    %swap3A_1282 = arith.constant 5 : index
    %swap3A_1283 = arith.constant 0 : index
    %swap3A_1284 = arith.constant 0 : index
    %swap3A_1285 = arith.constant 0 : index
    %swap3A_1286 = vector.load %arg11[%swap3A_1282, %swap3A_1283, %swap3A_1284, %swap3A_1285] : memref<8x1x64x160xf32, #tpu.memory_space<vmem>>, vector<1x1x8x160xf32>
    %swap3A_1287 = vector.shape_cast %swap3A_1286 : vector<1x1x8x160xf32> to vector<8x160xf32>
    %swap3A_1288 = vector.shape_cast %slice3A_1281 : vector<8x160xf32> to vector<1x1x8x160xf32>
    tpu.vector_store %arg11[%swap3A_1282, %swap3A_1283, %swap3A_1284, %swap3A_1285], %swap3A_1288 {strides = array<i32>} : memref<8x1x64x160xf32, #tpu.memory_space<vmem>>, vector<1x1x8x160xf32>,
    %slice3A_1289 = vector.extract_strided_slice %add3A_315 {offsets = [40, 0], sizes = [8, 160], strides = [1, 1]} : vector<64x160xi32> to vector<8x160xi32>
    %swap3A_1290 = arith.constant 5 : index
    %swap3A_1291 = arith.constant 0 : index
    %swap3A_1292 = arith.constant 8 : index
    %swap3A_1293 = arith.constant 0 : index
    %swap3A_1294 = vector.load %arg10[%swap3A_1290, %swap3A_1291, %swap3A_1292, %swap3A_1293] : memref<8x1x64x160xi32, #tpu.memory_space<vmem>>, vector<1x1x8x160xi32>
    %swap3A_1295 = vector.shape_cast %swap3A_1294 : vector<1x1x8x160xi32> to vector<8x160xi32>
    %swap3A_1296 = vector.shape_cast %slice3A_1289 : vector<8x160xi32> to vector<1x1x8x160xi32>
    tpu.vector_store %arg10[%swap3A_1290, %swap3A_1291, %swap3A_1292, %swap3A_1293], %swap3A_1296 {strides = array<i32>} : memref<8x1x64x160xi32, #tpu.memory_space<vmem>>, vector<1x1x8x160xi32>,
    %slice3A_1297 = vector.extract_strided_slice %select_n3A_319 {offsets = [40, 0], sizes = [8, 160], strides = [1, 1]} : vector<64x160xf32> to vector<8x160xf32>
    %swap3A_1298 = arith.constant 5 : index
    %swap3A_1299 = arith.constant 0 : index
    %swap3A_1300 = arith.constant 8 : index
    %swap3A_1301 = arith.constant 0 : index
    %swap3A_1302 = vector.load %arg11[%swap3A_1298, %swap3A_1299, %swap3A_1300, %swap3A_1301] : memref<8x1x64x160xf32, #tpu.memory_space<vmem>>, vector<1x1x8x160xf32>
    %swap3A_1303 = vector.shape_cast %swap3A_1302 : vector<1x1x8x160xf32> to vector<8x160xf32>
    %swap3A_1304 = vector.shape_cast %slice3A_1297 : vector<8x160xf32> to vector<1x1x8x160xf32>
    tpu.vector_store %arg11[%swap3A_1298, %swap3A_1299, %swap3A_1300, %swap3A_1301], %swap3A_1304 {strides = array<i32>} : memref<8x1x64x160xf32, #tpu.memory_space<vmem>>, vector<1x1x8x160xf32>,
    %slice3A_1305 = vector.extract_strided_slice %add3A_353 {offsets = [40, 0], sizes = [8, 160], strides = [1, 1]} : vector<64x160xi32> to vector<8x160xi32>
    %swap3A_1306 = arith.constant 5 : index
    %swap3A_1307 = arith.constant 0 : index
    %swap3A_1308 = arith.constant 16 : index
    %swap3A_1309 = arith.constant 0 : index
    %swap3A_1310 = vector.load %arg10[%swap3A_1306, %swap3A_1307, %swap3A_1308, %swap3A_1309] : memref<8x1x64x160xi32, #tpu.memory_space<vmem>>, vector<1x1x8x160xi32>
    %swap3A_1311 = vector.shape_cast %swap3A_1310 : vector<1x1x8x160xi32> to vector<8x160xi32>
    %swap3A_1312 = vector.shape_cast %slice3A_1305 : vector<8x160xi32> to vector<1x1x8x160xi32>
    tpu.vector_store %arg10[%swap3A_1306, %swap3A_1307, %swap3A_1308, %swap3A_1309], %swap3A_1312 {strides = array<i32>} : memref<8x1x64x160xi32, #tpu.memory_space<vmem>>, vector<1x1x8x160xi32>,
    %slice3A_1313 = vector.extract_strided_slice %select_n3A_357 {offsets = [40, 0], sizes = [8, 160], strides = [1, 1]} : vector<64x160xf32> to vector<8x160xf32>
    %swap3A_1314 = arith.constant 5 : index
    %swap3A_1315 = arith.constant 0 : index
    %swap3A_1316 = arith.constant 16 : index
    %swap3A_1317 = arith.constant 0 : index
    %swap3A_1318 = vector.load %arg11[%swap3A_1314, %swap3A_1315, %swap3A_1316, %swap3A_1317] : memref<8x1x64x160xf32, #tpu.memory_space<vmem>>, vector<1x1x8x160xf32>
    %swap3A_1319 = vector.shape_cast %swap3A_1318 : vector<1x1x8x160xf32> to vector<8x160xf32>
    %swap3A_1320 = vector.shape_cast %slice3A_1313 : vector<8x160xf32> to vector<1x1x8x160xf32>
    tpu.vector_store %arg11[%swap3A_1314, %swap3A_1315, %swap3A_1316, %swap3A_1317], %swap3A_1320 {strides = array<i32>} : memref<8x1x64x160xf32, #tpu.memory_space<vmem>>, vector<1x1x8x160xf32>,
    %slice3A_1321 = vector.extract_strided_slice %add3A_391 {offsets = [40, 0], sizes = [8, 160], strides = [1, 1]} : vector<64x160xi32> to vector<8x160xi32>
    %swap3A_1322 = arith.constant 5 : index
    %swap3A_1323 = arith.constant 0 : index
    %swap3A_1324 = arith.constant 24 : index
    %swap3A_1325 = arith.constant 0 : index
    %swap3A_1326 = vector.load %arg10[%swap3A_1322, %swap3A_1323, %swap3A_1324, %swap3A_1325] : memref<8x1x64x160xi32, #tpu.memory_space<vmem>>, vector<1x1x8x160xi32>
    %swap3A_1327 = vector.shape_cast %swap3A_1326 : vector<1x1x8x160xi32> to vector<8x160xi32>
    %swap3A_1328 = vector.shape_cast %slice3A_1321 : vector<8x160xi32> to vector<1x1x8x160xi32>
    tpu.vector_store %arg10[%swap3A_1322, %swap3A_1323, %swap3A_1324, %swap3A_1325], %swap3A_1328 {strides = array<i32>} : memref<8x1x64x160xi32, #tpu.memory_space<vmem>>, vector<1x1x8x160xi32>,
    %slice3A_1329 = vector.extract_strided_slice %select_n3A_395 {offsets = [40, 0], sizes = [8, 160], strides = [1, 1]} : vector<64x160xf32> to vector<8x160xf32>
    %swap3A_1330 = arith.constant 5 : index
    %swap3A_1331 = arith.constant 0 : index
    %swap3A_1332 = arith.constant 24 : index
    %swap3A_1333 = arith.constant 0 : index
    %swap3A_1334 = vector.load %arg11[%swap3A_1330, %swap3A_1331, %swap3A_1332, %swap3A_1333] : memref<8x1x64x160xf32, #tpu.memory_space<vmem>>, vector<1x1x8x160xf32>
    %swap3A_1335 = vector.shape_cast %swap3A_1334 : vector<1x1x8x160xf32> to vector<8x160xf32>
    %swap3A_1336 = vector.shape_cast %slice3A_1329 : vector<8x160xf32> to vector<1x1x8x160xf32>
    tpu.vector_store %arg11[%swap3A_1330, %swap3A_1331, %swap3A_1332, %swap3A_1333], %swap3A_1336 {strides = array<i32>} : memref<8x1x64x160xf32, #tpu.memory_space<vmem>>, vector<1x1x8x160xf32>,
    %slice3A_1337 = vector.extract_strided_slice %add3A_515 {offsets = [40, 0], sizes = [8, 160], strides = [1, 1]} : vector<64x160xi32> to vector<8x160xi32>
    %swap3A_1338 = arith.constant 5 : index
    %swap3A_1339 = arith.constant 0 : index
    %swap3A_1340 = arith.constant 32 : index
    %swap3A_1341 = arith.constant 0 : index
    %swap3A_1342 = vector.load %arg10[%swap3A_1338, %swap3A_1339, %swap3A_1340, %swap3A_1341] : memref<8x1x64x160xi32, #tpu.memory_space<vmem>>, vector<1x1x8x160xi32>
    %swap3A_1343 = vector.shape_cast %swap3A_1342 : vector<1x1x8x160xi32> to vector<8x160xi32>
    %swap3A_1344 = vector.shape_cast %slice3A_1337 : vector<8x160xi32> to vector<1x1x8x160xi32>
    tpu.vector_store %arg10[%swap3A_1338, %swap3A_1339, %swap3A_1340, %swap3A_1341], %swap3A_1344 {strides = array<i32>} : memref<8x1x64x160xi32, #tpu.memory_space<vmem>>, vector<1x1x8x160xi32>,
    %slice3A_1345 = vector.extract_strided_slice %select_n3A_519 {offsets = [40, 0], sizes = [8, 160], strides = [1, 1]} : vector<64x160xf32> to vector<8x160xf32>
    %swap3A_1346 = arith.constant 5 : index
    %swap3A_1347 = arith.constant 0 : index
    %swap3A_1348 = arith.constant 32 : index
    %swap3A_1349 = arith.constant 0 : index
    %swap3A_1350 = vector.load %arg11[%swap3A_1346, %swap3A_1347, %swap3A_1348, %swap3A_1349] : memref<8x1x64x160xf32, #tpu.memory_space<vmem>>, vector<1x1x8x160xf32>
    %swap3A_1351 = vector.shape_cast %swap3A_1350 : vector<1x1x8x160xf32> to vector<8x160xf32>
    %swap3A_1352 = vector.shape_cast %slice3A_1345 : vector<8x160xf32> to vector<1x1x8x160xf32>
    tpu.vector_store %arg11[%swap3A_1346, %swap3A_1347, %swap3A_1348, %swap3A_1349], %swap3A_1352 {strides = array<i32>} : memref<8x1x64x160xf32, #tpu.memory_space<vmem>>, vector<1x1x8x160xf32>,
    %slice3A_1353 = vector.extract_strided_slice %add3A_553 {offsets = [40, 0], sizes = [8, 160], strides = [1, 1]} : vector<64x160xi32> to vector<8x160xi32>
    %swap3A_1354 = arith.constant 5 : index
    %swap3A_1355 = arith.constant 0 : index
    %swap3A_1356 = arith.constant 40 : index
    %swap3A_1357 = arith.constant 0 : index
    %swap3A_1358 = vector.load %arg10[%swap3A_1354, %swap3A_1355, %swap3A_1356, %swap3A_1357] : memref<8x1x64x160xi32, #tpu.memory_space<vmem>>, vector<1x1x8x160xi32>
    %swap3A_1359 = vector.shape_cast %swap3A_1358 : vector<1x1x8x160xi32> to vector<8x160xi32>
    %swap3A_1360 = vector.shape_cast %slice3A_1353 : vector<8x160xi32> to vector<1x1x8x160xi32>
    tpu.vector_store %arg10[%swap3A_1354, %swap3A_1355, %swap3A_1356, %swap3A_1357], %swap3A_1360 {strides = array<i32>} : memref<8x1x64x160xi32, #tpu.memory_space<vmem>>, vector<1x1x8x160xi32>,
    %slice3A_1361 = vector.extract_strided_slice %select_n3A_557 {offsets = [40, 0], sizes = [8, 160], strides = [1, 1]} : vector<64x160xf32> to vector<8x160xf32>
    %swap3A_1362 = arith.constant 5 : index
    %swap3A_1363 = arith.constant 0 : index
    %swap3A_1364 = arith.constant 40 : index
    %swap3A_1365 = arith.constant 0 : index
    %swap3A_1366 = vector.load %arg11[%swap3A_1362, %swap3A_1363, %swap3A_1364, %swap3A_1365] : memref<8x1x64x160xf32, #tpu.memory_space<vmem>>, vector<1x1x8x160xf32>
    %swap3A_1367 = vector.shape_cast %swap3A_1366 : vector<1x1x8x160xf32> to vector<8x160xf32>
    %swap3A_1368 = vector.shape_cast %slice3A_1361 : vector<8x160xf32> to vector<1x1x8x160xf32>
    tpu.vector_store %arg11[%swap3A_1362, %swap3A_1363, %swap3A_1364, %swap3A_1365], %swap3A_1368 {strides = array<i32>} : memref<8x1x64x160xf32, #tpu.memory_space<vmem>>, vector<1x1x8x160xf32>,
    %slice3A_1369 = vector.extract_strided_slice %add3A_591 {offsets = [40, 0], sizes = [8, 160], strides = [1, 1]} : vector<64x160xi32> to vector<8x160xi32>
    %swap3A_1370 = arith.constant 5 : index
    %swap3A_1371 = arith.constant 0 : index
    %swap3A_1372 = arith.constant 48 : index
    %swap3A_1373 = arith.constant 0 : index
    %swap3A_1374 = vector.load %arg10[%swap3A_1370, %swap3A_1371, %swap3A_1372, %swap3A_1373] : memref<8x1x64x160xi32, #tpu.memory_space<vmem>>, vector<1x1x8x160xi32>
    %swap3A_1375 = vector.shape_cast %swap3A_1374 : vector<1x1x8x160xi32> to vector<8x160xi32>
    %swap3A_1376 = vector.shape_cast %slice3A_1369 : vector<8x160xi32> to vector<1x1x8x160xi32>
    tpu.vector_store %arg10[%swap3A_1370, %swap3A_1371, %swap3A_1372, %swap3A_1373], %swap3A_1376 {strides = array<i32>} : memref<8x1x64x160xi32, #tpu.memory_space<vmem>>, vector<1x1x8x160xi32>,
    %slice3A_1377 = vector.extract_strided_slice %select_n3A_595 {offsets = [40, 0], sizes = [8, 160], strides = [1, 1]} : vector<64x160xf32> to vector<8x160xf32>
    %swap3A_1378 = arith.constant 5 : index
    %swap3A_1379 = arith.constant 0 : index
    %swap3A_1380 = arith.constant 48 : index
    %swap3A_1381 = arith.constant 0 : index
    %swap3A_1382 = vector.load %arg11[%swap3A_1378, %swap3A_1379, %swap3A_1380, %swap3A_1381] : memref<8x1x64x160xf32, #tpu.memory_space<vmem>>, vector<1x1x8x160xf32>
    %swap3A_1383 = vector.shape_cast %swap3A_1382 : vector<1x1x8x160xf32> to vector<8x160xf32>
    %swap3A_1384 = vector.shape_cast %slice3A_1377 : vector<8x160xf32> to vector<1x1x8x160xf32>
    tpu.vector_store %arg11[%swap3A_1378, %swap3A_1379, %swap3A_1380, %swap3A_1381], %swap3A_1384 {strides = array<i32>} : memref<8x1x64x160xf32, #tpu.memory_space<vmem>>, vector<1x1x8x160xf32>,
    %slice3A_1385 = vector.extract_strided_slice %add3A_629 {offsets = [40, 0], sizes = [8, 160], strides = [1, 1]} : vector<64x160xi32> to vector<8x160xi32>
    %swap3A_1386 = arith.constant 5 : index
    %swap3A_1387 = arith.constant 0 : index
    %swap3A_1388 = arith.constant 56 : index
    %swap3A_1389 = arith.constant 0 : index
    %swap3A_1390 = vector.load %arg10[%swap3A_1386, %swap3A_1387, %swap3A_1388, %swap3A_1389] : memref<8x1x64x160xi32, #tpu.memory_space<vmem>>, vector<1x1x8x160xi32>
    %swap3A_1391 = vector.shape_cast %swap3A_1390 : vector<1x1x8x160xi32> to vector<8x160xi32>
    %swap3A_1392 = vector.shape_cast %slice3A_1385 : vector<8x160xi32> to vector<1x1x8x160xi32>
    tpu.vector_store %arg10[%swap3A_1386, %swap3A_1387, %swap3A_1388, %swap3A_1389], %swap3A_1392 {strides = array<i32>} : memref<8x1x64x160xi32, #tpu.memory_space<vmem>>, vector<1x1x8x160xi32>,
    %slice3A_1393 = vector.extract_strided_slice %select_n3A_633 {offsets = [40, 0], sizes = [8, 160], strides = [1, 1]} : vector<64x160xf32> to vector<8x160xf32>
    %swap3A_1394 = arith.constant 5 : index
    %swap3A_1395 = arith.constant 0 : index
    %swap3A_1396 = arith.constant 56 : index
    %swap3A_1397 = arith.constant 0 : index
    %swap3A_1398 = vector.load %arg11[%swap3A_1394, %swap3A_1395, %swap3A_1396, %swap3A_1397] : memref<8x1x64x160xf32, #tpu.memory_space<vmem>>, vector<1x1x8x160xf32>
    %swap3A_1399 = vector.shape_cast %swap3A_1398 : vector<1x1x8x160xf32> to vector<8x160xf32>
    %swap3A_1400 = vector.shape_cast %slice3A_1393 : vector<8x160xf32> to vector<1x1x8x160xf32>
    tpu.vector_store %arg11[%swap3A_1394, %swap3A_1395, %swap3A_1396, %swap3A_1397], %swap3A_1400 {strides = array<i32>} : memref<8x1x64x160xf32, #tpu.memory_space<vmem>>, vector<1x1x8x160xf32>,
    %slice3A_1401 = vector.extract_strided_slice %add3A_277 {offsets = [48, 0], sizes = [8, 160], strides = [1, 1]} : vector<64x160xi32> to vector<8x160xi32>
    %swap3A_1402 = arith.constant 6 : index
    %swap3A_1403 = arith.constant 0 : index
    %swap3A_1404 = arith.constant 0 : index
    %swap3A_1405 = arith.constant 0 : index
    %swap3A_1406 = vector.load %arg10[%swap3A_1402, %swap3A_1403, %swap3A_1404, %swap3A_1405] : memref<8x1x64x160xi32, #tpu.memory_space<vmem>>, vector<1x1x8x160xi32>
    %swap3A_1407 = vector.shape_cast %swap3A_1406 : vector<1x1x8x160xi32> to vector<8x160xi32>
    %swap3A_1408 = vector.shape_cast %slice3A_1401 : vector<8x160xi32> to vector<1x1x8x160xi32>
    tpu.vector_store %arg10[%swap3A_1402, %swap3A_1403, %swap3A_1404, %swap3A_1405], %swap3A_1408 {strides = array<i32>} : memref<8x1x64x160xi32, #tpu.memory_space<vmem>>, vector<1x1x8x160xi32>,
    %slice3A_1409 = vector.extract_strided_slice %select_n3A_281 {offsets = [48, 0], sizes = [8, 160], strides = [1, 1]} : vector<64x160xf32> to vector<8x160xf32>
    %swap3A_1410 = arith.constant 6 : index
    %swap3A_1411 = arith.constant 0 : index
    %swap3A_1412 = arith.constant 0 : index
    %swap3A_1413 = arith.constant 0 : index
    %swap3A_1414 = vector.load %arg11[%swap3A_1410, %swap3A_1411, %swap3A_1412, %swap3A_1413] : memref<8x1x64x160xf32, #tpu.memory_space<vmem>>, vector<1x1x8x160xf32>
    %swap3A_1415 = vector.shape_cast %swap3A_1414 : vector<1x1x8x160xf32> to vector<8x160xf32>
    %swap3A_1416 = vector.shape_cast %slice3A_1409 : vector<8x160xf32> to vector<1x1x8x160xf32>
    tpu.vector_store %arg11[%swap3A_1410, %swap3A_1411, %swap3A_1412, %swap3A_1413], %swap3A_1416 {strides = array<i32>} : memref<8x1x64x160xf32, #tpu.memory_space<vmem>>, vector<1x1x8x160xf32>,
    %slice3A_1417 = vector.extract_strided_slice %add3A_315 {offsets = [48, 0], sizes = [8, 160], strides = [1, 1]} : vector<64x160xi32> to vector<8x160xi32>
    %swap3A_1418 = arith.constant 6 : index
    %swap3A_1419 = arith.constant 0 : index
    %swap3A_1420 = arith.constant 8 : index
    %swap3A_1421 = arith.constant 0 : index
    %swap3A_1422 = vector.load %arg10[%swap3A_1418, %swap3A_1419, %swap3A_1420, %swap3A_1421] : memref<8x1x64x160xi32, #tpu.memory_space<vmem>>, vector<1x1x8x160xi32>
    %swap3A_1423 = vector.shape_cast %swap3A_1422 : vector<1x1x8x160xi32> to vector<8x160xi32>
    %swap3A_1424 = vector.shape_cast %slice3A_1417 : vector<8x160xi32> to vector<1x1x8x160xi32>
    tpu.vector_store %arg10[%swap3A_1418, %swap3A_1419, %swap3A_1420, %swap3A_1421], %swap3A_1424 {strides = array<i32>} : memref<8x1x64x160xi32, #tpu.memory_space<vmem>>, vector<1x1x8x160xi32>,
    %slice3A_1425 = vector.extract_strided_slice %select_n3A_319 {offsets = [48, 0], sizes = [8, 160], strides = [1, 1]} : vector<64x160xf32> to vector<8x160xf32>
    %swap3A_1426 = arith.constant 6 : index
    %swap3A_1427 = arith.constant 0 : index
    %swap3A_1428 = arith.constant 8 : index
    %swap3A_1429 = arith.constant 0 : index
    %swap3A_1430 = vector.load %arg11[%swap3A_1426, %swap3A_1427, %swap3A_1428, %swap3A_1429] : memref<8x1x64x160xf32, #tpu.memory_space<vmem>>, vector<1x1x8x160xf32>
    %swap3A_1431 = vector.shape_cast %swap3A_1430 : vector<1x1x8x160xf32> to vector<8x160xf32>
    %swap3A_1432 = vector.shape_cast %slice3A_1425 : vector<8x160xf32> to vector<1x1x8x160xf32>
    tpu.vector_store %arg11[%swap3A_1426, %swap3A_1427, %swap3A_1428, %swap3A_1429], %swap3A_1432 {strides = array<i32>} : memref<8x1x64x160xf32, #tpu.memory_space<vmem>>, vector<1x1x8x160xf32>,
    %slice3A_1433 = vector.extract_strided_slice %add3A_353 {offsets = [48, 0], sizes = [8, 160], strides = [1, 1]} : vector<64x160xi32> to vector<8x160xi32>
    %swap3A_1434 = arith.constant 6 : index
    %swap3A_1435 = arith.constant 0 : index
    %swap3A_1436 = arith.constant 16 : index
    %swap3A_1437 = arith.constant 0 : index
    %swap3A_1438 = vector.load %arg10[%swap3A_1434, %swap3A_1435, %swap3A_1436, %swap3A_1437] : memref<8x1x64x160xi32, #tpu.memory_space<vmem>>, vector<1x1x8x160xi32>
    %swap3A_1439 = vector.shape_cast %swap3A_1438 : vector<1x1x8x160xi32> to vector<8x160xi32>
    %swap3A_1440 = vector.shape_cast %slice3A_1433 : vector<8x160xi32> to vector<1x1x8x160xi32>
    tpu.vector_store %arg10[%swap3A_1434, %swap3A_1435, %swap3A_1436, %swap3A_1437], %swap3A_1440 {strides = array<i32>} : memref<8x1x64x160xi32, #tpu.memory_space<vmem>>, vector<1x1x8x160xi32>,
    %slice3A_1441 = vector.extract_strided_slice %select_n3A_357 {offsets = [48, 0], sizes = [8, 160], strides = [1, 1]} : vector<64x160xf32> to vector<8x160xf32>
    %swap3A_1442 = arith.constant 6 : index
    %swap3A_1443 = arith.constant 0 : index
    %swap3A_1444 = arith.constant 16 : index
    %swap3A_1445 = arith.constant 0 : index
    %swap3A_1446 = vector.load %arg11[%swap3A_1442, %swap3A_1443, %swap3A_1444, %swap3A_1445] : memref<8x1x64x160xf32, #tpu.memory_space<vmem>>, vector<1x1x8x160xf32>
    %swap3A_1447 = vector.shape_cast %swap3A_1446 : vector<1x1x8x160xf32> to vector<8x160xf32>
    %swap3A_1448 = vector.shape_cast %slice3A_1441 : vector<8x160xf32> to vector<1x1x8x160xf32>
    tpu.vector_store %arg11[%swap3A_1442, %swap3A_1443, %swap3A_1444, %swap3A_1445], %swap3A_1448 {strides = array<i32>} : memref<8x1x64x160xf32, #tpu.memory_space<vmem>>, vector<1x1x8x160xf32>,
    %slice3A_1449 = vector.extract_strided_slice %add3A_391 {offsets = [48, 0], sizes = [8, 160], strides = [1, 1]} : vector<64x160xi32> to vector<8x160xi32>
    %swap3A_1450 = arith.constant 6 : index
    %swap3A_1451 = arith.constant 0 : index
    %swap3A_1452 = arith.constant 24 : index
    %swap3A_1453 = arith.constant 0 : index
    %swap3A_1454 = vector.load %arg10[%swap3A_1450, %swap3A_1451, %swap3A_1452, %swap3A_1453] : memref<8x1x64x160xi32, #tpu.memory_space<vmem>>, vector<1x1x8x160xi32>
    %swap3A_1455 = vector.shape_cast %swap3A_1454 : vector<1x1x8x160xi32> to vector<8x160xi32>
    %swap3A_1456 = vector.shape_cast %slice3A_1449 : vector<8x160xi32> to vector<1x1x8x160xi32>
    tpu.vector_store %arg10[%swap3A_1450, %swap3A_1451, %swap3A_1452, %swap3A_1453], %swap3A_1456 {strides = array<i32>} : memref<8x1x64x160xi32, #tpu.memory_space<vmem>>, vector<1x1x8x160xi32>,
    %slice3A_1457 = vector.extract_strided_slice %select_n3A_395 {offsets = [48, 0], sizes = [8, 160], strides = [1, 1]} : vector<64x160xf32> to vector<8x160xf32>
    %swap3A_1458 = arith.constant 6 : index
    %swap3A_1459 = arith.constant 0 : index
    %swap3A_1460 = arith.constant 24 : index
    %swap3A_1461 = arith.constant 0 : index
    %swap3A_1462 = vector.load %arg11[%swap3A_1458, %swap3A_1459, %swap3A_1460, %swap3A_1461] : memref<8x1x64x160xf32, #tpu.memory_space<vmem>>, vector<1x1x8x160xf32>
    %swap3A_1463 = vector.shape_cast %swap3A_1462 : vector<1x1x8x160xf32> to vector<8x160xf32>
    %swap3A_1464 = vector.shape_cast %slice3A_1457 : vector<8x160xf32> to vector<1x1x8x160xf32>
    tpu.vector_store %arg11[%swap3A_1458, %swap3A_1459, %swap3A_1460, %swap3A_1461], %swap3A_1464 {strides = array<i32>} : memref<8x1x64x160xf32, #tpu.memory_space<vmem>>, vector<1x1x8x160xf32>,
    %slice3A_1465 = vector.extract_strided_slice %add3A_515 {offsets = [48, 0], sizes = [8, 160], strides = [1, 1]} : vector<64x160xi32> to vector<8x160xi32>
    %swap3A_1466 = arith.constant 6 : index
    %swap3A_1467 = arith.constant 0 : index
    %swap3A_1468 = arith.constant 32 : index
    %swap3A_1469 = arith.constant 0 : index
    %swap3A_1470 = vector.load %arg10[%swap3A_1466, %swap3A_1467, %swap3A_1468, %swap3A_1469] : memref<8x1x64x160xi32, #tpu.memory_space<vmem>>, vector<1x1x8x160xi32>
    %swap3A_1471 = vector.shape_cast %swap3A_1470 : vector<1x1x8x160xi32> to vector<8x160xi32>
    %swap3A_1472 = vector.shape_cast %slice3A_1465 : vector<8x160xi32> to vector<1x1x8x160xi32>
    tpu.vector_store %arg10[%swap3A_1466, %swap3A_1467, %swap3A_1468, %swap3A_1469], %swap3A_1472 {strides = array<i32>} : memref<8x1x64x160xi32, #tpu.memory_space<vmem>>, vector<1x1x8x160xi32>,
    %slice3A_1473 = vector.extract_strided_slice %select_n3A_519 {offsets = [48, 0], sizes = [8, 160], strides = [1, 1]} : vector<64x160xf32> to vector<8x160xf32>
    %swap3A_1474 = arith.constant 6 : index
    %swap3A_1475 = arith.constant 0 : index
    %swap3A_1476 = arith.constant 32 : index
    %swap3A_1477 = arith.constant 0 : index
    %swap3A_1478 = vector.load %arg11[%swap3A_1474, %swap3A_1475, %swap3A_1476, %swap3A_1477] : memref<8x1x64x160xf32, #tpu.memory_space<vmem>>, vector<1x1x8x160xf32>
    %swap3A_1479 = vector.shape_cast %swap3A_1478 : vector<1x1x8x160xf32> to vector<8x160xf32>
    %swap3A_1480 = vector.shape_cast %slice3A_1473 : vector<8x160xf32> to vector<1x1x8x160xf32>
    tpu.vector_store %arg11[%swap3A_1474, %swap3A_1475, %swap3A_1476, %swap3A_1477], %swap3A_1480 {strides = array<i32>} : memref<8x1x64x160xf32, #tpu.memory_space<vmem>>, vector<1x1x8x160xf32>,
    %slice3A_1481 = vector.extract_strided_slice %add3A_553 {offsets = [48, 0], sizes = [8, 160], strides = [1, 1]} : vector<64x160xi32> to vector<8x160xi32>
    %swap3A_1482 = arith.constant 6 : index
    %swap3A_1483 = arith.constant 0 : index
    %swap3A_1484 = arith.constant 40 : index
    %swap3A_1485 = arith.constant 0 : index
    %swap3A_1486 = vector.load %arg10[%swap3A_1482, %swap3A_1483, %swap3A_1484, %swap3A_1485] : memref<8x1x64x160xi32, #tpu.memory_space<vmem>>, vector<1x1x8x160xi32>
    %swap3A_1487 = vector.shape_cast %swap3A_1486 : vector<1x1x8x160xi32> to vector<8x160xi32>
    %swap3A_1488 = vector.shape_cast %slice3A_1481 : vector<8x160xi32> to vector<1x1x8x160xi32>
    tpu.vector_store %arg10[%swap3A_1482, %swap3A_1483, %swap3A_1484, %swap3A_1485], %swap3A_1488 {strides = array<i32>} : memref<8x1x64x160xi32, #tpu.memory_space<vmem>>, vector<1x1x8x160xi32>,
    %slice3A_1489 = vector.extract_strided_slice %select_n3A_557 {offsets = [48, 0], sizes = [8, 160], strides = [1, 1]} : vector<64x160xf32> to vector<8x160xf32>
    %swap3A_1490 = arith.constant 6 : index
    %swap3A_1491 = arith.constant 0 : index
    %swap3A_1492 = arith.constant 40 : index
    %swap3A_1493 = arith.constant 0 : index
    %swap3A_1494 = vector.load %arg11[%swap3A_1490, %swap3A_1491, %swap3A_1492, %swap3A_1493] : memref<8x1x64x160xf32, #tpu.memory_space<vmem>>, vector<1x1x8x160xf32>
    %swap3A_1495 = vector.shape_cast %swap3A_1494 : vector<1x1x8x160xf32> to vector<8x160xf32>
    %swap3A_1496 = vector.shape_cast %slice3A_1489 : vector<8x160xf32> to vector<1x1x8x160xf32>
    tpu.vector_store %arg11[%swap3A_1490, %swap3A_1491, %swap3A_1492, %swap3A_1493], %swap3A_1496 {strides = array<i32>} : memref<8x1x64x160xf32, #tpu.memory_space<vmem>>, vector<1x1x8x160xf32>,
    %slice3A_1497 = vector.extract_strided_slice %add3A_591 {offsets = [48, 0], sizes = [8, 160], strides = [1, 1]} : vector<64x160xi32> to vector<8x160xi32>
    %swap3A_1498 = arith.constant 6 : index
    %swap3A_1499 = arith.constant 0 : index
    %swap3A_1500 = arith.constant 48 : index
    %swap3A_1501 = arith.constant 0 : index
    %swap3A_1502 = vector.load %arg10[%swap3A_1498, %swap3A_1499, %swap3A_1500, %swap3A_1501] : memref<8x1x64x160xi32, #tpu.memory_space<vmem>>, vector<1x1x8x160xi32>
    %swap3A_1503 = vector.shape_cast %swap3A_1502 : vector<1x1x8x160xi32> to vector<8x160xi32>
    %swap3A_1504 = vector.shape_cast %slice3A_1497 : vector<8x160xi32> to vector<1x1x8x160xi32>
    tpu.vector_store %arg10[%swap3A_1498, %swap3A_1499, %swap3A_1500, %swap3A_1501], %swap3A_1504 {strides = array<i32>} : memref<8x1x64x160xi32, #tpu.memory_space<vmem>>, vector<1x1x8x160xi32>,
    %slice3A_1505 = vector.extract_strided_slice %select_n3A_595 {offsets = [48, 0], sizes = [8, 160], strides = [1, 1]} : vector<64x160xf32> to vector<8x160xf32>
    %swap3A_1506 = arith.constant 6 : index
    %swap3A_1507 = arith.constant 0 : index
    %swap3A_1508 = arith.constant 48 : index
    %swap3A_1509 = arith.constant 0 : index
    %swap3A_1510 = vector.load %arg11[%swap3A_1506, %swap3A_1507, %swap3A_1508, %swap3A_1509] : memref<8x1x64x160xf32, #tpu.memory_space<vmem>>, vector<1x1x8x160xf32>
    %swap3A_1511 = vector.shape_cast %swap3A_1510 : vector<1x1x8x160xf32> to vector<8x160xf32>
    %swap3A_1512 = vector.shape_cast %slice3A_1505 : vector<8x160xf32> to vector<1x1x8x160xf32>
    tpu.vector_store %arg11[%swap3A_1506, %swap3A_1507, %swap3A_1508, %swap3A_1509], %swap3A_1512 {strides = array<i32>} : memref<8x1x64x160xf32, #tpu.memory_space<vmem>>, vector<1x1x8x160xf32>,
    %slice3A_1513 = vector.extract_strided_slice %add3A_629 {offsets = [48, 0], sizes = [8, 160], strides = [1, 1]} : vector<64x160xi32> to vector<8x160xi32>
    %swap3A_1514 = arith.constant 6 : index
    %swap3A_1515 = arith.constant 0 : index
    %swap3A_1516 = arith.constant 56 : index
    %swap3A_1517 = arith.constant 0 : index
    %swap3A_1518 = vector.load %arg10[%swap3A_1514, %swap3A_1515, %swap3A_1516, %swap3A_1517] : memref<8x1x64x160xi32, #tpu.memory_space<vmem>>, vector<1x1x8x160xi32>
    %swap3A_1519 = vector.shape_cast %swap3A_1518 : vector<1x1x8x160xi32> to vector<8x160xi32>
    %swap3A_1520 = vector.shape_cast %slice3A_1513 : vector<8x160xi32> to vector<1x1x8x160xi32>
    tpu.vector_store %arg10[%swap3A_1514, %swap3A_1515, %swap3A_1516, %swap3A_1517], %swap3A_1520 {strides = array<i32>} : memref<8x1x64x160xi32, #tpu.memory_space<vmem>>, vector<1x1x8x160xi32>,
    %slice3A_1521 = vector.extract_strided_slice %select_n3A_633 {offsets = [48, 0], sizes = [8, 160], strides = [1, 1]} : vector<64x160xf32> to vector<8x160xf32>
    %swap3A_1522 = arith.constant 6 : index
    %swap3A_1523 = arith.constant 0 : index
    %swap3A_1524 = arith.constant 56 : index
    %swap3A_1525 = arith.constant 0 : index
    %swap3A_1526 = vector.load %arg11[%swap3A_1522, %swap3A_1523, %swap3A_1524, %swap3A_1525] : memref<8x1x64x160xf32, #tpu.memory_space<vmem>>, vector<1x1x8x160xf32>
    %swap3A_1527 = vector.shape_cast %swap3A_1526 : vector<1x1x8x160xf32> to vector<8x160xf32>
    %swap3A_1528 = vector.shape_cast %slice3A_1521 : vector<8x160xf32> to vector<1x1x8x160xf32>
    tpu.vector_store %arg11[%swap3A_1522, %swap3A_1523, %swap3A_1524, %swap3A_1525], %swap3A_1528 {strides = array<i32>} : memref<8x1x64x160xf32, #tpu.memory_space<vmem>>, vector<1x1x8x160xf32>,
    %slice3A_1529 = vector.extract_strided_slice %add3A_277 {offsets = [56, 0], sizes = [8, 160], strides = [1, 1]} : vector<64x160xi32> to vector<8x160xi32>
    %swap3A_1530 = arith.constant 7 : index
    %swap3A_1531 = arith.constant 0 : index
    %swap3A_1532 = arith.constant 0 : index
    %swap3A_1533 = arith.constant 0 : index
    %swap3A_1534 = vector.load %arg10[%swap3A_1530, %swap3A_1531, %swap3A_1532, %swap3A_1533] : memref<8x1x64x160xi32, #tpu.memory_space<vmem>>, vector<1x1x8x160xi32>
    %swap3A_1535 = vector.shape_cast %swap3A_1534 : vector<1x1x8x160xi32> to vector<8x160xi32>
    %swap3A_1536 = vector.shape_cast %slice3A_1529 : vector<8x160xi32> to vector<1x1x8x160xi32>
    tpu.vector_store %arg10[%swap3A_1530, %swap3A_1531, %swap3A_1532, %swap3A_1533], %swap3A_1536 {strides = array<i32>} : memref<8x1x64x160xi32, #tpu.memory_space<vmem>>, vector<1x1x8x160xi32>,
    %slice3A_1537 = vector.extract_strided_slice %select_n3A_281 {offsets = [56, 0], sizes = [8, 160], strides = [1, 1]} : vector<64x160xf32> to vector<8x160xf32>
    %swap3A_1538 = arith.constant 7 : index
    %swap3A_1539 = arith.constant 0 : index
    %swap3A_1540 = arith.constant 0 : index
    %swap3A_1541 = arith.constant 0 : index
    %swap3A_1542 = vector.load %arg11[%swap3A_1538, %swap3A_1539, %swap3A_1540, %swap3A_1541] : memref<8x1x64x160xf32, #tpu.memory_space<vmem>>, vector<1x1x8x160xf32>
    %swap3A_1543 = vector.shape_cast %swap3A_1542 : vector<1x1x8x160xf32> to vector<8x160xf32>
    %swap3A_1544 = vector.shape_cast %slice3A_1537 : vector<8x160xf32> to vector<1x1x8x160xf32>
    tpu.vector_store %arg11[%swap3A_1538, %swap3A_1539, %swap3A_1540, %swap3A_1541], %swap3A_1544 {strides = array<i32>} : memref<8x1x64x160xf32, #tpu.memory_space<vmem>>, vector<1x1x8x160xf32>,
    %slice3A_1545 = vector.extract_strided_slice %add3A_315 {offsets = [56, 0], sizes = [8, 160], strides = [1, 1]} : vector<64x160xi32> to vector<8x160xi32>
    %swap3A_1546 = arith.constant 7 : index
    %swap3A_1547 = arith.constant 0 : index
    %swap3A_1548 = arith.constant 8 : index
    %swap3A_1549 = arith.constant 0 : index
    %swap3A_1550 = vector.load %arg10[%swap3A_1546, %swap3A_1547, %swap3A_1548, %swap3A_1549] : memref<8x1x64x160xi32, #tpu.memory_space<vmem>>, vector<1x1x8x160xi32>
    %swap3A_1551 = vector.shape_cast %swap3A_1550 : vector<1x1x8x160xi32> to vector<8x160xi32>
    %swap3A_1552 = vector.shape_cast %slice3A_1545 : vector<8x160xi32> to vector<1x1x8x160xi32>
    tpu.vector_store %arg10[%swap3A_1546, %swap3A_1547, %swap3A_1548, %swap3A_1549], %swap3A_1552 {strides = array<i32>} : memref<8x1x64x160xi32, #tpu.memory_space<vmem>>, vector<1x1x8x160xi32>,
    %slice3A_1553 = vector.extract_strided_slice %select_n3A_319 {offsets = [56, 0], sizes = [8, 160], strides = [1, 1]} : vector<64x160xf32> to vector<8x160xf32>
    %swap3A_1554 = arith.constant 7 : index
    %swap3A_1555 = arith.constant 0 : index
    %swap3A_1556 = arith.constant 8 : index
    %swap3A_1557 = arith.constant 0 : index
    %swap3A_1558 = vector.load %arg11[%swap3A_1554, %swap3A_1555, %swap3A_1556, %swap3A_1557] : memref<8x1x64x160xf32, #tpu.memory_space<vmem>>, vector<1x1x8x160xf32>
    %swap3A_1559 = vector.shape_cast %swap3A_1558 : vector<1x1x8x160xf32> to vector<8x160xf32>
    %swap3A_1560 = vector.shape_cast %slice3A_1553 : vector<8x160xf32> to vector<1x1x8x160xf32>
    tpu.vector_store %arg11[%swap3A_1554, %swap3A_1555, %swap3A_1556, %swap3A_1557], %swap3A_1560 {strides = array<i32>} : memref<8x1x64x160xf32, #tpu.memory_space<vmem>>, vector<1x1x8x160xf32>,
    %slice3A_1561 = vector.extract_strided_slice %add3A_353 {offsets = [56, 0], sizes = [8, 160], strides = [1, 1]} : vector<64x160xi32> to vector<8x160xi32>
    %swap3A_1562 = arith.constant 7 : index
    %swap3A_1563 = arith.constant 0 : index
    %swap3A_1564 = arith.constant 16 : index
    %swap3A_1565 = arith.constant 0 : index
    %swap3A_1566 = vector.load %arg10[%swap3A_1562, %swap3A_1563, %swap3A_1564, %swap3A_1565] : memref<8x1x64x160xi32, #tpu.memory_space<vmem>>, vector<1x1x8x160xi32>
    %swap3A_1567 = vector.shape_cast %swap3A_1566 : vector<1x1x8x160xi32> to vector<8x160xi32>
    %swap3A_1568 = vector.shape_cast %slice3A_1561 : vector<8x160xi32> to vector<1x1x8x160xi32>
    tpu.vector_store %arg10[%swap3A_1562, %swap3A_1563, %swap3A_1564, %swap3A_1565], %swap3A_1568 {strides = array<i32>} : memref<8x1x64x160xi32, #tpu.memory_space<vmem>>, vector<1x1x8x160xi32>,
    %slice3A_1569 = vector.extract_strided_slice %select_n3A_357 {offsets = [56, 0], sizes = [8, 160], strides = [1, 1]} : vector<64x160xf32> to vector<8x160xf32>
    %swap3A_1570 = arith.constant 7 : index
    %swap3A_1571 = arith.constant 0 : index
    %swap3A_1572 = arith.constant 16 : index
    %swap3A_1573 = arith.constant 0 : index
    %swap3A_1574 = vector.load %arg11[%swap3A_1570, %swap3A_1571, %swap3A_1572, %swap3A_1573] : memref<8x1x64x160xf32, #tpu.memory_space<vmem>>, vector<1x1x8x160xf32>
    %swap3A_1575 = vector.shape_cast %swap3A_1574 : vector<1x1x8x160xf32> to vector<8x160xf32>
    %swap3A_1576 = vector.shape_cast %slice3A_1569 : vector<8x160xf32> to vector<1x1x8x160xf32>
    tpu.vector_store %arg11[%swap3A_1570, %swap3A_1571, %swap3A_1572, %swap3A_1573], %swap3A_1576 {strides = array<i32>} : memref<8x1x64x160xf32, #tpu.memory_space<vmem>>, vector<1x1x8x160xf32>,
    %slice3A_1577 = vector.extract_strided_slice %add3A_391 {offsets = [56, 0], sizes = [8, 160], strides = [1, 1]} : vector<64x160xi32> to vector<8x160xi32>
    %swap3A_1578 = arith.constant 7 : index
    %swap3A_1579 = arith.constant 0 : index
    %swap3A_1580 = arith.constant 24 : index
    %swap3A_1581 = arith.constant 0 : index
    %swap3A_1582 = vector.load %arg10[%swap3A_1578, %swap3A_1579, %swap3A_1580, %swap3A_1581] : memref<8x1x64x160xi32, #tpu.memory_space<vmem>>, vector<1x1x8x160xi32>
    %swap3A_1583 = vector.shape_cast %swap3A_1582 : vector<1x1x8x160xi32> to vector<8x160xi32>
    %swap3A_1584 = vector.shape_cast %slice3A_1577 : vector<8x160xi32> to vector<1x1x8x160xi32>
    tpu.vector_store %arg10[%swap3A_1578, %swap3A_1579, %swap3A_1580, %swap3A_1581], %swap3A_1584 {strides = array<i32>} : memref<8x1x64x160xi32, #tpu.memory_space<vmem>>, vector<1x1x8x160xi32>,
    %slice3A_1585 = vector.extract_strided_slice %select_n3A_395 {offsets = [56, 0], sizes = [8, 160], strides = [1, 1]} : vector<64x160xf32> to vector<8x160xf32>
    %swap3A_1586 = arith.constant 7 : index
    %swap3A_1587 = arith.constant 0 : index
    %swap3A_1588 = arith.constant 24 : index
    %swap3A_1589 = arith.constant 0 : index
    %swap3A_1590 = vector.load %arg11[%swap3A_1586, %swap3A_1587, %swap3A_1588, %swap3A_1589] : memref<8x1x64x160xf32, #tpu.memory_space<vmem>>, vector<1x1x8x160xf32>
    %swap3A_1591 = vector.shape_cast %swap3A_1590 : vector<1x1x8x160xf32> to vector<8x160xf32>
    %swap3A_1592 = vector.shape_cast %slice3A_1585 : vector<8x160xf32> to vector<1x1x8x160xf32>
    tpu.vector_store %arg11[%swap3A_1586, %swap3A_1587, %swap3A_1588, %swap3A_1589], %swap3A_1592 {strides = array<i32>} : memref<8x1x64x160xf32, #tpu.memory_space<vmem>>, vector<1x1x8x160xf32>,
    %slice3A_1593 = vector.extract_strided_slice %add3A_515 {offsets = [56, 0], sizes = [8, 160], strides = [1, 1]} : vector<64x160xi32> to vector<8x160xi32>
    %swap3A_1594 = arith.constant 7 : index
    %swap3A_1595 = arith.constant 0 : index
    %swap3A_1596 = arith.constant 32 : index
    %swap3A_1597 = arith.constant 0 : index
    %swap3A_1598 = vector.load %arg10[%swap3A_1594, %swap3A_1595, %swap3A_1596, %swap3A_1597] : memref<8x1x64x160xi32, #tpu.memory_space<vmem>>, vector<1x1x8x160xi32>
    %swap3A_1599 = vector.shape_cast %swap3A_1598 : vector<1x1x8x160xi32> to vector<8x160xi32>
    %swap3A_1600 = vector.shape_cast %slice3A_1593 : vector<8x160xi32> to vector<1x1x8x160xi32>
    tpu.vector_store %arg10[%swap3A_1594, %swap3A_1595, %swap3A_1596, %swap3A_1597], %swap3A_1600 {strides = array<i32>} : memref<8x1x64x160xi32, #tpu.memory_space<vmem>>, vector<1x1x8x160xi32>,
    %slice3A_1601 = vector.extract_strided_slice %select_n3A_519 {offsets = [56, 0], sizes = [8, 160], strides = [1, 1]} : vector<64x160xf32> to vector<8x160xf32>
    %swap3A_1602 = arith.constant 7 : index
    %swap3A_1603 = arith.constant 0 : index
    %swap3A_1604 = arith.constant 32 : index
    %swap3A_1605 = arith.constant 0 : index
    %swap3A_1606 = vector.load %arg11[%swap3A_1602, %swap3A_1603, %swap3A_1604, %swap3A_1605] : memref<8x1x64x160xf32, #tpu.memory_space<vmem>>, vector<1x1x8x160xf32>
    %swap3A_1607 = vector.shape_cast %swap3A_1606 : vector<1x1x8x160xf32> to vector<8x160xf32>
    %swap3A_1608 = vector.shape_cast %slice3A_1601 : vector<8x160xf32> to vector<1x1x8x160xf32>
    tpu.vector_store %arg11[%swap3A_1602, %swap3A_1603, %swap3A_1604, %swap3A_1605], %swap3A_1608 {strides = array<i32>} : memref<8x1x64x160xf32, #tpu.memory_space<vmem>>, vector<1x1x8x160xf32>,
    %slice3A_1609 = vector.extract_strided_slice %add3A_553 {offsets = [56, 0], sizes = [8, 160], strides = [1, 1]} : vector<64x160xi32> to vector<8x160xi32>
    %swap3A_1610 = arith.constant 7 : index
    %swap3A_1611 = arith.constant 0 : index
    %swap3A_1612 = arith.constant 40 : index
    %swap3A_1613 = arith.constant 0 : index
    %swap3A_1614 = vector.load %arg10[%swap3A_1610, %swap3A_1611, %swap3A_1612, %swap3A_1613] : memref<8x1x64x160xi32, #tpu.memory_space<vmem>>, vector<1x1x8x160xi32>
    %swap3A_1615 = vector.shape_cast %swap3A_1614 : vector<1x1x8x160xi32> to vector<8x160xi32>
    %swap3A_1616 = vector.shape_cast %slice3A_1609 : vector<8x160xi32> to vector<1x1x8x160xi32>
    tpu.vector_store %arg10[%swap3A_1610, %swap3A_1611, %swap3A_1612, %swap3A_1613], %swap3A_1616 {strides = array<i32>} : memref<8x1x64x160xi32, #tpu.memory_space<vmem>>, vector<1x1x8x160xi32>,
    %slice3A_1617 = vector.extract_strided_slice %select_n3A_557 {offsets = [56, 0], sizes = [8, 160], strides = [1, 1]} : vector<64x160xf32> to vector<8x160xf32>
    %swap3A_1618 = arith.constant 7 : index
    %swap3A_1619 = arith.constant 0 : index
    %swap3A_1620 = arith.constant 40 : index
    %swap3A_1621 = arith.constant 0 : index
    %swap3A_1622 = vector.load %arg11[%swap3A_1618, %swap3A_1619, %swap3A_1620, %swap3A_1621] : memref<8x1x64x160xf32, #tpu.memory_space<vmem>>, vector<1x1x8x160xf32>
    %swap3A_1623 = vector.shape_cast %swap3A_1622 : vector<1x1x8x160xf32> to vector<8x160xf32>
    %swap3A_1624 = vector.shape_cast %slice3A_1617 : vector<8x160xf32> to vector<1x1x8x160xf32>
    tpu.vector_store %arg11[%swap3A_1618, %swap3A_1619, %swap3A_1620, %swap3A_1621], %swap3A_1624 {strides = array<i32>} : memref<8x1x64x160xf32, #tpu.memory_space<vmem>>, vector<1x1x8x160xf32>,
    %slice3A_1625 = vector.extract_strided_slice %add3A_591 {offsets = [56, 0], sizes = [8, 160], strides = [1, 1]} : vector<64x160xi32> to vector<8x160xi32>
    %swap3A_1626 = arith.constant 7 : index
    %swap3A_1627 = arith.constant 0 : index
    %swap3A_1628 = arith.constant 48 : index
    %swap3A_1629 = arith.constant 0 : index
    %swap3A_1630 = vector.load %arg10[%swap3A_1626, %swap3A_1627, %swap3A_1628, %swap3A_1629] : memref<8x1x64x160xi32, #tpu.memory_space<vmem>>, vector<1x1x8x160xi32>
    %swap3A_1631 = vector.shape_cast %swap3A_1630 : vector<1x1x8x160xi32> to vector<8x160xi32>
    %swap3A_1632 = vector.shape_cast %slice3A_1625 : vector<8x160xi32> to vector<1x1x8x160xi32>
    tpu.vector_store %arg10[%swap3A_1626, %swap3A_1627, %swap3A_1628, %swap3A_1629], %swap3A_1632 {strides = array<i32>} : memref<8x1x64x160xi32, #tpu.memory_space<vmem>>, vector<1x1x8x160xi32>,
    %slice3A_1633 = vector.extract_strided_slice %select_n3A_595 {offsets = [56, 0], sizes = [8, 160], strides = [1, 1]} : vector<64x160xf32> to vector<8x160xf32>
    %swap3A_1634 = arith.constant 7 : index
    %swap3A_1635 = arith.constant 0 : index
    %swap3A_1636 = arith.constant 48 : index
    %swap3A_1637 = arith.constant 0 : index
    %swap3A_1638 = vector.load %arg11[%swap3A_1634, %swap3A_1635, %swap3A_1636, %swap3A_1637] : memref<8x1x64x160xf32, #tpu.memory_space<vmem>>, vector<1x1x8x160xf32>
    %swap3A_1639 = vector.shape_cast %swap3A_1638 : vector<1x1x8x160xf32> to vector<8x160xf32>
    %swap3A_1640 = vector.shape_cast %slice3A_1633 : vector<8x160xf32> to vector<1x1x8x160xf32>
    tpu.vector_store %arg11[%swap3A_1634, %swap3A_1635, %swap3A_1636, %swap3A_1637], %swap3A_1640 {strides = array<i32>} : memref<8x1x64x160xf32, #tpu.memory_space<vmem>>, vector<1x1x8x160xf32>,
    %slice3A_1641 = vector.extract_strided_slice %add3A_629 {offsets = [56, 0], sizes = [8, 160], strides = [1, 1]} : vector<64x160xi32> to vector<8x160xi32>
    %swap3A_1642 = arith.constant 7 : index
    %swap3A_1643 = arith.constant 0 : index
    %swap3A_1644 = arith.constant 56 : index
    %swap3A_1645 = arith.constant 0 : index
    %swap3A_1646 = vector.load %arg10[%swap3A_1642, %swap3A_1643, %swap3A_1644, %swap3A_1645] : memref<8x1x64x160xi32, #tpu.memory_space<vmem>>, vector<1x1x8x160xi32>
    %swap3A_1647 = vector.shape_cast %swap3A_1646 : vector<1x1x8x160xi32> to vector<8x160xi32>
    %swap3A_1648 = vector.shape_cast %slice3A_1641 : vector<8x160xi32> to vector<1x1x8x160xi32>
    tpu.vector_store %arg10[%swap3A_1642, %swap3A_1643, %swap3A_1644, %swap3A_1645], %swap3A_1648 {strides = array<i32>} : memref<8x1x64x160xi32, #tpu.memory_space<vmem>>, vector<1x1x8x160xi32>,
    %slice3A_1649 = vector.extract_strided_slice %select_n3A_633 {offsets = [56, 0], sizes = [8, 160], strides = [1, 1]} : vector<64x160xf32> to vector<8x160xf32>
    %swap3A_1650 = arith.constant 7 : index
    %swap3A_1651 = arith.constant 0 : index
    %swap3A_1652 = arith.constant 56 : index
    %swap3A_1653 = arith.constant 0 : index
    %swap3A_1654 = vector.load %arg11[%swap3A_1650, %swap3A_1651, %swap3A_1652, %swap3A_1653] : memref<8x1x64x160xf32, #tpu.memory_space<vmem>>, vector<1x1x8x160xf32>
    %swap3A_1655 = vector.shape_cast %swap3A_1654 : vector<1x1x8x160xf32> to vector<8x160xf32>
    %swap3A_1656 = vector.shape_cast %slice3A_1649 : vector<8x160xf32> to vector<1x1x8x160xf32>
    tpu.vector_store %arg11[%swap3A_1650, %swap3A_1651, %swap3A_1652, %swap3A_1653], %swap3A_1656 {strides = array<i32>} : memref<8x1x64x160xf32, #tpu.memory_space<vmem>>, vector<1x1x8x160xf32>,
    return
  }
  func.func @transform_0(%arg0: i32, %arg1: i32) -> (i32, i32, i32, i32) {
    %add3A = arith.constant 0 : i32
    %add3A_0 = arith.addi %arg1, %add3A : i32
    %c0_i32 = arith.constant 0 : i32
    %c0_i32_1 = arith.constant 0 : i32
    %c0_i32_2 = arith.constant 0 : i32
    return %arg0, %add3A_0, %c0_i32, %c0_i32_1 : i32, i32, i32, i32
  }
  func.func @transform_1(%arg0: i32, %arg1: i32) -> (i32, i32, i32, i32) {
    %add3A = arith.constant 0 : i32
    %add3A_0 = arith.addi %arg1, %add3A : i32
    %c0_i32 = arith.constant 0 : i32
    %c0_i32_1 = arith.constant 0 : i32
    %c0_i32_2 = arith.constant 0 : i32
    return %arg0, %add3A_0, %c0_i32, %c0_i32_1 : i32, i32, i32, i32
  }
  func.func @transform_2(%arg0: i32, %arg1: i32) -> (i32, i32, i32, i32) {
    %add3A = arith.constant 0 : i32
    %add3A_0 = arith.addi %arg1, %add3A : i32
    %c0_i32 = arith.constant 0 : i32
    %c0_i32_1 = arith.constant 0 : i32
    %c0_i32_2 = arith.constant 0 : i32
    return %arg0, %add3A_0, %c0_i32, %c0_i32_1 : i32, i32, i32, i32
  }
  func.func @transform_3(%arg0: i32, %arg1: i32) -> (i32, i32) {
    %c0_i32 = arith.constant 0 : i32
    %c0_i32_0 = arith.constant 0 : i32
    %c0_i32_1 = arith.constant 0 : i32
    return %c0_i32, %c0_i32_0 : i32, i32
  }
  func.func @transform_4(%arg0: i32, %arg1: i32) -> (i32, i32) {
    %c0_i32 = arith.constant 0 : i32
    %c0_i32_0 = arith.constant 0 : i32
    %c0_i32_1 = arith.constant 0 : i32
    return %c0_i32, %c0_i32_0 : i32, i32
  }
  func.func @transform_5(%arg0: i32, %arg1: i32) -> (i32, i32) {
    %c0_i32 = arith.constant 0 : i32
    %c0_i32_0 = arith.constant 0 : i32
    %c0_i32_1 = arith.constant 0 : i32
    return %c0_i32, %c0_i32_0 : i32, i32
  }
  func.func @transform_6(%arg0: i32, %arg1: i32) -> (i32, i32) {
    %c0_i32 = arith.constant 0 : i32
    %c0_i32_0 = arith.constant 0 : i32
    %c0_i32_1 = arith.constant 0 : i32
    return %c0_i32, %c0_i32_0 : i32, i32
  }
  func.func @transform_7(%arg0: i32, %arg1: i32) -> i32 {
    %c0_i32 = arith.constant 0 : i32
    %c0_i32_0 = arith.constant 0 : i32
    return %c0_i32 : i32
  }
  func.func @transform_8(%arg0: i32, %arg1: i32) -> (i32, i32, i32, i32) {
    %c0_i32 = arith.constant 0 : i32
    %c0_i32_0 = arith.constant 0 : i32
    %c0_i32_1 = arith.constant 0 : i32
    return %arg0, %arg1, %c0_i32, %c0_i32_0 : i32, i32, i32, i32
  }
  func.func @transform_9(%arg0: i32, %arg1: i32) -> (i32, i32, i32, i32) {
    %c0_i32 = arith.constant 0 : i32
    %c0_i32_0 = arith.constant 0 : i32
    %c0_i32_1 = arith.constant 0 : i32
    return %arg0, %arg1, %c0_i32, %c0_i32_0 : i32, i32, i32, i32
  }
}

module attributes {stable_mosaic.version = 14 : i64} {
  func.func @_outproj_body(%arg0: i32, %arg1: i32, %arg2: memref<1x1x16x16x160xf32, #tpu.memory_space<vmem>>, %arg3: memref<256x256xf32, #tpu.memory_space<vmem>>, %arg4: memref<1x256xf32, #tpu.memory_space<vmem>>, %arg5: memref<1x160x256xf32, #tpu.memory_space<vmem>>) attributes {dimension_semantics = [#tpu.dimension_semantics<arbitrary>, #tpu.dimension_semantics<arbitrary>], iteration_bounds = array<i64: 2, 17>, scalar_prefetch = 0 : i64, scratch_operands = 0 : i64, tpu.core_type = #tpu.core_type<tc>, window_params = [{transform_indices = @transform_0, window_bounds = array<i64: 1, 1, 16, 16, 160>}, {pipeline_mode = #tpu.pipeline_mode<synchronous>, transform_indices = @transform_1, window_bounds = array<i64: 256, 256>}, {pipeline_mode = #tpu.pipeline_mode<synchronous>, transform_indices = @transform_2, window_bounds = array<i64: 1, 256>}, {transform_indices = @transform_3, window_bounds = array<i64: 1, 160, 256>}]} {
    %get3A = arith.constant 0 : index
    %get3A_0 = arith.constant 0 : index
    %get3A_1 = arith.constant 0 : index
    %get3A_2 = arith.constant 0 : index
    %get3A_3 = arith.constant 0 : index
    %get3A_4 = vector.load %arg2[%get3A, %get3A_0, %get3A_1, %get3A_2, %get3A_3] : memref<1x1x16x16x160xf32, #tpu.memory_space<vmem>>, vector<1x1x16x16x160xf32>
    %get3A_5 = vector.shape_cast %get3A_4 : vector<1x1x16x16x160xf32> to vector<16x16x160xf32>
    %reshape3A = vector.shape_cast %get3A_5 : vector<16x16x160xf32> to vector<256x160xf32>
    %get3A_6 = arith.constant 0 : index
    %get3A_7 = arith.constant 0 : index
    %get3A_8 = vector.load %arg3[%get3A_6, %get3A_7] : memref<256x256xf32, #tpu.memory_space<vmem>>, vector<256x256xf32>
    %dot_general3A = arith.constant dense<0.000000e+00> : vector<160x256xf32>
    %dot_general3A_9 = tpu.matmul %reshape3A, %get3A_8, %dot_general3A {dimension_numbers = #tpu.dot_dimension_numbers<[0], [0], [1], [1], [0, 1, 1, 1], [], []>, transpose_lhs_hint = false} : vector<256x160xf32>, vector<256x256xf32>, vector<160x256xf32> -> vector<160x256xf32>
    %get3A_10 = arith.constant 0 : index
    %get3A_11 = arith.constant 0 : index
    %get3A_12 = vector.load %arg4[%get3A_10, %get3A_11] : memref<1x256xf32, #tpu.memory_space<vmem>>, vector<1x256xf32>
    %add3A = vector.broadcast %get3A_12 : vector<1x256xf32> to vector<160x256xf32>
    %add3A_13 = arith.addf %dot_general3A_9, %add3A : vector<160x256xf32>
    %swap3A = arith.constant 0 : index
    %swap3A_14 = arith.constant 0 : index
    %swap3A_15 = arith.constant 0 : index
    %swap3A_16 = vector.load %arg5[%swap3A, %swap3A_14, %swap3A_15] : memref<1x160x256xf32, #tpu.memory_space<vmem>>, vector<1x160x256xf32>
    %swap3A_17 = vector.shape_cast %swap3A_16 : vector<1x160x256xf32> to vector<160x256xf32>
    %swap3A_18 = vector.shape_cast %add3A_13 : vector<160x256xf32> to vector<1x160x256xf32>
    tpu.vector_store %arg5[%swap3A, %swap3A_14, %swap3A_15], %swap3A_18 {strides = array<i32>} : memref<1x160x256xf32, #tpu.memory_space<vmem>>, vector<1x160x256xf32>,
    return
  }
  func.func @transform_0(%arg0: i32, %arg1: i32) -> (i32, i32, i32, i32, i32) {
    %c0_i32 = arith.constant 0 : i32
    %c0_i32_0 = arith.constant 0 : i32
    %c0_i32_1 = arith.constant 0 : i32
    %c0_i32_2 = arith.constant 0 : i32
    return %arg0, %arg1, %c0_i32, %c0_i32_0, %c0_i32_1 : i32, i32, i32, i32, i32
  }
  func.func @transform_1(%arg0: i32, %arg1: i32) -> (i32, i32) {
    %c0_i32 = arith.constant 0 : i32
    %c0_i32_0 = arith.constant 0 : i32
    %c0_i32_1 = arith.constant 0 : i32
    return %c0_i32, %c0_i32_0 : i32, i32
  }
  func.func @transform_2(%arg0: i32, %arg1: i32) -> (i32, i32) {
    %c0_i32 = arith.constant 0 : i32
    %c0_i32_0 = arith.constant 0 : i32
    %c0_i32_1 = arith.constant 0 : i32
    return %c0_i32, %c0_i32_0 : i32, i32
  }
  func.func @transform_3(%arg0: i32, %arg1: i32) -> (i32, i32, i32) {
    %c0_i32 = arith.constant 0 : i32
    %c0_i32_0 = arith.constant 0 : i32
    return %arg0, %arg1, %c0_i32 : i32, i32, i32
  }
}

</mosaic_0001>

<sc_bundles>
// kernel: kernel.12.cloned.1.call-start
scs
__scs_entry_jumppad:
0x0: {  	(pc) =	sbr.rel $0x88, $3  }
0x1: {  	(tag) =	ssettag $0x0;
	lr =	simm.s32 $0x1  }
0x2: {  	[smem:$0x3F93] =	sst lr;
	_ =	strace $0xD0000000  }
0x3: {  	_ = 	snop  }
0x4: {  	_ = 	snop  }
0x5: {  	_ = 	snop  }
0x6: {  	_ = 	snop  }
0x7: {  	_ = 	snop  }
__scs_overlays_trampoline_lowered:
0x8: {  	[smem:$0x3FA2] =	sst s0  }
0x9: {  	[smem:$0x3FA3] =	sst s1  }
0xa: {  	[smem:$0x3FA4] =	sst s2  }
0xb: {  	[smem:$0x3FA5] =	sst s3  }
0xc: {  	[smem:$0x3FA6] =	sst s4  }
0xd: {  	[smem:$0x3FA7] =	sst s5  }
0xe: {  	[smem:$0x3FA8] =	sst s6  }
0xf: {  	[smem:$0x3FA9] =	sst s7  }
0x10: {  	[smem:$0x3FAA] =	sst s8  }
0x11: {  	[smem:$0x3FAB] =	sst s9;
	s0 =	simm.s32 @!p0 $0x0  }
0x12: {  	s1 =	sld [smem:$0x3F91];
	s0 =	simm.s32 @p0 $0x1  }
0x13: {  	[smem:$0x3FAC] =	sst s0;
	s0 =	simm.s32 @!p1 $0x0  }
0x14: {  	s2 =	sld [smem:$0x3F90];
	s0 =	simm.s32 @p1 $0x1  }
0x15: {  	[smem:$0x3FAD] =	sst s0;
	s0 =	simm.s32 @!p2 $0x0  }
0x16: {  	s3 =	sld [smem:$0x3FDB];
	s0 =	simm.s32 @p2 $0x1  }
0x17: {  	s4 =	simm.s32 $0x1BF5;
	[smem:$0x3FAF] =	sst s0  }
0x18: {  	s0 =	sld [smem:$0x3F92];
	_ =	swait.ge [sflag:s4], $0x0  }
0x19: {  	s7 =	sld [smem:$0x3F93]  }
0x1a: {  	s8 =	sadd.s32 $0xFFFFE003, lr  }
0x1b: {  	s9 =	sadd.s32 $0xFFFFFEF7, lr;
	s5 =	simm.s32 $0xFFFFFFFF;
	p2 =	slt.u32 s8, $0xFFFFF086  }
0x1c: {  	p1 =	slt.u32 s9, $0xF7A;
	s5 =	simm.s32 @!p2 $0x0  }
0x1d: {  	s5 =	simm.s32 @p1 $0x1;
	p0 =	seq.s32 s7, s2  }
0x1e: {  	s7 =	smul.u32 @!p0 $0xF7A, s2;
	p2 =	seq.s32 @!p0 s5, $0x0  }
0x1f: {  	s9 =	smul.u32 $0xF7A, s1;
	s8 =	simm.s32 @!p0 $0x1BF5;
	p2 =	por !p2, p0  }
0x20: {  	[sflag:s8] =	ssyncset.s32 @!p0 $0xFFFFF086;
	s6 =	sadd.s32 @!p0 s3, s7;
	s7 =	simm.s32 @!p0 $0x108  }
0x21: {  	s3 =	sadd.s32 s3, s9;
	s6 =	sadd.s32 @!p0 $0x88, s6;
	s7 =	simm.s32 @p2 $0x1082  }
0x22: {  	[simem:s7], [sflag:s8] =	dma.local @!p0 [hbm:s6], $0xF7A  }
0x23: {  	s9 =	sor.u32 $0xD0000000, s2;
	s6 =	simm.s32 $0x108;
	_ =	swait.ge @!p0 [sflag:s8], $0x0  }
0x24: {  	s3 =	sadd.s32 $0x88, s3;
	s6 =	simm.s32 @!p1 $0x1082;
	[sflag:s4] =	ssyncset.s32 $0xFFFFF086  }
0x25: {  	[simem:s6], [sflag:s4] =	dma.local [hbm:s3], $0xF7A  }
0x26: {  	[smem:$0x3F93] =	sst s1;
	(tag) =	ssettag s2;
	_ =	strace s9  }
0x27: {  	s1 =	sld [smem:$0x3FA3]  }
0x28: {  	s2 =	sld [smem:$0x3FA4]  }
0x29: {  	s4 =	sld [smem:$0x3FA6]  }
0x2a: {  	p0 =	seq.s32 s5, $0x0;
	s5 =	sld [smem:$0x3FA7]  }
0x2b: {  	s6 =	sld [smem:$0x3FA8]  }
0x2c: {  	s7 =	sld [smem:$0x3FA9]  }
0x2d: {  	s3 =	simm.s32 $0x108;
	s8 =	sld [smem:$0x3FAA]  }
0x2e: {  	s3 =	simm.s32 @!p0 $0x1082;
	s9 =	sld [smem:$0x3FAB]  }
0x2f: {  	lr =	sadd.s32 s0, s3;
	s0 =	sld [smem:$0x3FA2]  }
0x30: {  	s3 =	sld [smem:$0x3FA5]  }
0x31: {  	[smem:$0x3FAE] =	sst s10  }
0x32: {  	s10 =	sld [smem:$0x3FAC];
	_ =	sdelay $0x3  }
0x33: {  	p0 =	seq.s32 s10, $0x1;
	s10 =	sld [smem:$0x3FAE];
	_ =	sdelay $0x3  }
0x34: {  	[smem:$0x3FAE] =	sst s10  }
0x35: {  	s10 =	sld [smem:$0x3FAD];
	_ =	sdelay $0x3  }
0x36: {  	p1 =	seq.s32 s10, $0x1;
	s10 =	sld [smem:$0x3FAE];
	_ =	sdelay $0x3  }
0x37: {  	[smem:$0x3FAE] =	sst s10  }
0x38: {  	s10 =	sld [smem:$0x3FAF]  }
0x39: {  	_ = 	snop;
	(pc) =	sbr.ind lr, $3  }
0x3a: {  	_ = 	snop  }
0x3b: {  	_ = 	snop  }
0x3c: {  	p2 =	seq.s32 s10, $0x1;
	s10 =	sld [smem:$0x3FAE]  }
0x3d: {  	_ =	shalt  }
0x3e: {  	_ =	shalt  }
0x3f: {  	_ =	shalt  }
0x40: {  	_ =	shalt  }
0x41: {  	_ =	shalt  }
0x42: {  	_ =	shalt  }
0x43: {  	_ =	shalt  }
0x44: {  	_ =	shalt  }
0x45: {  	_ =	shalt  }
0x46: {  	_ =	shalt  }
0x47: {  	_ =	shalt  }
0x48: {  	_ =	shalt  }
0x49: {  	_ =	shalt  }
0x4a: {  	_ =	shalt  }
0x4b: {  	_ =	shalt  }
0x4c: {  	_ =	shalt  }
0x4d: {  	_ =	shalt  }
0x4e: {  	_ =	shalt  }
0x4f: {  	_ =	shalt  }
0x50: {  	_ =	shalt  }
0x51: {  	_ =	shalt  }
0x52: {  	_ =	shalt  }
0x53: {  	_ =	shalt  }
0x54: {  	_ =	shalt  }
0x55: {  	_ =	shalt  }
0x56: {  	_ =	shalt  }
0x57: {  	_ =	shalt  }
0x58: {  	_ =	shalt  }
0x59: {  	_ =	shalt  }
0x5a: {  	_ =	shalt  }
0x5b: {  	_ =	shalt  }
0x5c: {  	_ =	shalt  }
0x5d: {  	_ =	shalt  }
0x5e: {  	_ =	shalt  }
0x5f: {  	_ =	shalt  }
0x60: {  	_ =	shalt  }
0x61: {  	_ =	shalt  }
0x62: {  	_ =	shalt  }
0x63: {  	_ =	shalt  }
0x64: {  	_ =	shalt  }
0x65: {  	_ =	shalt  }
0x66: {  	_ =	shalt  }
0x67: {  	_ =	shalt  }
0x68: {  	_ =	shalt  }
0x69: {  	_ =	shalt  }
0x6a: {  	_ =	shalt  }
0x6b: {  	_ =	shalt  }
0x6c: {  	_ =	shalt  }
0x6d: {  	_ =	shalt  }
0x6e: {  	_ =	shalt  }
0x6f: {  	_ =	shalt  }
0x70: {  	_ =	shalt  }
0x71: {  	_ =	shalt  }
0x72: {  	_ =	shalt  }
0x73: {  	_ =	shalt  }
0x74: {  	_ =	shalt  }
0x75: {  	_ =	shalt  }
0x76: {  	_ =	shalt  }
0x77: {  	_ =	shalt  }
0x78: {  	_ =	shalt  }
0x79: {  	_ =	shalt  }
0x7a: {  	_ =	shalt  }
0x7b: {  	_ =	shalt  }
0x7c: {  	_ =	shalt  }
0x7d: {  	_ =	shalt  }
0x7e: {  	_ =	shalt  }
0x7f: {  	_ =	shalt  }
0x80: {  	_ =	shalt  }
0x81: {  	_ =	shalt  }
0x82: {  	_ =	shalt  }
0x83: {  	_ =	shalt  }
0x84: {  	_ =	shalt  }
0x85: {  	_ =	shalt  }
0x86: {  	_ =	shalt  }
0x87: {  	_ =	shalt  }
.Lfunc_end0:
.L_simem_size_0:
called_computation.1_lowered:
.L_overlay_start_0:
0x88: {  	s2 =	sld [smem:$0x3FD9]  }
0x89: {  	s3 =	sld [smem:$0x3FFE];
	_ =	sdelay $0x1  }
0x8a: {  	s1 =	srdreg.scid  }
0x8b: {  	s0 =	sand.u32 $0x1, s1  }
0x8c: {  	s16 =	sshll.u32 s0, $0xA;
	s2 =	sadd.s32 s3, s2  }
0x8d: {  	s2 =	sadd.s32 s2, s16  }
0x8e: {  	[smem:$0x3FBA] =	sst s2  }
0x8f: {  	_ = 	snop  }
0x90: {  	(tm) =	ssettm $0x1  }
0x91: {  	s17 =	sld [smem:$0x3FFB];
	_ =	sdelay $0x3  }
0x92: {  	_ =	strace s17  }
0x93: {  	s2 =	sld [smem:$0x3FFC];
	_ =	sdelay $0x3  }
0x94: {  	_ =	strace s2  }
0x95: {  	s2 =	sld [smem:$0x3FFD];
	_ =	sdelay $0x3  }
0x96: {  	_ =	strace s2  }
0x97: {  	_ =	strace $0x8FFFFFFF  }
0x98: {  	s18 =	sld [smem:$0x3FDB];
	_ =	sdelay $0x1  }
0x99: {  	s19 =	simm.s32 $_scs_section_size  }
0x9a: {  	s4 =	simm.s32 $_size__tile_overlayer_lowered;
	s5 =	simm.s32 $_tile_overlayer_lowered  }
0x9b: {  	s22 =	simm.s32 $0x1BFF;
	s21 =	sshll.u32 s5, $0x1;
	s2 =	sadd.s32 s19, s18  }
0x9c: {  	s6 =	simm.s32 $0x0;
	s20 =	sshll.u32 s4, $0x1;
	s4 =	sadd.s32 s21, s2  }
0x9d: {  	[timem:s6], [sflag:s22] =	dma.local [hbm:s4], s20  }
0x9e: {  	_ =	swait.ge [sflag:s22], s20  }
0x9f: {  	s3 =	ssub.s32 $0x0, s20;
	[sflag:s22] =	ssyncset.done $0x0  }
0xa0: {  	[sflag:s22] =	ssyncadd.s32 s3;
	_ =	sdelay $0x1  }
0xa1: {  	s23 =	simm.s32 $0x1B8B  }
0xa2: {  	_ =	swait.ge [sflag:s23], $0x1  }
0xa3: {  	[sflag:s23] =	ssyncset.done $0x0  }
0xa4: {  	s25 =	simm.s32 $0x1B8E;
	s24 =	sld [smem:$0x3FFE];
	[sflag:s23] =	ssyncadd.s32 $0xFFFFFFFF  }
0xa5: {  	s26 =	simm.s32 $execute0_lowered;
	[smem:$0x3FD2] =	sst s25  }
0xa6: {  	s4 =	sshll.u32 s26, $0x1;
	_ =	strace $0x80000046;
	[dreg:$0x1] =	wrdreg $0xFFFFFFFF  }
0xa7: {  	s28 =	simm.s32 $_size_execute0_lowered;
	s2 =	sadd.s32 s2, s4;
	[dreg:$0x0] =	wrdreg $0x0  }
0xa8: {  	s4 =	sshll.u32 s28, $0x1;
	[dreg:$0x2] =	wrdreg s2  }
0xa9: {  	[dreg:$0x3] =	wrdreg s4  }
0xaa: {  	[dreg:$0x4] =	wrdreg $0xC0  }
0xab: {  	_ =	task [dreg:s6], $0x5FFFF  }
0xac: {  	[dreg:$0x1] =	wrdreg $0xFFFFFFFF  }
0xad: {  	[dreg:$0x0] =	wrdreg $0x60  }
0xae: {  	[dreg:$0x2] =	wrdreg s24  }
0xaf: {  	[dreg:$0x3] =	wrdreg $0xA  }
0xb0: {  	_ =	task.clear_ibuf [dreg:s6], $0x4FFFF;
	_ =	strace $0x90000046  }
0xb1: {  	s29 =	simm.s32 $0xA;
	_ =	strace $0x80000048  }
0xb2: {  	_ =	swait.ge [sflag:s29], $0x1  }
0xb3: {  	[sflag:s29] =	ssyncadd.s32 $0xFFFFFFFF  }
0xb4: {  	_ =	strace $0x90000048  }
0xb5: {  	_ =	sfence  }
0xb6: {  	s30 =	sld [smem:$0x0];
	_ =	sdelay $0x2  }
0xb7: {  	s31 =	sshll.u32 s1, $0xD;
	s1 =	sshrl.u32 s1, $0x2  }
0xb8: {  	s3 =	sand.u32 $0x4000, s31;
	s1 =	sadd.s32 s1, s30  }
0xb9: {  	s0 =	sor.u32 s3, s0;
	s1 =	sshll.u32 s1, $0x11  }
0xba: {  	s0 =	sor.u32 s1, s0  }
0xbb: {  	s0 =	sadd.s32 $0x8F2B, s0  }
0xbc: {  	[sflag:s0] =	ssyncadd.remote.s32 $0x1  }
0xbd: {  	_ =	sfence.sel $0xFFFF  }
0xbe: {  	[dreg:$0x0] =	wrdreg $0xFFFFFFFF;
	(pc) =	sbr.abs _section_cstart, $3  }
0xbf: {  	[dreg:$0x1] =	wrdreg $0xFFFFFFFF  }
0xc0: {  	_ =	task.clear_ibuf [dreg:s6], $0x2FFFF;
	_ =	strace $0x9FFFFFFF  }
0xc1: {  	(tm) =	ssettm $0x7FFFFFFF  }
tec
execute0_lowered:
.L_overlay_start_1:
0x0: {  	(tag) =	ssettag $0x1  }
0x1: {  	s7 =	stileid.u32  }
0x2: {  	s1 =	rddreg [dreg:$0x0];
	s2 =	srdreg.scid;
	s10 =	simm.s32 $0x80  }
0x3: {  	s11 =	simm.s32 $0x400;
	s12 =	simm.s32 $0x1;
	s15 =	simm.s32 $0x1580  }
0x4: {  	s16 =	simm.s32 $0x2B00;
	s17 =	simm.s32 $0x4080;
	s18 =	simm.s32 $0x5600  }
0x5: {  	s19 =	simm.s32 $0x6B80;
	s28 =	simm.s32 $0x11780;
	s29 =	simm.s32 $0x12D00  }
0x6: {  	s30 =	simm.s32 $0x14280;
	s0 =	sshll.u32 s7, $0x1;
	s3 =	sand.u32 $0x1, s2  }
0x7: {  	s20 =	sshrl.u32 s7, $0x1;
	s7 =	sshll.u32 s7, $0x4;
	s22 =	sadd.s32 $0x167E00, s1  }
0x8: {  	s2 =	simm.s32 $0x0;
	s9 =	sadd.s32 $0x1DFE00, s1;
	s0 =	sand.u32 $0xE, s0  }
0x9: {  	s5 =	sand.u32 $0x1, s20;
	[smem:$0x7FF] =	sst s2;
	s20 =	simm.s32 $0x8100  }
0xa: {  	s4 =	sshrl.u32 s0, $0x3;
	s0 =	sor.u32 s3, s0;
	s8 =	smul.u32 $0xAC000, s5  }
0xb: {  	_ =	strace $0x80000047;
	[dreg:$0x2] =	wrdreg s22;
	s5 =	smul.u32 $0x5000, s5  }
0xc: {  	s3 =	ssub.s32 $0x2, s3;
	[dreg:$0x3] =	wrdreg s9;
	s6 =	smul.u32 $0x158000, s4  }
0xd: {  	s22 =	simm.s32 $0xAC00;
	s21 =	sshll.u32 s0, $0x8;
	s4 =	smul.u32 $0xAA000, s4  }
0xe: {  	s23 =	sshrl.u32 s3, $0x1;
	s0 =	smul.u32 $0x3C000, s0;
	s7 =	sor.u32 s7, s21  }
0xf: {  	s24 =	ssub.s32 s3, s23;
	s21 =	simm.s32 $0x9680;
	s23 =	simm.s32 $0xC180  }
0x10: {  	s7 =	sand.u32 $0x380, s7;
	s6 =	sadd.s32 s6, s8;
	[dreg:$0x6] =	wrdreg s0  }
0x11: {  	s26 =	sadd.s32 s4, s5;
	s31 =	smax.u32 s24, $0x1;
	s6 =	sor.u32 s7, s6  }
0x12: {  	s24 =	simm.s32 $0xD700;
	s8 =	sor.u32 s7, s26;
	s6 =	sshrl.u32 s6, $0x3  }
0x13: {  	[dreg:$0x7] =	wrdreg s31;
	s6 =	sadd.s32 s6, s1;
	s1 =	sadd.s32 $0xDFE00, s1  }
0x14: {  	s26 =	simm.s32 $0x10200;
	[dreg:$0x4] =	wrdreg s1;
	s25 =	sadd.s32 $0x1E00, s6  }
0x15: {  	s1 =	simm.s32 $0x0;
	[dreg:$0x5] =	wrdreg s25;
	s25 =	simm.s32 $0xEC80  }
.LBB2_1:
0x16: {  	[dreg:$0x8] =	wrdreg s1  }
0x17: {  	s0 =	rddreg [dreg:$0x5]  }
0x18: {  	[tilespmem:s2], [sflag:$0x1] =	stream.strided.gather [hbm4b:s0+s10], $0x15800, s11, s10, $0x38;
	[tilespmem:$0x1B200] =	vst v63  }
0x19: {  	_ =	swait.ge [sflag:s12], $0x15800  }
0x1a: {  	[sflag:s12] =	ssyncset.done $0x0  }
0x1b: {  	s0 =	simm.s32 $0x0;
	[sflag:s12] =	ssyncadd.s32 $0xFFFEA800  }
.LBB2_2:
0x1c: {  	s1 =	sshrl.u32 s0, $0x3  }
0x1d: {  	s1 =	smul.u32 $0x14000, s1  }
0x1e: {  	s3 =	sshll.u32 s0, $0x7;
	s4 =	rddreg [dreg:$0x6]  }
0x1f: {  	s3 =	sand.u32 $0x380, s3;
	s1 =	sadd.s32 s4, s1  }
0x20: {  	s1 =	sor.u32 s3, s1  }
0x21: {  	s9 =	rddreg [dreg:$0x2];
	s1 =	sshrl.u32 s1, $0x3  }
0x22: {  	s13 =	simm.s32 $0x15800;
	s3 =	sadd.s32 s9, s1  }
0x23: {  	[tilespmem:s13], [sflag:$0x1] =	stream.strided.gather [hbm4b:s3+s10], $0x2800, s11, s10, $0x38;
	[tilespmem:$0x1B200] =	vst v63  }
0x24: {  	_ =	swait.ge [sflag:s12], $0x2800  }
0x25: {  	[sflag:s12] =	ssyncset.done $0x0;
	s14 =	rddreg [dreg:$0x3]  }
0x26: {  	s31 =	simm.s32 $0x18000;
	[sflag:s12] =	ssyncadd.s32 $0xFFFFD800;
	s1 =	sadd.s32 s14, s1  }
0x27: {  	[tilespmem:s31], [sflag:$0x1] =	stream.strided.gather [hbm4b:s1+s10], $0x2800, s11, s10, $0x38;
	[tilespmem:$0x1B200] =	vst v63  }
0x28: {  	s6 =	simm.s32 $0x158A0;
	_ =	swait.ge [sflag:s12], $0x2800  }
0x29: {  	s5 =	simm.s32 $0x158B0;
	s7 =	simm.s32 $0x180B0;
	[sflag:s12] =	ssyncset.done $0x0  }
0x2a: {  	s9 =	simm.s32 $0x180A0;
	s14 =	simm.s32 $0x0;
	[sflag:s12] =	ssyncadd.s32 $0xFFFFD800  }
.LBB2_3:
0x2b: {  	v0 =	vld [tilespmem:s6+$0xFFFFFF60];
	_ =	sdelay $0x1  }
0x2c: {  	v1 =	vld [tilespmem:s6+$0x0];
	_ =	sdelay $0x3  }
0x2d: {  	v5 =	vld [tilespmem:s9+$0xFFFFFF60]  }
0x2e: {  	v3 =	vld [tilespmem:s9+$0x0]  }
0x2f: {  	v2 =	vld.idx.msk [tilespmem:v0+s30+$0x0], $0xffff  }
0x30: {  	v4 =	vld.idx.msk [tilespmem:v0+s29+$0x0], $0xffff  }
0x31: {  	v6 =	vld.idx.msk [tilespmem:v1+s25+$0x0], $0xffff  }
0x32: {  	v15 =	vimm.f32 $0.0e+00;
	v24 =	vld.idx.msk [tilespmem:v1+s15+$0x0], $0xffff  }
0x33: {  	v14 =	vimm.f32 $0.0e+00;
	v10 =	vimm.f32 $0.0e+00;
	v16 =	vimm.f32 $0.0e+00;
	v25 =	vld.idx.msk [tilespmem:v1+s26+$0x0], $0xffff  }
0x34: {  	v17 =	vimm.f32 $0.0e+00;
	v13 =	vimm.f32 $0.0e+00;
	v9 =	vimm.f32 $0.0e+00;
	v22 =	vld.idx.msk [tilespmem:v1+s24+$0x0], $0xffff  }
0x35: {  	v20 =	vimm.f32 $0.0e+00;
	v12 =	vld.idx.msk [tilespmem:v1+s30+$0x0], $0xffff;
	v7 =	vmul.f32 v2, v5;
	v4 =	vmul.f32 v4, v5  }
0x36: {  	v19 =	vimm.f32 $0.0e+00;
	v18 =	vimm.f32 $0.0e+00;
	v23 =	vld.idx.msk [tilespmem:v1+s28+$0x0], $0xffff;
	v2 =	vimm.f32 $0.0e+00  }
0x37: {  	s31 =	sshll.u32 s14, $0x4;
	v8 =	vimm.f32 $0.0e+00;
	v27 =	vld.idx.msk [tilespmem:v1+s29+$0x0], $0xffff;
	v11 =	vadd.f32 v7, v2;
	v26 =	vadd.f32 v4, v2  }
0x38: {  	s3 =	simm.s32 $0x0;
	s4 =	smov.u32 s6;
	s1 =	smov.u32 s9;
	v21 =	vld.idx.msk [tilespmem:v0+s26+$0x0], $0xffff;
	v4 =	vmul.f32 v6, v3;
	v6 =	vimm.f32 $0.0e+00;
	v7 =	vimm.f32 $0.0e+00  }
.LBB2_4:
0x39: {  	s3 =	sadd.s32 $0x2, s3;
	v28 =	vld.idx.msk [tilespmem:v1+s16+$0x0], $0xffff;
	s4 =	sadd.s32 $0x140, s4;
	s1 =	sadd.s32 $0x140, s1  }
0x3a: {  	p0 =	slt.u32 s3, $0x3E;
	v29 =	vld.idx.msk [tilespmem:v1+s17+$0x0], $0xffff  }
0x3b: {  	v30 =	vld.idx.msk [tilespmem:v1+s2+$0x0], $0xffff  }
0x3c: {  	v31 =	vld.idx.msk [tilespmem:v1+s23+$0x0], $0xffff  }
0x3d: {  	v27 =	vmul.f32 v27, v3;
	v32 =	vld.idx.msk [tilespmem:v0+s24+$0x0], $0xffff  }
0x3e: {  	v34 =	vmul.f32 v25, v3;
	v35 =	vmul.f32 v23, v3;
	v33 =	vld.idx.msk [tilespmem:v1+s22+$0x0], $0xffff  }
0x3f: {  	v26 =	vadd.f32 v27, v26;
	v23 =	vld.idx.msk [tilespmem:v1+s20+$0x0], $0xffff  }
0x40: {  	v25 =	vld.idx.msk [tilespmem:v1+s21+$0x0], $0xffff  }
0x41: {  	v27 =	vld.idx.msk [tilespmem:v0+s23+$0x0], $0xffff  }
0x42: {  	v36 =	vld.idx.msk [tilespmem:v0+s22+$0x0], $0xffff  }
0x43: {  	v32 =	vmul.f32 v32, v5;
	v37 =	vld.idx.msk [tilespmem:v0+s21+$0x0], $0xffff  }
0x44: {  	v31 =	vmul.f32 v31, v3;
	v38 =	vld.idx.msk [tilespmem:v0+s20+$0x0], $0xffff  }
0x45: {  	v39 =	vld.idx.msk [tilespmem:v0+s17+$0x0], $0xffff  }
0x46: {  	v25 =	vmul.f32 v25, v3;
	v40 =	vld.idx.msk [tilespmem:v0+s18+$0x0], $0xffff  }
0x47: {  	v42 =	vmul.f32 v24, v3;
	v24 =	vmul.f32 v33, v3;
	v41 =	vld.idx.msk [tilespmem:v0+s15+$0x0], $0xffff  }
0x48: {  	v30 =	vmul.f32 v30, v3;
	v36 =	vmul.f32 v36, v5;
	v33 =	vld.idx.msk [tilespmem:v0+s2+$0x0], $0xffff  }
0x49: {  	v27 =	vmul.f32 v27, v5;
	v37 =	vmul.f32 v37, v5;
	v43 =	vld.idx.msk [tilespmem:v0+s19+$0x0], $0xffff  }
0x4a: {  	v38 =	vmul.f32 v38, v5;
	v2 =	vadd.f32 v36, v2;
	v44 =	vld.idx.msk [tilespmem:v0+s16+$0x0], $0xffff  }
0x4b: {  	v29 =	vmul.f32 v29, v3;
	v6 =	vadd.f32 v27, v6;
	v36 =	vld [tilespmem:s4+$0xFFFFFF60]  }
0x4c: {  	v15 =	vadd.f32 v37, v15;
	v2 =	vadd.f32 v24, v2;
	v27 =	vld.idx.msk [tilespmem:v0+s25+$0x0], $0xffff  }
0x4d: {  	v22 =	vmul.f32 v22, v3;
	v14 =	vadd.f32 v32, v14;
	v6 =	vadd.f32 v31, v6;
	v37 =	vld [tilespmem:s4+$0x0]  }
0x4e: {  	v28 =	vmul.f32 v28, v3;
	v23 =	vmul.f32 v23, v3;
	v31 =	vld.idx.msk [tilespmem:v1+s19+$0x0], $0xffff  }
0x4f: {  	v10 =	vadd.f32 v38, v10;
	v15 =	vadd.f32 v25, v15;
	v25 =	vmul.f32 v12, v3;
	v32 =	vld.idx.msk [tilespmem:v0+s28+$0x0], $0xffff  }
0x50: {  	v21 =	vmul.f32 v21, v5;
	v14 =	vadd.f32 v22, v14;
	v12 =	vmul.f32 v43, v5;
	v38 =	vld.idx.msk [tilespmem:v1+s18+$0x0], $0xffff  }
0x51: {  	v22 =	vmul.f32 v41, v5;
	v11 =	vadd.f32 v25, v11;
	v24 =	vmul.f32 v44, v5;
	v0 =	vmovc v36;
	v43 =	vld [tilespmem:s1+$0x0]  }
0x52: {  	v10 =	vadd.f32 v23, v10;
	v16 =	vadd.f32 v12, v16;
	v12 =	vmul.f32 v27, v5;
	v41 =	vld [tilespmem:s1+$0xFFFFFF60];
	v1 =	vmovc v37  }
0x53: {  	v25 =	vmul.f32 v39, v5;
	v17 =	vadd.f32 v24, v17;
	v27 =	vmul.f32 v40, v5;
	v23 =	vld.idx.msk [tilespmem:v36+s30+$0x0], $0xffff  }
0x54: {  	v33 =	vmul.f32 v33, v5;
	v13 =	vadd.f32 v22, v13;
	v9 =	vadd.f32 v12, v9;
	v36 =	vld.idx.msk [tilespmem:v36+s29+$0x0], $0xffff  }
0x55: {  	v7 =	vadd.f32 v21, v7;
	v20 =	vadd.f32 v25, v20;
	v12 =	vmul.f32 v32, v5;
	v24 =	vld.idx.msk [tilespmem:v37+s15+$0x0], $0xffff  }
0x56: {  	v19 =	vadd.f32 v33, v19;
	v18 =	vadd.f32 v27, v18;
	v21 =	vmul.f32 v31, v3;
	v32 =	vld.idx.msk [tilespmem:v37+s25+$0x0], $0xffff  }
0x57: {  	v7 =	vadd.f32 v34, v7;
	v31 =	vmul.f32 v38, v3;
	v8 =	vadd.f32 v12, v8;
	v25 =	vld.idx.msk [tilespmem:v37+s26+$0x0], $0xffff  }
.Ltmp0:
0x58: {  	v13 =	vadd.f32 v42, v13;
	v17 =	vadd.f32 v28, v17;
	v3 =	vmovc v43;
	v5 =	vmov v41;
	v22 =	vld.idx.msk [tilespmem:v37+s24+$0x0], $0xffff;
	(pc) =	sbr.rel @p0 .LBB2_4-.Ltmp0, $4  }
0x59: {  	v19 =	vadd.f32 v30, v19;
	v16 =	vadd.f32 v21, v16;
	v27 =	vmul.f32 v23, v5;
	v12 =	vld.idx.msk [tilespmem:v37+s30+$0x0], $0xffff  }
0x5a: {  	v9 =	vadd.f32 v4, v9;
	v8 =	vadd.f32 v35, v8;
	v28 =	vmul.f32 v36, v5;
	v23 =	vld.idx.msk [tilespmem:v37+s28+$0x0], $0xffff  }
0x5b: {  	v18 =	vadd.f32 v31, v18;
	v11 =	vadd.f32 v27, v11;
	v27 =	vld.idx.msk [tilespmem:v37+s29+$0x0], $0xffff  }
0x5c: {  	v20 =	vadd.f32 v29, v20;
	v26 =	vadd.f32 v28, v26;
	v4 =	vmul.f32 v32, v3;
	v21 =	vld.idx.msk [tilespmem:v0+s26+$0x0], $0xffff  }
0x5d: {  	_ =	sdelay $0x3  }
0x5e: {  	v28 =	vld.idx.msk [tilespmem:v1+s16+$0x0], $0xffff  }
0x5f: {  	v29 =	vld.idx.msk [tilespmem:v1+s17+$0x0], $0xffff  }
0x60: {  	v30 =	vld.idx.msk [tilespmem:v1+s2+$0x0], $0xffff  }
0x61: {  	v31 =	vld.idx.msk [tilespmem:v1+s23+$0x0], $0xffff  }
0x62: {  	v32 =	vld.idx.msk [tilespmem:v0+s24+$0x0], $0xffff  }
0x63: {  	v33 =	vld.idx.msk [tilespmem:v1+s22+$0x0], $0xffff  }
0x64: {  	v34 =	vld.idx.msk [tilespmem:v1+s20+$0x0], $0xffff  }
0x65: {  	v35 =	vld.idx.msk [tilespmem:v1+s21+$0x0], $0xffff  }
0x66: {  	v36 =	vld.idx.msk [tilespmem:v0+s23+$0x0], $0xffff  }
0x67: {  	v37 =	vld.idx.msk [tilespmem:v0+s22+$0x0], $0xffff  }
0x68: {  	v38 =	vld.idx.msk [tilespmem:v0+s21+$0x0], $0xffff  }
0x69: {  	v39 =	vld.idx.msk [tilespmem:v0+s20+$0x0], $0xffff;
	v24 =	vmul.f32 v24, v3;
	v22 =	vmul.f32 v22, v3  }
0x6a: {  	v41 =	vld.idx.msk [tilespmem:v0+s2+$0x0], $0xffff;
	v27 =	vmul.f32 v27, v3;
	v32 =	vmul.f32 v32, v5  }
0x6b: {  	v55 =	vld.idx.msk [tilespmem:v0+s16+$0x0], $0xffff;
	v31 =	vmul.f32 v31, v3;
	v35 =	vmul.f32 v35, v3  }
0x6c: {  	v40 =	vld.idx.msk [tilespmem:v0+s17+$0x0], $0xffff;
	v37 =	vmul.f32 v37, v5;
	v27 =	vadd.f32 v27, v26;
	v26 =	vmul.f32 v33, v3  }
0x6d: {  	v42 =	vld.idx.msk [tilespmem:v0+s15+$0x0], $0xffff;
	v54 =	vmul.f32 v36, v5;
	v30 =	vmul.f32 v30, v3  }
0x6e: {  	v43 =	vld.idx.msk [tilespmem:v0+s18+$0x0], $0xffff;
	v38 =	vmul.f32 v38, v5;
	v39 =	vmul.f32 v39, v5  }
0x6f: {  	v56 =	vld.idx.msk [tilespmem:v0+s19+$0x0], $0xffff;
	v29 =	vmul.f32 v29, v3;
	v58 =	vmul.f32 v41, v5  }
0x70: {  	v57 =	vld.idx.msk [tilespmem:v1+s18+$0x0], $0xffff;
	v59 =	vmul.f32 v55, v5;
	v2 =	vadd.f32 v37, v2;
	v6 =	vadd.f32 v54, v6  }
0x71: {  	v1 =	vld.idx.msk [tilespmem:v1+s19+$0x0], $0xffff;
	v28 =	vmul.f32 v28, v3;
	v15 =	vadd.f32 v38, v15;
	v19 =	vadd.f32 v58, v19  }
0x72: {  	v26 =	vadd.f32 v26, v2;
	v31 =	vadd.f32 v31, v6;
	v6 =	vmul.f32 v42, v5;
	v2 =	vld [tilespmem:s5+$0xFFFFFF60]  }
0x73: {  	v61 =	vmul.f32 v40, v5;
	v14 =	vadd.f32 v32, v14;
	v17 =	vadd.f32 v59, v17  }
0x74: {  	v60 =	vld.idx.msk [tilespmem:v0+s25+$0x0], $0xffff;
	v62 =	vmul.f32 v43, v5;
	v19 =	vadd.f32 v30, v19;
	v13 =	vadd.f32 v6, v13  }
0x75: {  	v63 =	vld.idx.msk [tilespmem:v0+s28+$0x0], $0xffff;
	v0 =	vmul.f32 v56, v5;
	v20 =	vadd.f32 v61, v20;
	v17 =	vadd.f32 v28, v17  }
0x76: {  	v18 =	vadd.f32 v62, v18;
	v6 =	vld [tilespmem:s5+$0x0];
	[tilespmem:s31+$0x1A800] =	vst v19;
	v13 =	vadd.f32 v24, v13;
	v24 =	vmul.f32 v57, v3  }
0x77: {  	v0 =	vadd.f32 v0, v16;
	v16 =	vmul.f32 v1, v3;
	v19 =	vadd.f32 v29, v20;
	[tilespmem:s31+$0x1A940] =	vst v17  }
0x78: {  	v10 =	vadd.f32 v39, v10;
	[tilespmem:s31+$0x1A8A0] =	vst v13;
	v13 =	vmul.f32 v34, v3;
	v18 =	vadd.f32 v24, v18  }
0x79: {  	s1 =	sand.u32 $0xE0, s31;
	v12 =	vmul.f32 v12, v3;
	v1 =	vld [tilespmem:s7+$0xFFFFFF60];
	v15 =	vadd.f32 v35, v15;
	v0 =	vadd.f32 v16, v0;
	[tilespmem:s31+$0x1A9E0] =	vst v19  }
0x7a: {  	v17 =	vmul.f32 v21, v5;
	v16 =	vld.idx.msk [tilespmem:v2+s30+$0x0], $0xffff;
	v10 =	vadd.f32 v13, v10;
	[tilespmem:s1+$0x1AA80] =	vst v18  }
0x7b: {  	v13 =	vld.idx.msk [tilespmem:v2+s29+$0x0], $0xffff;
	v18 =	vadd.f32 v22, v14;
	v14 =	vmul.f32 v60, v5;
	[tilespmem:s31+$0x1AB20] =	vst v0  }
0x7c: {  	v25 =	vmul.f32 v25, v3;
	v7 =	vadd.f32 v17, v7;
	v21 =	vld.idx.msk [tilespmem:v2+s26+$0x0], $0xffff;
	[tilespmem:s31+$0x1AC60] =	vst v15  }
0x7d: {  	v19 =	vadd.f32 v12, v11;
	v5 =	vmul.f32 v63, v5;
	v0 =	vld [tilespmem:s7+$0x0];
	[tilespmem:s31+$0x1ABC0] =	vst v10;
	v9 =	vadd.f32 v14, v9  }
0x7e: {  	v20 =	vimm.f32 $0.0e+00;
	v3 =	vmul.f32 v23, v3;
	v7 =	vadd.f32 v25, v7;
	v10 =	vld.idx.msk [tilespmem:v6+s25+$0x0], $0xffff;
	[tilespmem:s1+$0x1AD00] =	vst v26  }
0x7f: {  	v17 =	vimm.f32 $0.0e+00;
	v5 =	vadd.f32 v5, v8;
	v25 =	vld.idx.msk [tilespmem:v6+s15+$0x0], $0xffff;
	v4 =	vadd.f32 v4, v9;
	[tilespmem:s31+$0x1ADA0] =	vst v31  }
0x80: {  	v12 =	vimm.f32 $0.0e+00;
	v22 =	vimm.f32 $0.0e+00;
	v14 =	vimm.f32 $0.0e+00;
	v23 =	vld.idx.msk [tilespmem:v6+s26+$0x0], $0xffff;
	[tilespmem:s31+$0x1AE40] =	vst v18  }
0x81: {  	v5 =	vadd.f32 v3, v5;
	v8 =	vmul.f32 v16, v1;
	v9 =	vmul.f32 v13, v1;
	[tilespmem:s31+$0x1AEE0] =	vst v4  }
0x82: {  	v15 =	vld.idx.msk [tilespmem:v6+s24+$0x0], $0xffff;
	v18 =	vimm.f32 $0.0e+00;
	v13 =	vimm.f32 $0.0e+00;
	v16 =	vimm.f32 $0.0e+00;
	[tilespmem:s1+$0x1AF80] =	vst v7  }
0x83: {  	v11 =	vld.idx.msk [tilespmem:v6+s30+$0x0], $0xffff;
	v4 =	vimm.f32 $0.0e+00;
	v8 =	vadd.f32 v8, v14;
	v24 =	vadd.f32 v9, v14;
	[tilespmem:s31+$0x1B020] =	vst v5  }
0x84: {  	s3 =	sor.u32 $0x10, s31;
	v26 =	vld.idx.msk [tilespmem:v6+s28+$0x0], $0xffff;
	v3 =	vmul.f32 v10, v0;
	v9 =	vimm.f32 $0.0e+00;
	v7 =	vimm.f32 $0.0e+00;
	[tilespmem:s31+$0x1B0C0] =	vst v27  }
0x85: {  	s4 =	simm.s32 $0x0;
	s13 =	smov.u32 s7;
	s1 =	smov.u32 s5;
	v10 =	vimm.f32 $0.0e+00;
	v27 =	vld.idx.msk [tilespmem:v6+s29+$0x0], $0xffff;
	v5 =	vimm.f32 $0.0e+00;
	[tilespmem:s31+$0x1B160] =	vst v19;
	v19 =	vimm.f32 $0.0e+00  }
.LBB2_6:
0x86: {  	s4 =	sadd.s32 $0x2, s4;
	v28 =	vld.idx.msk [tilespmem:v6+s16+$0x0], $0xffff;
	s1 =	sadd.s32 $0x140, s1;
	s13 =	sadd.s32 $0x140, s13  }
0x87: {  	p0 =	slt.u32 s4, $0x3E;
	v29 =	vld.idx.msk [tilespmem:v6+s17+$0x0], $0xffff  }
0x88: {  	v30 =	vld.idx.msk [tilespmem:v6+s2+$0x0], $0xffff  }
0x89: {  	v31 =	vld.idx.msk [tilespmem:v6+s23+$0x0], $0xffff  }
0x8a: {  	v27 =	vmul.f32 v27, v0;
	v32 =	vld.idx.msk [tilespmem:v2+s24+$0x0], $0xffff  }
0x8b: {  	v34 =	vmul.f32 v23, v0;
	v35 =	vmul.f32 v26, v0;
	v33 =	vld.idx.msk [tilespmem:v6+s22+$0x0], $0xffff  }
0x8c: {  	v24 =	vadd.f32 v27, v24;
	v23 =	vld.idx.msk [tilespmem:v6+s20+$0x0], $0xffff  }
0x8d: {  	v26 =	vld.idx.msk [tilespmem:v6+s21+$0x0], $0xffff  }
0x8e: {  	v27 =	vld.idx.msk [tilespmem:v2+s23+$0x0], $0xffff  }
0x8f: {  	v36 =	vld.idx.msk [tilespmem:v2+s22+$0x0], $0xffff  }
0x90: {  	v32 =	vmul.f32 v32, v1;
	v37 =	vld.idx.msk [tilespmem:v2+s21+$0x0], $0xffff  }
0x91: {  	v31 =	vmul.f32 v31, v0;
	v38 =	vld.idx.msk [tilespmem:v2+s20+$0x0], $0xffff  }
0x92: {  	v39 =	vld.idx.msk [tilespmem:v2+s17+$0x0], $0xffff  }
0x93: {  	v26 =	vmul.f32 v26, v0;
	v40 =	vld.idx.msk [tilespmem:v2+s18+$0x0], $0xffff  }
0x94: {  	v42 =	vmul.f32 v25, v0;
	v25 =	vmul.f32 v33, v0;
	v41 =	vld.idx.msk [tilespmem:v2+s15+$0x0], $0xffff  }
0x95: {  	v30 =	vmul.f32 v30, v0;
	v36 =	vmul.f32 v36, v1;
	v33 =	vld.idx.msk [tilespmem:v2+s2+$0x0], $0xffff  }
0x96: {  	v27 =	vmul.f32 v27, v1;
	v37 =	vmul.f32 v37, v1;
	v43 =	vld.idx.msk [tilespmem:v2+s19+$0x0], $0xffff  }
0x97: {  	v38 =	vmul.f32 v38, v1;
	v14 =	vadd.f32 v36, v14;
	v44 =	vld.idx.msk [tilespmem:v2+s16+$0x0], $0xffff  }
0x98: {  	v29 =	vmul.f32 v29, v0;
	v4 =	vadd.f32 v27, v4;
	v36 =	vld [tilespmem:s1+$0xFFFFFF60]  }
0x99: {  	v9 =	vadd.f32 v37, v9;
	v14 =	vadd.f32 v25, v14;
	v27 =	vld.idx.msk [tilespmem:v2+s25+$0x0], $0xffff  }
0x9a: {  	v15 =	vmul.f32 v15, v0;
	v7 =	vadd.f32 v32, v7;
	v4 =	vadd.f32 v31, v4;
	v37 =	vld [tilespmem:s1+$0x0]  }
0x9b: {  	v28 =	vmul.f32 v28, v0;
	v23 =	vmul.f32 v23, v0;
	v31 =	vld.idx.msk [tilespmem:v6+s19+$0x0], $0xffff  }
0x9c: {  	v45 =	vmul.f32 v11, v0;
	v13 =	vadd.f32 v38, v13;
	v9 =	vadd.f32 v26, v9;
	v32 =	vld.idx.msk [tilespmem:v2+s28+$0x0], $0xffff  }
0x9d: {  	v21 =	vmul.f32 v21, v1;
	v7 =	vadd.f32 v15, v7;
	v11 =	vmul.f32 v43, v1;
	v26 =	vld.idx.msk [tilespmem:v6+s18+$0x0], $0xffff  }
0x9e: {  	v8 =	vadd.f32 v45, v8;
	v15 =	vmul.f32 v41, v1;
	v25 =	vmul.f32 v44, v1;
	v2 =	vmovc v36;
	v38 =	vld [tilespmem:s13+$0x0]  }
0x9f: {  	v13 =	vadd.f32 v23, v13;
	v18 =	vadd.f32 v11, v18;
	v11 =	vmul.f32 v27, v1;
	v41 =	vld [tilespmem:s13+$0xFFFFFF60];
	v6 =	vmovc v37  }
0xa0: {  	v23 =	vmul.f32 v39, v1;
	v39 =	vmul.f32 v40, v1;
	v17 =	vadd.f32 v25, v17;
	v27 =	vld.idx.msk [tilespmem:v36+s30+$0x0], $0xffff  }
0xa1: {  	v33 =	vmul.f32 v33, v1;
	v16 =	vadd.f32 v15, v16;
	v12 =	vadd.f32 v11, v12;
	v36 =	vld.idx.msk [tilespmem:v36+s29+$0x0], $0xffff  }
0xa2: {  	v5 =	vadd.f32 v21, v5;
	v20 =	vadd.f32 v23, v20;
	v11 =	vmul.f32 v32, v1;
	v25 =	vld.idx.msk [tilespmem:v37+s15+$0x0], $0xffff  }
0xa3: {  	v21 =	vadd.f32 v33, v22;
	v19 =	vadd.f32 v39, v19;
	v31 =	vmul.f32 v31, v0;
	v32 =	vld.idx.msk [tilespmem:v37+s25+$0x0], $0xffff  }
0xa4: {  	v5 =	vadd.f32 v34, v5;
	v33 =	vmul.f32 v26, v0;
	v10 =	vadd.f32 v11, v10;
	v23 =	vld.idx.msk [tilespmem:v37+s26+$0x0], $0xffff  }
.Ltmp1:
0xa5: {  	v16 =	vadd.f32 v42, v16;
	v17 =	vadd.f32 v28, v17;
	v0 =	vmovc v38;
	v1 =	vmov v41;
	v15 =	vld.idx.msk [tilespmem:v37+s24+$0x0], $0xffff;
	(pc) =	sbr.rel @p0 .LBB2_6-.Ltmp1, $4  }
0xa6: {  	v22 =	vadd.f32 v30, v21;
	v18 =	vadd.f32 v31, v18;
	v27 =	vmul.f32 v27, v1;
	v11 =	vld.idx.msk [tilespmem:v37+s30+$0x0], $0xffff  }
0xa7: {  	v12 =	vadd.f32 v3, v12;
	v10 =	vadd.f32 v35, v10;
	v28 =	vmul.f32 v36, v1;
	v26 =	vld.idx.msk [tilespmem:v37+s28+$0x0], $0xffff  }
0xa8: {  	v19 =	vadd.f32 v33, v19;
	v8 =	vadd.f32 v27, v8;
	v27 =	vld.idx.msk [tilespmem:v37+s29+$0x0], $0xffff  }
0xa9: {  	v20 =	vadd.f32 v29, v20;
	v24 =	vadd.f32 v28, v24;
	v3 =	vmul.f32 v32, v0;
	v21 =	vld.idx.msk [tilespmem:v2+s26+$0x0], $0xffff  }
0xaa: {  	_ =	sdelay $0x3  }
0xab: {  	v28 =	vld.idx.msk [tilespmem:v6+s16+$0x0], $0xffff  }
0xac: {  	v29 =	vld.idx.msk [tilespmem:v6+s17+$0x0], $0xffff  }
0xad: {  	v30 =	vld.idx.msk [tilespmem:v6+s2+$0x0], $0xffff  }
0xae: {  	v31 =	vld.idx.msk [tilespmem:v6+s23+$0x0], $0xffff  }
0xaf: {  	v32 =	vld.idx.msk [tilespmem:v2+s24+$0x0], $0xffff  }
0xb0: {  	v33 =	vld.idx.msk [tilespmem:v6+s22+$0x0], $0xffff  }
0xb1: {  	v34 =	vld.idx.msk [tilespmem:v6+s21+$0x0], $0xffff  }
0xb2: {  	v35 =	vld.idx.msk [tilespmem:v2+s23+$0x0], $0xffff  }
0xb3: {  	v36 =	vld.idx.msk [tilespmem:v2+s22+$0x0], $0xffff  }
0xb4: {  	v37 =	vld.idx.msk [tilespmem:v2+s21+$0x0], $0xffff  }
0xb5: {  	v38 =	vld.idx.msk [tilespmem:v2+s20+$0x0], $0xffff  }
0xb6: {  	v39 =	vld.idx.msk [tilespmem:v2+s2+$0x0], $0xffff  }
0xb7: {  	v40 =	vld.idx.msk [tilespmem:v2+s15+$0x0], $0xffff;
	v25 =	vmul.f32 v25, v0  }
0xb8: {  	v41 =	vld.idx.msk [tilespmem:v2+s16+$0x0], $0xffff;
	v15 =	vmul.f32 v15, v0;
	v32 =	vmul.f32 v32, v1  }
0xb9: {  	v42 =	vld.idx.msk [tilespmem:v2+s17+$0x0], $0xffff;
	v34 =	vmul.f32 v34, v0;
	v36 =	vmul.f32 v36, v1  }
0xba: {  	v43 =	vld.idx.msk [tilespmem:v2+s18+$0x0], $0xffff;
	v30 =	vmul.f32 v30, v0;
	v37 =	vmul.f32 v37, v1  }
0xbb: {  	v44 =	vld.idx.msk [tilespmem:v2+s19+$0x0], $0xffff;
	v35 =	vmul.f32 v35, v1;
	v39 =	vmul.f32 v39, v1  }
0xbc: {  	v61 =	vld.idx.msk [tilespmem:v6+s18+$0x0], $0xffff;
	v38 =	vmul.f32 v38, v1;
	v40 =	vmul.f32 v40, v1  }
0xbd: {  	v62 =	vld.idx.msk [tilespmem:v6+s19+$0x0], $0xffff;
	v29 =	vmul.f32 v29, v0;
	v41 =	vmul.f32 v41, v1;
	v22 =	vadd.f32 v39, v22  }
0xbe: {  	v63 =	vld.idx.msk [tilespmem:v6+s20+$0x0], $0xffff;
	v28 =	vmul.f32 v28, v0;
	v42 =	vmul.f32 v42, v1;
	v16 =	vadd.f32 v40, v16  }
0xbf: {  	v45 =	vld.idx.msk [tilespmem:v2+s25+$0x0], $0xffff;
	v46 =	vmul.f32 v43, v1;
	v17 =	vadd.f32 v41, v17;
	v22 =	vadd.f32 v30, v22  }
0xc0: {  	v47 =	vld.idx.msk [tilespmem:v2+s28+$0x0], $0xffff;
	v48 =	vmul.f32 v44, v1;
	v20 =	vadd.f32 v42, v20;
	v16 =	vadd.f32 v25, v16  }
0xc1: {  	v49 =	vmul.f32 v61, v0;
	v19 =	vadd.f32 v46, v19;
	v17 =	vadd.f32 v28, v17;
	[tilespmem:s3+$0x1A800] =	vst v22  }
0xc2: {  	v50 =	vmul.f32 v62, v0;
	v18 =	vadd.f32 v48, v18;
	v20 =	vadd.f32 v29, v20;
	[tilespmem:s31+$0x1A8B0] =	vst v16  }
0xc3: {  	v6 =	vmul.f32 v63, v0;
	v13 =	vadd.f32 v38, v13;
	v51 =	vadd.f32 v49, v19;
	[tilespmem:s31+$0x1A950] =	vst v17  }
0xc4: {  	v52 =	vmul.f32 v33, v0;
	v9 =	vadd.f32 v37, v9;
	v18 =	vadd.f32 v50, v18;
	[tilespmem:s31+$0x1A9F0] =	vst v20  }
0xc5: {  	v53 =	vmul.f32 v31, v0;
	v14 =	vadd.f32 v36, v14;
	v6 =	vadd.f32 v6, v13;
	[tilespmem:s31+$0x1AA90] =	vst v51  }
0xc6: {  	v55 =	vmul.f32 v45, v1;
	v4 =	vadd.f32 v35, v4;
	v9 =	vadd.f32 v34, v9;
	[tilespmem:s31+$0x1AB30] =	vst v18  }
0xc7: {  	v56 =	vmul.f32 v21, v1;
	v7 =	vadd.f32 v32, v7;
	v54 =	vadd.f32 v52, v14;
	[tilespmem:s31+$0x1ABD0] =	vst v6  }
0xc8: {  	v58 =	vmul.f32 v47, v1;
	v57 =	vadd.f32 v55, v12;
	v4 =	vadd.f32 v53, v4;
	[tilespmem:s31+$0x1AC70] =	vst v9  }
0xc9: {  	v59 =	vmul.f32 v23, v0;
	v5 =	vadd.f32 v56, v5;
	v7 =	vadd.f32 v15, v7;
	[tilespmem:s31+$0x1AD10] =	vst v54  }
0xca: {  	v60 =	vmul.f32 v26, v0;
	v1 =	vadd.f32 v58, v10;
	v3 =	vadd.f32 v3, v57;
	[tilespmem:s31+$0x1ADB0] =	vst v4  }
0xcb: {  	p0 =	slt.u32 s14, $0x8;
	v61 =	vmul.f32 v27, v0;
	v2 =	vadd.f32 v59, v5;
	[tilespmem:s31+$0x1AE50] =	vst v7  }
.Ltmp2:
0xcc: {  	v62 =	vmul.f32 v11, v0;
	v1 =	vadd.f32 v60, v1;
	[tilespmem:s31+$0x1AEF0] =	vst v3;
	(pc) =	sbr.rel @p0 .LBB2_3-.Ltmp2, $4  }
0xcd: {  	v63 =	vadd.f32 v61, v24;
	[tilespmem:s31+$0x1AF90] =	vst v2  }
0xce: {  	v0 =	vadd.f32 v62, v8;
	[tilespmem:s31+$0x1B030] =	vst v1  }
0xcf: {  	s1 =	sadd.s32 $0x2, s14;
	s6 =	sadd.s32 $0x20, s6;
	s9 =	sadd.s32 $0x20, s9;
	[tilespmem:s31+$0x1B0D0] =	vst v63  }
0xd0: {  	s5 =	sadd.s32 $0x20, s5;
	s7 =	sadd.s32 $0x20, s7;
	s14 =	smov.u32 s1;
	[tilespmem:s31+$0x1B170] =	vst v0  }
0xd1: {  	s1 =	smul.u32 $0xA000, s0;
	_ =	sdelay $0x1  }
0xd2: {  	s0 =	sadd.s32 $0x1, s0;
	s1 =	sadd.s32 s1, s8  }
0xd3: {  	s3 =	rddreg [dreg:$0x4];
	p0 =	sne.s32 s0, $0x11;
	s1 =	sshrl.u32 s1, $0x3  }
.Ltmp3:
0xd4: {  	s31 =	simm.s32 $0x1A800;
	s1 =	sadd.s32 s3, s1;
	(pc) =	sbr.rel @p0 .LBB2_2-.Ltmp3, $4  }
0xd5: {  	[hbm4b:s1+s10] =	stream.strided.scatter [tilespmem:s31], [sflag:$0x1], $0xA00, s11, s10, $0x38;
	[tilespmem:$0x1B200] =	vst v63  }
0xd6: {  	_ =	swait.ge [sflag:s12], $0xA00  }
0xd7: {  	[sflag:s12] =	ssyncset.done $0x0  }
0xd8: {  	[sflag:s12] =	ssyncadd.s32 $0xFFFFF600  }
0xd9: {  	s1 =	rddreg [dreg:$0x8]  }
0xda: {  	s0 =	rddreg [dreg:$0x7];
	s1 =	sadd.s32 $0x1, s1  }
0xdb: {  	p0 =	sne.s32 s1, s0  }
.Ltmp4:
0xdc: {  	_ = 	snop;
	(pc) =	sbr.rel @p0 .LBB2_1-.Ltmp4, $1  }
0xdd: {  	_ =	sdelay $0x3  }
0xde: {  	_ =	sfence.sel $0x180000  }
0xdf: {  	[bflag:$0x0] =	sbarrier.arrive $0xFFFF  }
0xe0: {  	_ =	strace $0x90000047  }
0xe1: {  	s0 =	stileid.u32;
	[bflag:$0x2] =	sbarrier.arrive $0xFFFF  }
0xe2: {  	p0 =	sne.s32 s0, $0x0;
	s0 =	rddreg [dreg:$0x1]  }
0xe3: {  	s0 =	sadd.s32 @!p0 $0x100000, s0  }
0xe4: {  	[sflag:s0] =	ssyncadd.tile.s32 @!p0 $0x1;
	_ =	shalt  }
.Lfunc_end2:
_tile_overlayer_lowered:
.L_overlay_start_2:
0xe5: {  	(tag) =	ssettag $0x2  }
0xe6: {  	s0 =	rddreg [dreg:$0x0];
	s2 =	stileid.u32  }
0xe7: {  	s1 =	rddreg [dreg:$0x1];
	p0 =	sne.s32 s2, $0x0  }
0xe8: {  	s3 =	rddreg [dreg:$0x2];
	[bflag:$0x3] =	sbarrier.arrive $0xFFFF;
	s2 =	simm.s32 @!p0 $0x1C01  }
0xe9: {  	[timem:s3], [sflag:s2] =	dma.local @!p0 [hbm:s0], s1  }
0xea: {  	s0 =	simm.s32 @!p0 $0x1  }
0xeb: {  	_ =	swait.ge @!p0 [sflag:s0], s1  }
0xec: {  	s1 =	ssub.s32 @!p0 $0x0, s1;
	[sflag:s0] =	ssyncset.done @!p0 $0x0  }
0xed: {  	[sflag:s0] =	ssyncadd.s32 @!p0 s1  }
0xee: {  	[bflag:$0x3] =	sbarrier.arrive $0xFFFF  }
0xef: {  	_ =	shalt  }

// kernel: kernel.9.cloned.1.call-start
scs
__scs_entry_jumppad:
0x0: {  	(pc) =	sbr.rel $0x88, $3  }
0x1: {  	(tag) =	ssettag $0x0;
	lr =	simm.s32 $0x1  }
0x2: {  	[smem:$0x3F93] =	sst lr;
	_ =	strace $0xD0000000  }
0x3: {  	_ = 	snop  }
0x4: {  	_ = 	snop  }
0x5: {  	_ = 	snop  }
0x6: {  	_ = 	snop  }
0x7: {  	_ = 	snop  }
__scs_overlays_trampoline_lowered:
0x8: {  	[smem:$0x3FA2] =	sst s0  }
0x9: {  	[smem:$0x3FA3] =	sst s1  }
0xa: {  	[smem:$0x3FA4] =	sst s2  }
0xb: {  	[smem:$0x3FA5] =	sst s3  }
0xc: {  	[smem:$0x3FA6] =	sst s4  }
0xd: {  	[smem:$0x3FA7] =	sst s5  }
0xe: {  	[smem:$0x3FA8] =	sst s6  }
0xf: {  	[smem:$0x3FA9] =	sst s7  }
0x10: {  	[smem:$0x3FAA] =	sst s8  }
0x11: {  	[smem:$0x3FAB] =	sst s9;
	s0 =	simm.s32 @!p0 $0x0  }
0x12: {  	s1 =	sld [smem:$0x3F91];
	s0 =	simm.s32 @p0 $0x1  }
0x13: {  	[smem:$0x3FAC] =	sst s0;
	s0 =	simm.s32 @!p1 $0x0  }
0x14: {  	s2 =	sld [smem:$0x3F90];
	s0 =	simm.s32 @p1 $0x1  }
0x15: {  	[smem:$0x3FAD] =	sst s0;
	s0 =	simm.s32 @!p2 $0x0  }
0x16: {  	s3 =	sld [smem:$0x3FDB];
	s0 =	simm.s32 @p2 $0x1  }
0x17: {  	s4 =	simm.s32 $0x1BF5;
	[smem:$0x3FAF] =	sst s0  }
0x18: {  	s0 =	sld [smem:$0x3F92];
	_ =	swait.ge [sflag:s4], $0x0  }
0x19: {  	s7 =	sld [smem:$0x3F93]  }
0x1a: {  	s8 =	sadd.s32 $0xFFFFE003, lr  }
0x1b: {  	s9 =	sadd.s32 $0xFFFFFEF7, lr;
	s5 =	simm.s32 $0xFFFFFFFF;
	p2 =	slt.u32 s8, $0xFFFFF086  }
0x1c: {  	p1 =	slt.u32 s9, $0xF7A;
	s5 =	simm.s32 @!p2 $0x0  }
0x1d: {  	s5 =	simm.s32 @p1 $0x1;
	p0 =	seq.s32 s7, s2  }
0x1e: {  	s7 =	smul.u32 @!p0 $0xF7A, s2;
	p2 =	seq.s32 @!p0 s5, $0x0  }
0x1f: {  	s9 =	smul.u32 $0xF7A, s1;
	s8 =	simm.s32 @!p0 $0x1BF5;
	p2 =	por !p2, p0  }
0x20: {  	[sflag:s8] =	ssyncset.s32 @!p0 $0xFFFFF086;
	s6 =	sadd.s32 @!p0 s3, s7;
	s7 =	simm.s32 @!p0 $0x108  }
0x21: {  	s3 =	sadd.s32 s3, s9;
	s6 =	sadd.s32 @!p0 $0x88, s6;
	s7 =	simm.s32 @p2 $0x1082  }
0x22: {  	[simem:s7], [sflag:s8] =	dma.local @!p0 [hbm:s6], $0xF7A  }
0x23: {  	s9 =	sor.u32 $0xD0000000, s2;
	s6 =	simm.s32 $0x108;
	_ =	swait.ge @!p0 [sflag:s8], $0x0  }
0x24: {  	s3 =	sadd.s32 $0x88, s3;
	s6 =	simm.s32 @!p1 $0x1082;
	[sflag:s4] =	ssyncset.s32 $0xFFFFF086  }
0x25: {  	[simem:s6], [sflag:s4] =	dma.local [hbm:s3], $0xF7A  }
0x26: {  	[smem:$0x3F93] =	sst s1;
	(tag) =	ssettag s2;
	_ =	strace s9  }
0x27: {  	s1 =	sld [smem:$0x3FA3]  }
0x28: {  	s2 =	sld [smem:$0x3FA4]  }
0x29: {  	s4 =	sld [smem:$0x3FA6]  }
0x2a: {  	p0 =	seq.s32 s5, $0x0;
	s5 =	sld [smem:$0x3FA7]  }
0x2b: {  	s6 =	sld [smem:$0x3FA8]  }
0x2c: {  	s7 =	sld [smem:$0x3FA9]  }
0x2d: {  	s3 =	simm.s32 $0x108;
	s8 =	sld [smem:$0x3FAA]  }
0x2e: {  	s3 =	simm.s32 @!p0 $0x1082;
	s9 =	sld [smem:$0x3FAB]  }
0x2f: {  	lr =	sadd.s32 s0, s3;
	s0 =	sld [smem:$0x3FA2]  }
0x30: {  	s3 =	sld [smem:$0x3FA5]  }
0x31: {  	[smem:$0x3FAE] =	sst s10  }
0x32: {  	s10 =	sld [smem:$0x3FAC];
	_ =	sdelay $0x3  }
0x33: {  	p0 =	seq.s32 s10, $0x1;
	s10 =	sld [smem:$0x3FAE];
	_ =	sdelay $0x3  }
0x34: {  	[smem:$0x3FAE] =	sst s10  }
0x35: {  	s10 =	sld [smem:$0x3FAD];
	_ =	sdelay $0x3  }
0x36: {  	p1 =	seq.s32 s10, $0x1;
	s10 =	sld [smem:$0x3FAE];
	_ =	sdelay $0x3  }
0x37: {  	[smem:$0x3FAE] =	sst s10  }
0x38: {  	s10 =	sld [smem:$0x3FAF]  }
0x39: {  	_ = 	snop;
	(pc) =	sbr.ind lr, $3  }
0x3a: {  	_ = 	snop  }
0x3b: {  	_ = 	snop  }
0x3c: {  	p2 =	seq.s32 s10, $0x1;
	s10 =	sld [smem:$0x3FAE]  }
0x3d: {  	_ =	shalt  }
0x3e: {  	_ =	shalt  }
0x3f: {  	_ =	shalt  }
0x40: {  	_ =	shalt  }
0x41: {  	_ =	shalt  }
0x42: {  	_ =	shalt  }
0x43: {  	_ =	shalt  }
0x44: {  	_ =	shalt  }
0x45: {  	_ =	shalt  }
0x46: {  	_ =	shalt  }
0x47: {  	_ =	shalt  }
0x48: {  	_ =	shalt  }
0x49: {  	_ =	shalt  }
0x4a: {  	_ =	shalt  }
0x4b: {  	_ =	shalt  }
0x4c: {  	_ =	shalt  }
0x4d: {  	_ =	shalt  }
0x4e: {  	_ =	shalt  }
0x4f: {  	_ =	shalt  }
0x50: {  	_ =	shalt  }
0x51: {  	_ =	shalt  }
0x52: {  	_ =	shalt  }
0x53: {  	_ =	shalt  }
0x54: {  	_ =	shalt  }
0x55: {  	_ =	shalt  }
0x56: {  	_ =	shalt  }
0x57: {  	_ =	shalt  }
0x58: {  	_ =	shalt  }
0x59: {  	_ =	shalt  }
0x5a: {  	_ =	shalt  }
0x5b: {  	_ =	shalt  }
0x5c: {  	_ =	shalt  }
0x5d: {  	_ =	shalt  }
0x5e: {  	_ =	shalt  }
0x5f: {  	_ =	shalt  }
0x60: {  	_ =	shalt  }
0x61: {  	_ =	shalt  }
0x62: {  	_ =	shalt  }
0x63: {  	_ =	shalt  }
0x64: {  	_ =	shalt  }
0x65: {  	_ =	shalt  }
0x66: {  	_ =	shalt  }
0x67: {  	_ =	shalt  }
0x68: {  	_ =	shalt  }
0x69: {  	_ =	shalt  }
0x6a: {  	_ =	shalt  }
0x6b: {  	_ =	shalt  }
0x6c: {  	_ =	shalt  }
0x6d: {  	_ =	shalt  }
0x6e: {  	_ =	shalt  }
0x6f: {  	_ =	shalt  }
0x70: {  	_ =	shalt  }
0x71: {  	_ =	shalt  }
0x72: {  	_ =	shalt  }
0x73: {  	_ =	shalt  }
0x74: {  	_ =	shalt  }
0x75: {  	_ =	shalt  }
0x76: {  	_ =	shalt  }
0x77: {  	_ =	shalt  }
0x78: {  	_ =	shalt  }
0x79: {  	_ =	shalt  }
0x7a: {  	_ =	shalt  }
0x7b: {  	_ =	shalt  }
0x7c: {  	_ =	shalt  }
0x7d: {  	_ =	shalt  }
0x7e: {  	_ =	shalt  }
0x7f: {  	_ =	shalt  }
0x80: {  	_ =	shalt  }
0x81: {  	_ =	shalt  }
0x82: {  	_ =	shalt  }
0x83: {  	_ =	shalt  }
0x84: {  	_ =	shalt  }
0x85: {  	_ =	shalt  }
0x86: {  	_ =	shalt  }
0x87: {  	_ =	shalt  }
.Lfunc_end0:
.L_simem_size_0:
called_computation_lowered:
.L_overlay_start_0:
0x88: {  	s2 =	sld [smem:$0x3FD9]  }
0x89: {  	s3 =	sld [smem:$0x3FFE];
	_ =	sdelay $0x1  }
0x8a: {  	s1 =	srdreg.scid  }
0x8b: {  	s0 =	sand.u32 $0x1, s1  }
0x8c: {  	s17 =	sshll.u32 s0, $0xA;
	s2 =	sadd.s32 s3, s2  }
0x8d: {  	s2 =	sadd.s32 s2, s17  }
0x8e: {  	[smem:$0x3FBA] =	sst s2  }
0x8f: {  	_ = 	snop  }
0x90: {  	s18 =	sld [smem:$0x3FD0];
	(tm) =	ssettm $0x1  }
0x91: {  	s19 =	sld [smem:$0x3FFB];
	_ =	sdelay $0x3  }
0x92: {  	_ =	strace s19  }
0x93: {  	s2 =	sld [smem:$0x3FFC];
	_ =	sdelay $0x3  }
0x94: {  	_ =	strace s2  }
0x95: {  	s2 =	sld [smem:$0x3FFD];
	_ =	sdelay $0x3  }
0x96: {  	_ =	strace s2  }
0x97: {  	_ =	strace $0x8FFFFFFF  }
0x98: {  	s20 =	sld [smem:$0x3FDB];
	_ =	sdelay $0x1  }
0x99: {  	s4 =	simm.s32 $_scs_section_size  }
0x9a: {  	s5 =	simm.s32 $_size__tile_overlayer_lowered;
	s6 =	simm.s32 $_tile_overlayer_lowered  }
0x9b: {  	s7 =	simm.s32 $0x1BFF;
	s21 =	sshll.u32 s6, $0x1;
	s4 =	sadd.s32 s4, s20  }
0x9c: {  	s22 =	simm.s32 $0x0;
	s5 =	sshll.u32 s5, $0x1;
	s6 =	sadd.s32 s21, s4  }
0x9d: {  	[timem:s22], [sflag:s7] =	dma.local [hbm:s6], s5  }
0x9e: {  	_ =	swait.ge [sflag:s7], s5  }
0x9f: {  	s5 =	ssub.s32 $0x0, s5;
	[sflag:s7] =	ssyncset.done $0x0  }
0xa0: {  	[sflag:s7] =	ssyncadd.s32 s5;
	_ =	sdelay $0x1  }
0xa1: {  	s23 =	simm.s32 $0x1B8B  }
0xa2: {  	_ =	swait.ge [sflag:s23], $0x1  }
0xa3: {  	[sflag:s23] =	ssyncset.done $0x0  }
0xa4: {  	[sflag:s23] =	ssyncadd.s32 $0xFFFFFFFF  }
0xa5: {  	s5 =	sld [smem:$0x0]  }
0xa6: {  	s6 =	sand.u32 $0xFFFFFFFE, s1  }
0xa7: {  	p0 =	sne.s32 s1, s6  }
0xa8: {  	s6 =	sshll.u32 @p0 s6, $0xE  }
0xa9: {  	s6 =	sadd.s32 @p0 $0x11B8D, s6;
	s7 =	sshll.u32 @p0 s5, $0x11  }
0xaa: {  	s6 =	sor.u32 @p0 s7, s6  }
0xab: {  	[sflag:s6] =	ssyncadd.remote.s32 @p0 $0x1;
	_ =	sdelay $0x1  }
0xac: {  	s6 =	simm.s32 @p0 $0x1B8D  }
0xad: {  	_ =	swait.eq @p0 [sflag:s6], $0x1  }
0xae: {  	[sflag:s6] =	ssyncadd.s32 @p0 $0xFFFFFFFF  }
0xaf: {  	s7 =	sshll.u32 @!p0 s1, $0xE  }
0xb0: {  	s7 =	sor.u32 @!p0 $0x4000, s7;
	s6 =	simm.s32 @!p0 $0x1B8D  }
0xb1: {  	s5 =	sshll.u32 @!p0 s5, $0x11;
	s7 =	sadd.s32 @!p0 $0x11B8D, s7;
	_ =	swait.eq @!p0 [sflag:s6], $0x1  }
0xb2: {  	s5 =	sor.u32 @!p0 s5, s7;
	[sflag:s6] =	ssyncadd.s32 @!p0 $0xFFFFFFFF  }
0xb3: {  	s25 =	simm.s32 $0x1B8E;
	s24 =	sld [smem:$0x3FFE];
	[sflag:s5] =	ssyncadd.remote.s32 @!p0 $0x1  }
0xb4: {  	s26 =	simm.s32 $execute0_lowered;
	[smem:$0x3FD2] =	sst s25  }
0xb5: {  	s6 =	sshll.u32 s26, $0x1;
	_ =	strace $0x80000049;
	[dreg:$0x1] =	wrdreg $0xFFFFFFFF  }
0xb6: {  	s28 =	simm.s32 $_size_execute0_lowered;
	s4 =	sadd.s32 s4, s6;
	[dreg:$0x0] =	wrdreg $0x0  }
0xb7: {  	s6 =	sshll.u32 s28, $0x1;
	[dreg:$0x2] =	wrdreg s4  }
0xb8: {  	[dreg:$0x3] =	wrdreg s6  }
0xb9: {  	[dreg:$0x4] =	wrdreg $0xC0  }
0xba: {  	_ =	task [dreg:s22], $0x5FFFF  }
0xbb: {  	[dreg:$0x1] =	wrdreg $0xFFFFFFFF  }
0xbc: {  	[dreg:$0x0] =	wrdreg $0x60  }
0xbd: {  	[dreg:$0x2] =	wrdreg s24  }
0xbe: {  	[dreg:$0x3] =	wrdreg s18  }
0xbf: {  	[dreg:$0x4] =	wrdreg $0x9  }
0xc0: {  	_ =	task.clear_ibuf [dreg:s22], $0x5FFFF;
	_ =	strace $0x90000049  }
0xc1: {  	s29 =	simm.s32 $0x9;
	_ =	strace $0x8000004B  }
0xc2: {  	_ =	swait.ge [sflag:s29], $0x1  }
0xc3: {  	[sflag:s29] =	ssyncadd.s32 $0xFFFFFFFF  }
0xc4: {  	_ =	strace $0x9000004B  }
0xc5: {  	_ =	sfence  }
0xc6: {  	s30 =	sld [smem:$0x0];
	_ =	sdelay $0x2  }
0xc7: {  	s31 =	sshll.u32 s1, $0xD;
	s1 =	sshrl.u32 s1, $0x2  }
0xc8: {  	s4 =	sand.u32 $0x4000, s31;
	s1 =	sadd.s32 s1, s30  }
0xc9: {  	s0 =	sor.u32 s4, s0;
	s1 =	sshll.u32 s1, $0x11  }
0xca: {  	s0 =	sor.u32 s1, s0  }
0xcb: {  	s0 =	sadd.s32 $0x8F2B, s0  }
0xcc: {  	[sflag:s0] =	ssyncadd.remote.s32 $0x1  }
0xcd: {  	_ =	sfence.sel $0xFFFF  }
0xce: {  	[dreg:$0x0] =	wrdreg $0xFFFFFFFF;
	(pc) =	sbr.abs _section_cstart, $3  }
0xcf: {  	[dreg:$0x1] =	wrdreg $0xFFFFFFFF  }
0xd0: {  	_ =	task.clear_ibuf [dreg:s22], $0x2FFFF;
	_ =	strace $0x9FFFFFFF  }
0xd1: {  	(tm) =	ssettm $0x7FFFFFFF  }
tec
execute0_lowered:
.L_overlay_start_1:
0x0: {  	(tag) =	ssettag $0x1  }
0x1: {  	s8 =	stileid.u32;
	s0 =	rddreg [dreg:$0x0]  }
0x2: {  	s2 =	srdreg.scid;
	s10 =	simm.s32 $0x80;
	s11 =	simm.s32 $0x400  }
0x3: {  	s12 =	simm.s32 $0x1;
	s15 =	simm.s32 $0x1580;
	s16 =	simm.s32 $0x2B00  }
0x4: {  	s17 =	simm.s32 $0x4080;
	s18 =	simm.s32 $0x5600;
	s19 =	simm.s32 $0x6B80  }
0x5: {  	s20 =	simm.s32 $0x8100;
	s21 =	simm.s32 $0x9680;
	s22 =	simm.s32 $0xAC00  }
0x6: {  	s28 =	simm.s32 $0x11780;
	s29 =	simm.s32 $0x12D00;
	s30 =	simm.s32 $0x14280  }
0x7: {  	s1 =	sshll.u32 s8, $0x1;
	s2 =	sand.u32 $0x1, s2;
	s3 =	sshrl.u32 s8, $0x1  }
0x8: {  	s8 =	sshll.u32 s8, $0x4;
	s24 =	sadd.s32 $0x57E00, s0;
	s5 =	sand.u32 $0x1, s3  }
0x9: {  	s1 =	sand.u32 $0xE, s1;
	s3 =	simm.s32 $0x0;
	s9 =	smul.u32 $0xAC000, s5  }
0xa: {  	s4 =	sshrl.u32 s1, $0x3;
	s1 =	sor.u32 s2, s1;
	s5 =	smul.u32 $0x5000, s5  }
0xb: {  	[smem:$0x7FF] =	sst s3;
	s2 =	ssub.s32 $0x2, s2;
	s6 =	smul.u32 $0x158000, s4  }
0xc: {  	s7 =	sshll.u32 s1, $0x8;
	_ =	strace $0x8000004A;
	s4 =	smul.u32 $0xAA000, s4  }
0xd: {  	s23 =	sshrl.u32 s2, $0x1;
	[dreg:$0x3] =	wrdreg s24;
	s7 =	sor.u32 s8, s7  }
0xe: {  	s1 =	smul.u32 $0x3C000, s1;
	s7 =	sand.u32 $0x380, s7;
	s6 =	sadd.s32 s6, s9  }
0xf: {  	s24 =	simm.s32 $0xD700;
	s25 =	ssub.s32 s2, s23;
	s6 =	sor.u32 s7, s6  }
0x10: {  	s23 =	simm.s32 $0xC180;
	[dreg:$0x6] =	wrdreg s1;
	s6 =	sshrl.u32 s6, $0x3  }
0x11: {  	s31 =	sadd.s32 s4, s5;
	s6 =	sadd.s32 s6, s0;
	s0 =	sadd.s32 $0x2DFE00, s0  }
0x12: {  	s1 =	simm.s32 $0x0;
	[dreg:$0x4] =	wrdreg s0;
	s26 =	sadd.s32 $0x1E00, s6  }
0x13: {  	s8 =	sor.u32 s7, s31;
	s0 =	smax.u32 s25, $0x1;
	[dreg:$0x5] =	wrdreg s26  }
0x14: {  	s25 =	simm.s32 $0xEC80;
	[dreg:$0x7] =	wrdreg s0;
	s26 =	simm.s32 $0x10200  }
.LBB2_1:
0x15: {  	[dreg:$0x8] =	wrdreg s1  }
0x16: {  	s0 =	rddreg [dreg:$0x5]  }
0x17: {  	[tilespmem:s3], [sflag:$0x1] =	stream.strided.gather [hbm4b:s0+s10], $0x15800, s11, s10, $0x38;
	[tilespmem:$0x1B200] =	vst v63  }
0x18: {  	_ =	swait.ge [sflag:s12], $0x15800  }
0x19: {  	[sflag:s12] =	ssyncset.done $0x0  }
0x1a: {  	s0 =	simm.s32 $0x0;
	[sflag:s12] =	ssyncadd.s32 $0xFFFEA800  }
.LBB2_2:
0x1b: {  	s1 =	sshrl.u32 s0, $0x3  }
0x1c: {  	s1 =	smul.u32 $0x14000, s1  }
0x1d: {  	s2 =	sshll.u32 s0, $0x7;
	s4 =	rddreg [dreg:$0x6]  }
0x1e: {  	s2 =	sand.u32 $0x380, s2;
	s1 =	sadd.s32 s4, s1  }
0x1f: {  	s1 =	sor.u32 s2, s1  }
0x20: {  	s9 =	rddreg [dreg:$0x3];
	s1 =	sshrl.u32 s1, $0x3  }
0x21: {  	s13 =	simm.s32 $0x15800;
	s2 =	sadd.s32 s9, s1  }
0x22: {  	[tilespmem:s13], [sflag:$0x1] =	stream.strided.gather [hbm4b:s2+s10], $0x2800, s11, s10, $0x38;
	[tilespmem:$0x1B200] =	vst v63  }
0x23: {  	_ =	swait.ge [sflag:s12], $0x2800  }
0x24: {  	[sflag:s12] =	ssyncset.done $0x0;
	s14 =	rddreg [dreg:$0x4]  }
0x25: {  	s31 =	simm.s32 $0x18000;
	[sflag:s12] =	ssyncadd.s32 $0xFFFFD800;
	s1 =	sadd.s32 s14, s1  }
0x26: {  	[tilespmem:s31], [sflag:$0x1] =	stream.strided.gather [hbm4b:s1+s10], $0x2800, s11, s10, $0x38;
	[tilespmem:$0x1B200] =	vst v63  }
0x27: {  	s6 =	simm.s32 $0x158A0;
	_ =	swait.ge [sflag:s12], $0x2800  }
0x28: {  	s5 =	simm.s32 $0x158B0;
	s7 =	simm.s32 $0x180B0;
	[sflag:s12] =	ssyncset.done $0x0  }
0x29: {  	s9 =	simm.s32 $0x180A0;
	s13 =	simm.s32 $0x0;
	[sflag:s12] =	ssyncadd.s32 $0xFFFFD800  }
.LBB2_3:
0x2a: {  	v0 =	vld [tilespmem:s6+$0xFFFFFF60];
	_ =	sdelay $0x1  }
0x2b: {  	v1 =	vld [tilespmem:s6+$0x0];
	_ =	sdelay $0x3  }
0x2c: {  	v5 =	vld [tilespmem:s9+$0xFFFFFF60]  }
0x2d: {  	v3 =	vld [tilespmem:s9+$0x0]  }
0x2e: {  	v2 =	vld.idx.msk [tilespmem:v0+s30+$0x0], $0xffff  }
0x2f: {  	v4 =	vld.idx.msk [tilespmem:v0+s29+$0x0], $0xffff  }
0x30: {  	v6 =	vld.idx.msk [tilespmem:v1+s25+$0x0], $0xffff  }
0x31: {  	v15 =	vimm.f32 $0.0e+00;
	v24 =	vld.idx.msk [tilespmem:v1+s15+$0x0], $0xffff  }
0x32: {  	v14 =	vimm.f32 $0.0e+00;
	v10 =	vimm.f32 $0.0e+00;
	v16 =	vimm.f32 $0.0e+00;
	v25 =	vld.idx.msk [tilespmem:v1+s26+$0x0], $0xffff  }
0x33: {  	v17 =	vimm.f32 $0.0e+00;
	v13 =	vimm.f32 $0.0e+00;
	v9 =	vimm.f32 $0.0e+00;
	v22 =	vld.idx.msk [tilespmem:v1+s24+$0x0], $0xffff  }
0x34: {  	v20 =	vimm.f32 $0.0e+00;
	v12 =	vld.idx.msk [tilespmem:v1+s30+$0x0], $0xffff;
	v7 =	vmul.f32 v2, v5;
	v4 =	vmul.f32 v4, v5  }
0x35: {  	v19 =	vimm.f32 $0.0e+00;
	v18 =	vimm.f32 $0.0e+00;
	v23 =	vld.idx.msk [tilespmem:v1+s28+$0x0], $0xffff;
	v2 =	vimm.f32 $0.0e+00  }
0x36: {  	s14 =	sshll.u32 s13, $0x4;
	v8 =	vimm.f32 $0.0e+00;
	v27 =	vld.idx.msk [tilespmem:v1+s29+$0x0], $0xffff;
	v11 =	vadd.f32 v7, v2;
	v26 =	vadd.f32 v4, v2  }
0x37: {  	s31 =	simm.s32 $0x0;
	s4 =	smov.u32 s6;
	s2 =	smov.u32 s9;
	v21 =	vld.idx.msk [tilespmem:v0+s26+$0x0], $0xffff;
	v4 =	vmul.f32 v6, v3;
	v6 =	vimm.f32 $0.0e+00;
	v7 =	vimm.f32 $0.0e+00  }
.LBB2_4:
0x38: {  	s31 =	sadd.s32 $0x2, s31;
	v28 =	vld.idx.msk [tilespmem:v1+s16+$0x0], $0xffff;
	s4 =	sadd.s32 $0x140, s4;
	s2 =	sadd.s32 $0x140, s2  }
0x39: {  	p0 =	slt.u32 s31, $0x3E;
	v29 =	vld.idx.msk [tilespmem:v1+s17+$0x0], $0xffff  }
0x3a: {  	v30 =	vld.idx.msk [tilespmem:v1+s3+$0x0], $0xffff  }
0x3b: {  	v31 =	vld.idx.msk [tilespmem:v1+s23+$0x0], $0xffff  }
0x3c: {  	v27 =	vmul.f32 v27, v3;
	v32 =	vld.idx.msk [tilespmem:v0+s24+$0x0], $0xffff  }
0x3d: {  	v34 =	vmul.f32 v25, v3;
	v35 =	vmul.f32 v23, v3;
	v33 =	vld.idx.msk [tilespmem:v1+s22+$0x0], $0xffff  }
0x3e: {  	v26 =	vadd.f32 v27, v26;
	v23 =	vld.idx.msk [tilespmem:v1+s20+$0x0], $0xffff  }
0x3f: {  	v25 =	vld.idx.msk [tilespmem:v1+s21+$0x0], $0xffff  }
0x40: {  	v27 =	vld.idx.msk [tilespmem:v0+s23+$0x0], $0xffff  }
0x41: {  	v36 =	vld.idx.msk [tilespmem:v0+s22+$0x0], $0xffff  }
0x42: {  	v32 =	vmul.f32 v32, v5;
	v37 =	vld.idx.msk [tilespmem:v0+s21+$0x0], $0xffff  }
0x43: {  	v31 =	vmul.f32 v31, v3;
	v38 =	vld.idx.msk [tilespmem:v0+s20+$0x0], $0xffff  }
0x44: {  	v39 =	vld.idx.msk [tilespmem:v0+s17+$0x0], $0xffff  }
0x45: {  	v25 =	vmul.f32 v25, v3;
	v40 =	vld.idx.msk [tilespmem:v0+s18+$0x0], $0xffff  }
0x46: {  	v42 =	vmul.f32 v24, v3;
	v24 =	vmul.f32 v33, v3;
	v41 =	vld.idx.msk [tilespmem:v0+s15+$0x0], $0xffff  }
0x47: {  	v30 =	vmul.f32 v30, v3;
	v36 =	vmul.f32 v36, v5;
	v33 =	vld.idx.msk [tilespmem:v0+s3+$0x0], $0xffff  }
0x48: {  	v27 =	vmul.f32 v27, v5;
	v37 =	vmul.f32 v37, v5;
	v43 =	vld.idx.msk [tilespmem:v0+s19+$0x0], $0xffff  }
0x49: {  	v38 =	vmul.f32 v38, v5;
	v2 =	vadd.f32 v36, v2;
	v44 =	vld.idx.msk [tilespmem:v0+s16+$0x0], $0xffff  }
0x4a: {  	v29 =	vmul.f32 v29, v3;
	v6 =	vadd.f32 v27, v6;
	v36 =	vld [tilespmem:s4+$0xFFFFFF60]  }
0x4b: {  	v15 =	vadd.f32 v37, v15;
	v2 =	vadd.f32 v24, v2;
	v27 =	vld.idx.msk [tilespmem:v0+s25+$0x0], $0xffff  }
0x4c: {  	v22 =	vmul.f32 v22, v3;
	v14 =	vadd.f32 v32, v14;
	v6 =	vadd.f32 v31, v6;
	v37 =	vld [tilespmem:s4+$0x0]  }
0x4d: {  	v28 =	vmul.f32 v28, v3;
	v23 =	vmul.f32 v23, v3;
	v31 =	vld.idx.msk [tilespmem:v1+s19+$0x0], $0xffff  }
0x4e: {  	v10 =	vadd.f32 v38, v10;
	v15 =	vadd.f32 v25, v15;
	v25 =	vmul.f32 v12, v3;
	v32 =	vld.idx.msk [tilespmem:v0+s28+$0x0], $0xffff  }
0x4f: {  	v21 =	vmul.f32 v21, v5;
	v14 =	vadd.f32 v22, v14;
	v12 =	vmul.f32 v43, v5;
	v38 =	vld.idx.msk [tilespmem:v1+s18+$0x0], $0xffff  }
0x50: {  	v22 =	vmul.f32 v41, v5;
	v11 =	vadd.f32 v25, v11;
	v24 =	vmul.f32 v44, v5;
	v0 =	vmovc v36;
	v43 =	vld [tilespmem:s2+$0x0]  }
0x51: {  	v10 =	vadd.f32 v23, v10;
	v16 =	vadd.f32 v12, v16;
	v12 =	vmul.f32 v27, v5;
	v41 =	vld [tilespmem:s2+$0xFFFFFF60];
	v1 =	vmovc v37  }
0x52: {  	v25 =	vmul.f32 v39, v5;
	v17 =	vadd.f32 v24, v17;
	v27 =	vmul.f32 v40, v5;
	v23 =	vld.idx.msk [tilespmem:v36+s30+$0x0], $0xffff  }
0x53: {  	v33 =	vmul.f32 v33, v5;
	v13 =	vadd.f32 v22, v13;
	v9 =	vadd.f32 v12, v9;
	v36 =	vld.idx.msk [tilespmem:v36+s29+$0x0], $0xffff  }
0x54: {  	v7 =	vadd.f32 v21, v7;
	v20 =	vadd.f32 v25, v20;
	v12 =	vmul.f32 v32, v5;
	v24 =	vld.idx.msk [tilespmem:v37+s15+$0x0], $0xffff  }
0x55: {  	v19 =	vadd.f32 v33, v19;
	v18 =	vadd.f32 v27, v18;
	v21 =	vmul.f32 v31, v3;
	v32 =	vld.idx.msk [tilespmem:v37+s25+$0x0], $0xffff  }
0x56: {  	v7 =	vadd.f32 v34, v7;
	v31 =	vmul.f32 v38, v3;
	v8 =	vadd.f32 v12, v8;
	v25 =	vld.idx.msk [tilespmem:v37+s26+$0x0], $0xffff  }
.Ltmp0:
0x57: {  	v13 =	vadd.f32 v42, v13;
	v17 =	vadd.f32 v28, v17;
	v3 =	vmovc v43;
	v5 =	vmov v41;
	v22 =	vld.idx.msk [tilespmem:v37+s24+$0x0], $0xffff;
	(pc) =	sbr.rel @p0 .LBB2_4-.Ltmp0, $4  }
0x58: {  	v19 =	vadd.f32 v30, v19;
	v16 =	vadd.f32 v21, v16;
	v27 =	vmul.f32 v23, v5;
	v12 =	vld.idx.msk [tilespmem:v37+s30+$0x0], $0xffff  }
0x59: {  	v9 =	vadd.f32 v4, v9;
	v8 =	vadd.f32 v35, v8;
	v28 =	vmul.f32 v36, v5;
	v23 =	vld.idx.msk [tilespmem:v37+s28+$0x0], $0xffff  }
0x5a: {  	v18 =	vadd.f32 v31, v18;
	v11 =	vadd.f32 v27, v11;
	v27 =	vld.idx.msk [tilespmem:v37+s29+$0x0], $0xffff  }
0x5b: {  	v20 =	vadd.f32 v29, v20;
	v26 =	vadd.f32 v28, v26;
	v4 =	vmul.f32 v32, v3;
	v21 =	vld.idx.msk [tilespmem:v0+s26+$0x0], $0xffff  }
0x5c: {  	_ =	sdelay $0x3  }
0x5d: {  	v28 =	vld.idx.msk [tilespmem:v1+s16+$0x0], $0xffff  }
0x5e: {  	v29 =	vld.idx.msk [tilespmem:v1+s17+$0x0], $0xffff  }
0x5f: {  	v30 =	vld.idx.msk [tilespmem:v1+s3+$0x0], $0xffff  }
0x60: {  	v31 =	vld.idx.msk [tilespmem:v1+s23+$0x0], $0xffff  }
0x61: {  	v32 =	vld.idx.msk [tilespmem:v0+s24+$0x0], $0xffff  }
0x62: {  	v33 =	vld.idx.msk [tilespmem:v1+s22+$0x0], $0xffff  }
0x63: {  	v34 =	vld.idx.msk [tilespmem:v1+s20+$0x0], $0xffff  }
0x64: {  	v35 =	vld.idx.msk [tilespmem:v1+s21+$0x0], $0xffff  }
0x65: {  	v36 =	vld.idx.msk [tilespmem:v0+s23+$0x0], $0xffff  }
0x66: {  	v37 =	vld.idx.msk [tilespmem:v0+s22+$0x0], $0xffff  }
0x67: {  	v38 =	vld.idx.msk [tilespmem:v0+s21+$0x0], $0xffff  }
0x68: {  	v39 =	vld.idx.msk [tilespmem:v0+s20+$0x0], $0xffff;
	v24 =	vmul.f32 v24, v3;
	v22 =	vmul.f32 v22, v3  }
0x69: {  	v41 =	vld.idx.msk [tilespmem:v0+s3+$0x0], $0xffff;
	v27 =	vmul.f32 v27, v3;
	v32 =	vmul.f32 v32, v5  }
0x6a: {  	v55 =	vld.idx.msk [tilespmem:v0+s16+$0x0], $0xffff;
	v31 =	vmul.f32 v31, v3;
	v35 =	vmul.f32 v35, v3  }
0x6b: {  	v40 =	vld.idx.msk [tilespmem:v0+s17+$0x0], $0xffff;
	v37 =	vmul.f32 v37, v5;
	v27 =	vadd.f32 v27, v26;
	v26 =	vmul.f32 v33, v3  }
0x6c: {  	v42 =	vld.idx.msk [tilespmem:v0+s15+$0x0], $0xffff;
	v54 =	vmul.f32 v36, v5;
	v30 =	vmul.f32 v30, v3  }
0x6d: {  	v43 =	vld.idx.msk [tilespmem:v0+s18+$0x0], $0xffff;
	v38 =	vmul.f32 v38, v5;
	v39 =	vmul.f32 v39, v5  }
0x6e: {  	v56 =	vld.idx.msk [tilespmem:v0+s19+$0x0], $0xffff;
	v29 =	vmul.f32 v29, v3;
	v58 =	vmul.f32 v41, v5  }
0x6f: {  	v57 =	vld.idx.msk [tilespmem:v1+s18+$0x0], $0xffff;
	v59 =	vmul.f32 v55, v5;
	v2 =	vadd.f32 v37, v2;
	v6 =	vadd.f32 v54, v6  }
0x70: {  	v1 =	vld.idx.msk [tilespmem:v1+s19+$0x0], $0xffff;
	v28 =	vmul.f32 v28, v3;
	v15 =	vadd.f32 v38, v15;
	v19 =	vadd.f32 v58, v19  }
0x71: {  	v26 =	vadd.f32 v26, v2;
	v31 =	vadd.f32 v31, v6;
	v6 =	vmul.f32 v42, v5;
	v2 =	vld [tilespmem:s5+$0xFFFFFF60]  }
0x72: {  	v61 =	vmul.f32 v40, v5;
	v14 =	vadd.f32 v32, v14;
	v17 =	vadd.f32 v59, v17  }
0x73: {  	v60 =	vld.idx.msk [tilespmem:v0+s25+$0x0], $0xffff;
	v62 =	vmul.f32 v43, v5;
	v19 =	vadd.f32 v30, v19;
	v13 =	vadd.f32 v6, v13  }
0x74: {  	v63 =	vld.idx.msk [tilespmem:v0+s28+$0x0], $0xffff;
	v0 =	vmul.f32 v56, v5;
	v20 =	vadd.f32 v61, v20;
	v17 =	vadd.f32 v28, v17  }
0x75: {  	v18 =	vadd.f32 v62, v18;
	v6 =	vld [tilespmem:s5+$0x0];
	[tilespmem:s14+$0x1A800] =	vst v19;
	v13 =	vadd.f32 v24, v13;
	v24 =	vmul.f32 v57, v3  }
0x76: {  	v0 =	vadd.f32 v0, v16;
	v16 =	vmul.f32 v1, v3;
	v19 =	vadd.f32 v29, v20;
	[tilespmem:s14+$0x1A940] =	vst v17  }
0x77: {  	v10 =	vadd.f32 v39, v10;
	[tilespmem:s14+$0x1A8A0] =	vst v13;
	v13 =	vmul.f32 v34, v3;
	v18 =	vadd.f32 v24, v18  }
0x78: {  	s1 =	sand.u32 $0xE0, s14;
	v12 =	vmul.f32 v12, v3;
	v1 =	vld [tilespmem:s7+$0xFFFFFF60];
	v15 =	vadd.f32 v35, v15;
	v0 =	vadd.f32 v16, v0;
	[tilespmem:s14+$0x1A9E0] =	vst v19  }
0x79: {  	v17 =	vmul.f32 v21, v5;
	v16 =	vld.idx.msk [tilespmem:v2+s30+$0x0], $0xffff;
	v10 =	vadd.f32 v13, v10;
	[tilespmem:s1+$0x1AA80] =	vst v18  }
0x7a: {  	v13 =	vld.idx.msk [tilespmem:v2+s29+$0x0], $0xffff;
	v18 =	vadd.f32 v22, v14;
	v14 =	vmul.f32 v60, v5;
	[tilespmem:s14+$0x1AB20] =	vst v0  }
0x7b: {  	v25 =	vmul.f32 v25, v3;
	v7 =	vadd.f32 v17, v7;
	v21 =	vld.idx.msk [tilespmem:v2+s26+$0x0], $0xffff;
	[tilespmem:s14+$0x1AC60] =	vst v15  }
0x7c: {  	v19 =	vadd.f32 v12, v11;
	v5 =	vmul.f32 v63, v5;
	v0 =	vld [tilespmem:s7+$0x0];
	[tilespmem:s14+$0x1ABC0] =	vst v10;
	v9 =	vadd.f32 v14, v9  }
0x7d: {  	v20 =	vimm.f32 $0.0e+00;
	v3 =	vmul.f32 v23, v3;
	v7 =	vadd.f32 v25, v7;
	v10 =	vld.idx.msk [tilespmem:v6+s25+$0x0], $0xffff;
	[tilespmem:s1+$0x1AD00] =	vst v26  }
0x7e: {  	v17 =	vimm.f32 $0.0e+00;
	v5 =	vadd.f32 v5, v8;
	v25 =	vld.idx.msk [tilespmem:v6+s15+$0x0], $0xffff;
	v4 =	vadd.f32 v4, v9;
	[tilespmem:s14+$0x1ADA0] =	vst v31  }
0x7f: {  	v12 =	vimm.f32 $0.0e+00;
	v22 =	vimm.f32 $0.0e+00;
	v14 =	vimm.f32 $0.0e+00;
	v23 =	vld.idx.msk [tilespmem:v6+s26+$0x0], $0xffff;
	[tilespmem:s14+$0x1AE40] =	vst v18  }
0x80: {  	v5 =	vadd.f32 v3, v5;
	v8 =	vmul.f32 v16, v1;
	v9 =	vmul.f32 v13, v1;
	[tilespmem:s14+$0x1AEE0] =	vst v4  }
0x81: {  	v15 =	vld.idx.msk [tilespmem:v6+s24+$0x0], $0xffff;
	v18 =	vimm.f32 $0.0e+00;
	v13 =	vimm.f32 $0.0e+00;
	v16 =	vimm.f32 $0.0e+00;
	[tilespmem:s1+$0x1AF80] =	vst v7  }
0x82: {  	v11 =	vld.idx.msk [tilespmem:v6+s30+$0x0], $0xffff;
	v4 =	vimm.f32 $0.0e+00;
	v8 =	vadd.f32 v8, v14;
	v24 =	vadd.f32 v9, v14;
	[tilespmem:s14+$0x1B020] =	vst v5  }
0x83: {  	s31 =	sor.u32 $0x10, s14;
	v26 =	vld.idx.msk [tilespmem:v6+s28+$0x0], $0xffff;
	v3 =	vmul.f32 v10, v0;
	v9 =	vimm.f32 $0.0e+00;
	v7 =	vimm.f32 $0.0e+00;
	[tilespmem:s14+$0x1B0C0] =	vst v27  }
0x84: {  	s4 =	simm.s32 $0x0;
	s2 =	smov.u32 s5;
	s1 =	smov.u32 s7;
	v10 =	vimm.f32 $0.0e+00;
	v27 =	vld.idx.msk [tilespmem:v6+s29+$0x0], $0xffff;
	v5 =	vimm.f32 $0.0e+00;
	[tilespmem:s14+$0x1B160] =	vst v19;
	v19 =	vimm.f32 $0.0e+00  }
.LBB2_6:
0x85: {  	s4 =	sadd.s32 $0x2, s4;
	v28 =	vld.idx.msk [tilespmem:v6+s16+$0x0], $0xffff;
	s2 =	sadd.s32 $0x140, s2;
	s1 =	sadd.s32 $0x140, s1  }
0x86: {  	p0 =	slt.u32 s4, $0x3E;
	v29 =	vld.idx.msk [tilespmem:v6+s17+$0x0], $0xffff  }
0x87: {  	v30 =	vld.idx.msk [tilespmem:v6+s3+$0x0], $0xffff  }
0x88: {  	v31 =	vld.idx.msk [tilespmem:v6+s23+$0x0], $0xffff  }
0x89: {  	v27 =	vmul.f32 v27, v0;
	v32 =	vld.idx.msk [tilespmem:v2+s24+$0x0], $0xffff  }
0x8a: {  	v34 =	vmul.f32 v23, v0;
	v35 =	vmul.f32 v26, v0;
	v33 =	vld.idx.msk [tilespmem:v6+s22+$0x0], $0xffff  }
0x8b: {  	v24 =	vadd.f32 v27, v24;
	v23 =	vld.idx.msk [tilespmem:v6+s20+$0x0], $0xffff  }
0x8c: {  	v26 =	vld.idx.msk [tilespmem:v6+s21+$0x0], $0xffff  }
0x8d: {  	v27 =	vld.idx.msk [tilespmem:v2+s23+$0x0], $0xffff  }
0x8e: {  	v36 =	vld.idx.msk [tilespmem:v2+s22+$0x0], $0xffff  }
0x8f: {  	v32 =	vmul.f32 v32, v1;
	v37 =	vld.idx.msk [tilespmem:v2+s21+$0x0], $0xffff  }
0x90: {  	v31 =	vmul.f32 v31, v0;
	v38 =	vld.idx.msk [tilespmem:v2+s20+$0x0], $0xffff  }
0x91: {  	v39 =	vld.idx.msk [tilespmem:v2+s17+$0x0], $0xffff  }
0x92: {  	v26 =	vmul.f32 v26, v0;
	v40 =	vld.idx.msk [tilespmem:v2+s18+$0x0], $0xffff  }
0x93: {  	v42 =	vmul.f32 v25, v0;
	v25 =	vmul.f32 v33, v0;
	v41 =	vld.idx.msk [tilespmem:v2+s15+$0x0], $0xffff  }
0x94: {  	v30 =	vmul.f32 v30, v0;
	v36 =	vmul.f32 v36, v1;
	v33 =	vld.idx.msk [tilespmem:v2+s3+$0x0], $0xffff  }
0x95: {  	v27 =	vmul.f32 v27, v1;
	v37 =	vmul.f32 v37, v1;
	v43 =	vld.idx.msk [tilespmem:v2+s19+$0x0], $0xffff  }
0x96: {  	v38 =	vmul.f32 v38, v1;
	v14 =	vadd.f32 v36, v14;
	v44 =	vld.idx.msk [tilespmem:v2+s16+$0x0], $0xffff  }
0x97: {  	v29 =	vmul.f32 v29, v0;
	v4 =	vadd.f32 v27, v4;
	v36 =	vld [tilespmem:s2+$0xFFFFFF60]  }
0x98: {  	v9 =	vadd.f32 v37, v9;
	v14 =	vadd.f32 v25, v14;
	v27 =	vld.idx.msk [tilespmem:v2+s25+$0x0], $0xffff  }
0x99: {  	v15 =	vmul.f32 v15, v0;
	v7 =	vadd.f32 v32, v7;
	v4 =	vadd.f32 v31, v4;
	v37 =	vld [tilespmem:s2+$0x0]  }
0x9a: {  	v28 =	vmul.f32 v28, v0;
	v23 =	vmul.f32 v23, v0;
	v31 =	vld.idx.msk [tilespmem:v6+s19+$0x0], $0xffff  }
0x9b: {  	v45 =	vmul.f32 v11, v0;
	v13 =	vadd.f32 v38, v13;
	v9 =	vadd.f32 v26, v9;
	v32 =	vld.idx.msk [tilespmem:v2+s28+$0x0], $0xffff  }
0x9c: {  	v21 =	vmul.f32 v21, v1;
	v7 =	vadd.f32 v15, v7;
	v11 =	vmul.f32 v43, v1;
	v26 =	vld.idx.msk [tilespmem:v6+s18+$0x0], $0xffff  }
0x9d: {  	v8 =	vadd.f32 v45, v8;
	v15 =	vmul.f32 v41, v1;
	v25 =	vmul.f32 v44, v1;
	v2 =	vmovc v36;
	v38 =	vld [tilespmem:s1+$0x0]  }
0x9e: {  	v13 =	vadd.f32 v23, v13;
	v18 =	vadd.f32 v11, v18;
	v11 =	vmul.f32 v27, v1;
	v41 =	vld [tilespmem:s1+$0xFFFFFF60];
	v6 =	vmovc v37  }
0x9f: {  	v23 =	vmul.f32 v39, v1;
	v39 =	vmul.f32 v40, v1;
	v17 =	vadd.f32 v25, v17;
	v27 =	vld.idx.msk [tilespmem:v36+s30+$0x0], $0xffff  }
0xa0: {  	v33 =	vmul.f32 v33, v1;
	v16 =	vadd.f32 v15, v16;
	v12 =	vadd.f32 v11, v12;
	v36 =	vld.idx.msk [tilespmem:v36+s29+$0x0], $0xffff  }
0xa1: {  	v5 =	vadd.f32 v21, v5;
	v20 =	vadd.f32 v23, v20;
	v11 =	vmul.f32 v32, v1;
	v25 =	vld.idx.msk [tilespmem:v37+s15+$0x0], $0xffff  }
0xa2: {  	v21 =	vadd.f32 v33, v22;
	v19 =	vadd.f32 v39, v19;
	v31 =	vmul.f32 v31, v0;
	v32 =	vld.idx.msk [tilespmem:v37+s25+$0x0], $0xffff  }
0xa3: {  	v5 =	vadd.f32 v34, v5;
	v33 =	vmul.f32 v26, v0;
	v10 =	vadd.f32 v11, v10;
	v23 =	vld.idx.msk [tilespmem:v37+s26+$0x0], $0xffff  }
.Ltmp1:
0xa4: {  	v16 =	vadd.f32 v42, v16;
	v17 =	vadd.f32 v28, v17;
	v0 =	vmovc v38;
	v1 =	vmov v41;
	v15 =	vld.idx.msk [tilespmem:v37+s24+$0x0], $0xffff;
	(pc) =	sbr.rel @p0 .LBB2_6-.Ltmp1, $4  }
0xa5: {  	v22 =	vadd.f32 v30, v21;
	v18 =	vadd.f32 v31, v18;
	v27 =	vmul.f32 v27, v1;
	v11 =	vld.idx.msk [tilespmem:v37+s30+$0x0], $0xffff  }
0xa6: {  	v12 =	vadd.f32 v3, v12;
	v10 =	vadd.f32 v35, v10;
	v28 =	vmul.f32 v36, v1;
	v26 =	vld.idx.msk [tilespmem:v37+s28+$0x0], $0xffff  }
0xa7: {  	v19 =	vadd.f32 v33, v19;
	v8 =	vadd.f32 v27, v8;
	v27 =	vld.idx.msk [tilespmem:v37+s29+$0x0], $0xffff  }
0xa8: {  	v20 =	vadd.f32 v29, v20;
	v24 =	vadd.f32 v28, v24;
	v3 =	vmul.f32 v32, v0;
	v21 =	vld.idx.msk [tilespmem:v2+s26+$0x0], $0xffff  }
0xa9: {  	_ =	sdelay $0x3  }
0xaa: {  	v28 =	vld.idx.msk [tilespmem:v6+s16+$0x0], $0xffff  }
0xab: {  	v29 =	vld.idx.msk [tilespmem:v6+s17+$0x0], $0xffff  }
0xac: {  	v30 =	vld.idx.msk [tilespmem:v6+s3+$0x0], $0xffff  }
0xad: {  	v31 =	vld.idx.msk [tilespmem:v6+s23+$0x0], $0xffff  }
0xae: {  	v32 =	vld.idx.msk [tilespmem:v2+s24+$0x0], $0xffff  }
0xaf: {  	v33 =	vld.idx.msk [tilespmem:v6+s22+$0x0], $0xffff  }
0xb0: {  	v34 =	vld.idx.msk [tilespmem:v6+s21+$0x0], $0xffff  }
0xb1: {  	v35 =	vld.idx.msk [tilespmem:v2+s23+$0x0], $0xffff  }
0xb2: {  	v36 =	vld.idx.msk [tilespmem:v2+s22+$0x0], $0xffff  }
0xb3: {  	v37 =	vld.idx.msk [tilespmem:v2+s21+$0x0], $0xffff  }
0xb4: {  	v38 =	vld.idx.msk [tilespmem:v2+s20+$0x0], $0xffff  }
0xb5: {  	v39 =	vld.idx.msk [tilespmem:v2+s3+$0x0], $0xffff  }
0xb6: {  	v40 =	vld.idx.msk [tilespmem:v2+s15+$0x0], $0xffff;
	v25 =	vmul.f32 v25, v0  }
0xb7: {  	v41 =	vld.idx.msk [tilespmem:v2+s16+$0x0], $0xffff;
	v15 =	vmul.f32 v15, v0;
	v32 =	vmul.f32 v32, v1  }
0xb8: {  	v42 =	vld.idx.msk [tilespmem:v2+s17+$0x0], $0xffff;
	v34 =	vmul.f32 v34, v0;
	v36 =	vmul.f32 v36, v1  }
0xb9: {  	v43 =	vld.idx.msk [tilespmem:v2+s18+$0x0], $0xffff;
	v30 =	vmul.f32 v30, v0;
	v37 =	vmul.f32 v37, v1  }
0xba: {  	v44 =	vld.idx.msk [tilespmem:v2+s19+$0x0], $0xffff;
	v35 =	vmul.f32 v35, v1;
	v39 =	vmul.f32 v39, v1  }
0xbb: {  	v61 =	vld.idx.msk [tilespmem:v6+s18+$0x0], $0xffff;
	v38 =	vmul.f32 v38, v1;
	v40 =	vmul.f32 v40, v1  }
0xbc: {  	v62 =	vld.idx.msk [tilespmem:v6+s19+$0x0], $0xffff;
	v29 =	vmul.f32 v29, v0;
	v41 =	vmul.f32 v41, v1;
	v22 =	vadd.f32 v39, v22  }
0xbd: {  	v63 =	vld.idx.msk [tilespmem:v6+s20+$0x0], $0xffff;
	v28 =	vmul.f32 v28, v0;
	v42 =	vmul.f32 v42, v1;
	v16 =	vadd.f32 v40, v16  }
0xbe: {  	v45 =	vld.idx.msk [tilespmem:v2+s25+$0x0], $0xffff;
	v46 =	vmul.f32 v43, v1;
	v17 =	vadd.f32 v41, v17;
	v22 =	vadd.f32 v30, v22  }
0xbf: {  	v47 =	vld.idx.msk [tilespmem:v2+s28+$0x0], $0xffff;
	v48 =	vmul.f32 v44, v1;
	v20 =	vadd.f32 v42, v20;
	v16 =	vadd.f32 v25, v16  }
0xc0: {  	v49 =	vmul.f32 v61, v0;
	v19 =	vadd.f32 v46, v19;
	v17 =	vadd.f32 v28, v17;
	[tilespmem:s31+$0x1A800] =	vst v22  }
0xc1: {  	v50 =	vmul.f32 v62, v0;
	v18 =	vadd.f32 v48, v18;
	v20 =	vadd.f32 v29, v20;
	[tilespmem:s14+$0x1A8B0] =	vst v16  }
0xc2: {  	v6 =	vmul.f32 v63, v0;
	v13 =	vadd.f32 v38, v13;
	v51 =	vadd.f32 v49, v19;
	[tilespmem:s14+$0x1A950] =	vst v17  }
0xc3: {  	v52 =	vmul.f32 v33, v0;
	v9 =	vadd.f32 v37, v9;
	v18 =	vadd.f32 v50, v18;
	[tilespmem:s14+$0x1A9F0] =	vst v20  }
0xc4: {  	v53 =	vmul.f32 v31, v0;
	v14 =	vadd.f32 v36, v14;
	v6 =	vadd.f32 v6, v13;
	[tilespmem:s14+$0x1AA90] =	vst v51  }
0xc5: {  	v55 =	vmul.f32 v45, v1;
	v4 =	vadd.f32 v35, v4;
	v9 =	vadd.f32 v34, v9;
	[tilespmem:s14+$0x1AB30] =	vst v18  }
0xc6: {  	v56 =	vmul.f32 v21, v1;
	v7 =	vadd.f32 v32, v7;
	v54 =	vadd.f32 v52, v14;
	[tilespmem:s14+$0x1ABD0] =	vst v6  }
0xc7: {  	v58 =	vmul.f32 v47, v1;
	v57 =	vadd.f32 v55, v12;
	v4 =	vadd.f32 v53, v4;
	[tilespmem:s14+$0x1AC70] =	vst v9  }
0xc8: {  	v59 =	vmul.f32 v23, v0;
	v5 =	vadd.f32 v56, v5;
	v7 =	vadd.f32 v15, v7;
	[tilespmem:s14+$0x1AD10] =	vst v54  }
0xc9: {  	v60 =	vmul.f32 v26, v0;
	v1 =	vadd.f32 v58, v10;
	v3 =	vadd.f32 v3, v57;
	[tilespmem:s14+$0x1ADB0] =	vst v4  }
0xca: {  	p0 =	slt.u32 s13, $0x8;
	v61 =	vmul.f32 v27, v0;
	v2 =	vadd.f32 v59, v5;
	[tilespmem:s14+$0x1AE50] =	vst v7  }
.Ltmp2:
0xcb: {  	v62 =	vmul.f32 v11, v0;
	v1 =	vadd.f32 v60, v1;
	[tilespmem:s14+$0x1AEF0] =	vst v3;
	(pc) =	sbr.rel @p0 .LBB2_3-.Ltmp2, $4  }
0xcc: {  	v63 =	vadd.f32 v61, v24;
	[tilespmem:s14+$0x1AF90] =	vst v2  }
0xcd: {  	v0 =	vadd.f32 v62, v8;
	[tilespmem:s14+$0x1B030] =	vst v1  }
0xce: {  	s1 =	sadd.s32 $0x2, s13;
	s6 =	sadd.s32 $0x20, s6;
	s9 =	sadd.s32 $0x20, s9;
	[tilespmem:s14+$0x1B0D0] =	vst v63  }
0xcf: {  	s5 =	sadd.s32 $0x20, s5;
	s7 =	sadd.s32 $0x20, s7;
	s13 =	smov.u32 s1;
	[tilespmem:s14+$0x1B170] =	vst v0  }
0xd0: {  	s1 =	smul.u32 $0xA000, s0;
	_ =	sdelay $0x1  }
0xd1: {  	s0 =	sadd.s32 $0x1, s0;
	s1 =	sadd.s32 s1, s8  }
0xd2: {  	s2 =	rddreg [dreg:$0x1];
	p0 =	sne.s32 s0, $0x11;
	s1 =	sshrl.u32 s1, $0x3  }
.Ltmp3:
0xd3: {  	s31 =	simm.s32 $0x1A800;
	s1 =	sadd.s32 s2, s1;
	(pc) =	sbr.rel @p0 .LBB2_2-.Ltmp3, $4  }
0xd4: {  	[hbm4b:s1+s10] =	stream.strided.scatter [tilespmem:s31], [sflag:$0x1], $0xA00, s11, s10, $0x38;
	[tilespmem:$0x1B200] =	vst v63  }
0xd5: {  	_ =	swait.ge [sflag:s12], $0xA00  }
0xd6: {  	[sflag:s12] =	ssyncset.done $0x0  }
0xd7: {  	[sflag:s12] =	ssyncadd.s32 $0xFFFFF600  }
0xd8: {  	s1 =	rddreg [dreg:$0x8]  }
0xd9: {  	s0 =	rddreg [dreg:$0x7];
	s1 =	sadd.s32 $0x1, s1  }
0xda: {  	p0 =	sne.s32 s1, s0  }
.Ltmp4:
0xdb: {  	_ = 	snop;
	(pc) =	sbr.rel @p0 .LBB2_1-.Ltmp4, $1  }
0xdc: {  	_ =	sdelay $0x3  }
0xdd: {  	_ =	sfence.sel $0x180000  }
0xde: {  	[bflag:$0x0] =	sbarrier.arrive $0xFFFF  }
0xdf: {  	_ =	strace $0x9000004A  }
0xe0: {  	s0 =	stileid.u32;
	[bflag:$0x2] =	sbarrier.arrive $0xFFFF  }
0xe1: {  	p0 =	sne.s32 s0, $0x0;
	s0 =	rddreg [dreg:$0x2]  }
0xe2: {  	s0 =	sadd.s32 @!p0 $0x100000, s0  }
0xe3: {  	[sflag:s0] =	ssyncadd.tile.s32 @!p0 $0x1;
	_ =	shalt  }
.Lfunc_end2:
_tile_overlayer_lowered:
.L_overlay_start_2:
0xe4: {  	(tag) =	ssettag $0x2  }
0xe5: {  	s0 =	rddreg [dreg:$0x0];
	s2 =	stileid.u32  }
0xe6: {  	s1 =	rddreg [dreg:$0x1];
	p0 =	sne.s32 s2, $0x0  }
0xe7: {  	s3 =	rddreg [dreg:$0x2];
	[bflag:$0x3] =	sbarrier.arrive $0xFFFF;
	s2 =	simm.s32 @!p0 $0x1C01  }
0xe8: {  	[timem:s3], [sflag:s2] =	dma.local @!p0 [hbm:s0], s1  }
0xe9: {  	s0 =	simm.s32 @!p0 $0x1  }
0xea: {  	_ =	swait.ge @!p0 [sflag:s0], s1  }
0xeb: {  	s1 =	ssub.s32 @!p0 $0x0, s1;
	[sflag:s0] =	ssyncset.done @!p0 $0x0  }
0xec: {  	[sflag:s0] =	ssyncadd.s32 @!p0 s1  }
0xed: {  	[bflag:$0x3] =	sbarrier.arrive $0xFFFF  }
0xee: {  	_ =	shalt  }

</sc_bundles>
